<compile_context>
chip_gen: v7x
topology: tpu7x:2x2x1
jax: 0.10.2.dev20260603
libtpu: 0.0.44.dev20260713+nightly
codegen_flags: <defaults>
</compile_context>

<pallas_src>
import functools
import math

import jax
import jax.numpy as jnp
from jax import lax
from jax.experimental import pallas as pl
from jax.experimental.pallas import tpu as pltpu
from jax.experimental.pallas import tpu_sc as plsc

_SIZE = 32000
_PAD = 0
_SMOOTH = 0.1
_FILL = _SMOOTH / (_SIZE - 2)
_CONF = 1.0 - _SMOOTH
_ENT_C = _CONF * math.log(_CONF) + (_SIZE - 2) * _FILL * math.log(_FILL)

_N_ROWS = 2048
_BR = 64

_NC = 2
_NS = 16
_NW = _NC * _NS
_L = 16

_R_SC = 512
_R_TC = _N_ROWS - _R_SC
_RPWD = _R_SC // _NW
_U = 16
_STEPS = _SIZE // (_L * _U)


def _tc_body(tgt_ref, x_ref, out_ref):
    i = pl.program_id(0)

    @pl.when(i == 0)
    def _init():
        out_ref[0, 0] = 0.0

    tgt = tgt_ref[...]
    valid = tgt != _PAD
    xb = x_ref[...]
    rs = jnp.sum(xb, axis=1, keepdims=True)
    cols = lax.broadcasted_iota(jnp.int32, (_BR, _SIZE), 1)
    xt = jnp.sum(jnp.where(cols == tgt, xb, 0.0), axis=1, keepdims=True)
    col0 = jnp.where(valid, xb[:, 0:1], 0.0)
    nv = jnp.sum(jnp.where(valid, 1.0, 0.0))
    out_ref[0, 0] += (-_FILL * jnp.sum(jnp.where(valid, rs, 0.0))
                      + (_FILL - _CONF) * jnp.sum(jnp.where(valid, xt, 0.0))
                      + _FILL * jnp.sum(col0) + _ENT_C * nv)


def _sc_body(x2_hbm, tgt_hbm, out_hbm, dtgt_v, bufa, bufb, acc_v,
             sema, semb):
    wid = lax.axis_index("s") * _NC + lax.axis_index("c")
    dbase = _R_TC + wid * _RPWD
    pltpu.sync_copy(tgt_hbm.at[pl.ds(dbase, _RPWD)], dtgt_v)
    iota = lax.iota(jnp.int32, _L)
    onehot0 = jnp.where(iota == 0, 1.0, 0.0)
    bufs, sems = [bufa, bufb], [sema, semb]
    handles = [None] * _RPWD
    handles[0] = pltpu.async_copy(x2_hbm.at[dbase], bufs[0], sems[0])
    dacc = jnp.zeros((_L,), jnp.float32)
    for r in range(_RPWD):
        if r + 1 < _RPWD:
            handles[r + 1] = pltpu.async_copy(
                x2_hbm.at[dbase + r + 1], bufs[(r + 1) % 2], sems[(r + 1) % 2])
        handles[r].wait()
        buf = bufs[r % 2]

        def _red(j, a, buf=buf):
            off = pl.multiple_of(j * (_L * _U), _L * _U)
            for m in range(_U):
                a = a + buf[pl.ds(off + m * _L, _L)]
            return a

        rsum16 = lax.fori_loop(0, _STEPS, _red, jnp.zeros((_L,), jnp.float32))
        t_r = dtgt_v[pl.ds((r // _L) * _L, _L)][r % _L]
        w_r = jnp.minimum(t_r, 1).astype(jnp.float32)
        off = pl.multiple_of((t_r >> 4) << 4, _L)
        seg = buf[pl.ds(off, _L)]
        xt16 = jnp.where(iota == (t_r & (_L - 1)), seg, 0.0)
        head = buf[pl.ds(0, _L)]
        dacc = dacc + w_r * (-_FILL * rsum16
                             + (_FILL - _CONF) * xt16
                             + (_FILL * head + _ENT_C) * onehot0)
    acc_v[...] = dacc
    pltpu.sync_copy(acc_v, out_hbm.at[pl.ds(wid * _L, _L)])


@functools.lru_cache(maxsize=1)
def _sc_kernel():
    return pl.kernel(
        _sc_body,
        out_type=jax.ShapeDtypeStruct((_NW * _L,), jnp.float32),
        mesh=plsc.VectorSubcoreMesh(
            core_axis_name="c", subcore_axis_name="s",
            num_cores=_NC, num_subcores=_NS),
        scratch_types=[
            pltpu.VMEM((_RPWD,), jnp.int32),
            pltpu.VMEM((_SIZE,), jnp.float32),
            pltpu.VMEM((_SIZE,), jnp.float32),
            pltpu.VMEM((_L,), jnp.float32),
            pltpu.SemaphoreType.DMA,
            pltpu.SemaphoreType.DMA,
        ],
    )


def kernel(x, target):
    tgt2 = target.reshape(_N_ROWS, 1)
    tc_out = pl.pallas_call(
        _tc_body,
        grid=(_R_TC // _BR,),
        in_specs=[
            pl.BlockSpec((_BR, 1), lambda i: (i, 0)),
            pl.BlockSpec((_BR, _SIZE), lambda i: (i, 0)),
        ],
        out_specs=pl.BlockSpec((1, 1), lambda i: (0, 0),
                               memory_space=pltpu.SMEM),
        out_shape=jax.ShapeDtypeStruct((1, 1), jnp.float32),
    )(tgt2, x)
    sc_part = jnp.sum(_sc_kernel()(x, target))
    return tc_out[0, 0] + sc_part

# --- scband reference (transcript-rebuilt; emitter-appended) ---
"""Pipeline reference for scband-label-smoothing-9337258901693 (READ-ONLY COPY).

The authoritative reference and input builder live on the scoring server;
editing this copy changes nothing except your own understanding.
"""

import jax, jax.numpy as jnp
import numpy as np
from jax.scipy.special import xlogy

SIZE = 32000
PADDING_IDX = 0
SMOOTHING = 0.1
N_TOK = 2048


def setup_inputs(seed: int = 0) -> dict:
    key = jax.random.key(seed)
    k1, k2 = jax.random.split(key)
    x = jax.random.normal(k1, (N_TOK, SIZE), dtype=jnp.float32)
    target = jax.random.randint(k2, (N_TOK,), 0, SIZE, dtype=jnp.int64 if jax.config.jax_enable_x64 else jnp.int32)
    return {"x": x, "target": target}


def reference(x, target):
    # Faithful translation of LabelSmoothing.forward
    n = x.shape[0]
    fill_val = SMOOTHING / (SIZE - 2)
    confidence = 1.0 - SMOOTHING
    gtruth = target.reshape(-1)
    # one_hot row repeated, with padding column zeroed
    smoothed = jnp.full((n, SIZE), fill_val, dtype=x.dtype)
    smoothed = smoothed.at[:, PADDING_IDX].set(0.0)
    # scatter confidence at the true class (scatter-overwrite)
    smoothed = smoothed.at[jnp.arange(n), gtruth].set(confidence)
    # zero out rows whose target is the padding index (index_fill_)
    pad_mask = (gtruth == PADDING_IDX)
    smoothed = jnp.where(pad_mask[:, None], 0.0, smoothed)
    # KLDivLoss(size_average=False): sum over all elements of t*(log t - x), with 0*log0 := 0
    loss = jnp.sum(xlogy(smoothed, smoothed) - smoothed * x)
    return loss

if __name__ == "__main__":
    import jax
    _d = setup_inputs()
    print(jax.jit(kernel)(*tuple(_d.values())))

</pallas_src>

<mosaic_0001>
#map = affine_map<(d0, d1) -> (0, 0)>
#map1 = affine_map<(d0, d1) -> (0)>
module attributes {stable_mosaic.version = 14 : i64} {
  func.func @_sc_body(%arg0: i32, %arg1: i32, %arg2: memref<2048x32000xf32, #tpu.memory_space<hbm>>, %arg3: memref<2048xi32, #tpu.memory_space<hbm>>, %arg4: memref<512xf32, #tpu.memory_space<hbm>>, %arg5: memref<16xi32, #tpu.memory_space<vmem>>, %arg6: memref<32000xf32, #tpu.memory_space<vmem>>, %arg7: memref<32000xf32, #tpu.memory_space<vmem>>, %arg8: memref<16xf32, #tpu.memory_space<vmem>>, %arg9: memref<!tpu.dma_semaphore, #tpu.memory_space<semaphore_mem>>, %arg10: memref<!tpu.dma_semaphore, #tpu.memory_space<semaphore_mem>>) attributes {dimension_semantics = [#tpu.dimension_semantics<core_parallel>, #tpu.dimension_semantics<subcore_parallel>], iteration_bounds = array<i64: 2, 16>, scalar_prefetch = 0 : i64, scratch_operands = 6 : i64, tpu.core_type = #tpu.core_type<sc_vector_subcore>, window_params = [{transform_indices = #map}, {transform_indices = #map1}, {transform_indices = #map1}]} {
    %mul3A = arith.constant 2 : i32
    %mul3A_0 = arith.muli %arg1, %mul3A : i32
    %add3A = arith.addi %mul3A_0, %arg0 : i32
    %mul3A_1 = arith.constant 16 : i32
    %mul3A_2 = arith.muli %add3A, %mul3A_1 : i32
    %add3A_3 = arith.constant 1536 : i32
    %add3A_4 = arith.addi %add3A_3, %mul3A_2 : i32
    "tpu.region"() ({
      %run_scoped3A = tpu.sem_alloc : memref<!tpu.dma_semaphore, #tpu.memory_space<semaphore_mem>>
      %dma_start3A_1088 = tpu.memref_slice %arg3[%add3A_4] : memref<2048xi32, #tpu.memory_space<hbm>> -> memref<16xi32, #tpu.memory_space<hbm>>
      %dma_start3A_1089 = tpu.memref_slice %arg3[%add3A_4] : memref<2048xi32, #tpu.memory_space<hbm>> -> memref<16xi32, #tpu.memory_space<hbm>>
      tpu.enqueue_dma source(%dma_start3A_1089 : memref<16xi32, #tpu.memory_space<hbm>>) target(%arg5 : memref<16xi32, #tpu.memory_space<vmem>>) target_semaphore(%run_scoped3A : memref<!tpu.dma_semaphore, #tpu.memory_space<semaphore_mem>>)
      %dma_wait3A_1090 = tpu.memref_slice %arg3[%add3A_4] : memref<2048xi32, #tpu.memory_space<hbm>> -> memref<16xi32, #tpu.memory_space<hbm>>
      %dma_wait3A_1091 = tpu.memref_slice %arg3[%add3A_4] : memref<2048xi32, #tpu.memory_space<hbm>> -> memref<16xi32, #tpu.memory_space<hbm>>
      tpu.wait_dma2 semaphore(%run_scoped3A : memref<!tpu.dma_semaphore, #tpu.memory_space<semaphore_mem>>) src(%dma_wait3A_1091 : memref<16xi32, #tpu.memory_space<hbm>>) dst(%arg5 : memref<16xi32, #tpu.memory_space<vmem>>)
      tpu.yield
    }) : () -> ()
    %iota3A = tpu.iota {dimensions = array<i32: 0>} : vector<16xi32>
    %eq3A = arith.constant 0 : i32
    %eq3A_5 = vector.broadcast %eq3A : i32 to vector<16xi32>
    %eq3A_6 = arith.cmpi eq, %iota3A, %eq3A_5 : vector<16xi32>
    %jit3A = arith.constant 1.000000e+00 : f32
    %jit3A_7 = arith.constant 0.000000e+00 : f32
    %broadcast_in_dim3A = vector.broadcast %jit3A : f32 to vector<16xf32>
    %broadcast_in_dim3A_8 = vector.broadcast %jit3A_7 : f32 to vector<16xf32>
    %select_n3A = arith.select %eq3A_6, %broadcast_in_dim3A, %broadcast_in_dim3A_8 : vector<16xi1>, vector<16xf32>
    %dma_start3A = arith.constant 0 : i32
    %dma_start3A_9 = tpu.memref_slice %arg2[%add3A_4, %dma_start3A] : memref<2048x32000xf32, #tpu.memory_space<hbm>> -> memref<1x32000xf32, #tpu.memory_space<hbm>>
    %dma_start3A_10 = tpu.memref_squeeze %dma_start3A_9 : memref<1x32000xf32, #tpu.memory_space<hbm>> -> memref<32000xf32, #tpu.memory_space<hbm>>
    %dma_start3A_11 = arith.constant 0 : i32
    %dma_start3A_12 = tpu.memref_slice %arg2[%add3A_4, %dma_start3A_11] : memref<2048x32000xf32, #tpu.memory_space<hbm>> -> memref<1x32000xf32, #tpu.memory_space<hbm>>
    %dma_start3A_13 = tpu.memref_squeeze %dma_start3A_12 : memref<1x32000xf32, #tpu.memory_space<hbm>> -> memref<32000xf32, #tpu.memory_space<hbm>>
    tpu.enqueue_dma source(%dma_start3A_13 : memref<32000xf32, #tpu.memory_space<hbm>>) target(%arg6 : memref<32000xf32, #tpu.memory_space<vmem>>) target_semaphore(%arg9 : memref<!tpu.dma_semaphore, #tpu.memory_space<semaphore_mem>>)
    %broadcast_in_dim3A_14 = arith.constant 0.000000e+00 : f32
    %broadcast_in_dim3A_15 = vector.broadcast %broadcast_in_dim3A_14 : f32 to vector<16xf32>
    %add3A_16 = arith.constant 0 : i32
    %add3A_17 = arith.addi %add3A_4, %add3A_16 : i32
    %add3A_18 = arith.constant 1 : i32
    %add3A_19 = arith.addi %add3A_17, %add3A_18 : i32
    %dma_start3A_20 = arith.constant 0 : i32
    %dma_start3A_21 = tpu.memref_slice %arg2[%add3A_19, %dma_start3A_20] : memref<2048x32000xf32, #tpu.memory_space<hbm>> -> memref<1x32000xf32, #tpu.memory_space<hbm>>
    %dma_start3A_22 = tpu.memref_squeeze %dma_start3A_21 : memref<1x32000xf32, #tpu.memory_space<hbm>> -> memref<32000xf32, #tpu.memory_space<hbm>>
    %dma_start3A_23 = arith.constant 0 : i32
    %dma_start3A_24 = tpu.memref_slice %arg2[%add3A_19, %dma_start3A_23] : memref<2048x32000xf32, #tpu.memory_space<hbm>> -> memref<1x32000xf32, #tpu.memory_space<hbm>>
    %dma_start3A_25 = tpu.memref_squeeze %dma_start3A_24 : memref<1x32000xf32, #tpu.memory_space<hbm>> -> memref<32000xf32, #tpu.memory_space<hbm>>
    tpu.enqueue_dma source(%dma_start3A_25 : memref<32000xf32, #tpu.memory_space<hbm>>) target(%arg7 : memref<32000xf32, #tpu.memory_space<vmem>>) target_semaphore(%arg10 : memref<!tpu.dma_semaphore, #tpu.memory_space<semaphore_mem>>)
    %dma_wait3A = arith.constant 0 : i32
    %dma_wait3A_26 = tpu.memref_slice %arg2[%add3A_4, %dma_wait3A] : memref<2048x32000xf32, #tpu.memory_space<hbm>> -> memref<1x32000xf32, #tpu.memory_space<hbm>>
    %dma_wait3A_27 = tpu.memref_squeeze %dma_wait3A_26 : memref<1x32000xf32, #tpu.memory_space<hbm>> -> memref<32000xf32, #tpu.memory_space<hbm>>
    %dma_wait3A_28 = arith.constant 0 : i32
    %dma_wait3A_29 = tpu.memref_slice %arg2[%add3A_4, %dma_wait3A_28] : memref<2048x32000xf32, #tpu.memory_space<hbm>> -> memref<1x32000xf32, #tpu.memory_space<hbm>>
    %dma_wait3A_30 = tpu.memref_squeeze %dma_wait3A_29 : memref<1x32000xf32, #tpu.memory_space<hbm>> -> memref<32000xf32, #tpu.memory_space<hbm>>
    tpu.wait_dma2 semaphore(%arg9 : memref<!tpu.dma_semaphore, #tpu.memory_space<semaphore_mem>>) src(%dma_wait3A_30 : memref<32000xf32, #tpu.memory_space<hbm>>) dst(%arg6 : memref<32000xf32, #tpu.memory_space<vmem>>)
    %broadcast_in_dim3A_31 = arith.constant 0.000000e+00 : f32
    %broadcast_in_dim3A_32 = vector.broadcast %broadcast_in_dim3A_31 : f32 to vector<16xf32>
    %scan3A = arith.constant 0 : i32
    %scan3A_33 = arith.constant 125 : i32
    %scan3A_34 = arith.addi %scan3A, %scan3A_33 : i32
    %scan3A_35 = arith.constant 1 : i32
    %scan3A_36 = scf.for %scan3A_1088 = %scan3A to %scan3A_34 step %scan3A_35 iter_args(%scan3A_1089 = %broadcast_in_dim3A_32) -> (vector<16xf32>)  : i32 {
      %mul3A_1090 = arith.constant 256 : i32
      %mul3A_1091 = arith.muli %scan3A_1088, %mul3A_1090 : i32
      %multiple_of3A_1092 = tpu.assume_multiple %mul3A_1091, 256 : i32
      %add3A_1093 = arith.constant 0 : i32
      %add3A_1094 = arith.addi %multiple_of3A_1092, %add3A_1093 : i32
      %get3A_1095 = arith.index_cast %add3A_1094 : i32 to index
      %get3A_1096 = tpu.vector_load %arg6[%get3A_1095] {strides = array<i32>} : memref<32000xf32, #tpu.memory_space<vmem>>, vector<16xf32>,
      %get3A_1097 = vector.shape_cast %get3A_1096 : vector<16xf32> to vector<16xf32>
      %add3A_1098 = arith.addf %scan3A_1089, %get3A_1097 : vector<16xf32>
      %add3A_1099 = arith.constant 16 : i32
      %add3A_1100 = arith.addi %multiple_of3A_1092, %add3A_1099 : i32
      %get3A_1101 = arith.index_cast %add3A_1100 : i32 to index
      %get3A_1102 = tpu.vector_load %arg6[%get3A_1101] {strides = array<i32>} : memref<32000xf32, #tpu.memory_space<vmem>>, vector<16xf32>,
      %get3A_1103 = vector.shape_cast %get3A_1102 : vector<16xf32> to vector<16xf32>
      %add3A_1104 = arith.addf %add3A_1098, %get3A_1103 : vector<16xf32>
      %add3A_1105 = arith.constant 32 : i32
      %add3A_1106 = arith.addi %multiple_of3A_1092, %add3A_1105 : i32
      %get3A_1107 = arith.index_cast %add3A_1106 : i32 to index
      %get3A_1108 = tpu.vector_load %arg6[%get3A_1107] {strides = array<i32>} : memref<32000xf32, #tpu.memory_space<vmem>>, vector<16xf32>,
      %get3A_1109 = vector.shape_cast %get3A_1108 : vector<16xf32> to vector<16xf32>
      %add3A_1110 = arith.addf %add3A_1104, %get3A_1109 : vector<16xf32>
      %add3A_1111 = arith.constant 48 : i32
      %add3A_1112 = arith.addi %multiple_of3A_1092, %add3A_1111 : i32
      %get3A_1113 = arith.index_cast %add3A_1112 : i32 to index
      %get3A_1114 = tpu.vector_load %arg6[%get3A_1113] {strides = array<i32>} : memref<32000xf32, #tpu.memory_space<vmem>>, vector<16xf32>,
      %get3A_1115 = vector.shape_cast %get3A_1114 : vector<16xf32> to vector<16xf32>
      %add3A_1116 = arith.addf %add3A_1110, %get3A_1115 : vector<16xf32>
      %add3A_1117 = arith.constant 64 : i32
      %add3A_1118 = arith.addi %multiple_of3A_1092, %add3A_1117 : i32
      %get3A_1119 = arith.index_cast %add3A_1118 : i32 to index
      %get3A_1120 = tpu.vector_load %arg6[%get3A_1119] {strides = array<i32>} : memref<32000xf32, #tpu.memory_space<vmem>>, vector<16xf32>,
      %get3A_1121 = vector.shape_cast %get3A_1120 : vector<16xf32> to vector<16xf32>
      %add3A_1122 = arith.addf %add3A_1116, %get3A_1121 : vector<16xf32>
      %add3A_1123 = arith.constant 80 : i32
      %add3A_1124 = arith.addi %multiple_of3A_1092, %add3A_1123 : i32
      %get3A_1125 = arith.index_cast %add3A_1124 : i32 to index
      %get3A_1126 = tpu.vector_load %arg6[%get3A_1125] {strides = array<i32>} : memref<32000xf32, #tpu.memory_space<vmem>>, vector<16xf32>,
      %get3A_1127 = vector.shape_cast %get3A_1126 : vector<16xf32> to vector<16xf32>
      %add3A_1128 = arith.addf %add3A_1122, %get3A_1127 : vector<16xf32>
      %add3A_1129 = arith.constant 96 : i32
      %add3A_1130 = arith.addi %multiple_of3A_1092, %add3A_1129 : i32
      %get3A_1131 = arith.index_cast %add3A_1130 : i32 to index
      %get3A_1132 = tpu.vector_load %arg6[%get3A_1131] {strides = array<i32>} : memref<32000xf32, #tpu.memory_space<vmem>>, vector<16xf32>,
      %get3A_1133 = vector.shape_cast %get3A_1132 : vector<16xf32> to vector<16xf32>
      %add3A_1134 = arith.addf %add3A_1128, %get3A_1133 : vector<16xf32>
      %add3A_1135 = arith.constant 112 : i32
      %add3A_1136 = arith.addi %multiple_of3A_1092, %add3A_1135 : i32
      %get3A_1137 = arith.index_cast %add3A_1136 : i32 to index
      %get3A_1138 = tpu.vector_load %arg6[%get3A_1137] {strides = array<i32>} : memref<32000xf32, #tpu.memory_space<vmem>>, vector<16xf32>,
      %get3A_1139 = vector.shape_cast %get3A_1138 : vector<16xf32> to vector<16xf32>
      %add3A_1140 = arith.addf %add3A_1134, %get3A_1139 : vector<16xf32>
      %add3A_1141 = arith.constant 128 : i32
      %add3A_1142 = arith.addi %multiple_of3A_1092, %add3A_1141 : i32
      %get3A_1143 = arith.index_cast %add3A_1142 : i32 to index
      %get3A_1144 = tpu.vector_load %arg6[%get3A_1143] {strides = array<i32>} : memref<32000xf32, #tpu.memory_space<vmem>>, vector<16xf32>,
      %get3A_1145 = vector.shape_cast %get3A_1144 : vector<16xf32> to vector<16xf32>
      %add3A_1146 = arith.addf %add3A_1140, %get3A_1145 : vector<16xf32>
      %add3A_1147 = arith.constant 144 : i32
      %add3A_1148 = arith.addi %multiple_of3A_1092, %add3A_1147 : i32
      %get3A_1149 = arith.index_cast %add3A_1148 : i32 to index
      %get3A_1150 = tpu.vector_load %arg6[%get3A_1149] {strides = array<i32>} : memref<32000xf32, #tpu.memory_space<vmem>>, vector<16xf32>,
      %get3A_1151 = vector.shape_cast %get3A_1150 : vector<16xf32> to vector<16xf32>
      %add3A_1152 = arith.addf %add3A_1146, %get3A_1151 : vector<16xf32>
      %add3A_1153 = arith.constant 160 : i32
      %add3A_1154 = arith.addi %multiple_of3A_1092, %add3A_1153 : i32
      %get3A_1155 = arith.index_cast %add3A_1154 : i32 to index
      %get3A_1156 = tpu.vector_load %arg6[%get3A_1155] {strides = array<i32>} : memref<32000xf32, #tpu.memory_space<vmem>>, vector<16xf32>,
      %get3A_1157 = vector.shape_cast %get3A_1156 : vector<16xf32> to vector<16xf32>
      %add3A_1158 = arith.addf %add3A_1152, %get3A_1157 : vector<16xf32>
      %add3A_1159 = arith.constant 176 : i32
      %add3A_1160 = arith.addi %multiple_of3A_1092, %add3A_1159 : i32
      %get3A_1161 = arith.index_cast %add3A_1160 : i32 to index
      %get3A_1162 = tpu.vector_load %arg6[%get3A_1161] {strides = array<i32>} : memref<32000xf32, #tpu.memory_space<vmem>>, vector<16xf32>,
      %get3A_1163 = vector.shape_cast %get3A_1162 : vector<16xf32> to vector<16xf32>
      %add3A_1164 = arith.addf %add3A_1158, %get3A_1163 : vector<16xf32>
      %add3A_1165 = arith.constant 192 : i32
      %add3A_1166 = arith.addi %multiple_of3A_1092, %add3A_1165 : i32
      %get3A_1167 = arith.index_cast %add3A_1166 : i32 to index
      %get3A_1168 = tpu.vector_load %arg6[%get3A_1167] {strides = array<i32>} : memref<32000xf32, #tpu.memory_space<vmem>>, vector<16xf32>,
      %get3A_1169 = vector.shape_cast %get3A_1168 : vector<16xf32> to vector<16xf32>
      %add3A_1170 = arith.addf %add3A_1164, %get3A_1169 : vector<16xf32>
      %add3A_1171 = arith.constant 208 : i32
      %add3A_1172 = arith.addi %multiple_of3A_1092, %add3A_1171 : i32
      %get3A_1173 = arith.index_cast %add3A_1172 : i32 to index
      %get3A_1174 = tpu.vector_load %arg6[%get3A_1173] {strides = array<i32>} : memref<32000xf32, #tpu.memory_space<vmem>>, vector<16xf32>,
      %get3A_1175 = vector.shape_cast %get3A_1174 : vector<16xf32> to vector<16xf32>
      %add3A_1176 = arith.addf %add3A_1170, %get3A_1175 : vector<16xf32>
      %add3A_1177 = arith.constant 224 : i32
      %add3A_1178 = arith.addi %multiple_of3A_1092, %add3A_1177 : i32
      %get3A_1179 = arith.index_cast %add3A_1178 : i32 to index
      %get3A_1180 = tpu.vector_load %arg6[%get3A_1179] {strides = array<i32>} : memref<32000xf32, #tpu.memory_space<vmem>>, vector<16xf32>,
      %get3A_1181 = vector.shape_cast %get3A_1180 : vector<16xf32> to vector<16xf32>
      %add3A_1182 = arith.addf %add3A_1176, %get3A_1181 : vector<16xf32>
      %add3A_1183 = arith.constant 240 : i32
      %add3A_1184 = arith.addi %multiple_of3A_1092, %add3A_1183 : i32
      %get3A_1185 = arith.index_cast %add3A_1184 : i32 to index
      %get3A_1186 = tpu.vector_load %arg6[%get3A_1185] {strides = array<i32>} : memref<32000xf32, #tpu.memory_space<vmem>>, vector<16xf32>,
      %get3A_1187 = vector.shape_cast %get3A_1186 : vector<16xf32> to vector<16xf32>
      %add3A_1188 = arith.addf %add3A_1182, %get3A_1187 : vector<16xf32>
      scf.yield %add3A_1188 : vector<16xf32>
    }
    %scan3A_37 = arith.constant 125 : i32
    %get3A = arith.constant 0 : index
    %get3A_38 = tpu.vector_load %arg5[%get3A] {strides = array<i32>} : memref<16xi32, #tpu.memory_space<vmem>>, vector<16xi32>,
    %get3A_39 = vector.shape_cast %get3A_38 : vector<16xi32> to vector<16xi32>
    %slice3A = vector.extract_strided_slice %get3A_39 {offsets = [0], sizes = [1], strides = [1]} : vector<16xi32> to vector<1xi32>
    %squeeze3A = vector.extract %slice3A[0] : i32 from vector<1xi32>
    %min3A = arith.constant 1 : i32
    %min3A_40 = arith.minsi %squeeze3A, %min3A : i32
    %convert_element_type3A = arith.sitofp %min3A_40 : i32 to f32
    %shift_right_arithmetic3A = arith.constant 4 : i32
    %shift_right_arithmetic3A_41 = arith.shrsi %squeeze3A, %shift_right_arithmetic3A : i32
    %shift_left3A = arith.constant 4 : i32
    %shift_left3A_42 = arith.shli %shift_right_arithmetic3A_41, %shift_left3A : i32
    %multiple_of3A = tpu.assume_multiple %shift_left3A_42, 16 : i32
    %get3A_43 = arith.index_cast %multiple_of3A : i32 to index
    %get3A_44 = tpu.vector_load %arg6[%get3A_43] {strides = array<i32>} : memref<32000xf32, #tpu.memory_space<vmem>>, vector<16xf32>,
    %get3A_45 = vector.shape_cast %get3A_44 : vector<16xf32> to vector<16xf32>
    %and3A = arith.constant 15 : i32
    %and3A_46 = arith.andi %squeeze3A, %and3A : i32
    %eq3A_47 = vector.broadcast %and3A_46 : i32 to vector<16xi32>
    %eq3A_48 = arith.cmpi eq, %iota3A, %eq3A_47 : vector<16xi32>
    %jit3A_49 = arith.constant 0.000000e+00 : f32
    %broadcast_in_dim3A_50 = vector.broadcast %jit3A_49 : f32 to vector<16xf32>
    %select_n3A_51 = arith.select %eq3A_48, %get3A_45, %broadcast_in_dim3A_50 : vector<16xi1>, vector<16xf32>
    %get3A_52 = arith.constant 0 : index
    %get3A_53 = tpu.vector_load %arg6[%get3A_52] {strides = array<i32>} : memref<32000xf32, #tpu.memory_space<vmem>>, vector<16xf32>,
    %get3A_54 = vector.shape_cast %get3A_53 : vector<16xf32> to vector<16xf32>
    %mul3A_55 = arith.constant -3.12519524E-6 : f32
    %mul3A_56 = vector.broadcast %mul3A_55 : f32 to vector<16xf32>
    %mul3A_57 = arith.mulf %mul3A_56, %scan3A_36 : vector<16xf32>
    %mul3A_58 = arith.constant -0.899996876 : f32
    %mul3A_59 = vector.broadcast %mul3A_58 : f32 to vector<16xf32>
    %mul3A_60 = arith.mulf %mul3A_59, %select_n3A_51 : vector<16xf32>
    %add3A_61 = arith.addf %mul3A_57, %mul3A_60 : vector<16xf32>
    %mul3A_62 = arith.constant 3.12519524E-6 : f32
    %mul3A_63 = vector.broadcast %mul3A_62 : f32 to vector<16xf32>
    %mul3A_64 = arith.mulf %mul3A_63, %get3A_54 : vector<16xf32>
    %add3A_65 = arith.constant -1.3624258 : f32
    %add3A_66 = vector.broadcast %add3A_65 : f32 to vector<16xf32>
    %add3A_67 = arith.addf %mul3A_64, %add3A_66 : vector<16xf32>
    %mul3A_68 = arith.mulf %add3A_67, %select_n3A : vector<16xf32>
    %add3A_69 = arith.addf %add3A_61, %mul3A_68 : vector<16xf32>
    %mul3A_70 = vector.broadcast %convert_element_type3A : f32 to vector<16xf32>
    %mul3A_71 = arith.mulf %mul3A_70, %add3A_69 : vector<16xf32>
    %add3A_72 = arith.addf %broadcast_in_dim3A_15, %mul3A_71 : vector<16xf32>
    %add3A_73 = arith.constant 1 : i32
    %add3A_74 = arith.addi %add3A_4, %add3A_73 : i32
    %add3A_75 = arith.constant 1 : i32
    %add3A_76 = arith.addi %add3A_74, %add3A_75 : i32
    %dma_start3A_77 = arith.constant 0 : i32
    %dma_start3A_78 = tpu.memref_slice %arg2[%add3A_76, %dma_start3A_77] : memref<2048x32000xf32, #tpu.memory_space<hbm>> -> memref<1x32000xf32, #tpu.memory_space<hbm>>
    %dma_start3A_79 = tpu.memref_squeeze %dma_start3A_78 : memref<1x32000xf32, #tpu.memory_space<hbm>> -> memref<32000xf32, #tpu.memory_space<hbm>>
    %dma_start3A_80 = arith.constant 0 : i32
    %dma_start3A_81 = tpu.memref_slice %arg2[%add3A_76, %dma_start3A_80] : memref<2048x32000xf32, #tpu.memory_space<hbm>> -> memref<1x32000xf32, #tpu.memory_space<hbm>>
    %dma_start3A_82 = tpu.memref_squeeze %dma_start3A_81 : memref<1x32000xf32, #tpu.memory_space<hbm>> -> memref<32000xf32, #tpu.memory_space<hbm>>
    tpu.enqueue_dma source(%dma_start3A_82 : memref<32000xf32, #tpu.memory_space<hbm>>) target(%arg6 : memref<32000xf32, #tpu.memory_space<vmem>>) target_semaphore(%arg9 : memref<!tpu.dma_semaphore, #tpu.memory_space<semaphore_mem>>)
    %dma_wait3A_83 = arith.constant 0 : i32
    %dma_wait3A_84 = tpu.memref_slice %arg2[%add3A_19, %dma_wait3A_83] : memref<2048x32000xf32, #tpu.memory_space<hbm>> -> memref<1x32000xf32, #tpu.memory_space<hbm>>
    %dma_wait3A_85 = tpu.memref_squeeze %dma_wait3A_84 : memref<1x32000xf32, #tpu.memory_space<hbm>> -> memref<32000xf32, #tpu.memory_space<hbm>>
    %dma_wait3A_86 = arith.constant 0 : i32
    %dma_wait3A_87 = tpu.memref_slice %arg2[%add3A_19, %dma_wait3A_86] : memref<2048x32000xf32, #tpu.memory_space<hbm>> -> memref<1x32000xf32, #tpu.memory_space<hbm>>
    %dma_wait3A_88 = tpu.memref_squeeze %dma_wait3A_87 : memref<1x32000xf32, #tpu.memory_space<hbm>> -> memref<32000xf32, #tpu.memory_space<hbm>>
    tpu.wait_dma2 semaphore(%arg10 : memref<!tpu.dma_semaphore, #tpu.memory_space<semaphore_mem>>) src(%dma_wait3A_88 : memref<32000xf32, #tpu.memory_space<hbm>>) dst(%arg7 : memref<32000xf32, #tpu.memory_space<vmem>>)
    %broadcast_in_dim3A_89 = arith.constant 0.000000e+00 : f32
    %broadcast_in_dim3A_90 = vector.broadcast %broadcast_in_dim3A_89 : f32 to vector<16xf32>
    %scan3A_91 = arith.constant 0 : i32
    %scan3A_92 = arith.constant 125 : i32
    %scan3A_93 = arith.addi %scan3A_91, %scan3A_92 : i32
    %scan3A_94 = arith.constant 1 : i32
    %scan3A_95 = scf.for %scan3A_1088 = %scan3A_91 to %scan3A_93 step %scan3A_94 iter_args(%scan3A_1089 = %broadcast_in_dim3A_90) -> (vector<16xf32>)  : i32 {
      %mul3A_1090 = arith.constant 256 : i32
      %mul3A_1091 = arith.muli %scan3A_1088, %mul3A_1090 : i32
      %multiple_of3A_1092 = tpu.assume_multiple %mul3A_1091, 256 : i32
      %add3A_1093 = arith.constant 0 : i32
      %add3A_1094 = arith.addi %multiple_of3A_1092, %add3A_1093 : i32
      %get3A_1095 = arith.index_cast %add3A_1094 : i32 to index
      %get3A_1096 = tpu.vector_load %arg7[%get3A_1095] {strides = array<i32>} : memref<32000xf32, #tpu.memory_space<vmem>>, vector<16xf32>,
      %get3A_1097 = vector.shape_cast %get3A_1096 : vector<16xf32> to vector<16xf32>
      %add3A_1098 = arith.addf %scan3A_1089, %get3A_1097 : vector<16xf32>
      %add3A_1099 = arith.constant 16 : i32
      %add3A_1100 = arith.addi %multiple_of3A_1092, %add3A_1099 : i32
      %get3A_1101 = arith.index_cast %add3A_1100 : i32 to index
      %get3A_1102 = tpu.vector_load %arg7[%get3A_1101] {strides = array<i32>} : memref<32000xf32, #tpu.memory_space<vmem>>, vector<16xf32>,
      %get3A_1103 = vector.shape_cast %get3A_1102 : vector<16xf32> to vector<16xf32>
      %add3A_1104 = arith.addf %add3A_1098, %get3A_1103 : vector<16xf32>
      %add3A_1105 = arith.constant 32 : i32
      %add3A_1106 = arith.addi %multiple_of3A_1092, %add3A_1105 : i32
      %get3A_1107 = arith.index_cast %add3A_1106 : i32 to index
      %get3A_1108 = tpu.vector_load %arg7[%get3A_1107] {strides = array<i32>} : memref<32000xf32, #tpu.memory_space<vmem>>, vector<16xf32>,
      %get3A_1109 = vector.shape_cast %get3A_1108 : vector<16xf32> to vector<16xf32>
      %add3A_1110 = arith.addf %add3A_1104, %get3A_1109 : vector<16xf32>
      %add3A_1111 = arith.constant 48 : i32
      %add3A_1112 = arith.addi %multiple_of3A_1092, %add3A_1111 : i32
      %get3A_1113 = arith.index_cast %add3A_1112 : i32 to index
      %get3A_1114 = tpu.vector_load %arg7[%get3A_1113] {strides = array<i32>} : memref<32000xf32, #tpu.memory_space<vmem>>, vector<16xf32>,
      %get3A_1115 = vector.shape_cast %get3A_1114 : vector<16xf32> to vector<16xf32>
      %add3A_1116 = arith.addf %add3A_1110, %get3A_1115 : vector<16xf32>
      %add3A_1117 = arith.constant 64 : i32
      %add3A_1118 = arith.addi %multiple_of3A_1092, %add3A_1117 : i32
      %get3A_1119 = arith.index_cast %add3A_1118 : i32 to index
      %get3A_1120 = tpu.vector_load %arg7[%get3A_1119] {strides = array<i32>} : memref<32000xf32, #tpu.memory_space<vmem>>, vector<16xf32>,
      %get3A_1121 = vector.shape_cast %get3A_1120 : vector<16xf32> to vector<16xf32>
      %add3A_1122 = arith.addf %add3A_1116, %get3A_1121 : vector<16xf32>
      %add3A_1123 = arith.constant 80 : i32
      %add3A_1124 = arith.addi %multiple_of3A_1092, %add3A_1123 : i32
      %get3A_1125 = arith.index_cast %add3A_1124 : i32 to index
      %get3A_1126 = tpu.vector_load %arg7[%get3A_1125] {strides = array<i32>} : memref<32000xf32, #tpu.memory_space<vmem>>, vector<16xf32>,
      %get3A_1127 = vector.shape_cast %get3A_1126 : vector<16xf32> to vector<16xf32>
      %add3A_1128 = arith.addf %add3A_1122, %get3A_1127 : vector<16xf32>
      %add3A_1129 = arith.constant 96 : i32
      %add3A_1130 = arith.addi %multiple_of3A_1092, %add3A_1129 : i32
      %get3A_1131 = arith.index_cast %add3A_1130 : i32 to index
      %get3A_1132 = tpu.vector_load %arg7[%get3A_1131] {strides = array<i32>} : memref<32000xf32, #tpu.memory_space<vmem>>, vector<16xf32>,
      %get3A_1133 = vector.shape_cast %get3A_1132 : vector<16xf32> to vector<16xf32>
      %add3A_1134 = arith.addf %add3A_1128, %get3A_1133 : vector<16xf32>
      %add3A_1135 = arith.constant 112 : i32
      %add3A_1136 = arith.addi %multiple_of3A_1092, %add3A_1135 : i32
      %get3A_1137 = arith.index_cast %add3A_1136 : i32 to index
      %get3A_1138 = tpu.vector_load %arg7[%get3A_1137] {strides = array<i32>} : memref<32000xf32, #tpu.memory_space<vmem>>, vector<16xf32>,
      %get3A_1139 = vector.shape_cast %get3A_1138 : vector<16xf32> to vector<16xf32>
      %add3A_1140 = arith.addf %add3A_1134, %get3A_1139 : vector<16xf32>
      %add3A_1141 = arith.constant 128 : i32
      %add3A_1142 = arith.addi %multiple_of3A_1092, %add3A_1141 : i32
      %get3A_1143 = arith.index_cast %add3A_1142 : i32 to index
      %get3A_1144 = tpu.vector_load %arg7[%get3A_1143] {strides = array<i32>} : memref<32000xf32, #tpu.memory_space<vmem>>, vector<16xf32>,
      %get3A_1145 = vector.shape_cast %get3A_1144 : vector<16xf32> to vector<16xf32>
      %add3A_1146 = arith.addf %add3A_1140, %get3A_1145 : vector<16xf32>
      %add3A_1147 = arith.constant 144 : i32
      %add3A_1148 = arith.addi %multiple_of3A_1092, %add3A_1147 : i32
      %get3A_1149 = arith.index_cast %add3A_1148 : i32 to index
      %get3A_1150 = tpu.vector_load %arg7[%get3A_1149] {strides = array<i32>} : memref<32000xf32, #tpu.memory_space<vmem>>, vector<16xf32>,
      %get3A_1151 = vector.shape_cast %get3A_1150 : vector<16xf32> to vector<16xf32>
      %add3A_1152 = arith.addf %add3A_1146, %get3A_1151 : vector<16xf32>
      %add3A_1153 = arith.constant 160 : i32
      %add3A_1154 = arith.addi %multiple_of3A_1092, %add3A_1153 : i32
      %get3A_1155 = arith.index_cast %add3A_1154 : i32 to index
      %get3A_1156 = tpu.vector_load %arg7[%get3A_1155] {strides = array<i32>} : memref<32000xf32, #tpu.memory_space<vmem>>, vector<16xf32>,
      %get3A_1157 = vector.shape_cast %get3A_1156 : vector<16xf32> to vector<16xf32>
      %add3A_1158 = arith.addf %add3A_1152, %get3A_1157 : vector<16xf32>
      %add3A_1159 = arith.constant 176 : i32
      %add3A_1160 = arith.addi %multiple_of3A_1092, %add3A_1159 : i32
      %get3A_1161 = arith.index_cast %add3A_1160 : i32 to index
      %get3A_1162 = tpu.vector_load %arg7[%get3A_1161] {strides = array<i32>} : memref<32000xf32, #tpu.memory_space<vmem>>, vector<16xf32>,
      %get3A_1163 = vector.shape_cast %get3A_1162 : vector<16xf32> to vector<16xf32>
      %add3A_1164 = arith.addf %add3A_1158, %get3A_1163 : vector<16xf32>
      %add3A_1165 = arith.constant 192 : i32
      %add3A_1166 = arith.addi %multiple_of3A_1092, %add3A_1165 : i32
      %get3A_1167 = arith.index_cast %add3A_1166 : i32 to index
      %get3A_1168 = tpu.vector_load %arg7[%get3A_1167] {strides = array<i32>} : memref<32000xf32, #tpu.memory_space<vmem>>, vector<16xf32>,
      %get3A_1169 = vector.shape_cast %get3A_1168 : vector<16xf32> to vector<16xf32>
      %add3A_1170 = arith.addf %add3A_1164, %get3A_1169 : vector<16xf32>
      %add3A_1171 = arith.constant 208 : i32
      %add3A_1172 = arith.addi %multiple_of3A_1092, %add3A_1171 : i32
      %get3A_1173 = arith.index_cast %add3A_1172 : i32 to index
      %get3A_1174 = tpu.vector_load %arg7[%get3A_1173] {strides = array<i32>} : memref<32000xf32, #tpu.memory_space<vmem>>, vector<16xf32>,
      %get3A_1175 = vector.shape_cast %get3A_1174 : vector<16xf32> to vector<16xf32>
      %add3A_1176 = arith.addf %add3A_1170, %get3A_1175 : vector<16xf32>
      %add3A_1177 = arith.constant 224 : i32
      %add3A_1178 = arith.addi %multiple_of3A_1092, %add3A_1177 : i32
      %get3A_1179 = arith.index_cast %add3A_1178 : i32 to index
      %get3A_1180 = tpu.vector_load %arg7[%get3A_1179] {strides = array<i32>} : memref<32000xf32, #tpu.memory_space<vmem>>, vector<16xf32>,
      %get3A_1181 = vector.shape_cast %get3A_1180 : vector<16xf32> to vector<16xf32>
      %add3A_1182 = arith.addf %add3A_1176, %get3A_1181 : vector<16xf32>
      %add3A_1183 = arith.constant 240 : i32
      %add3A_1184 = arith.addi %multiple_of3A_1092, %add3A_1183 : i32
      %get3A_1185 = arith.index_cast %add3A_1184 : i32 to index
      %get3A_1186 = tpu.vector_load %arg7[%get3A_1185] {strides = array<i32>} : memref<32000xf32, #tpu.memory_space<vmem>>, vector<16xf32>,
      %get3A_1187 = vector.shape_cast %get3A_1186 : vector<16xf32> to vector<16xf32>
      %add3A_1188 = arith.addf %add3A_1182, %get3A_1187 : vector<16xf32>
      scf.yield %add3A_1188 : vector<16xf32>
    }
    %scan3A_96 = arith.constant 125 : i32
    %get3A_97 = arith.constant 0 : index
    %get3A_98 = tpu.vector_load %arg5[%get3A_97] {strides = array<i32>} : memref<16xi32, #tpu.memory_space<vmem>>, vector<16xi32>,
    %get3A_99 = vector.shape_cast %get3A_98 : vector<16xi32> to vector<16xi32>
    %slice3A_100 = vector.extract_strided_slice %get3A_99 {offsets = [1], sizes = [1], strides = [1]} : vector<16xi32> to vector<1xi32>
    %squeeze3A_101 = vector.extract %slice3A_100[0] : i32 from vector<1xi32>
    %min3A_102 = arith.constant 1 : i32
    %min3A_103 = arith.minsi %squeeze3A_101, %min3A_102 : i32
    %convert_element_type3A_104 = arith.sitofp %min3A_103 : i32 to f32
    %shift_right_arithmetic3A_105 = arith.constant 4 : i32
    %shift_right_arithmetic3A_106 = arith.shrsi %squeeze3A_101, %shift_right_arithmetic3A_105 : i32
    %shift_left3A_107 = arith.constant 4 : i32
    %shift_left3A_108 = arith.shli %shift_right_arithmetic3A_106, %shift_left3A_107 : i32
    %multiple_of3A_109 = tpu.assume_multiple %shift_left3A_108, 16 : i32
    %get3A_110 = arith.index_cast %multiple_of3A_109 : i32 to index
    %get3A_111 = tpu.vector_load %arg7[%get3A_110] {strides = array<i32>} : memref<32000xf32, #tpu.memory_space<vmem>>, vector<16xf32>,
    %get3A_112 = vector.shape_cast %get3A_111 : vector<16xf32> to vector<16xf32>
    %and3A_113 = arith.constant 15 : i32
    %and3A_114 = arith.andi %squeeze3A_101, %and3A_113 : i32
    %eq3A_115 = vector.broadcast %and3A_114 : i32 to vector<16xi32>
    %eq3A_116 = arith.cmpi eq, %iota3A, %eq3A_115 : vector<16xi32>
    %jit3A_117 = arith.constant 0.000000e+00 : f32
    %broadcast_in_dim3A_118 = vector.broadcast %jit3A_117 : f32 to vector<16xf32>
    %select_n3A_119 = arith.select %eq3A_116, %get3A_112, %broadcast_in_dim3A_118 : vector<16xi1>, vector<16xf32>
    %get3A_120 = arith.constant 0 : index
    %get3A_121 = tpu.vector_load %arg7[%get3A_120] {strides = array<i32>} : memref<32000xf32, #tpu.memory_space<vmem>>, vector<16xf32>,
    %get3A_122 = vector.shape_cast %get3A_121 : vector<16xf32> to vector<16xf32>
    %mul3A_123 = arith.constant -3.12519524E-6 : f32
    %mul3A_124 = vector.broadcast %mul3A_123 : f32 to vector<16xf32>
    %mul3A_125 = arith.mulf %mul3A_124, %scan3A_95 : vector<16xf32>
    %mul3A_126 = arith.constant -0.899996876 : f32
    %mul3A_127 = vector.broadcast %mul3A_126 : f32 to vector<16xf32>
    %mul3A_128 = arith.mulf %mul3A_127, %select_n3A_119 : vector<16xf32>
    %add3A_129 = arith.addf %mul3A_125, %mul3A_128 : vector<16xf32>
    %mul3A_130 = arith.constant 3.12519524E-6 : f32
    %mul3A_131 = vector.broadcast %mul3A_130 : f32 to vector<16xf32>
    %mul3A_132 = arith.mulf %mul3A_131, %get3A_122 : vector<16xf32>
    %add3A_133 = arith.constant -1.3624258 : f32
    %add3A_134 = vector.broadcast %add3A_133 : f32 to vector<16xf32>
    %add3A_135 = arith.addf %mul3A_132, %add3A_134 : vector<16xf32>
    %mul3A_136 = arith.mulf %add3A_135, %select_n3A : vector<16xf32>
    %add3A_137 = arith.addf %add3A_129, %mul3A_136 : vector<16xf32>
    %mul3A_138 = vector.broadcast %convert_element_type3A_104 : f32 to vector<16xf32>
    %mul3A_139 = arith.mulf %mul3A_138, %add3A_137 : vector<16xf32>
    %add3A_140 = arith.addf %add3A_72, %mul3A_139 : vector<16xf32>
    %add3A_141 = arith.constant 2 : i32
    %add3A_142 = arith.addi %add3A_4, %add3A_141 : i32
    %add3A_143 = arith.constant 1 : i32
    %add3A_144 = arith.addi %add3A_142, %add3A_143 : i32
    %dma_start3A_145 = arith.constant 0 : i32
    %dma_start3A_146 = tpu.memref_slice %arg2[%add3A_144, %dma_start3A_145] : memref<2048x32000xf32, #tpu.memory_space<hbm>> -> memref<1x32000xf32, #tpu.memory_space<hbm>>
    %dma_start3A_147 = tpu.memref_squeeze %dma_start3A_146 : memref<1x32000xf32, #tpu.memory_space<hbm>> -> memref<32000xf32, #tpu.memory_space<hbm>>
    %dma_start3A_148 = arith.constant 0 : i32
    %dma_start3A_149 = tpu.memref_slice %arg2[%add3A_144, %dma_start3A_148] : memref<2048x32000xf32, #tpu.memory_space<hbm>> -> memref<1x32000xf32, #tpu.memory_space<hbm>>
    %dma_start3A_150 = tpu.memref_squeeze %dma_start3A_149 : memref<1x32000xf32, #tpu.memory_space<hbm>> -> memref<32000xf32, #tpu.memory_space<hbm>>
    tpu.enqueue_dma source(%dma_start3A_150 : memref<32000xf32, #tpu.memory_space<hbm>>) target(%arg7 : memref<32000xf32, #tpu.memory_space<vmem>>) target_semaphore(%arg10 : memref<!tpu.dma_semaphore, #tpu.memory_space<semaphore_mem>>)
    %dma_wait3A_151 = arith.constant 0 : i32
    %dma_wait3A_152 = tpu.memref_slice %arg2[%add3A_76, %dma_wait3A_151] : memref<2048x32000xf32, #tpu.memory_space<hbm>> -> memref<1x32000xf32, #tpu.memory_space<hbm>>
    %dma_wait3A_153 = tpu.memref_squeeze %dma_wait3A_152 : memref<1x32000xf32, #tpu.memory_space<hbm>> -> memref<32000xf32, #tpu.memory_space<hbm>>
    %dma_wait3A_154 = arith.constant 0 : i32
    %dma_wait3A_155 = tpu.memref_slice %arg2[%add3A_76, %dma_wait3A_154] : memref<2048x32000xf32, #tpu.memory_space<hbm>> -> memref<1x32000xf32, #tpu.memory_space<hbm>>
    %dma_wait3A_156 = tpu.memref_squeeze %dma_wait3A_155 : memref<1x32000xf32, #tpu.memory_space<hbm>> -> memref<32000xf32, #tpu.memory_space<hbm>>
    tpu.wait_dma2 semaphore(%arg9 : memref<!tpu.dma_semaphore, #tpu.memory_space<semaphore_mem>>) src(%dma_wait3A_156 : memref<32000xf32, #tpu.memory_space<hbm>>) dst(%arg6 : memref<32000xf32, #tpu.memory_space<vmem>>)
    %broadcast_in_dim3A_157 = arith.constant 0.000000e+00 : f32
    %broadcast_in_dim3A_158 = vector.broadcast %broadcast_in_dim3A_157 : f32 to vector<16xf32>
    %scan3A_159 = arith.constant 0 : i32
    %scan3A_160 = arith.constant 125 : i32
    %scan3A_161 = arith.addi %scan3A_159, %scan3A_160 : i32
    %scan3A_162 = arith.constant 1 : i32
    %scan3A_163 = scf.for %scan3A_1088 = %scan3A_159 to %scan3A_161 step %scan3A_162 iter_args(%scan3A_1089 = %broadcast_in_dim3A_158) -> (vector<16xf32>)  : i32 {
      %mul3A_1090 = arith.constant 256 : i32
      %mul3A_1091 = arith.muli %scan3A_1088, %mul3A_1090 : i32
      %multiple_of3A_1092 = tpu.assume_multiple %mul3A_1091, 256 : i32
      %add3A_1093 = arith.constant 0 : i32
      %add3A_1094 = arith.addi %multiple_of3A_1092, %add3A_1093 : i32
      %get3A_1095 = arith.index_cast %add3A_1094 : i32 to index
      %get3A_1096 = tpu.vector_load %arg6[%get3A_1095] {strides = array<i32>} : memref<32000xf32, #tpu.memory_space<vmem>>, vector<16xf32>,
      %get3A_1097 = vector.shape_cast %get3A_1096 : vector<16xf32> to vector<16xf32>
      %add3A_1098 = arith.addf %scan3A_1089, %get3A_1097 : vector<16xf32>
      %add3A_1099 = arith.constant 16 : i32
      %add3A_1100 = arith.addi %multiple_of3A_1092, %add3A_1099 : i32
      %get3A_1101 = arith.index_cast %add3A_1100 : i32 to index
      %get3A_1102 = tpu.vector_load %arg6[%get3A_1101] {strides = array<i32>} : memref<32000xf32, #tpu.memory_space<vmem>>, vector<16xf32>,
      %get3A_1103 = vector.shape_cast %get3A_1102 : vector<16xf32> to vector<16xf32>
      %add3A_1104 = arith.addf %add3A_1098, %get3A_1103 : vector<16xf32>
      %add3A_1105 = arith.constant 32 : i32
      %add3A_1106 = arith.addi %multiple_of3A_1092, %add3A_1105 : i32
      %get3A_1107 = arith.index_cast %add3A_1106 : i32 to index
      %get3A_1108 = tpu.vector_load %arg6[%get3A_1107] {strides = array<i32>} : memref<32000xf32, #tpu.memory_space<vmem>>, vector<16xf32>,
      %get3A_1109 = vector.shape_cast %get3A_1108 : vector<16xf32> to vector<16xf32>
      %add3A_1110 = arith.addf %add3A_1104, %get3A_1109 : vector<16xf32>
      %add3A_1111 = arith.constant 48 : i32
      %add3A_1112 = arith.addi %multiple_of3A_1092, %add3A_1111 : i32
      %get3A_1113 = arith.index_cast %add3A_1112 : i32 to index
      %get3A_1114 = tpu.vector_load %arg6[%get3A_1113] {strides = array<i32>} : memref<32000xf32, #tpu.memory_space<vmem>>, vector<16xf32>,
      %get3A_1115 = vector.shape_cast %get3A_1114 : vector<16xf32> to vector<16xf32>
      %add3A_1116 = arith.addf %add3A_1110, %get3A_1115 : vector<16xf32>
      %add3A_1117 = arith.constant 64 : i32
      %add3A_1118 = arith.addi %multiple_of3A_1092, %add3A_1117 : i32
      %get3A_1119 = arith.index_cast %add3A_1118 : i32 to index
      %get3A_1120 = tpu.vector_load %arg6[%get3A_1119] {strides = array<i32>} : memref<32000xf32, #tpu.memory_space<vmem>>, vector<16xf32>,
      %get3A_1121 = vector.shape_cast %get3A_1120 : vector<16xf32> to vector<16xf32>
      %add3A_1122 = arith.addf %add3A_1116, %get3A_1121 : vector<16xf32>
      %add3A_1123 = arith.constant 80 : i32
      %add3A_1124 = arith.addi %multiple_of3A_1092, %add3A_1123 : i32
      %get3A_1125 = arith.index_cast %add3A_1124 : i32 to index
      %get3A_1126 = tpu.vector_load %arg6[%get3A_1125] {strides = array<i32>} : memref<32000xf32, #tpu.memory_space<vmem>>, vector<16xf32>,
      %get3A_1127 = vector.shape_cast %get3A_1126 : vector<16xf32> to vector<16xf32>
      %add3A_1128 = arith.addf %add3A_1122, %get3A_1127 : vector<16xf32>
      %add3A_1129 = arith.constant 96 : i32
      %add3A_1130 = arith.addi %multiple_of3A_1092, %add3A_1129 : i32
      %get3A_1131 = arith.index_cast %add3A_1130 : i32 to index
      %get3A_1132 = tpu.vector_load %arg6[%get3A_1131] {strides = array<i32>} : memref<32000xf32, #tpu.memory_space<vmem>>, vector<16xf32>,
      %get3A_1133 = vector.shape_cast %get3A_1132 : vector<16xf32> to vector<16xf32>
      %add3A_1134 = arith.addf %add3A_1128, %get3A_1133 : vector<16xf32>
      %add3A_1135 = arith.constant 112 : i32
      %add3A_1136 = arith.addi %multiple_of3A_1092, %add3A_1135 : i32
      %get3A_1137 = arith.index_cast %add3A_1136 : i32 to index
      %get3A_1138 = tpu.vector_load %arg6[%get3A_1137] {strides = array<i32>} : memref<32000xf32, #tpu.memory_space<vmem>>, vector<16xf32>,
      %get3A_1139 = vector.shape_cast %get3A_1138 : vector<16xf32> to vector<16xf32>
      %add3A_1140 = arith.addf %add3A_1134, %get3A_1139 : vector<16xf32>
      %add3A_1141 = arith.constant 128 : i32
      %add3A_1142 = arith.addi %multiple_of3A_1092, %add3A_1141 : i32
      %get3A_1143 = arith.index_cast %add3A_1142 : i32 to index
      %get3A_1144 = tpu.vector_load %arg6[%get3A_1143] {strides = array<i32>} : memref<32000xf32, #tpu.memory_space<vmem>>, vector<16xf32>,
      %get3A_1145 = vector.shape_cast %get3A_1144 : vector<16xf32> to vector<16xf32>
      %add3A_1146 = arith.addf %add3A_1140, %get3A_1145 : vector<16xf32>
      %add3A_1147 = arith.constant 144 : i32
      %add3A_1148 = arith.addi %multiple_of3A_1092, %add3A_1147 : i32
      %get3A_1149 = arith.index_cast %add3A_1148 : i32 to index
      %get3A_1150 = tpu.vector_load %arg6[%get3A_1149] {strides = array<i32>} : memref<32000xf32, #tpu.memory_space<vmem>>, vector<16xf32>,
      %get3A_1151 = vector.shape_cast %get3A_1150 : vector<16xf32> to vector<16xf32>
      %add3A_1152 = arith.addf %add3A_1146, %get3A_1151 : vector<16xf32>
      %add3A_1153 = arith.constant 160 : i32
      %add3A_1154 = arith.addi %multiple_of3A_1092, %add3A_1153 : i32
      %get3A_1155 = arith.index_cast %add3A_1154 : i32 to index
      %get3A_1156 = tpu.vector_load %arg6[%get3A_1155] {strides = array<i32>} : memref<32000xf32, #tpu.memory_space<vmem>>, vector<16xf32>,
      %get3A_1157 = vector.shape_cast %get3A_1156 : vector<16xf32> to vector<16xf32>
      %add3A_1158 = arith.addf %add3A_1152, %get3A_1157 : vector<16xf32>
      %add3A_1159 = arith.constant 176 : i32
      %add3A_1160 = arith.addi %multiple_of3A_1092, %add3A_1159 : i32
      %get3A_1161 = arith.index_cast %add3A_1160 : i32 to index
      %get3A_1162 = tpu.vector_load %arg6[%get3A_1161] {strides = array<i32>} : memref<32000xf32, #tpu.memory_space<vmem>>, vector<16xf32>,
      %get3A_1163 = vector.shape_cast %get3A_1162 : vector<16xf32> to vector<16xf32>
      %add3A_1164 = arith.addf %add3A_1158, %get3A_1163 : vector<16xf32>
      %add3A_1165 = arith.constant 192 : i32
      %add3A_1166 = arith.addi %multiple_of3A_1092, %add3A_1165 : i32
      %get3A_1167 = arith.index_cast %add3A_1166 : i32 to index
      %get3A_1168 = tpu.vector_load %arg6[%get3A_1167] {strides = array<i32>} : memref<32000xf32, #tpu.memory_space<vmem>>, vector<16xf32>,
      %get3A_1169 = vector.shape_cast %get3A_1168 : vector<16xf32> to vector<16xf32>
      %add3A_1170 = arith.addf %add3A_1164, %get3A_1169 : vector<16xf32>
      %add3A_1171 = arith.constant 208 : i32
      %add3A_1172 = arith.addi %multiple_of3A_1092, %add3A_1171 : i32
      %get3A_1173 = arith.index_cast %add3A_1172 : i32 to index
      %get3A_1174 = tpu.vector_load %arg6[%get3A_1173] {strides = array<i32>} : memref<32000xf32, #tpu.memory_space<vmem>>, vector<16xf32>,
      %get3A_1175 = vector.shape_cast %get3A_1174 : vector<16xf32> to vector<16xf32>
      %add3A_1176 = arith.addf %add3A_1170, %get3A_1175 : vector<16xf32>
      %add3A_1177 = arith.constant 224 : i32
      %add3A_1178 = arith.addi %multiple_of3A_1092, %add3A_1177 : i32
      %get3A_1179 = arith.index_cast %add3A_1178 : i32 to index
      %get3A_1180 = tpu.vector_load %arg6[%get3A_1179] {strides = array<i32>} : memref<32000xf32, #tpu.memory_space<vmem>>, vector<16xf32>,
      %get3A_1181 = vector.shape_cast %get3A_1180 : vector<16xf32> to vector<16xf32>
      %add3A_1182 = arith.addf %add3A_1176, %get3A_1181 : vector<16xf32>
      %add3A_1183 = arith.constant 240 : i32
      %add3A_1184 = arith.addi %multiple_of3A_1092, %add3A_1183 : i32
      %get3A_1185 = arith.index_cast %add3A_1184 : i32 to index
      %get3A_1186 = tpu.vector_load %arg6[%get3A_1185] {strides = array<i32>} : memref<32000xf32, #tpu.memory_space<vmem>>, vector<16xf32>,
      %get3A_1187 = vector.shape_cast %get3A_1186 : vector<16xf32> to vector<16xf32>
      %add3A_1188 = arith.addf %add3A_1182, %get3A_1187 : vector<16xf32>
      scf.yield %add3A_1188 : vector<16xf32>
    }
    %scan3A_164 = arith.constant 125 : i32
    %get3A_165 = arith.constant 0 : index
    %get3A_166 = tpu.vector_load %arg5[%get3A_165] {strides = array<i32>} : memref<16xi32, #tpu.memory_space<vmem>>, vector<16xi32>,
    %get3A_167 = vector.shape_cast %get3A_166 : vector<16xi32> to vector<16xi32>
    %slice3A_168 = vector.extract_strided_slice %get3A_167 {offsets = [2], sizes = [1], strides = [1]} : vector<16xi32> to vector<1xi32>
    %squeeze3A_169 = vector.extract %slice3A_168[0] : i32 from vector<1xi32>
    %min3A_170 = arith.constant 1 : i32
    %min3A_171 = arith.minsi %squeeze3A_169, %min3A_170 : i32
    %convert_element_type3A_172 = arith.sitofp %min3A_171 : i32 to f32
    %shift_right_arithmetic3A_173 = arith.constant 4 : i32
    %shift_right_arithmetic3A_174 = arith.shrsi %squeeze3A_169, %shift_right_arithmetic3A_173 : i32
    %shift_left3A_175 = arith.constant 4 : i32
    %shift_left3A_176 = arith.shli %shift_right_arithmetic3A_174, %shift_left3A_175 : i32
    %multiple_of3A_177 = tpu.assume_multiple %shift_left3A_176, 16 : i32
    %get3A_178 = arith.index_cast %multiple_of3A_177 : i32 to index
    %get3A_179 = tpu.vector_load %arg6[%get3A_178] {strides = array<i32>} : memref<32000xf32, #tpu.memory_space<vmem>>, vector<16xf32>,
    %get3A_180 = vector.shape_cast %get3A_179 : vector<16xf32> to vector<16xf32>
    %and3A_181 = arith.constant 15 : i32
    %and3A_182 = arith.andi %squeeze3A_169, %and3A_181 : i32
    %eq3A_183 = vector.broadcast %and3A_182 : i32 to vector<16xi32>
    %eq3A_184 = arith.cmpi eq, %iota3A, %eq3A_183 : vector<16xi32>
    %jit3A_185 = arith.constant 0.000000e+00 : f32
    %broadcast_in_dim3A_186 = vector.broadcast %jit3A_185 : f32 to vector<16xf32>
    %select_n3A_187 = arith.select %eq3A_184, %get3A_180, %broadcast_in_dim3A_186 : vector<16xi1>, vector<16xf32>
    %get3A_188 = arith.constant 0 : index
    %get3A_189 = tpu.vector_load %arg6[%get3A_188] {strides = array<i32>} : memref<32000xf32, #tpu.memory_space<vmem>>, vector<16xf32>,
    %get3A_190 = vector.shape_cast %get3A_189 : vector<16xf32> to vector<16xf32>
    %mul3A_191 = arith.constant -3.12519524E-6 : f32
    %mul3A_192 = vector.broadcast %mul3A_191 : f32 to vector<16xf32>
    %mul3A_193 = arith.mulf %mul3A_192, %scan3A_163 : vector<16xf32>
    %mul3A_194 = arith.constant -0.899996876 : f32
    %mul3A_195 = vector.broadcast %mul3A_194 : f32 to vector<16xf32>
    %mul3A_196 = arith.mulf %mul3A_195, %select_n3A_187 : vector<16xf32>
    %add3A_197 = arith.addf %mul3A_193, %mul3A_196 : vector<16xf32>
    %mul3A_198 = arith.constant 3.12519524E-6 : f32
    %mul3A_199 = vector.broadcast %mul3A_198 : f32 to vector<16xf32>
    %mul3A_200 = arith.mulf %mul3A_199, %get3A_190 : vector<16xf32>
    %add3A_201 = arith.constant -1.3624258 : f32
    %add3A_202 = vector.broadcast %add3A_201 : f32 to vector<16xf32>
    %add3A_203 = arith.addf %mul3A_200, %add3A_202 : vector<16xf32>
    %mul3A_204 = arith.mulf %add3A_203, %select_n3A : vector<16xf32>
    %add3A_205 = arith.addf %add3A_197, %mul3A_204 : vector<16xf32>
    %mul3A_206 = vector.broadcast %convert_element_type3A_172 : f32 to vector<16xf32>
    %mul3A_207 = arith.mulf %mul3A_206, %add3A_205 : vector<16xf32>
    %add3A_208 = arith.addf %add3A_140, %mul3A_207 : vector<16xf32>
    %add3A_209 = arith.constant 3 : i32
    %add3A_210 = arith.addi %add3A_4, %add3A_209 : i32
    %add3A_211 = arith.constant 1 : i32
    %add3A_212 = arith.addi %add3A_210, %add3A_211 : i32
    %dma_start3A_213 = arith.constant 0 : i32
    %dma_start3A_214 = tpu.memref_slice %arg2[%add3A_212, %dma_start3A_213] : memref<2048x32000xf32, #tpu.memory_space<hbm>> -> memref<1x32000xf32, #tpu.memory_space<hbm>>
    %dma_start3A_215 = tpu.memref_squeeze %dma_start3A_214 : memref<1x32000xf32, #tpu.memory_space<hbm>> -> memref<32000xf32, #tpu.memory_space<hbm>>
    %dma_start3A_216 = arith.constant 0 : i32
    %dma_start3A_217 = tpu.memref_slice %arg2[%add3A_212, %dma_start3A_216] : memref<2048x32000xf32, #tpu.memory_space<hbm>> -> memref<1x32000xf32, #tpu.memory_space<hbm>>
    %dma_start3A_218 = tpu.memref_squeeze %dma_start3A_217 : memref<1x32000xf32, #tpu.memory_space<hbm>> -> memref<32000xf32, #tpu.memory_space<hbm>>
    tpu.enqueue_dma source(%dma_start3A_218 : memref<32000xf32, #tpu.memory_space<hbm>>) target(%arg6 : memref<32000xf32, #tpu.memory_space<vmem>>) target_semaphore(%arg9 : memref<!tpu.dma_semaphore, #tpu.memory_space<semaphore_mem>>)
    %dma_wait3A_219 = arith.constant 0 : i32
    %dma_wait3A_220 = tpu.memref_slice %arg2[%add3A_144, %dma_wait3A_219] : memref<2048x32000xf32, #tpu.memory_space<hbm>> -> memref<1x32000xf32, #tpu.memory_space<hbm>>
    %dma_wait3A_221 = tpu.memref_squeeze %dma_wait3A_220 : memref<1x32000xf32, #tpu.memory_space<hbm>> -> memref<32000xf32, #tpu.memory_space<hbm>>
    %dma_wait3A_222 = arith.constant 0 : i32
    %dma_wait3A_223 = tpu.memref_slice %arg2[%add3A_144, %dma_wait3A_222] : memref<2048x32000xf32, #tpu.memory_space<hbm>> -> memref<1x32000xf32, #tpu.memory_space<hbm>>
    %dma_wait3A_224 = tpu.memref_squeeze %dma_wait3A_223 : memref<1x32000xf32, #tpu.memory_space<hbm>> -> memref<32000xf32, #tpu.memory_space<hbm>>
    tpu.wait_dma2 semaphore(%arg10 : memref<!tpu.dma_semaphore, #tpu.memory_space<semaphore_mem>>) src(%dma_wait3A_224 : memref<32000xf32, #tpu.memory_space<hbm>>) dst(%arg7 : memref<32000xf32, #tpu.memory_space<vmem>>)
    %broadcast_in_dim3A_225 = arith.constant 0.000000e+00 : f32
    %broadcast_in_dim3A_226 = vector.broadcast %broadcast_in_dim3A_225 : f32 to vector<16xf32>
    %scan3A_227 = arith.constant 0 : i32
    %scan3A_228 = arith.constant 125 : i32
    %scan3A_229 = arith.addi %scan3A_227, %scan3A_228 : i32
    %scan3A_230 = arith.constant 1 : i32
    %scan3A_231 = scf.for %scan3A_1088 = %scan3A_227 to %scan3A_229 step %scan3A_230 iter_args(%scan3A_1089 = %broadcast_in_dim3A_226) -> (vector<16xf32>)  : i32 {
      %mul3A_1090 = arith.constant 256 : i32
      %mul3A_1091 = arith.muli %scan3A_1088, %mul3A_1090 : i32
      %multiple_of3A_1092 = tpu.assume_multiple %mul3A_1091, 256 : i32
      %add3A_1093 = arith.constant 0 : i32
      %add3A_1094 = arith.addi %multiple_of3A_1092, %add3A_1093 : i32
      %get3A_1095 = arith.index_cast %add3A_1094 : i32 to index
      %get3A_1096 = tpu.vector_load %arg7[%get3A_1095] {strides = array<i32>} : memref<32000xf32, #tpu.memory_space<vmem>>, vector<16xf32>,
      %get3A_1097 = vector.shape_cast %get3A_1096 : vector<16xf32> to vector<16xf32>
      %add3A_1098 = arith.addf %scan3A_1089, %get3A_1097 : vector<16xf32>
      %add3A_1099 = arith.constant 16 : i32
      %add3A_1100 = arith.addi %multiple_of3A_1092, %add3A_1099 : i32
      %get3A_1101 = arith.index_cast %add3A_1100 : i32 to index
      %get3A_1102 = tpu.vector_load %arg7[%get3A_1101] {strides = array<i32>} : memref<32000xf32, #tpu.memory_space<vmem>>, vector<16xf32>,
      %get3A_1103 = vector.shape_cast %get3A_1102 : vector<16xf32> to vector<16xf32>
      %add3A_1104 = arith.addf %add3A_1098, %get3A_1103 : vector<16xf32>
      %add3A_1105 = arith.constant 32 : i32
      %add3A_1106 = arith.addi %multiple_of3A_1092, %add3A_1105 : i32
      %get3A_1107 = arith.index_cast %add3A_1106 : i32 to index
      %get3A_1108 = tpu.vector_load %arg7[%get3A_1107] {strides = array<i32>} : memref<32000xf32, #tpu.memory_space<vmem>>, vector<16xf32>,
      %get3A_1109 = vector.shape_cast %get3A_1108 : vector<16xf32> to vector<16xf32>
      %add3A_1110 = arith.addf %add3A_1104, %get3A_1109 : vector<16xf32>
      %add3A_1111 = arith.constant 48 : i32
      %add3A_1112 = arith.addi %multiple_of3A_1092, %add3A_1111 : i32
      %get3A_1113 = arith.index_cast %add3A_1112 : i32 to index
      %get3A_1114 = tpu.vector_load %arg7[%get3A_1113] {strides = array<i32>} : memref<32000xf32, #tpu.memory_space<vmem>>, vector<16xf32>,
      %get3A_1115 = vector.shape_cast %get3A_1114 : vector<16xf32> to vector<16xf32>
      %add3A_1116 = arith.addf %add3A_1110, %get3A_1115 : vector<16xf32>
      %add3A_1117 = arith.constant 64 : i32
      %add3A_1118 = arith.addi %multiple_of3A_1092, %add3A_1117 : i32
      %get3A_1119 = arith.index_cast %add3A_1118 : i32 to index
      %get3A_1120 = tpu.vector_load %arg7[%get3A_1119] {strides = array<i32>} : memref<32000xf32, #tpu.memory_space<vmem>>, vector<16xf32>,
      %get3A_1121 = vector.shape_cast %get3A_1120 : vector<16xf32> to vector<16xf32>
      %add3A_1122 = arith.addf %add3A_1116, %get3A_1121 : vector<16xf32>
      %add3A_1123 = arith.constant 80 : i32
      %add3A_1124 = arith.addi %multiple_of3A_1092, %add3A_1123 : i32
      %get3A_1125 = arith.index_cast %add3A_1124 : i32 to index
      %get3A_1126 = tpu.vector_load %arg7[%get3A_1125] {strides = array<i32>} : memref<32000xf32, #tpu.memory_space<vmem>>, vector<16xf32>,
      %get3A_1127 = vector.shape_cast %get3A_1126 : vector<16xf32> to vector<16xf32>
      %add3A_1128 = arith.addf %add3A_1122, %get3A_1127 : vector<16xf32>
      %add3A_1129 = arith.constant 96 : i32
      %add3A_1130 = arith.addi %multiple_of3A_1092, %add3A_1129 : i32
      %get3A_1131 = arith.index_cast %add3A_1130 : i32 to index
      %get3A_1132 = tpu.vector_load %arg7[%get3A_1131] {strides = array<i32>} : memref<32000xf32, #tpu.memory_space<vmem>>, vector<16xf32>,
      %get3A_1133 = vector.shape_cast %get3A_1132 : vector<16xf32> to vector<16xf32>
      %add3A_1134 = arith.addf %add3A_1128, %get3A_1133 : vector<16xf32>
      %add3A_1135 = arith.constant 112 : i32
      %add3A_1136 = arith.addi %multiple_of3A_1092, %add3A_1135 : i32
      %get3A_1137 = arith.index_cast %add3A_1136 : i32 to index
      %get3A_1138 = tpu.vector_load %arg7[%get3A_1137] {strides = array<i32>} : memref<32000xf32, #tpu.memory_space<vmem>>, vector<16xf32>,
      %get3A_1139 = vector.shape_cast %get3A_1138 : vector<16xf32> to vector<16xf32>
      %add3A_1140 = arith.addf %add3A_1134, %get3A_1139 : vector<16xf32>
      %add3A_1141 = arith.constant 128 : i32
      %add3A_1142 = arith.addi %multiple_of3A_1092, %add3A_1141 : i32
      %get3A_1143 = arith.index_cast %add3A_1142 : i32 to index
      %get3A_1144 = tpu.vector_load %arg7[%get3A_1143] {strides = array<i32>} : memref<32000xf32, #tpu.memory_space<vmem>>, vector<16xf32>,
      %get3A_1145 = vector.shape_cast %get3A_1144 : vector<16xf32> to vector<16xf32>
      %add3A_1146 = arith.addf %add3A_1140, %get3A_1145 : vector<16xf32>
      %add3A_1147 = arith.constant 144 : i32
      %add3A_1148 = arith.addi %multiple_of3A_1092, %add3A_1147 : i32
      %get3A_1149 = arith.index_cast %add3A_1148 : i32 to index
      %get3A_1150 = tpu.vector_load %arg7[%get3A_1149] {strides = array<i32>} : memref<32000xf32, #tpu.memory_space<vmem>>, vector<16xf32>,
      %get3A_1151 = vector.shape_cast %get3A_1150 : vector<16xf32> to vector<16xf32>
      %add3A_1152 = arith.addf %add3A_1146, %get3A_1151 : vector<16xf32>
      %add3A_1153 = arith.constant 160 : i32
      %add3A_1154 = arith.addi %multiple_of3A_1092, %add3A_1153 : i32
      %get3A_1155 = arith.index_cast %add3A_1154 : i32 to index
      %get3A_1156 = tpu.vector_load %arg7[%get3A_1155] {strides = array<i32>} : memref<32000xf32, #tpu.memory_space<vmem>>, vector<16xf32>,
      %get3A_1157 = vector.shape_cast %get3A_1156 : vector<16xf32> to vector<16xf32>
      %add3A_1158 = arith.addf %add3A_1152, %get3A_1157 : vector<16xf32>
      %add3A_1159 = arith.constant 176 : i32
      %add3A_1160 = arith.addi %multiple_of3A_1092, %add3A_1159 : i32
      %get3A_1161 = arith.index_cast %add3A_1160 : i32 to index
      %get3A_1162 = tpu.vector_load %arg7[%get3A_1161] {strides = array<i32>} : memref<32000xf32, #tpu.memory_space<vmem>>, vector<16xf32>,
      %get3A_1163 = vector.shape_cast %get3A_1162 : vector<16xf32> to vector<16xf32>
      %add3A_1164 = arith.addf %add3A_1158, %get3A_1163 : vector<16xf32>
      %add3A_1165 = arith.constant 192 : i32
      %add3A_1166 = arith.addi %multiple_of3A_1092, %add3A_1165 : i32
      %get3A_1167 = arith.index_cast %add3A_1166 : i32 to index
      %get3A_1168 = tpu.vector_load %arg7[%get3A_1167] {strides = array<i32>} : memref<32000xf32, #tpu.memory_space<vmem>>, vector<16xf32>,
      %get3A_1169 = vector.shape_cast %get3A_1168 : vector<16xf32> to vector<16xf32>
      %add3A_1170 = arith.addf %add3A_1164, %get3A_1169 : vector<16xf32>
      %add3A_1171 = arith.constant 208 : i32
      %add3A_1172 = arith.addi %multiple_of3A_1092, %add3A_1171 : i32
      %get3A_1173 = arith.index_cast %add3A_1172 : i32 to index
      %get3A_1174 = tpu.vector_load %arg7[%get3A_1173] {strides = array<i32>} : memref<32000xf32, #tpu.memory_space<vmem>>, vector<16xf32>,
      %get3A_1175 = vector.shape_cast %get3A_1174 : vector<16xf32> to vector<16xf32>
      %add3A_1176 = arith.addf %add3A_1170, %get3A_1175 : vector<16xf32>
      %add3A_1177 = arith.constant 224 : i32
      %add3A_1178 = arith.addi %multiple_of3A_1092, %add3A_1177 : i32
      %get3A_1179 = arith.index_cast %add3A_1178 : i32 to index
      %get3A_1180 = tpu.vector_load %arg7[%get3A_1179] {strides = array<i32>} : memref<32000xf32, #tpu.memory_space<vmem>>, vector<16xf32>,
      %get3A_1181 = vector.shape_cast %get3A_1180 : vector<16xf32> to vector<16xf32>
      %add3A_1182 = arith.addf %add3A_1176, %get3A_1181 : vector<16xf32>
      %add3A_1183 = arith.constant 240 : i32
      %add3A_1184 = arith.addi %multiple_of3A_1092, %add3A_1183 : i32
      %get3A_1185 = arith.index_cast %add3A_1184 : i32 to index
      %get3A_1186 = tpu.vector_load %arg7[%get3A_1185] {strides = array<i32>} : memref<32000xf32, #tpu.memory_space<vmem>>, vector<16xf32>,
      %get3A_1187 = vector.shape_cast %get3A_1186 : vector<16xf32> to vector<16xf32>
      %add3A_1188 = arith.addf %add3A_1182, %get3A_1187 : vector<16xf32>
      scf.yield %add3A_1188 : vector<16xf32>
    }
    %scan3A_232 = arith.constant 125 : i32
    %get3A_233 = arith.constant 0 : index
    %get3A_234 = tpu.vector_load %arg5[%get3A_233] {strides = array<i32>} : memref<16xi32, #tpu.memory_space<vmem>>, vector<16xi32>,
    %get3A_235 = vector.shape_cast %get3A_234 : vector<16xi32> to vector<16xi32>
    %slice3A_236 = vector.extract_strided_slice %get3A_235 {offsets = [3], sizes = [1], strides = [1]} : vector<16xi32> to vector<1xi32>
    %squeeze3A_237 = vector.extract %slice3A_236[0] : i32 from vector<1xi32>
    %min3A_238 = arith.constant 1 : i32
    %min3A_239 = arith.minsi %squeeze3A_237, %min3A_238 : i32
    %convert_element_type3A_240 = arith.sitofp %min3A_239 : i32 to f32
    %shift_right_arithmetic3A_241 = arith.constant 4 : i32
    %shift_right_arithmetic3A_242 = arith.shrsi %squeeze3A_237, %shift_right_arithmetic3A_241 : i32
    %shift_left3A_243 = arith.constant 4 : i32
    %shift_left3A_244 = arith.shli %shift_right_arithmetic3A_242, %shift_left3A_243 : i32
    %multiple_of3A_245 = tpu.assume_multiple %shift_left3A_244, 16 : i32
    %get3A_246 = arith.index_cast %multiple_of3A_245 : i32 to index
    %get3A_247 = tpu.vector_load %arg7[%get3A_246] {strides = array<i32>} : memref<32000xf32, #tpu.memory_space<vmem>>, vector<16xf32>,
    %get3A_248 = vector.shape_cast %get3A_247 : vector<16xf32> to vector<16xf32>
    %and3A_249 = arith.constant 15 : i32
    %and3A_250 = arith.andi %squeeze3A_237, %and3A_249 : i32
    %eq3A_251 = vector.broadcast %and3A_250 : i32 to vector<16xi32>
    %eq3A_252 = arith.cmpi eq, %iota3A, %eq3A_251 : vector<16xi32>
    %jit3A_253 = arith.constant 0.000000e+00 : f32
    %broadcast_in_dim3A_254 = vector.broadcast %jit3A_253 : f32 to vector<16xf32>
    %select_n3A_255 = arith.select %eq3A_252, %get3A_248, %broadcast_in_dim3A_254 : vector<16xi1>, vector<16xf32>
    %get3A_256 = arith.constant 0 : index
    %get3A_257 = tpu.vector_load %arg7[%get3A_256] {strides = array<i32>} : memref<32000xf32, #tpu.memory_space<vmem>>, vector<16xf32>,
    %get3A_258 = vector.shape_cast %get3A_257 : vector<16xf32> to vector<16xf32>
    %mul3A_259 = arith.constant -3.12519524E-6 : f32
    %mul3A_260 = vector.broadcast %mul3A_259 : f32 to vector<16xf32>
    %mul3A_261 = arith.mulf %mul3A_260, %scan3A_231 : vector<16xf32>
    %mul3A_262 = arith.constant -0.899996876 : f32
    %mul3A_263 = vector.broadcast %mul3A_262 : f32 to vector<16xf32>
    %mul3A_264 = arith.mulf %mul3A_263, %select_n3A_255 : vector<16xf32>
    %add3A_265 = arith.addf %mul3A_261, %mul3A_264 : vector<16xf32>
    %mul3A_266 = arith.constant 3.12519524E-6 : f32
    %mul3A_267 = vector.broadcast %mul3A_266 : f32 to vector<16xf32>
    %mul3A_268 = arith.mulf %mul3A_267, %get3A_258 : vector<16xf32>
    %add3A_269 = arith.constant -1.3624258 : f32
    %add3A_270 = vector.broadcast %add3A_269 : f32 to vector<16xf32>
    %add3A_271 = arith.addf %mul3A_268, %add3A_270 : vector<16xf32>
    %mul3A_272 = arith.mulf %add3A_271, %select_n3A : vector<16xf32>
    %add3A_273 = arith.addf %add3A_265, %mul3A_272 : vector<16xf32>
    %mul3A_274 = vector.broadcast %convert_element_type3A_240 : f32 to vector<16xf32>
    %mul3A_275 = arith.mulf %mul3A_274, %add3A_273 : vector<16xf32>
    %add3A_276 = arith.addf %add3A_208, %mul3A_275 : vector<16xf32>
    %add3A_277 = arith.constant 4 : i32
    %add3A_278 = arith.addi %add3A_4, %add3A_277 : i32
    %add3A_279 = arith.constant 1 : i32
    %add3A_280 = arith.addi %add3A_278, %add3A_279 : i32
    %dma_start3A_281 = arith.constant 0 : i32
    %dma_start3A_282 = tpu.memref_slice %arg2[%add3A_280, %dma_start3A_281] : memref<2048x32000xf32, #tpu.memory_space<hbm>> -> memref<1x32000xf32, #tpu.memory_space<hbm>>
    %dma_start3A_283 = tpu.memref_squeeze %dma_start3A_282 : memref<1x32000xf32, #tpu.memory_space<hbm>> -> memref<32000xf32, #tpu.memory_space<hbm>>
    %dma_start3A_284 = arith.constant 0 : i32
    %dma_start3A_285 = tpu.memref_slice %arg2[%add3A_280, %dma_start3A_284] : memref<2048x32000xf32, #tpu.memory_space<hbm>> -> memref<1x32000xf32, #tpu.memory_space<hbm>>
    %dma_start3A_286 = tpu.memref_squeeze %dma_start3A_285 : memref<1x32000xf32, #tpu.memory_space<hbm>> -> memref<32000xf32, #tpu.memory_space<hbm>>
    tpu.enqueue_dma source(%dma_start3A_286 : memref<32000xf32, #tpu.memory_space<hbm>>) target(%arg7 : memref<32000xf32, #tpu.memory_space<vmem>>) target_semaphore(%arg10 : memref<!tpu.dma_semaphore, #tpu.memory_space<semaphore_mem>>)
    %dma_wait3A_287 = arith.constant 0 : i32
    %dma_wait3A_288 = tpu.memref_slice %arg2[%add3A_212, %dma_wait3A_287] : memref<2048x32000xf32, #tpu.memory_space<hbm>> -> memref<1x32000xf32, #tpu.memory_space<hbm>>
    %dma_wait3A_289 = tpu.memref_squeeze %dma_wait3A_288 : memref<1x32000xf32, #tpu.memory_space<hbm>> -> memref<32000xf32, #tpu.memory_space<hbm>>
    %dma_wait3A_290 = arith.constant 0 : i32
    %dma_wait3A_291 = tpu.memref_slice %arg2[%add3A_212, %dma_wait3A_290] : memref<2048x32000xf32, #tpu.memory_space<hbm>> -> memref<1x32000xf32, #tpu.memory_space<hbm>>
    %dma_wait3A_292 = tpu.memref_squeeze %dma_wait3A_291 : memref<1x32000xf32, #tpu.memory_space<hbm>> -> memref<32000xf32, #tpu.memory_space<hbm>>
    tpu.wait_dma2 semaphore(%arg9 : memref<!tpu.dma_semaphore, #tpu.memory_space<semaphore_mem>>) src(%dma_wait3A_292 : memref<32000xf32, #tpu.memory_space<hbm>>) dst(%arg6 : memref<32000xf32, #tpu.memory_space<vmem>>)
    %broadcast_in_dim3A_293 = arith.constant 0.000000e+00 : f32
    %broadcast_in_dim3A_294 = vector.broadcast %broadcast_in_dim3A_293 : f32 to vector<16xf32>
    %scan3A_295 = arith.constant 0 : i32
    %scan3A_296 = arith.constant 125 : i32
    %scan3A_297 = arith.addi %scan3A_295, %scan3A_296 : i32
    %scan3A_298 = arith.constant 1 : i32
    %scan3A_299 = scf.for %scan3A_1088 = %scan3A_295 to %scan3A_297 step %scan3A_298 iter_args(%scan3A_1089 = %broadcast_in_dim3A_294) -> (vector<16xf32>)  : i32 {
      %mul3A_1090 = arith.constant 256 : i32
      %mul3A_1091 = arith.muli %scan3A_1088, %mul3A_1090 : i32
      %multiple_of3A_1092 = tpu.assume_multiple %mul3A_1091, 256 : i32
      %add3A_1093 = arith.constant 0 : i32
      %add3A_1094 = arith.addi %multiple_of3A_1092, %add3A_1093 : i32
      %get3A_1095 = arith.index_cast %add3A_1094 : i32 to index
      %get3A_1096 = tpu.vector_load %arg6[%get3A_1095] {strides = array<i32>} : memref<32000xf32, #tpu.memory_space<vmem>>, vector<16xf32>,
      %get3A_1097 = vector.shape_cast %get3A_1096 : vector<16xf32> to vector<16xf32>
      %add3A_1098 = arith.addf %scan3A_1089, %get3A_1097 : vector<16xf32>
      %add3A_1099 = arith.constant 16 : i32
      %add3A_1100 = arith.addi %multiple_of3A_1092, %add3A_1099 : i32
      %get3A_1101 = arith.index_cast %add3A_1100 : i32 to index
      %get3A_1102 = tpu.vector_load %arg6[%get3A_1101] {strides = array<i32>} : memref<32000xf32, #tpu.memory_space<vmem>>, vector<16xf32>,
      %get3A_1103 = vector.shape_cast %get3A_1102 : vector<16xf32> to vector<16xf32>
      %add3A_1104 = arith.addf %add3A_1098, %get3A_1103 : vector<16xf32>
      %add3A_1105 = arith.constant 32 : i32
      %add3A_1106 = arith.addi %multiple_of3A_1092, %add3A_1105 : i32
      %get3A_1107 = arith.index_cast %add3A_1106 : i32 to index
      %get3A_1108 = tpu.vector_load %arg6[%get3A_1107] {strides = array<i32>} : memref<32000xf32, #tpu.memory_space<vmem>>, vector<16xf32>,
      %get3A_1109 = vector.shape_cast %get3A_1108 : vector<16xf32> to vector<16xf32>
      %add3A_1110 = arith.addf %add3A_1104, %get3A_1109 : vector<16xf32>
      %add3A_1111 = arith.constant 48 : i32
      %add3A_1112 = arith.addi %multiple_of3A_1092, %add3A_1111 : i32
      %get3A_1113 = arith.index_cast %add3A_1112 : i32 to index
      %get3A_1114 = tpu.vector_load %arg6[%get3A_1113] {strides = array<i32>} : memref<32000xf32, #tpu.memory_space<vmem>>, vector<16xf32>,
      %get3A_1115 = vector.shape_cast %get3A_1114 : vector<16xf32> to vector<16xf32>
      %add3A_1116 = arith.addf %add3A_1110, %get3A_1115 : vector<16xf32>
      %add3A_1117 = arith.constant 64 : i32
      %add3A_1118 = arith.addi %multiple_of3A_1092, %add3A_1117 : i32
      %get3A_1119 = arith.index_cast %add3A_1118 : i32 to index
      %get3A_1120 = tpu.vector_load %arg6[%get3A_1119] {strides = array<i32>} : memref<32000xf32, #tpu.memory_space<vmem>>, vector<16xf32>,
      %get3A_1121 = vector.shape_cast %get3A_1120 : vector<16xf32> to vector<16xf32>
      %add3A_1122 = arith.addf %add3A_1116, %get3A_1121 : vector<16xf32>
      %add3A_1123 = arith.constant 80 : i32
      %add3A_1124 = arith.addi %multiple_of3A_1092, %add3A_1123 : i32
      %get3A_1125 = arith.index_cast %add3A_1124 : i32 to index
      %get3A_1126 = tpu.vector_load %arg6[%get3A_1125] {strides = array<i32>} : memref<32000xf32, #tpu.memory_space<vmem>>, vector<16xf32>,
      %get3A_1127 = vector.shape_cast %get3A_1126 : vector<16xf32> to vector<16xf32>
      %add3A_1128 = arith.addf %add3A_1122, %get3A_1127 : vector<16xf32>
      %add3A_1129 = arith.constant 96 : i32
      %add3A_1130 = arith.addi %multiple_of3A_1092, %add3A_1129 : i32
      %get3A_1131 = arith.index_cast %add3A_1130 : i32 to index
      %get3A_1132 = tpu.vector_load %arg6[%get3A_1131] {strides = array<i32>} : memref<32000xf32, #tpu.memory_space<vmem>>, vector<16xf32>,
      %get3A_1133 = vector.shape_cast %get3A_1132 : vector<16xf32> to vector<16xf32>
      %add3A_1134 = arith.addf %add3A_1128, %get3A_1133 : vector<16xf32>
      %add3A_1135 = arith.constant 112 : i32
      %add3A_1136 = arith.addi %multiple_of3A_1092, %add3A_1135 : i32
      %get3A_1137 = arith.index_cast %add3A_1136 : i32 to index
      %get3A_1138 = tpu.vector_load %arg6[%get3A_1137] {strides = array<i32>} : memref<32000xf32, #tpu.memory_space<vmem>>, vector<16xf32>,
      %get3A_1139 = vector.shape_cast %get3A_1138 : vector<16xf32> to vector<16xf32>
      %add3A_1140 = arith.addf %add3A_1134, %get3A_1139 : vector<16xf32>
      %add3A_1141 = arith.constant 128 : i32
      %add3A_1142 = arith.addi %multiple_of3A_1092, %add3A_1141 : i32
      %get3A_1143 = arith.index_cast %add3A_1142 : i32 to index
      %get3A_1144 = tpu.vector_load %arg6[%get3A_1143] {strides = array<i32>} : memref<32000xf32, #tpu.memory_space<vmem>>, vector<16xf32>,
      %get3A_1145 = vector.shape_cast %get3A_1144 : vector<16xf32> to vector<16xf32>
      %add3A_1146 = arith.addf %add3A_1140, %get3A_1145 : vector<16xf32>
      %add3A_1147 = arith.constant 144 : i32
      %add3A_1148 = arith.addi %multiple_of3A_1092, %add3A_1147 : i32
      %get3A_1149 = arith.index_cast %add3A_1148 : i32 to index
      %get3A_1150 = tpu.vector_load %arg6[%get3A_1149] {strides = array<i32>} : memref<32000xf32, #tpu.memory_space<vmem>>, vector<16xf32>,
      %get3A_1151 = vector.shape_cast %get3A_1150 : vector<16xf32> to vector<16xf32>
      %add3A_1152 = arith.addf %add3A_1146, %get3A_1151 : vector<16xf32>
      %add3A_1153 = arith.constant 160 : i32
      %add3A_1154 = arith.addi %multiple_of3A_1092, %add3A_1153 : i32
      %get3A_1155 = arith.index_cast %add3A_1154 : i32 to index
      %get3A_1156 = tpu.vector_load %arg6[%get3A_1155] {strides = array<i32>} : memref<32000xf32, #tpu.memory_space<vmem>>, vector<16xf32>,
      %get3A_1157 = vector.shape_cast %get3A_1156 : vector<16xf32> to vector<16xf32>
      %add3A_1158 = arith.addf %add3A_1152, %get3A_1157 : vector<16xf32>
      %add3A_1159 = arith.constant 176 : i32
      %add3A_1160 = arith.addi %multiple_of3A_1092, %add3A_1159 : i32
      %get3A_1161 = arith.index_cast %add3A_1160 : i32 to index
      %get3A_1162 = tpu.vector_load %arg6[%get3A_1161] {strides = array<i32>} : memref<32000xf32, #tpu.memory_space<vmem>>, vector<16xf32>,
      %get3A_1163 = vector.shape_cast %get3A_1162 : vector<16xf32> to vector<16xf32>
      %add3A_1164 = arith.addf %add3A_1158, %get3A_1163 : vector<16xf32>
      %add3A_1165 = arith.constant 192 : i32
      %add3A_1166 = arith.addi %multiple_of3A_1092, %add3A_1165 : i32
      %get3A_1167 = arith.index_cast %add3A_1166 : i32 to index
      %get3A_1168 = tpu.vector_load %arg6[%get3A_1167] {strides = array<i32>} : memref<32000xf32, #tpu.memory_space<vmem>>, vector<16xf32>,
      %get3A_1169 = vector.shape_cast %get3A_1168 : vector<16xf32> to vector<16xf32>
      %add3A_1170 = arith.addf %add3A_1164, %get3A_1169 : vector<16xf32>
      %add3A_1171 = arith.constant 208 : i32
      %add3A_1172 = arith.addi %multiple_of3A_1092, %add3A_1171 : i32
      %get3A_1173 = arith.index_cast %add3A_1172 : i32 to index
      %get3A_1174 = tpu.vector_load %arg6[%get3A_1173] {strides = array<i32>} : memref<32000xf32, #tpu.memory_space<vmem>>, vector<16xf32>,
      %get3A_1175 = vector.shape_cast %get3A_1174 : vector<16xf32> to vector<16xf32>
      %add3A_1176 = arith.addf %add3A_1170, %get3A_1175 : vector<16xf32>
      %add3A_1177 = arith.constant 224 : i32
      %add3A_1178 = arith.addi %multiple_of3A_1092, %add3A_1177 : i32
      %get3A_1179 = arith.index_cast %add3A_1178 : i32 to index
      %get3A_1180 = tpu.vector_load %arg6[%get3A_1179] {strides = array<i32>} : memref<32000xf32, #tpu.memory_space<vmem>>, vector<16xf32>,
      %get3A_1181 = vector.shape_cast %get3A_1180 : vector<16xf32> to vector<16xf32>
      %add3A_1182 = arith.addf %add3A_1176, %get3A_1181 : vector<16xf32>
      %add3A_1183 = arith.constant 240 : i32
      %add3A_1184 = arith.addi %multiple_of3A_1092, %add3A_1183 : i32
      %get3A_1185 = arith.index_cast %add3A_1184 : i32 to index
      %get3A_1186 = tpu.vector_load %arg6[%get3A_1185] {strides = array<i32>} : memref<32000xf32, #tpu.memory_space<vmem>>, vector<16xf32>,
      %get3A_1187 = vector.shape_cast %get3A_1186 : vector<16xf32> to vector<16xf32>
      %add3A_1188 = arith.addf %add3A_1182, %get3A_1187 : vector<16xf32>
      scf.yield %add3A_1188 : vector<16xf32>
    }
    %scan3A_300 = arith.constant 125 : i32
    %get3A_301 = arith.constant 0 : index
    %get3A_302 = tpu.vector_load %arg5[%get3A_301] {strides = array<i32>} : memref<16xi32, #tpu.memory_space<vmem>>, vector<16xi32>,
    %get3A_303 = vector.shape_cast %get3A_302 : vector<16xi32> to vector<16xi32>
    %slice3A_304 = vector.extract_strided_slice %get3A_303 {offsets = [4], sizes = [1], strides = [1]} : vector<16xi32> to vector<1xi32>
    %squeeze3A_305 = vector.extract %slice3A_304[0] : i32 from vector<1xi32>
    %min3A_306 = arith.constant 1 : i32
    %min3A_307 = arith.minsi %squeeze3A_305, %min3A_306 : i32
    %convert_element_type3A_308 = arith.sitofp %min3A_307 : i32 to f32
    %shift_right_arithmetic3A_309 = arith.constant 4 : i32
    %shift_right_arithmetic3A_310 = arith.shrsi %squeeze3A_305, %shift_right_arithmetic3A_309 : i32
    %shift_left3A_311 = arith.constant 4 : i32
    %shift_left3A_312 = arith.shli %shift_right_arithmetic3A_310, %shift_left3A_311 : i32
    %multiple_of3A_313 = tpu.assume_multiple %shift_left3A_312, 16 : i32
    %get3A_314 = arith.index_cast %multiple_of3A_313 : i32 to index
    %get3A_315 = tpu.vector_load %arg6[%get3A_314] {strides = array<i32>} : memref<32000xf32, #tpu.memory_space<vmem>>, vector<16xf32>,
    %get3A_316 = vector.shape_cast %get3A_315 : vector<16xf32> to vector<16xf32>
    %and3A_317 = arith.constant 15 : i32
    %and3A_318 = arith.andi %squeeze3A_305, %and3A_317 : i32
    %eq3A_319 = vector.broadcast %and3A_318 : i32 to vector<16xi32>
    %eq3A_320 = arith.cmpi eq, %iota3A, %eq3A_319 : vector<16xi32>
    %jit3A_321 = arith.constant 0.000000e+00 : f32
    %broadcast_in_dim3A_322 = vector.broadcast %jit3A_321 : f32 to vector<16xf32>
    %select_n3A_323 = arith.select %eq3A_320, %get3A_316, %broadcast_in_dim3A_322 : vector<16xi1>, vector<16xf32>
    %get3A_324 = arith.constant 0 : index
    %get3A_325 = tpu.vector_load %arg6[%get3A_324] {strides = array<i32>} : memref<32000xf32, #tpu.memory_space<vmem>>, vector<16xf32>,
    %get3A_326 = vector.shape_cast %get3A_325 : vector<16xf32> to vector<16xf32>
    %mul3A_327 = arith.constant -3.12519524E-6 : f32
    %mul3A_328 = vector.broadcast %mul3A_327 : f32 to vector<16xf32>
    %mul3A_329 = arith.mulf %mul3A_328, %scan3A_299 : vector<16xf32>
    %mul3A_330 = arith.constant -0.899996876 : f32
    %mul3A_331 = vector.broadcast %mul3A_330 : f32 to vector<16xf32>
    %mul3A_332 = arith.mulf %mul3A_331, %select_n3A_323 : vector<16xf32>
    %add3A_333 = arith.addf %mul3A_329, %mul3A_332 : vector<16xf32>
    %mul3A_334 = arith.constant 3.12519524E-6 : f32
    %mul3A_335 = vector.broadcast %mul3A_334 : f32 to vector<16xf32>
    %mul3A_336 = arith.mulf %mul3A_335, %get3A_326 : vector<16xf32>
    %add3A_337 = arith.constant -1.3624258 : f32
    %add3A_338 = vector.broadcast %add3A_337 : f32 to vector<16xf32>
    %add3A_339 = arith.addf %mul3A_336, %add3A_338 : vector<16xf32>
    %mul3A_340 = arith.mulf %add3A_339, %select_n3A : vector<16xf32>
    %add3A_341 = arith.addf %add3A_333, %mul3A_340 : vector<16xf32>
    %mul3A_342 = vector.broadcast %convert_element_type3A_308 : f32 to vector<16xf32>
    %mul3A_343 = arith.mulf %mul3A_342, %add3A_341 : vector<16xf32>
    %add3A_344 = arith.addf %add3A_276, %mul3A_343 : vector<16xf32>
    %add3A_345 = arith.constant 5 : i32
    %add3A_346 = arith.addi %add3A_4, %add3A_345 : i32
    %add3A_347 = arith.constant 1 : i32
    %add3A_348 = arith.addi %add3A_346, %add3A_347 : i32
    %dma_start3A_349 = arith.constant 0 : i32
    %dma_start3A_350 = tpu.memref_slice %arg2[%add3A_348, %dma_start3A_349] : memref<2048x32000xf32, #tpu.memory_space<hbm>> -> memref<1x32000xf32, #tpu.memory_space<hbm>>
    %dma_start3A_351 = tpu.memref_squeeze %dma_start3A_350 : memref<1x32000xf32, #tpu.memory_space<hbm>> -> memref<32000xf32, #tpu.memory_space<hbm>>
    %dma_start3A_352 = arith.constant 0 : i32
    %dma_start3A_353 = tpu.memref_slice %arg2[%add3A_348, %dma_start3A_352] : memref<2048x32000xf32, #tpu.memory_space<hbm>> -> memref<1x32000xf32, #tpu.memory_space<hbm>>
    %dma_start3A_354 = tpu.memref_squeeze %dma_start3A_353 : memref<1x32000xf32, #tpu.memory_space<hbm>> -> memref<32000xf32, #tpu.memory_space<hbm>>
    tpu.enqueue_dma source(%dma_start3A_354 : memref<32000xf32, #tpu.memory_space<hbm>>) target(%arg6 : memref<32000xf32, #tpu.memory_space<vmem>>) target_semaphore(%arg9 : memref<!tpu.dma_semaphore, #tpu.memory_space<semaphore_mem>>)
    %dma_wait3A_355 = arith.constant 0 : i32
    %dma_wait3A_356 = tpu.memref_slice %arg2[%add3A_280, %dma_wait3A_355] : memref<2048x32000xf32, #tpu.memory_space<hbm>> -> memref<1x32000xf32, #tpu.memory_space<hbm>>
    %dma_wait3A_357 = tpu.memref_squeeze %dma_wait3A_356 : memref<1x32000xf32, #tpu.memory_space<hbm>> -> memref<32000xf32, #tpu.memory_space<hbm>>
    %dma_wait3A_358 = arith.constant 0 : i32
    %dma_wait3A_359 = tpu.memref_slice %arg2[%add3A_280, %dma_wait3A_358] : memref<2048x32000xf32, #tpu.memory_space<hbm>> -> memref<1x32000xf32, #tpu.memory_space<hbm>>
    %dma_wait3A_360 = tpu.memref_squeeze %dma_wait3A_359 : memref<1x32000xf32, #tpu.memory_space<hbm>> -> memref<32000xf32, #tpu.memory_space<hbm>>
    tpu.wait_dma2 semaphore(%arg10 : memref<!tpu.dma_semaphore, #tpu.memory_space<semaphore_mem>>) src(%dma_wait3A_360 : memref<32000xf32, #tpu.memory_space<hbm>>) dst(%arg7 : memref<32000xf32, #tpu.memory_space<vmem>>)
    %broadcast_in_dim3A_361 = arith.constant 0.000000e+00 : f32
    %broadcast_in_dim3A_362 = vector.broadcast %broadcast_in_dim3A_361 : f32 to vector<16xf32>
    %scan3A_363 = arith.constant 0 : i32
    %scan3A_364 = arith.constant 125 : i32
    %scan3A_365 = arith.addi %scan3A_363, %scan3A_364 : i32
    %scan3A_366 = arith.constant 1 : i32
    %scan3A_367 = scf.for %scan3A_1088 = %scan3A_363 to %scan3A_365 step %scan3A_366 iter_args(%scan3A_1089 = %broadcast_in_dim3A_362) -> (vector<16xf32>)  : i32 {
      %mul3A_1090 = arith.constant 256 : i32
      %mul3A_1091 = arith.muli %scan3A_1088, %mul3A_1090 : i32
      %multiple_of3A_1092 = tpu.assume_multiple %mul3A_1091, 256 : i32
      %add3A_1093 = arith.constant 0 : i32
      %add3A_1094 = arith.addi %multiple_of3A_1092, %add3A_1093 : i32
      %get3A_1095 = arith.index_cast %add3A_1094 : i32 to index
      %get3A_1096 = tpu.vector_load %arg7[%get3A_1095] {strides = array<i32>} : memref<32000xf32, #tpu.memory_space<vmem>>, vector<16xf32>,
      %get3A_1097 = vector.shape_cast %get3A_1096 : vector<16xf32> to vector<16xf32>
      %add3A_1098 = arith.addf %scan3A_1089, %get3A_1097 : vector<16xf32>
      %add3A_1099 = arith.constant 16 : i32
      %add3A_1100 = arith.addi %multiple_of3A_1092, %add3A_1099 : i32
      %get3A_1101 = arith.index_cast %add3A_1100 : i32 to index
      %get3A_1102 = tpu.vector_load %arg7[%get3A_1101] {strides = array<i32>} : memref<32000xf32, #tpu.memory_space<vmem>>, vector<16xf32>,
      %get3A_1103 = vector.shape_cast %get3A_1102 : vector<16xf32> to vector<16xf32>
      %add3A_1104 = arith.addf %add3A_1098, %get3A_1103 : vector<16xf32>
      %add3A_1105 = arith.constant 32 : i32
      %add3A_1106 = arith.addi %multiple_of3A_1092, %add3A_1105 : i32
      %get3A_1107 = arith.index_cast %add3A_1106 : i32 to index
      %get3A_1108 = tpu.vector_load %arg7[%get3A_1107] {strides = array<i32>} : memref<32000xf32, #tpu.memory_space<vmem>>, vector<16xf32>,
      %get3A_1109 = vector.shape_cast %get3A_1108 : vector<16xf32> to vector<16xf32>
      %add3A_1110 = arith.addf %add3A_1104, %get3A_1109 : vector<16xf32>
      %add3A_1111 = arith.constant 48 : i32
      %add3A_1112 = arith.addi %multiple_of3A_1092, %add3A_1111 : i32
      %get3A_1113 = arith.index_cast %add3A_1112 : i32 to index
      %get3A_1114 = tpu.vector_load %arg7[%get3A_1113] {strides = array<i32>} : memref<32000xf32, #tpu.memory_space<vmem>>, vector<16xf32>,
      %get3A_1115 = vector.shape_cast %get3A_1114 : vector<16xf32> to vector<16xf32>
      %add3A_1116 = arith.addf %add3A_1110, %get3A_1115 : vector<16xf32>
      %add3A_1117 = arith.constant 64 : i32
      %add3A_1118 = arith.addi %multiple_of3A_1092, %add3A_1117 : i32
      %get3A_1119 = arith.index_cast %add3A_1118 : i32 to index
      %get3A_1120 = tpu.vector_load %arg7[%get3A_1119] {strides = array<i32>} : memref<32000xf32, #tpu.memory_space<vmem>>, vector<16xf32>,
      %get3A_1121 = vector.shape_cast %get3A_1120 : vector<16xf32> to vector<16xf32>
      %add3A_1122 = arith.addf %add3A_1116, %get3A_1121 : vector<16xf32>
      %add3A_1123 = arith.constant 80 : i32
      %add3A_1124 = arith.addi %multiple_of3A_1092, %add3A_1123 : i32
      %get3A_1125 = arith.index_cast %add3A_1124 : i32 to index
      %get3A_1126 = tpu.vector_load %arg7[%get3A_1125] {strides = array<i32>} : memref<32000xf32, #tpu.memory_space<vmem>>, vector<16xf32>,
      %get3A_1127 = vector.shape_cast %get3A_1126 : vector<16xf32> to vector<16xf32>
      %add3A_1128 = arith.addf %add3A_1122, %get3A_1127 : vector<16xf32>
      %add3A_1129 = arith.constant 96 : i32
      %add3A_1130 = arith.addi %multiple_of3A_1092, %add3A_1129 : i32
      %get3A_1131 = arith.index_cast %add3A_1130 : i32 to index
      %get3A_1132 = tpu.vector_load %arg7[%get3A_1131] {strides = array<i32>} : memref<32000xf32, #tpu.memory_space<vmem>>, vector<16xf32>,
      %get3A_1133 = vector.shape_cast %get3A_1132 : vector<16xf32> to vector<16xf32>
      %add3A_1134 = arith.addf %add3A_1128, %get3A_1133 : vector<16xf32>
      %add3A_1135 = arith.constant 112 : i32
      %add3A_1136 = arith.addi %multiple_of3A_1092, %add3A_1135 : i32
      %get3A_1137 = arith.index_cast %add3A_1136 : i32 to index
      %get3A_1138 = tpu.vector_load %arg7[%get3A_1137] {strides = array<i32>} : memref<32000xf32, #tpu.memory_space<vmem>>, vector<16xf32>,
      %get3A_1139 = vector.shape_cast %get3A_1138 : vector<16xf32> to vector<16xf32>
      %add3A_1140 = arith.addf %add3A_1134, %get3A_1139 : vector<16xf32>
      %add3A_1141 = arith.constant 128 : i32
      %add3A_1142 = arith.addi %multiple_of3A_1092, %add3A_1141 : i32
      %get3A_1143 = arith.index_cast %add3A_1142 : i32 to index
      %get3A_1144 = tpu.vector_load %arg7[%get3A_1143] {strides = array<i32>} : memref<32000xf32, #tpu.memory_space<vmem>>, vector<16xf32>,
      %get3A_1145 = vector.shape_cast %get3A_1144 : vector<16xf32> to vector<16xf32>
      %add3A_1146 = arith.addf %add3A_1140, %get3A_1145 : vector<16xf32>
      %add3A_1147 = arith.constant 144 : i32
      %add3A_1148 = arith.addi %multiple_of3A_1092, %add3A_1147 : i32
      %get3A_1149 = arith.index_cast %add3A_1148 : i32 to index
      %get3A_1150 = tpu.vector_load %arg7[%get3A_1149] {strides = array<i32>} : memref<32000xf32, #tpu.memory_space<vmem>>, vector<16xf32>,
      %get3A_1151 = vector.shape_cast %get3A_1150 : vector<16xf32> to vector<16xf32>
      %add3A_1152 = arith.addf %add3A_1146, %get3A_1151 : vector<16xf32>
      %add3A_1153 = arith.constant 160 : i32
      %add3A_1154 = arith.addi %multiple_of3A_1092, %add3A_1153 : i32
      %get3A_1155 = arith.index_cast %add3A_1154 : i32 to index
      %get3A_1156 = tpu.vector_load %arg7[%get3A_1155] {strides = array<i32>} : memref<32000xf32, #tpu.memory_space<vmem>>, vector<16xf32>,
      %get3A_1157 = vector.shape_cast %get3A_1156 : vector<16xf32> to vector<16xf32>
      %add3A_1158 = arith.addf %add3A_1152, %get3A_1157 : vector<16xf32>
      %add3A_1159 = arith.constant 176 : i32
      %add3A_1160 = arith.addi %multiple_of3A_1092, %add3A_1159 : i32
      %get3A_1161 = arith.index_cast %add3A_1160 : i32 to index
      %get3A_1162 = tpu.vector_load %arg7[%get3A_1161] {strides = array<i32>} : memref<32000xf32, #tpu.memory_space<vmem>>, vector<16xf32>,
      %get3A_1163 = vector.shape_cast %get3A_1162 : vector<16xf32> to vector<16xf32>
      %add3A_1164 = arith.addf %add3A_1158, %get3A_1163 : vector<16xf32>
      %add3A_1165 = arith.constant 192 : i32
      %add3A_1166 = arith.addi %multiple_of3A_1092, %add3A_1165 : i32
      %get3A_1167 = arith.index_cast %add3A_1166 : i32 to index
      %get3A_1168 = tpu.vector_load %arg7[%get3A_1167] {strides = array<i32>} : memref<32000xf32, #tpu.memory_space<vmem>>, vector<16xf32>,
      %get3A_1169 = vector.shape_cast %get3A_1168 : vector<16xf32> to vector<16xf32>
      %add3A_1170 = arith.addf %add3A_1164, %get3A_1169 : vector<16xf32>
      %add3A_1171 = arith.constant 208 : i32
      %add3A_1172 = arith.addi %multiple_of3A_1092, %add3A_1171 : i32
      %get3A_1173 = arith.index_cast %add3A_1172 : i32 to index
      %get3A_1174 = tpu.vector_load %arg7[%get3A_1173] {strides = array<i32>} : memref<32000xf32, #tpu.memory_space<vmem>>, vector<16xf32>,
      %get3A_1175 = vector.shape_cast %get3A_1174 : vector<16xf32> to vector<16xf32>
      %add3A_1176 = arith.addf %add3A_1170, %get3A_1175 : vector<16xf32>
      %add3A_1177 = arith.constant 224 : i32
      %add3A_1178 = arith.addi %multiple_of3A_1092, %add3A_1177 : i32
      %get3A_1179 = arith.index_cast %add3A_1178 : i32 to index
      %get3A_1180 = tpu.vector_load %arg7[%get3A_1179] {strides = array<i32>} : memref<32000xf32, #tpu.memory_space<vmem>>, vector<16xf32>,
      %get3A_1181 = vector.shape_cast %get3A_1180 : vector<16xf32> to vector<16xf32>
      %add3A_1182 = arith.addf %add3A_1176, %get3A_1181 : vector<16xf32>
      %add3A_1183 = arith.constant 240 : i32
      %add3A_1184 = arith.addi %multiple_of3A_1092, %add3A_1183 : i32
      %get3A_1185 = arith.index_cast %add3A_1184 : i32 to index
      %get3A_1186 = tpu.vector_load %arg7[%get3A_1185] {strides = array<i32>} : memref<32000xf32, #tpu.memory_space<vmem>>, vector<16xf32>,
      %get3A_1187 = vector.shape_cast %get3A_1186 : vector<16xf32> to vector<16xf32>
      %add3A_1188 = arith.addf %add3A_1182, %get3A_1187 : vector<16xf32>
      scf.yield %add3A_1188 : vector<16xf32>
    }
    %scan3A_368 = arith.constant 125 : i32
    %get3A_369 = arith.constant 0 : index
    %get3A_370 = tpu.vector_load %arg5[%get3A_369] {strides = array<i32>} : memref<16xi32, #tpu.memory_space<vmem>>, vector<16xi32>,
    %get3A_371 = vector.shape_cast %get3A_370 : vector<16xi32> to vector<16xi32>
    %slice3A_372 = vector.extract_strided_slice %get3A_371 {offsets = [5], sizes = [1], strides = [1]} : vector<16xi32> to vector<1xi32>
    %squeeze3A_373 = vector.extract %slice3A_372[0] : i32 from vector<1xi32>
    %min3A_374 = arith.constant 1 : i32
    %min3A_375 = arith.minsi %squeeze3A_373, %min3A_374 : i32
    %convert_element_type3A_376 = arith.sitofp %min3A_375 : i32 to f32
    %shift_right_arithmetic3A_377 = arith.constant 4 : i32
    %shift_right_arithmetic3A_378 = arith.shrsi %squeeze3A_373, %shift_right_arithmetic3A_377 : i32
    %shift_left3A_379 = arith.constant 4 : i32
    %shift_left3A_380 = arith.shli %shift_right_arithmetic3A_378, %shift_left3A_379 : i32
    %multiple_of3A_381 = tpu.assume_multiple %shift_left3A_380, 16 : i32
    %get3A_382 = arith.index_cast %multiple_of3A_381 : i32 to index
    %get3A_383 = tpu.vector_load %arg7[%get3A_382] {strides = array<i32>} : memref<32000xf32, #tpu.memory_space<vmem>>, vector<16xf32>,
    %get3A_384 = vector.shape_cast %get3A_383 : vector<16xf32> to vector<16xf32>
    %and3A_385 = arith.constant 15 : i32
    %and3A_386 = arith.andi %squeeze3A_373, %and3A_385 : i32
    %eq3A_387 = vector.broadcast %and3A_386 : i32 to vector<16xi32>
    %eq3A_388 = arith.cmpi eq, %iota3A, %eq3A_387 : vector<16xi32>
    %jit3A_389 = arith.constant 0.000000e+00 : f32
    %broadcast_in_dim3A_390 = vector.broadcast %jit3A_389 : f32 to vector<16xf32>
    %select_n3A_391 = arith.select %eq3A_388, %get3A_384, %broadcast_in_dim3A_390 : vector<16xi1>, vector<16xf32>
    %get3A_392 = arith.constant 0 : index
    %get3A_393 = tpu.vector_load %arg7[%get3A_392] {strides = array<i32>} : memref<32000xf32, #tpu.memory_space<vmem>>, vector<16xf32>,
    %get3A_394 = vector.shape_cast %get3A_393 : vector<16xf32> to vector<16xf32>
    %mul3A_395 = arith.constant -3.12519524E-6 : f32
    %mul3A_396 = vector.broadcast %mul3A_395 : f32 to vector<16xf32>
    %mul3A_397 = arith.mulf %mul3A_396, %scan3A_367 : vector<16xf32>
    %mul3A_398 = arith.constant -0.899996876 : f32
    %mul3A_399 = vector.broadcast %mul3A_398 : f32 to vector<16xf32>
    %mul3A_400 = arith.mulf %mul3A_399, %select_n3A_391 : vector<16xf32>
    %add3A_401 = arith.addf %mul3A_397, %mul3A_400 : vector<16xf32>
    %mul3A_402 = arith.constant 3.12519524E-6 : f32
    %mul3A_403 = vector.broadcast %mul3A_402 : f32 to vector<16xf32>
    %mul3A_404 = arith.mulf %mul3A_403, %get3A_394 : vector<16xf32>
    %add3A_405 = arith.constant -1.3624258 : f32
    %add3A_406 = vector.broadcast %add3A_405 : f32 to vector<16xf32>
    %add3A_407 = arith.addf %mul3A_404, %add3A_406 : vector<16xf32>
    %mul3A_408 = arith.mulf %add3A_407, %select_n3A : vector<16xf32>
    %add3A_409 = arith.addf %add3A_401, %mul3A_408 : vector<16xf32>
    %mul3A_410 = vector.broadcast %convert_element_type3A_376 : f32 to vector<16xf32>
    %mul3A_411 = arith.mulf %mul3A_410, %add3A_409 : vector<16xf32>
    %add3A_412 = arith.addf %add3A_344, %mul3A_411 : vector<16xf32>
    %add3A_413 = arith.constant 6 : i32
    %add3A_414 = arith.addi %add3A_4, %add3A_413 : i32
    %add3A_415 = arith.constant 1 : i32
    %add3A_416 = arith.addi %add3A_414, %add3A_415 : i32
    %dma_start3A_417 = arith.constant 0 : i32
    %dma_start3A_418 = tpu.memref_slice %arg2[%add3A_416, %dma_start3A_417] : memref<2048x32000xf32, #tpu.memory_space<hbm>> -> memref<1x32000xf32, #tpu.memory_space<hbm>>
    %dma_start3A_419 = tpu.memref_squeeze %dma_start3A_418 : memref<1x32000xf32, #tpu.memory_space<hbm>> -> memref<32000xf32, #tpu.memory_space<hbm>>
    %dma_start3A_420 = arith.constant 0 : i32
    %dma_start3A_421 = tpu.memref_slice %arg2[%add3A_416, %dma_start3A_420] : memref<2048x32000xf32, #tpu.memory_space<hbm>> -> memref<1x32000xf32, #tpu.memory_space<hbm>>
    %dma_start3A_422 = tpu.memref_squeeze %dma_start3A_421 : memref<1x32000xf32, #tpu.memory_space<hbm>> -> memref<32000xf32, #tpu.memory_space<hbm>>
    tpu.enqueue_dma source(%dma_start3A_422 : memref<32000xf32, #tpu.memory_space<hbm>>) target(%arg7 : memref<32000xf32, #tpu.memory_space<vmem>>) target_semaphore(%arg10 : memref<!tpu.dma_semaphore, #tpu.memory_space<semaphore_mem>>)
    %dma_wait3A_423 = arith.constant 0 : i32
    %dma_wait3A_424 = tpu.memref_slice %arg2[%add3A_348, %dma_wait3A_423] : memref<2048x32000xf32, #tpu.memory_space<hbm>> -> memref<1x32000xf32, #tpu.memory_space<hbm>>
    %dma_wait3A_425 = tpu.memref_squeeze %dma_wait3A_424 : memref<1x32000xf32, #tpu.memory_space<hbm>> -> memref<32000xf32, #tpu.memory_space<hbm>>
    %dma_wait3A_426 = arith.constant 0 : i32
    %dma_wait3A_427 = tpu.memref_slice %arg2[%add3A_348, %dma_wait3A_426] : memref<2048x32000xf32, #tpu.memory_space<hbm>> -> memref<1x32000xf32, #tpu.memory_space<hbm>>
    %dma_wait3A_428 = tpu.memref_squeeze %dma_wait3A_427 : memref<1x32000xf32, #tpu.memory_space<hbm>> -> memref<32000xf32, #tpu.memory_space<hbm>>
    tpu.wait_dma2 semaphore(%arg9 : memref<!tpu.dma_semaphore, #tpu.memory_space<semaphore_mem>>) src(%dma_wait3A_428 : memref<32000xf32, #tpu.memory_space<hbm>>) dst(%arg6 : memref<32000xf32, #tpu.memory_space<vmem>>)
    %broadcast_in_dim3A_429 = arith.constant 0.000000e+00 : f32
    %broadcast_in_dim3A_430 = vector.broadcast %broadcast_in_dim3A_429 : f32 to vector<16xf32>
    %scan3A_431 = arith.constant 0 : i32
    %scan3A_432 = arith.constant 125 : i32
    %scan3A_433 = arith.addi %scan3A_431, %scan3A_432 : i32
    %scan3A_434 = arith.constant 1 : i32
    %scan3A_435 = scf.for %scan3A_1088 = %scan3A_431 to %scan3A_433 step %scan3A_434 iter_args(%scan3A_1089 = %broadcast_in_dim3A_430) -> (vector<16xf32>)  : i32 {
      %mul3A_1090 = arith.constant 256 : i32
      %mul3A_1091 = arith.muli %scan3A_1088, %mul3A_1090 : i32
      %multiple_of3A_1092 = tpu.assume_multiple %mul3A_1091, 256 : i32
      %add3A_1093 = arith.constant 0 : i32
      %add3A_1094 = arith.addi %multiple_of3A_1092, %add3A_1093 : i32
      %get3A_1095 = arith.index_cast %add3A_1094 : i32 to index
      %get3A_1096 = tpu.vector_load %arg6[%get3A_1095] {strides = array<i32>} : memref<32000xf32, #tpu.memory_space<vmem>>, vector<16xf32>,
      %get3A_1097 = vector.shape_cast %get3A_1096 : vector<16xf32> to vector<16xf32>
      %add3A_1098 = arith.addf %scan3A_1089, %get3A_1097 : vector<16xf32>
      %add3A_1099 = arith.constant 16 : i32
      %add3A_1100 = arith.addi %multiple_of3A_1092, %add3A_1099 : i32
      %get3A_1101 = arith.index_cast %add3A_1100 : i32 to index
      %get3A_1102 = tpu.vector_load %arg6[%get3A_1101] {strides = array<i32>} : memref<32000xf32, #tpu.memory_space<vmem>>, vector<16xf32>,
      %get3A_1103 = vector.shape_cast %get3A_1102 : vector<16xf32> to vector<16xf32>
      %add3A_1104 = arith.addf %add3A_1098, %get3A_1103 : vector<16xf32>
      %add3A_1105 = arith.constant 32 : i32
      %add3A_1106 = arith.addi %multiple_of3A_1092, %add3A_1105 : i32
      %get3A_1107 = arith.index_cast %add3A_1106 : i32 to index
      %get3A_1108 = tpu.vector_load %arg6[%get3A_1107] {strides = array<i32>} : memref<32000xf32, #tpu.memory_space<vmem>>, vector<16xf32>,
      %get3A_1109 = vector.shape_cast %get3A_1108 : vector<16xf32> to vector<16xf32>
      %add3A_1110 = arith.addf %add3A_1104, %get3A_1109 : vector<16xf32>
      %add3A_1111 = arith.constant 48 : i32
      %add3A_1112 = arith.addi %multiple_of3A_1092, %add3A_1111 : i32
      %get3A_1113 = arith.index_cast %add3A_1112 : i32 to index
      %get3A_1114 = tpu.vector_load %arg6[%get3A_1113] {strides = array<i32>} : memref<32000xf32, #tpu.memory_space<vmem>>, vector<16xf32>,
      %get3A_1115 = vector.shape_cast %get3A_1114 : vector<16xf32> to vector<16xf32>
      %add3A_1116 = arith.addf %add3A_1110, %get3A_1115 : vector<16xf32>
      %add3A_1117 = arith.constant 64 : i32
      %add3A_1118 = arith.addi %multiple_of3A_1092, %add3A_1117 : i32
      %get3A_1119 = arith.index_cast %add3A_1118 : i32 to index
      %get3A_1120 = tpu.vector_load %arg6[%get3A_1119] {strides = array<i32>} : memref<32000xf32, #tpu.memory_space<vmem>>, vector<16xf32>,
      %get3A_1121 = vector.shape_cast %get3A_1120 : vector<16xf32> to vector<16xf32>
      %add3A_1122 = arith.addf %add3A_1116, %get3A_1121 : vector<16xf32>
      %add3A_1123 = arith.constant 80 : i32
      %add3A_1124 = arith.addi %multiple_of3A_1092, %add3A_1123 : i32
      %get3A_1125 = arith.index_cast %add3A_1124 : i32 to index
      %get3A_1126 = tpu.vector_load %arg6[%get3A_1125] {strides = array<i32>} : memref<32000xf32, #tpu.memory_space<vmem>>, vector<16xf32>,
      %get3A_1127 = vector.shape_cast %get3A_1126 : vector<16xf32> to vector<16xf32>
      %add3A_1128 = arith.addf %add3A_1122, %get3A_1127 : vector<16xf32>
      %add3A_1129 = arith.constant 96 : i32
      %add3A_1130 = arith.addi %multiple_of3A_1092, %add3A_1129 : i32
      %get3A_1131 = arith.index_cast %add3A_1130 : i32 to index
      %get3A_1132 = tpu.vector_load %arg6[%get3A_1131] {strides = array<i32>} : memref<32000xf32, #tpu.memory_space<vmem>>, vector<16xf32>,
      %get3A_1133 = vector.shape_cast %get3A_1132 : vector<16xf32> to vector<16xf32>
      %add3A_1134 = arith.addf %add3A_1128, %get3A_1133 : vector<16xf32>
      %add3A_1135 = arith.constant 112 : i32
      %add3A_1136 = arith.addi %multiple_of3A_1092, %add3A_1135 : i32
      %get3A_1137 = arith.index_cast %add3A_1136 : i32 to index
      %get3A_1138 = tpu.vector_load %arg6[%get3A_1137] {strides = array<i32>} : memref<32000xf32, #tpu.memory_space<vmem>>, vector<16xf32>,
      %get3A_1139 = vector.shape_cast %get3A_1138 : vector<16xf32> to vector<16xf32>
      %add3A_1140 = arith.addf %add3A_1134, %get3A_1139 : vector<16xf32>
      %add3A_1141 = arith.constant 128 : i32
      %add3A_1142 = arith.addi %multiple_of3A_1092, %add3A_1141 : i32
      %get3A_1143 = arith.index_cast %add3A_1142 : i32 to index
      %get3A_1144 = tpu.vector_load %arg6[%get3A_1143] {strides = array<i32>} : memref<32000xf32, #tpu.memory_space<vmem>>, vector<16xf32>,
      %get3A_1145 = vector.shape_cast %get3A_1144 : vector<16xf32> to vector<16xf32>
      %add3A_1146 = arith.addf %add3A_1140, %get3A_1145 : vector<16xf32>
      %add3A_1147 = arith.constant 144 : i32
      %add3A_1148 = arith.addi %multiple_of3A_1092, %add3A_1147 : i32
      %get3A_1149 = arith.index_cast %add3A_1148 : i32 to index
      %get3A_1150 = tpu.vector_load %arg6[%get3A_1149] {strides = array<i32>} : memref<32000xf32, #tpu.memory_space<vmem>>, vector<16xf32>,
      %get3A_1151 = vector.shape_cast %get3A_1150 : vector<16xf32> to vector<16xf32>
      %add3A_1152 = arith.addf %add3A_1146, %get3A_1151 : vector<16xf32>
      %add3A_1153 = arith.constant 160 : i32
      %add3A_1154 = arith.addi %multiple_of3A_1092, %add3A_1153 : i32
      %get3A_1155 = arith.index_cast %add3A_1154 : i32 to index
      %get3A_1156 = tpu.vector_load %arg6[%get3A_1155] {strides = array<i32>} : memref<32000xf32, #tpu.memory_space<vmem>>, vector<16xf32>,
      %get3A_1157 = vector.shape_cast %get3A_1156 : vector<16xf32> to vector<16xf32>
      %add3A_1158 = arith.addf %add3A_1152, %get3A_1157 : vector<16xf32>
      %add3A_1159 = arith.constant 176 : i32
      %add3A_1160 = arith.addi %multiple_of3A_1092, %add3A_1159 : i32
      %get3A_1161 = arith.index_cast %add3A_1160 : i32 to index
      %get3A_1162 = tpu.vector_load %arg6[%get3A_1161] {strides = array<i32>} : memref<32000xf32, #tpu.memory_space<vmem>>, vector<16xf32>,
      %get3A_1163 = vector.shape_cast %get3A_1162 : vector<16xf32> to vector<16xf32>
      %add3A_1164 = arith.addf %add3A_1158, %get3A_1163 : vector<16xf32>
      %add3A_1165 = arith.constant 192 : i32
      %add3A_1166 = arith.addi %multiple_of3A_1092, %add3A_1165 : i32
      %get3A_1167 = arith.index_cast %add3A_1166 : i32 to index
      %get3A_1168 = tpu.vector_load %arg6[%get3A_1167] {strides = array<i32>} : memref<32000xf32, #tpu.memory_space<vmem>>, vector<16xf32>,
      %get3A_1169 = vector.shape_cast %get3A_1168 : vector<16xf32> to vector<16xf32>
      %add3A_1170 = arith.addf %add3A_1164, %get3A_1169 : vector<16xf32>
      %add3A_1171 = arith.constant 208 : i32
      %add3A_1172 = arith.addi %multiple_of3A_1092, %add3A_1171 : i32
      %get3A_1173 = arith.index_cast %add3A_1172 : i32 to index
      %get3A_1174 = tpu.vector_load %arg6[%get3A_1173] {strides = array<i32>} : memref<32000xf32, #tpu.memory_space<vmem>>, vector<16xf32>,
      %get3A_1175 = vector.shape_cast %get3A_1174 : vector<16xf32> to vector<16xf32>
      %add3A_1176 = arith.addf %add3A_1170, %get3A_1175 : vector<16xf32>
      %add3A_1177 = arith.constant 224 : i32
      %add3A_1178 = arith.addi %multiple_of3A_1092, %add3A_1177 : i32
      %get3A_1179 = arith.index_cast %add3A_1178 : i32 to index
      %get3A_1180 = tpu.vector_load %arg6[%get3A_1179] {strides = array<i32>} : memref<32000xf32, #tpu.memory_space<vmem>>, vector<16xf32>,
      %get3A_1181 = vector.shape_cast %get3A_1180 : vector<16xf32> to vector<16xf32>
      %add3A_1182 = arith.addf %add3A_1176, %get3A_1181 : vector<16xf32>
      %add3A_1183 = arith.constant 240 : i32
      %add3A_1184 = arith.addi %multiple_of3A_1092, %add3A_1183 : i32
      %get3A_1185 = arith.index_cast %add3A_1184 : i32 to index
      %get3A_1186 = tpu.vector_load %arg6[%get3A_1185] {strides = array<i32>} : memref<32000xf32, #tpu.memory_space<vmem>>, vector<16xf32>,
      %get3A_1187 = vector.shape_cast %get3A_1186 : vector<16xf32> to vector<16xf32>
      %add3A_1188 = arith.addf %add3A_1182, %get3A_1187 : vector<16xf32>
      scf.yield %add3A_1188 : vector<16xf32>
    }
    %scan3A_436 = arith.constant 125 : i32
    %get3A_437 = arith.constant 0 : index
    %get3A_438 = tpu.vector_load %arg5[%get3A_437] {strides = array<i32>} : memref<16xi32, #tpu.memory_space<vmem>>, vector<16xi32>,
    %get3A_439 = vector.shape_cast %get3A_438 : vector<16xi32> to vector<16xi32>
    %slice3A_440 = vector.extract_strided_slice %get3A_439 {offsets = [6], sizes = [1], strides = [1]} : vector<16xi32> to vector<1xi32>
    %squeeze3A_441 = vector.extract %slice3A_440[0] : i32 from vector<1xi32>
    %min3A_442 = arith.constant 1 : i32
    %min3A_443 = arith.minsi %squeeze3A_441, %min3A_442 : i32
    %convert_element_type3A_444 = arith.sitofp %min3A_443 : i32 to f32
    %shift_right_arithmetic3A_445 = arith.constant 4 : i32
    %shift_right_arithmetic3A_446 = arith.shrsi %squeeze3A_441, %shift_right_arithmetic3A_445 : i32
    %shift_left3A_447 = arith.constant 4 : i32
    %shift_left3A_448 = arith.shli %shift_right_arithmetic3A_446, %shift_left3A_447 : i32
    %multiple_of3A_449 = tpu.assume_multiple %shift_left3A_448, 16 : i32
    %get3A_450 = arith.index_cast %multiple_of3A_449 : i32 to index
    %get3A_451 = tpu.vector_load %arg6[%get3A_450] {strides = array<i32>} : memref<32000xf32, #tpu.memory_space<vmem>>, vector<16xf32>,
    %get3A_452 = vector.shape_cast %get3A_451 : vector<16xf32> to vector<16xf32>
    %and3A_453 = arith.constant 15 : i32
    %and3A_454 = arith.andi %squeeze3A_441, %and3A_453 : i32
    %eq3A_455 = vector.broadcast %and3A_454 : i32 to vector<16xi32>
    %eq3A_456 = arith.cmpi eq, %iota3A, %eq3A_455 : vector<16xi32>
    %jit3A_457 = arith.constant 0.000000e+00 : f32
    %broadcast_in_dim3A_458 = vector.broadcast %jit3A_457 : f32 to vector<16xf32>
    %select_n3A_459 = arith.select %eq3A_456, %get3A_452, %broadcast_in_dim3A_458 : vector<16xi1>, vector<16xf32>
    %get3A_460 = arith.constant 0 : index
    %get3A_461 = tpu.vector_load %arg6[%get3A_460] {strides = array<i32>} : memref<32000xf32, #tpu.memory_space<vmem>>, vector<16xf32>,
    %get3A_462 = vector.shape_cast %get3A_461 : vector<16xf32> to vector<16xf32>
    %mul3A_463 = arith.constant -3.12519524E-6 : f32
    %mul3A_464 = vector.broadcast %mul3A_463 : f32 to vector<16xf32>
    %mul3A_465 = arith.mulf %mul3A_464, %scan3A_435 : vector<16xf32>
    %mul3A_466 = arith.constant -0.899996876 : f32
    %mul3A_467 = vector.broadcast %mul3A_466 : f32 to vector<16xf32>
    %mul3A_468 = arith.mulf %mul3A_467, %select_n3A_459 : vector<16xf32>
    %add3A_469 = arith.addf %mul3A_465, %mul3A_468 : vector<16xf32>
    %mul3A_470 = arith.constant 3.12519524E-6 : f32
    %mul3A_471 = vector.broadcast %mul3A_470 : f32 to vector<16xf32>
    %mul3A_472 = arith.mulf %mul3A_471, %get3A_462 : vector<16xf32>
    %add3A_473 = arith.constant -1.3624258 : f32
    %add3A_474 = vector.broadcast %add3A_473 : f32 to vector<16xf32>
    %add3A_475 = arith.addf %mul3A_472, %add3A_474 : vector<16xf32>
    %mul3A_476 = arith.mulf %add3A_475, %select_n3A : vector<16xf32>
    %add3A_477 = arith.addf %add3A_469, %mul3A_476 : vector<16xf32>
    %mul3A_478 = vector.broadcast %convert_element_type3A_444 : f32 to vector<16xf32>
    %mul3A_479 = arith.mulf %mul3A_478, %add3A_477 : vector<16xf32>
    %add3A_480 = arith.addf %add3A_412, %mul3A_479 : vector<16xf32>
    %add3A_481 = arith.constant 7 : i32
    %add3A_482 = arith.addi %add3A_4, %add3A_481 : i32
    %add3A_483 = arith.constant 1 : i32
    %add3A_484 = arith.addi %add3A_482, %add3A_483 : i32
    %dma_start3A_485 = arith.constant 0 : i32
    %dma_start3A_486 = tpu.memref_slice %arg2[%add3A_484, %dma_start3A_485] : memref<2048x32000xf32, #tpu.memory_space<hbm>> -> memref<1x32000xf32, #tpu.memory_space<hbm>>
    %dma_start3A_487 = tpu.memref_squeeze %dma_start3A_486 : memref<1x32000xf32, #tpu.memory_space<hbm>> -> memref<32000xf32, #tpu.memory_space<hbm>>
    %dma_start3A_488 = arith.constant 0 : i32
    %dma_start3A_489 = tpu.memref_slice %arg2[%add3A_484, %dma_start3A_488] : memref<2048x32000xf32, #tpu.memory_space<hbm>> -> memref<1x32000xf32, #tpu.memory_space<hbm>>
    %dma_start3A_490 = tpu.memref_squeeze %dma_start3A_489 : memref<1x32000xf32, #tpu.memory_space<hbm>> -> memref<32000xf32, #tpu.memory_space<hbm>>
    tpu.enqueue_dma source(%dma_start3A_490 : memref<32000xf32, #tpu.memory_space<hbm>>) target(%arg6 : memref<32000xf32, #tpu.memory_space<vmem>>) target_semaphore(%arg9 : memref<!tpu.dma_semaphore, #tpu.memory_space<semaphore_mem>>)
    %dma_wait3A_491 = arith.constant 0 : i32
    %dma_wait3A_492 = tpu.memref_slice %arg2[%add3A_416, %dma_wait3A_491] : memref<2048x32000xf32, #tpu.memory_space<hbm>> -> memref<1x32000xf32, #tpu.memory_space<hbm>>
    %dma_wait3A_493 = tpu.memref_squeeze %dma_wait3A_492 : memref<1x32000xf32, #tpu.memory_space<hbm>> -> memref<32000xf32, #tpu.memory_space<hbm>>
    %dma_wait3A_494 = arith.constant 0 : i32
    %dma_wait3A_495 = tpu.memref_slice %arg2[%add3A_416, %dma_wait3A_494] : memref<2048x32000xf32, #tpu.memory_space<hbm>> -> memref<1x32000xf32, #tpu.memory_space<hbm>>
    %dma_wait3A_496 = tpu.memref_squeeze %dma_wait3A_495 : memref<1x32000xf32, #tpu.memory_space<hbm>> -> memref<32000xf32, #tpu.memory_space<hbm>>
    tpu.wait_dma2 semaphore(%arg10 : memref<!tpu.dma_semaphore, #tpu.memory_space<semaphore_mem>>) src(%dma_wait3A_496 : memref<32000xf32, #tpu.memory_space<hbm>>) dst(%arg7 : memref<32000xf32, #tpu.memory_space<vmem>>)
    %broadcast_in_dim3A_497 = arith.constant 0.000000e+00 : f32
    %broadcast_in_dim3A_498 = vector.broadcast %broadcast_in_dim3A_497 : f32 to vector<16xf32>
    %scan3A_499 = arith.constant 0 : i32
    %scan3A_500 = arith.constant 125 : i32
    %scan3A_501 = arith.addi %scan3A_499, %scan3A_500 : i32
    %scan3A_502 = arith.constant 1 : i32
    %scan3A_503 = scf.for %scan3A_1088 = %scan3A_499 to %scan3A_501 step %scan3A_502 iter_args(%scan3A_1089 = %broadcast_in_dim3A_498) -> (vector<16xf32>)  : i32 {
      %mul3A_1090 = arith.constant 256 : i32
      %mul3A_1091 = arith.muli %scan3A_1088, %mul3A_1090 : i32
      %multiple_of3A_1092 = tpu.assume_multiple %mul3A_1091, 256 : i32
      %add3A_1093 = arith.constant 0 : i32
      %add3A_1094 = arith.addi %multiple_of3A_1092, %add3A_1093 : i32
      %get3A_1095 = arith.index_cast %add3A_1094 : i32 to index
      %get3A_1096 = tpu.vector_load %arg7[%get3A_1095] {strides = array<i32>} : memref<32000xf32, #tpu.memory_space<vmem>>, vector<16xf32>,
      %get3A_1097 = vector.shape_cast %get3A_1096 : vector<16xf32> to vector<16xf32>
      %add3A_1098 = arith.addf %scan3A_1089, %get3A_1097 : vector<16xf32>
      %add3A_1099 = arith.constant 16 : i32
      %add3A_1100 = arith.addi %multiple_of3A_1092, %add3A_1099 : i32
      %get3A_1101 = arith.index_cast %add3A_1100 : i32 to index
      %get3A_1102 = tpu.vector_load %arg7[%get3A_1101] {strides = array<i32>} : memref<32000xf32, #tpu.memory_space<vmem>>, vector<16xf32>,
      %get3A_1103 = vector.shape_cast %get3A_1102 : vector<16xf32> to vector<16xf32>
      %add3A_1104 = arith.addf %add3A_1098, %get3A_1103 : vector<16xf32>
      %add3A_1105 = arith.constant 32 : i32
      %add3A_1106 = arith.addi %multiple_of3A_1092, %add3A_1105 : i32
      %get3A_1107 = arith.index_cast %add3A_1106 : i32 to index
      %get3A_1108 = tpu.vector_load %arg7[%get3A_1107] {strides = array<i32>} : memref<32000xf32, #tpu.memory_space<vmem>>, vector<16xf32>,
      %get3A_1109 = vector.shape_cast %get3A_1108 : vector<16xf32> to vector<16xf32>
      %add3A_1110 = arith.addf %add3A_1104, %get3A_1109 : vector<16xf32>
      %add3A_1111 = arith.constant 48 : i32
      %add3A_1112 = arith.addi %multiple_of3A_1092, %add3A_1111 : i32
      %get3A_1113 = arith.index_cast %add3A_1112 : i32 to index
      %get3A_1114 = tpu.vector_load %arg7[%get3A_1113] {strides = array<i32>} : memref<32000xf32, #tpu.memory_space<vmem>>, vector<16xf32>,
      %get3A_1115 = vector.shape_cast %get3A_1114 : vector<16xf32> to vector<16xf32>
      %add3A_1116 = arith.addf %add3A_1110, %get3A_1115 : vector<16xf32>
      %add3A_1117 = arith.constant 64 : i32
      %add3A_1118 = arith.addi %multiple_of3A_1092, %add3A_1117 : i32
      %get3A_1119 = arith.index_cast %add3A_1118 : i32 to index
      %get3A_1120 = tpu.vector_load %arg7[%get3A_1119] {strides = array<i32>} : memref<32000xf32, #tpu.memory_space<vmem>>, vector<16xf32>,
      %get3A_1121 = vector.shape_cast %get3A_1120 : vector<16xf32> to vector<16xf32>
      %add3A_1122 = arith.addf %add3A_1116, %get3A_1121 : vector<16xf32>
      %add3A_1123 = arith.constant 80 : i32
      %add3A_1124 = arith.addi %multiple_of3A_1092, %add3A_1123 : i32
      %get3A_1125 = arith.index_cast %add3A_1124 : i32 to index
      %get3A_1126 = tpu.vector_load %arg7[%get3A_1125] {strides = array<i32>} : memref<32000xf32, #tpu.memory_space<vmem>>, vector<16xf32>,
      %get3A_1127 = vector.shape_cast %get3A_1126 : vector<16xf32> to vector<16xf32>
      %add3A_1128 = arith.addf %add3A_1122, %get3A_1127 : vector<16xf32>
      %add3A_1129 = arith.constant 96 : i32
      %add3A_1130 = arith.addi %multiple_of3A_1092, %add3A_1129 : i32
      %get3A_1131 = arith.index_cast %add3A_1130 : i32 to index
      %get3A_1132 = tpu.vector_load %arg7[%get3A_1131] {strides = array<i32>} : memref<32000xf32, #tpu.memory_space<vmem>>, vector<16xf32>,
      %get3A_1133 = vector.shape_cast %get3A_1132 : vector<16xf32> to vector<16xf32>
      %add3A_1134 = arith.addf %add3A_1128, %get3A_1133 : vector<16xf32>
      %add3A_1135 = arith.constant 112 : i32
      %add3A_1136 = arith.addi %multiple_of3A_1092, %add3A_1135 : i32
      %get3A_1137 = arith.index_cast %add3A_1136 : i32 to index
      %get3A_1138 = tpu.vector_load %arg7[%get3A_1137] {strides = array<i32>} : memref<32000xf32, #tpu.memory_space<vmem>>, vector<16xf32>,
      %get3A_1139 = vector.shape_cast %get3A_1138 : vector<16xf32> to vector<16xf32>
      %add3A_1140 = arith.addf %add3A_1134, %get3A_1139 : vector<16xf32>
      %add3A_1141 = arith.constant 128 : i32
      %add3A_1142 = arith.addi %multiple_of3A_1092, %add3A_1141 : i32
      %get3A_1143 = arith.index_cast %add3A_1142 : i32 to index
      %get3A_1144 = tpu.vector_load %arg7[%get3A_1143] {strides = array<i32>} : memref<32000xf32, #tpu.memory_space<vmem>>, vector<16xf32>,
      %get3A_1145 = vector.shape_cast %get3A_1144 : vector<16xf32> to vector<16xf32>
      %add3A_1146 = arith.addf %add3A_1140, %get3A_1145 : vector<16xf32>
      %add3A_1147 = arith.constant 144 : i32
      %add3A_1148 = arith.addi %multiple_of3A_1092, %add3A_1147 : i32
      %get3A_1149 = arith.index_cast %add3A_1148 : i32 to index
      %get3A_1150 = tpu.vector_load %arg7[%get3A_1149] {strides = array<i32>} : memref<32000xf32, #tpu.memory_space<vmem>>, vector<16xf32>,
      %get3A_1151 = vector.shape_cast %get3A_1150 : vector<16xf32> to vector<16xf32>
      %add3A_1152 = arith.addf %add3A_1146, %get3A_1151 : vector<16xf32>
      %add3A_1153 = arith.constant 160 : i32
      %add3A_1154 = arith.addi %multiple_of3A_1092, %add3A_1153 : i32
      %get3A_1155 = arith.index_cast %add3A_1154 : i32 to index
      %get3A_1156 = tpu.vector_load %arg7[%get3A_1155] {strides = array<i32>} : memref<32000xf32, #tpu.memory_space<vmem>>, vector<16xf32>,
      %get3A_1157 = vector.shape_cast %get3A_1156 : vector<16xf32> to vector<16xf32>
      %add3A_1158 = arith.addf %add3A_1152, %get3A_1157 : vector<16xf32>
      %add3A_1159 = arith.constant 176 : i32
      %add3A_1160 = arith.addi %multiple_of3A_1092, %add3A_1159 : i32
      %get3A_1161 = arith.index_cast %add3A_1160 : i32 to index
      %get3A_1162 = tpu.vector_load %arg7[%get3A_1161] {strides = array<i32>} : memref<32000xf32, #tpu.memory_space<vmem>>, vector<16xf32>,
      %get3A_1163 = vector.shape_cast %get3A_1162 : vector<16xf32> to vector<16xf32>
      %add3A_1164 = arith.addf %add3A_1158, %get3A_1163 : vector<16xf32>
      %add3A_1165 = arith.constant 192 : i32
      %add3A_1166 = arith.addi %multiple_of3A_1092, %add3A_1165 : i32
      %get3A_1167 = arith.index_cast %add3A_1166 : i32 to index
      %get3A_1168 = tpu.vector_load %arg7[%get3A_1167] {strides = array<i32>} : memref<32000xf32, #tpu.memory_space<vmem>>, vector<16xf32>,
      %get3A_1169 = vector.shape_cast %get3A_1168 : vector<16xf32> to vector<16xf32>
      %add3A_1170 = arith.addf %add3A_1164, %get3A_1169 : vector<16xf32>
      %add3A_1171 = arith.constant 208 : i32
      %add3A_1172 = arith.addi %multiple_of3A_1092, %add3A_1171 : i32
      %get3A_1173 = arith.index_cast %add3A_1172 : i32 to index
      %get3A_1174 = tpu.vector_load %arg7[%get3A_1173] {strides = array<i32>} : memref<32000xf32, #tpu.memory_space<vmem>>, vector<16xf32>,
      %get3A_1175 = vector.shape_cast %get3A_1174 : vector<16xf32> to vector<16xf32>
      %add3A_1176 = arith.addf %add3A_1170, %get3A_1175 : vector<16xf32>
      %add3A_1177 = arith.constant 224 : i32
      %add3A_1178 = arith.addi %multiple_of3A_1092, %add3A_1177 : i32
      %get3A_1179 = arith.index_cast %add3A_1178 : i32 to index
      %get3A_1180 = tpu.vector_load %arg7[%get3A_1179] {strides = array<i32>} : memref<32000xf32, #tpu.memory_space<vmem>>, vector<16xf32>,
      %get3A_1181 = vector.shape_cast %get3A_1180 : vector<16xf32> to vector<16xf32>
      %add3A_1182 = arith.addf %add3A_1176, %get3A_1181 : vector<16xf32>
      %add3A_1183 = arith.constant 240 : i32
      %add3A_1184 = arith.addi %multiple_of3A_1092, %add3A_1183 : i32
      %get3A_1185 = arith.index_cast %add3A_1184 : i32 to index
      %get3A_1186 = tpu.vector_load %arg7[%get3A_1185] {strides = array<i32>} : memref<32000xf32, #tpu.memory_space<vmem>>, vector<16xf32>,
      %get3A_1187 = vector.shape_cast %get3A_1186 : vector<16xf32> to vector<16xf32>
      %add3A_1188 = arith.addf %add3A_1182, %get3A_1187 : vector<16xf32>
      scf.yield %add3A_1188 : vector<16xf32>
    }
    %scan3A_504 = arith.constant 125 : i32
    %get3A_505 = arith.constant 0 : index
    %get3A_506 = tpu.vector_load %arg5[%get3A_505] {strides = array<i32>} : memref<16xi32, #tpu.memory_space<vmem>>, vector<16xi32>,
    %get3A_507 = vector.shape_cast %get3A_506 : vector<16xi32> to vector<16xi32>
    %slice3A_508 = vector.extract_strided_slice %get3A_507 {offsets = [7], sizes = [1], strides = [1]} : vector<16xi32> to vector<1xi32>
    %squeeze3A_509 = vector.extract %slice3A_508[0] : i32 from vector<1xi32>
    %min3A_510 = arith.constant 1 : i32
    %min3A_511 = arith.minsi %squeeze3A_509, %min3A_510 : i32
    %convert_element_type3A_512 = arith.sitofp %min3A_511 : i32 to f32
    %shift_right_arithmetic3A_513 = arith.constant 4 : i32
    %shift_right_arithmetic3A_514 = arith.shrsi %squeeze3A_509, %shift_right_arithmetic3A_513 : i32
    %shift_left3A_515 = arith.constant 4 : i32
    %shift_left3A_516 = arith.shli %shift_right_arithmetic3A_514, %shift_left3A_515 : i32
    %multiple_of3A_517 = tpu.assume_multiple %shift_left3A_516, 16 : i32
    %get3A_518 = arith.index_cast %multiple_of3A_517 : i32 to index
    %get3A_519 = tpu.vector_load %arg7[%get3A_518] {strides = array<i32>} : memref<32000xf32, #tpu.memory_space<vmem>>, vector<16xf32>,
    %get3A_520 = vector.shape_cast %get3A_519 : vector<16xf32> to vector<16xf32>
    %and3A_521 = arith.constant 15 : i32
    %and3A_522 = arith.andi %squeeze3A_509, %and3A_521 : i32
    %eq3A_523 = vector.broadcast %and3A_522 : i32 to vector<16xi32>
    %eq3A_524 = arith.cmpi eq, %iota3A, %eq3A_523 : vector<16xi32>
    %jit3A_525 = arith.constant 0.000000e+00 : f32
    %broadcast_in_dim3A_526 = vector.broadcast %jit3A_525 : f32 to vector<16xf32>
    %select_n3A_527 = arith.select %eq3A_524, %get3A_520, %broadcast_in_dim3A_526 : vector<16xi1>, vector<16xf32>
    %get3A_528 = arith.constant 0 : index
    %get3A_529 = tpu.vector_load %arg7[%get3A_528] {strides = array<i32>} : memref<32000xf32, #tpu.memory_space<vmem>>, vector<16xf32>,
    %get3A_530 = vector.shape_cast %get3A_529 : vector<16xf32> to vector<16xf32>
    %mul3A_531 = arith.constant -3.12519524E-6 : f32
    %mul3A_532 = vector.broadcast %mul3A_531 : f32 to vector<16xf32>
    %mul3A_533 = arith.mulf %mul3A_532, %scan3A_503 : vector<16xf32>
    %mul3A_534 = arith.constant -0.899996876 : f32
    %mul3A_535 = vector.broadcast %mul3A_534 : f32 to vector<16xf32>
    %mul3A_536 = arith.mulf %mul3A_535, %select_n3A_527 : vector<16xf32>
    %add3A_537 = arith.addf %mul3A_533, %mul3A_536 : vector<16xf32>
    %mul3A_538 = arith.constant 3.12519524E-6 : f32
    %mul3A_539 = vector.broadcast %mul3A_538 : f32 to vector<16xf32>
    %mul3A_540 = arith.mulf %mul3A_539, %get3A_530 : vector<16xf32>
    %add3A_541 = arith.constant -1.3624258 : f32
    %add3A_542 = vector.broadcast %add3A_541 : f32 to vector<16xf32>
    %add3A_543 = arith.addf %mul3A_540, %add3A_542 : vector<16xf32>
    %mul3A_544 = arith.mulf %add3A_543, %select_n3A : vector<16xf32>
    %add3A_545 = arith.addf %add3A_537, %mul3A_544 : vector<16xf32>
    %mul3A_546 = vector.broadcast %convert_element_type3A_512 : f32 to vector<16xf32>
    %mul3A_547 = arith.mulf %mul3A_546, %add3A_545 : vector<16xf32>
    %add3A_548 = arith.addf %add3A_480, %mul3A_547 : vector<16xf32>
    %add3A_549 = arith.constant 8 : i32
    %add3A_550 = arith.addi %add3A_4, %add3A_549 : i32
    %add3A_551 = arith.constant 1 : i32
    %add3A_552 = arith.addi %add3A_550, %add3A_551 : i32
    %dma_start3A_553 = arith.constant 0 : i32
    %dma_start3A_554 = tpu.memref_slice %arg2[%add3A_552, %dma_start3A_553] : memref<2048x32000xf32, #tpu.memory_space<hbm>> -> memref<1x32000xf32, #tpu.memory_space<hbm>>
    %dma_start3A_555 = tpu.memref_squeeze %dma_start3A_554 : memref<1x32000xf32, #tpu.memory_space<hbm>> -> memref<32000xf32, #tpu.memory_space<hbm>>
    %dma_start3A_556 = arith.constant 0 : i32
    %dma_start3A_557 = tpu.memref_slice %arg2[%add3A_552, %dma_start3A_556] : memref<2048x32000xf32, #tpu.memory_space<hbm>> -> memref<1x32000xf32, #tpu.memory_space<hbm>>
    %dma_start3A_558 = tpu.memref_squeeze %dma_start3A_557 : memref<1x32000xf32, #tpu.memory_space<hbm>> -> memref<32000xf32, #tpu.memory_space<hbm>>
    tpu.enqueue_dma source(%dma_start3A_558 : memref<32000xf32, #tpu.memory_space<hbm>>) target(%arg7 : memref<32000xf32, #tpu.memory_space<vmem>>) target_semaphore(%arg10 : memref<!tpu.dma_semaphore, #tpu.memory_space<semaphore_mem>>)
    %dma_wait3A_559 = arith.constant 0 : i32
    %dma_wait3A_560 = tpu.memref_slice %arg2[%add3A_484, %dma_wait3A_559] : memref<2048x32000xf32, #tpu.memory_space<hbm>> -> memref<1x32000xf32, #tpu.memory_space<hbm>>
    %dma_wait3A_561 = tpu.memref_squeeze %dma_wait3A_560 : memref<1x32000xf32, #tpu.memory_space<hbm>> -> memref<32000xf32, #tpu.memory_space<hbm>>
    %dma_wait3A_562 = arith.constant 0 : i32
    %dma_wait3A_563 = tpu.memref_slice %arg2[%add3A_484, %dma_wait3A_562] : memref<2048x32000xf32, #tpu.memory_space<hbm>> -> memref<1x32000xf32, #tpu.memory_space<hbm>>
    %dma_wait3A_564 = tpu.memref_squeeze %dma_wait3A_563 : memref<1x32000xf32, #tpu.memory_space<hbm>> -> memref<32000xf32, #tpu.memory_space<hbm>>
    tpu.wait_dma2 semaphore(%arg9 : memref<!tpu.dma_semaphore, #tpu.memory_space<semaphore_mem>>) src(%dma_wait3A_564 : memref<32000xf32, #tpu.memory_space<hbm>>) dst(%arg6 : memref<32000xf32, #tpu.memory_space<vmem>>)
    %broadcast_in_dim3A_565 = arith.constant 0.000000e+00 : f32
    %broadcast_in_dim3A_566 = vector.broadcast %broadcast_in_dim3A_565 : f32 to vector<16xf32>
    %scan3A_567 = arith.constant 0 : i32
    %scan3A_568 = arith.constant 125 : i32
    %scan3A_569 = arith.addi %scan3A_567, %scan3A_568 : i32
    %scan3A_570 = arith.constant 1 : i32
    %scan3A_571 = scf.for %scan3A_1088 = %scan3A_567 to %scan3A_569 step %scan3A_570 iter_args(%scan3A_1089 = %broadcast_in_dim3A_566) -> (vector<16xf32>)  : i32 {
      %mul3A_1090 = arith.constant 256 : i32
      %mul3A_1091 = arith.muli %scan3A_1088, %mul3A_1090 : i32
      %multiple_of3A_1092 = tpu.assume_multiple %mul3A_1091, 256 : i32
      %add3A_1093 = arith.constant 0 : i32
      %add3A_1094 = arith.addi %multiple_of3A_1092, %add3A_1093 : i32
      %get3A_1095 = arith.index_cast %add3A_1094 : i32 to index
      %get3A_1096 = tpu.vector_load %arg6[%get3A_1095] {strides = array<i32>} : memref<32000xf32, #tpu.memory_space<vmem>>, vector<16xf32>,
      %get3A_1097 = vector.shape_cast %get3A_1096 : vector<16xf32> to vector<16xf32>
      %add3A_1098 = arith.addf %scan3A_1089, %get3A_1097 : vector<16xf32>
      %add3A_1099 = arith.constant 16 : i32
      %add3A_1100 = arith.addi %multiple_of3A_1092, %add3A_1099 : i32
      %get3A_1101 = arith.index_cast %add3A_1100 : i32 to index
      %get3A_1102 = tpu.vector_load %arg6[%get3A_1101] {strides = array<i32>} : memref<32000xf32, #tpu.memory_space<vmem>>, vector<16xf32>,
      %get3A_1103 = vector.shape_cast %get3A_1102 : vector<16xf32> to vector<16xf32>
      %add3A_1104 = arith.addf %add3A_1098, %get3A_1103 : vector<16xf32>
      %add3A_1105 = arith.constant 32 : i32
      %add3A_1106 = arith.addi %multiple_of3A_1092, %add3A_1105 : i32
      %get3A_1107 = arith.index_cast %add3A_1106 : i32 to index
      %get3A_1108 = tpu.vector_load %arg6[%get3A_1107] {strides = array<i32>} : memref<32000xf32, #tpu.memory_space<vmem>>, vector<16xf32>,
      %get3A_1109 = vector.shape_cast %get3A_1108 : vector<16xf32> to vector<16xf32>
      %add3A_1110 = arith.addf %add3A_1104, %get3A_1109 : vector<16xf32>
      %add3A_1111 = arith.constant 48 : i32
      %add3A_1112 = arith.addi %multiple_of3A_1092, %add3A_1111 : i32
      %get3A_1113 = arith.index_cast %add3A_1112 : i32 to index
      %get3A_1114 = tpu.vector_load %arg6[%get3A_1113] {strides = array<i32>} : memref<32000xf32, #tpu.memory_space<vmem>>, vector<16xf32>,
      %get3A_1115 = vector.shape_cast %get3A_1114 : vector<16xf32> to vector<16xf32>
      %add3A_1116 = arith.addf %add3A_1110, %get3A_1115 : vector<16xf32>
      %add3A_1117 = arith.constant 64 : i32
      %add3A_1118 = arith.addi %multiple_of3A_1092, %add3A_1117 : i32
      %get3A_1119 = arith.index_cast %add3A_1118 : i32 to index
      %get3A_1120 = tpu.vector_load %arg6[%get3A_1119] {strides = array<i32>} : memref<32000xf32, #tpu.memory_space<vmem>>, vector<16xf32>,
      %get3A_1121 = vector.shape_cast %get3A_1120 : vector<16xf32> to vector<16xf32>
      %add3A_1122 = arith.addf %add3A_1116, %get3A_1121 : vector<16xf32>
      %add3A_1123 = arith.constant 80 : i32
      %add3A_1124 = arith.addi %multiple_of3A_1092, %add3A_1123 : i32
      %get3A_1125 = arith.index_cast %add3A_1124 : i32 to index
      %get3A_1126 = tpu.vector_load %arg6[%get3A_1125] {strides = array<i32>} : memref<32000xf32, #tpu.memory_space<vmem>>, vector<16xf32>,
      %get3A_1127 = vector.shape_cast %get3A_1126 : vector<16xf32> to vector<16xf32>
      %add3A_1128 = arith.addf %add3A_1122, %get3A_1127 : vector<16xf32>
      %add3A_1129 = arith.constant 96 : i32
      %add3A_1130 = arith.addi %multiple_of3A_1092, %add3A_1129 : i32
      %get3A_1131 = arith.index_cast %add3A_1130 : i32 to index
      %get3A_1132 = tpu.vector_load %arg6[%get3A_1131] {strides = array<i32>} : memref<32000xf32, #tpu.memory_space<vmem>>, vector<16xf32>,
      %get3A_1133 = vector.shape_cast %get3A_1132 : vector<16xf32> to vector<16xf32>
      %add3A_1134 = arith.addf %add3A_1128, %get3A_1133 : vector<16xf32>
      %add3A_1135 = arith.constant 112 : i32
      %add3A_1136 = arith.addi %multiple_of3A_1092, %add3A_1135 : i32
      %get3A_1137 = arith.index_cast %add3A_1136 : i32 to index
      %get3A_1138 = tpu.vector_load %arg6[%get3A_1137] {strides = array<i32>} : memref<32000xf32, #tpu.memory_space<vmem>>, vector<16xf32>,
      %get3A_1139 = vector.shape_cast %get3A_1138 : vector<16xf32> to vector<16xf32>
      %add3A_1140 = arith.addf %add3A_1134, %get3A_1139 : vector<16xf32>
      %add3A_1141 = arith.constant 128 : i32
      %add3A_1142 = arith.addi %multiple_of3A_1092, %add3A_1141 : i32
      %get3A_1143 = arith.index_cast %add3A_1142 : i32 to index
      %get3A_1144 = tpu.vector_load %arg6[%get3A_1143] {strides = array<i32>} : memref<32000xf32, #tpu.memory_space<vmem>>, vector<16xf32>,
      %get3A_1145 = vector.shape_cast %get3A_1144 : vector<16xf32> to vector<16xf32>
      %add3A_1146 = arith.addf %add3A_1140, %get3A_1145 : vector<16xf32>
      %add3A_1147 = arith.constant 144 : i32
      %add3A_1148 = arith.addi %multiple_of3A_1092, %add3A_1147 : i32
      %get3A_1149 = arith.index_cast %add3A_1148 : i32 to index
      %get3A_1150 = tpu.vector_load %arg6[%get3A_1149] {strides = array<i32>} : memref<32000xf32, #tpu.memory_space<vmem>>, vector<16xf32>,
      %get3A_1151 = vector.shape_cast %get3A_1150 : vector<16xf32> to vector<16xf32>
      %add3A_1152 = arith.addf %add3A_1146, %get3A_1151 : vector<16xf32>
      %add3A_1153 = arith.constant 160 : i32
      %add3A_1154 = arith.addi %multiple_of3A_1092, %add3A_1153 : i32
      %get3A_1155 = arith.index_cast %add3A_1154 : i32 to index
      %get3A_1156 = tpu.vector_load %arg6[%get3A_1155] {strides = array<i32>} : memref<32000xf32, #tpu.memory_space<vmem>>, vector<16xf32>,
      %get3A_1157 = vector.shape_cast %get3A_1156 : vector<16xf32> to vector<16xf32>
      %add3A_1158 = arith.addf %add3A_1152, %get3A_1157 : vector<16xf32>
      %add3A_1159 = arith.constant 176 : i32
      %add3A_1160 = arith.addi %multiple_of3A_1092, %add3A_1159 : i32
      %get3A_1161 = arith.index_cast %add3A_1160 : i32 to index
      %get3A_1162 = tpu.vector_load %arg6[%get3A_1161] {strides = array<i32>} : memref<32000xf32, #tpu.memory_space<vmem>>, vector<16xf32>,
      %get3A_1163 = vector.shape_cast %get3A_1162 : vector<16xf32> to vector<16xf32>
      %add3A_1164 = arith.addf %add3A_1158, %get3A_1163 : vector<16xf32>
      %add3A_1165 = arith.constant 192 : i32
      %add3A_1166 = arith.addi %multiple_of3A_1092, %add3A_1165 : i32
      %get3A_1167 = arith.index_cast %add3A_1166 : i32 to index
      %get3A_1168 = tpu.vector_load %arg6[%get3A_1167] {strides = array<i32>} : memref<32000xf32, #tpu.memory_space<vmem>>, vector<16xf32>,
      %get3A_1169 = vector.shape_cast %get3A_1168 : vector<16xf32> to vector<16xf32>
      %add3A_1170 = arith.addf %add3A_1164, %get3A_1169 : vector<16xf32>
      %add3A_1171 = arith.constant 208 : i32
      %add3A_1172 = arith.addi %multiple_of3A_1092, %add3A_1171 : i32
      %get3A_1173 = arith.index_cast %add3A_1172 : i32 to index
      %get3A_1174 = tpu.vector_load %arg6[%get3A_1173] {strides = array<i32>} : memref<32000xf32, #tpu.memory_space<vmem>>, vector<16xf32>,
      %get3A_1175 = vector.shape_cast %get3A_1174 : vector<16xf32> to vector<16xf32>
      %add3A_1176 = arith.addf %add3A_1170, %get3A_1175 : vector<16xf32>
      %add3A_1177 = arith.constant 224 : i32
      %add3A_1178 = arith.addi %multiple_of3A_1092, %add3A_1177 : i32
      %get3A_1179 = arith.index_cast %add3A_1178 : i32 to index
      %get3A_1180 = tpu.vector_load %arg6[%get3A_1179] {strides = array<i32>} : memref<32000xf32, #tpu.memory_space<vmem>>, vector<16xf32>,
      %get3A_1181 = vector.shape_cast %get3A_1180 : vector<16xf32> to vector<16xf32>
      %add3A_1182 = arith.addf %add3A_1176, %get3A_1181 : vector<16xf32>
      %add3A_1183 = arith.constant 240 : i32
      %add3A_1184 = arith.addi %multiple_of3A_1092, %add3A_1183 : i32
      %get3A_1185 = arith.index_cast %add3A_1184 : i32 to index
      %get3A_1186 = tpu.vector_load %arg6[%get3A_1185] {strides = array<i32>} : memref<32000xf32, #tpu.memory_space<vmem>>, vector<16xf32>,
      %get3A_1187 = vector.shape_cast %get3A_1186 : vector<16xf32> to vector<16xf32>
      %add3A_1188 = arith.addf %add3A_1182, %get3A_1187 : vector<16xf32>
      scf.yield %add3A_1188 : vector<16xf32>
    }
    %scan3A_572 = arith.constant 125 : i32
    %get3A_573 = arith.constant 0 : index
    %get3A_574 = tpu.vector_load %arg5[%get3A_573] {strides = array<i32>} : memref<16xi32, #tpu.memory_space<vmem>>, vector<16xi32>,
    %get3A_575 = vector.shape_cast %get3A_574 : vector<16xi32> to vector<16xi32>
    %slice3A_576 = vector.extract_strided_slice %get3A_575 {offsets = [8], sizes = [1], strides = [1]} : vector<16xi32> to vector<1xi32>
    %squeeze3A_577 = vector.extract %slice3A_576[0] : i32 from vector<1xi32>
    %min3A_578 = arith.constant 1 : i32
    %min3A_579 = arith.minsi %squeeze3A_577, %min3A_578 : i32
    %convert_element_type3A_580 = arith.sitofp %min3A_579 : i32 to f32
    %shift_right_arithmetic3A_581 = arith.constant 4 : i32
    %shift_right_arithmetic3A_582 = arith.shrsi %squeeze3A_577, %shift_right_arithmetic3A_581 : i32
    %shift_left3A_583 = arith.constant 4 : i32
    %shift_left3A_584 = arith.shli %shift_right_arithmetic3A_582, %shift_left3A_583 : i32
    %multiple_of3A_585 = tpu.assume_multiple %shift_left3A_584, 16 : i32
    %get3A_586 = arith.index_cast %multiple_of3A_585 : i32 to index
    %get3A_587 = tpu.vector_load %arg6[%get3A_586] {strides = array<i32>} : memref<32000xf32, #tpu.memory_space<vmem>>, vector<16xf32>,
    %get3A_588 = vector.shape_cast %get3A_587 : vector<16xf32> to vector<16xf32>
    %and3A_589 = arith.constant 15 : i32
    %and3A_590 = arith.andi %squeeze3A_577, %and3A_589 : i32
    %eq3A_591 = vector.broadcast %and3A_590 : i32 to vector<16xi32>
    %eq3A_592 = arith.cmpi eq, %iota3A, %eq3A_591 : vector<16xi32>
    %jit3A_593 = arith.constant 0.000000e+00 : f32
    %broadcast_in_dim3A_594 = vector.broadcast %jit3A_593 : f32 to vector<16xf32>
    %select_n3A_595 = arith.select %eq3A_592, %get3A_588, %broadcast_in_dim3A_594 : vector<16xi1>, vector<16xf32>
    %get3A_596 = arith.constant 0 : index
    %get3A_597 = tpu.vector_load %arg6[%get3A_596] {strides = array<i32>} : memref<32000xf32, #tpu.memory_space<vmem>>, vector<16xf32>,
    %get3A_598 = vector.shape_cast %get3A_597 : vector<16xf32> to vector<16xf32>
    %mul3A_599 = arith.constant -3.12519524E-6 : f32
    %mul3A_600 = vector.broadcast %mul3A_599 : f32 to vector<16xf32>
    %mul3A_601 = arith.mulf %mul3A_600, %scan3A_571 : vector<16xf32>
    %mul3A_602 = arith.constant -0.899996876 : f32
    %mul3A_603 = vector.broadcast %mul3A_602 : f32 to vector<16xf32>
    %mul3A_604 = arith.mulf %mul3A_603, %select_n3A_595 : vector<16xf32>
    %add3A_605 = arith.addf %mul3A_601, %mul3A_604 : vector<16xf32>
    %mul3A_606 = arith.constant 3.12519524E-6 : f32
    %mul3A_607 = vector.broadcast %mul3A_606 : f32 to vector<16xf32>
    %mul3A_608 = arith.mulf %mul3A_607, %get3A_598 : vector<16xf32>
    %add3A_609 = arith.constant -1.3624258 : f32
    %add3A_610 = vector.broadcast %add3A_609 : f32 to vector<16xf32>
    %add3A_611 = arith.addf %mul3A_608, %add3A_610 : vector<16xf32>
    %mul3A_612 = arith.mulf %add3A_611, %select_n3A : vector<16xf32>
    %add3A_613 = arith.addf %add3A_605, %mul3A_612 : vector<16xf32>
    %mul3A_614 = vector.broadcast %convert_element_type3A_580 : f32 to vector<16xf32>
    %mul3A_615 = arith.mulf %mul3A_614, %add3A_613 : vector<16xf32>
    %add3A_616 = arith.addf %add3A_548, %mul3A_615 : vector<16xf32>
    %add3A_617 = arith.constant 9 : i32
    %add3A_618 = arith.addi %add3A_4, %add3A_617 : i32
    %add3A_619 = arith.constant 1 : i32
    %add3A_620 = arith.addi %add3A_618, %add3A_619 : i32
    %dma_start3A_621 = arith.constant 0 : i32
    %dma_start3A_622 = tpu.memref_slice %arg2[%add3A_620, %dma_start3A_621] : memref<2048x32000xf32, #tpu.memory_space<hbm>> -> memref<1x32000xf32, #tpu.memory_space<hbm>>
    %dma_start3A_623 = tpu.memref_squeeze %dma_start3A_622 : memref<1x32000xf32, #tpu.memory_space<hbm>> -> memref<32000xf32, #tpu.memory_space<hbm>>
    %dma_start3A_624 = arith.constant 0 : i32
    %dma_start3A_625 = tpu.memref_slice %arg2[%add3A_620, %dma_start3A_624] : memref<2048x32000xf32, #tpu.memory_space<hbm>> -> memref<1x32000xf32, #tpu.memory_space<hbm>>
    %dma_start3A_626 = tpu.memref_squeeze %dma_start3A_625 : memref<1x32000xf32, #tpu.memory_space<hbm>> -> memref<32000xf32, #tpu.memory_space<hbm>>
    tpu.enqueue_dma source(%dma_start3A_626 : memref<32000xf32, #tpu.memory_space<hbm>>) target(%arg6 : memref<32000xf32, #tpu.memory_space<vmem>>) target_semaphore(%arg9 : memref<!tpu.dma_semaphore, #tpu.memory_space<semaphore_mem>>)
    %dma_wait3A_627 = arith.constant 0 : i32
    %dma_wait3A_628 = tpu.memref_slice %arg2[%add3A_552, %dma_wait3A_627] : memref<2048x32000xf32, #tpu.memory_space<hbm>> -> memref<1x32000xf32, #tpu.memory_space<hbm>>
    %dma_wait3A_629 = tpu.memref_squeeze %dma_wait3A_628 : memref<1x32000xf32, #tpu.memory_space<hbm>> -> memref<32000xf32, #tpu.memory_space<hbm>>
    %dma_wait3A_630 = arith.constant 0 : i32
    %dma_wait3A_631 = tpu.memref_slice %arg2[%add3A_552, %dma_wait3A_630] : memref<2048x32000xf32, #tpu.memory_space<hbm>> -> memref<1x32000xf32, #tpu.memory_space<hbm>>
    %dma_wait3A_632 = tpu.memref_squeeze %dma_wait3A_631 : memref<1x32000xf32, #tpu.memory_space<hbm>> -> memref<32000xf32, #tpu.memory_space<hbm>>
    tpu.wait_dma2 semaphore(%arg10 : memref<!tpu.dma_semaphore, #tpu.memory_space<semaphore_mem>>) src(%dma_wait3A_632 : memref<32000xf32, #tpu.memory_space<hbm>>) dst(%arg7 : memref<32000xf32, #tpu.memory_space<vmem>>)
    %broadcast_in_dim3A_633 = arith.constant 0.000000e+00 : f32
    %broadcast_in_dim3A_634 = vector.broadcast %broadcast_in_dim3A_633 : f32 to vector<16xf32>
    %scan3A_635 = arith.constant 0 : i32
    %scan3A_636 = arith.constant 125 : i32
    %scan3A_637 = arith.addi %scan3A_635, %scan3A_636 : i32
    %scan3A_638 = arith.constant 1 : i32
    %scan3A_639 = scf.for %scan3A_1088 = %scan3A_635 to %scan3A_637 step %scan3A_638 iter_args(%scan3A_1089 = %broadcast_in_dim3A_634) -> (vector<16xf32>)  : i32 {
      %mul3A_1090 = arith.constant 256 : i32
      %mul3A_1091 = arith.muli %scan3A_1088, %mul3A_1090 : i32
      %multiple_of3A_1092 = tpu.assume_multiple %mul3A_1091, 256 : i32
      %add3A_1093 = arith.constant 0 : i32
      %add3A_1094 = arith.addi %multiple_of3A_1092, %add3A_1093 : i32
      %get3A_1095 = arith.index_cast %add3A_1094 : i32 to index
      %get3A_1096 = tpu.vector_load %arg7[%get3A_1095] {strides = array<i32>} : memref<32000xf32, #tpu.memory_space<vmem>>, vector<16xf32>,
      %get3A_1097 = vector.shape_cast %get3A_1096 : vector<16xf32> to vector<16xf32>
      %add3A_1098 = arith.addf %scan3A_1089, %get3A_1097 : vector<16xf32>
      %add3A_1099 = arith.constant 16 : i32
      %add3A_1100 = arith.addi %multiple_of3A_1092, %add3A_1099 : i32
      %get3A_1101 = arith.index_cast %add3A_1100 : i32 to index
      %get3A_1102 = tpu.vector_load %arg7[%get3A_1101] {strides = array<i32>} : memref<32000xf32, #tpu.memory_space<vmem>>, vector<16xf32>,
      %get3A_1103 = vector.shape_cast %get3A_1102 : vector<16xf32> to vector<16xf32>
      %add3A_1104 = arith.addf %add3A_1098, %get3A_1103 : vector<16xf32>
      %add3A_1105 = arith.constant 32 : i32
      %add3A_1106 = arith.addi %multiple_of3A_1092, %add3A_1105 : i32
      %get3A_1107 = arith.index_cast %add3A_1106 : i32 to index
      %get3A_1108 = tpu.vector_load %arg7[%get3A_1107] {strides = array<i32>} : memref<32000xf32, #tpu.memory_space<vmem>>, vector<16xf32>,
      %get3A_1109 = vector.shape_cast %get3A_1108 : vector<16xf32> to vector<16xf32>
      %add3A_1110 = arith.addf %add3A_1104, %get3A_1109 : vector<16xf32>
      %add3A_1111 = arith.constant 48 : i32
      %add3A_1112 = arith.addi %multiple_of3A_1092, %add3A_1111 : i32
      %get3A_1113 = arith.index_cast %add3A_1112 : i32 to index
      %get3A_1114 = tpu.vector_load %arg7[%get3A_1113] {strides = array<i32>} : memref<32000xf32, #tpu.memory_space<vmem>>, vector<16xf32>,
      %get3A_1115 = vector.shape_cast %get3A_1114 : vector<16xf32> to vector<16xf32>
      %add3A_1116 = arith.addf %add3A_1110, %get3A_1115 : vector<16xf32>
      %add3A_1117 = arith.constant 64 : i32
      %add3A_1118 = arith.addi %multiple_of3A_1092, %add3A_1117 : i32
      %get3A_1119 = arith.index_cast %add3A_1118 : i32 to index
      %get3A_1120 = tpu.vector_load %arg7[%get3A_1119] {strides = array<i32>} : memref<32000xf32, #tpu.memory_space<vmem>>, vector<16xf32>,
      %get3A_1121 = vector.shape_cast %get3A_1120 : vector<16xf32> to vector<16xf32>
      %add3A_1122 = arith.addf %add3A_1116, %get3A_1121 : vector<16xf32>
      %add3A_1123 = arith.constant 80 : i32
      %add3A_1124 = arith.addi %multiple_of3A_1092, %add3A_1123 : i32
      %get3A_1125 = arith.index_cast %add3A_1124 : i32 to index
      %get3A_1126 = tpu.vector_load %arg7[%get3A_1125] {strides = array<i32>} : memref<32000xf32, #tpu.memory_space<vmem>>, vector<16xf32>,
      %get3A_1127 = vector.shape_cast %get3A_1126 : vector<16xf32> to vector<16xf32>
      %add3A_1128 = arith.addf %add3A_1122, %get3A_1127 : vector<16xf32>
      %add3A_1129 = arith.constant 96 : i32
      %add3A_1130 = arith.addi %multiple_of3A_1092, %add3A_1129 : i32
      %get3A_1131 = arith.index_cast %add3A_1130 : i32 to index
      %get3A_1132 = tpu.vector_load %arg7[%get3A_1131] {strides = array<i32>} : memref<32000xf32, #tpu.memory_space<vmem>>, vector<16xf32>,
      %get3A_1133 = vector.shape_cast %get3A_1132 : vector<16xf32> to vector<16xf32>
      %add3A_1134 = arith.addf %add3A_1128, %get3A_1133 : vector<16xf32>
      %add3A_1135 = arith.constant 112 : i32
      %add3A_1136 = arith.addi %multiple_of3A_1092, %add3A_1135 : i32
      %get3A_1137 = arith.index_cast %add3A_1136 : i32 to index
      %get3A_1138 = tpu.vector_load %arg7[%get3A_1137] {strides = array<i32>} : memref<32000xf32, #tpu.memory_space<vmem>>, vector<16xf32>,
      %get3A_1139 = vector.shape_cast %get3A_1138 : vector<16xf32> to vector<16xf32>
      %add3A_1140 = arith.addf %add3A_1134, %get3A_1139 : vector<16xf32>
      %add3A_1141 = arith.constant 128 : i32
      %add3A_1142 = arith.addi %multiple_of3A_1092, %add3A_1141 : i32
      %get3A_1143 = arith.index_cast %add3A_1142 : i32 to index
      %get3A_1144 = tpu.vector_load %arg7[%get3A_1143] {strides = array<i32>} : memref<32000xf32, #tpu.memory_space<vmem>>, vector<16xf32>,
      %get3A_1145 = vector.shape_cast %get3A_1144 : vector<16xf32> to vector<16xf32>
      %add3A_1146 = arith.addf %add3A_1140, %get3A_1145 : vector<16xf32>
      %add3A_1147 = arith.constant 144 : i32
      %add3A_1148 = arith.addi %multiple_of3A_1092, %add3A_1147 : i32
      %get3A_1149 = arith.index_cast %add3A_1148 : i32 to index
      %get3A_1150 = tpu.vector_load %arg7[%get3A_1149] {strides = array<i32>} : memref<32000xf32, #tpu.memory_space<vmem>>, vector<16xf32>,
      %get3A_1151 = vector.shape_cast %get3A_1150 : vector<16xf32> to vector<16xf32>
      %add3A_1152 = arith.addf %add3A_1146, %get3A_1151 : vector<16xf32>
      %add3A_1153 = arith.constant 160 : i32
      %add3A_1154 = arith.addi %multiple_of3A_1092, %add3A_1153 : i32
      %get3A_1155 = arith.index_cast %add3A_1154 : i32 to index
      %get3A_1156 = tpu.vector_load %arg7[%get3A_1155] {strides = array<i32>} : memref<32000xf32, #tpu.memory_space<vmem>>, vector<16xf32>,
      %get3A_1157 = vector.shape_cast %get3A_1156 : vector<16xf32> to vector<16xf32>
      %add3A_1158 = arith.addf %add3A_1152, %get3A_1157 : vector<16xf32>
      %add3A_1159 = arith.constant 176 : i32
      %add3A_1160 = arith.addi %multiple_of3A_1092, %add3A_1159 : i32
      %get3A_1161 = arith.index_cast %add3A_1160 : i32 to index
      %get3A_1162 = tpu.vector_load %arg7[%get3A_1161] {strides = array<i32>} : memref<32000xf32, #tpu.memory_space<vmem>>, vector<16xf32>,
      %get3A_1163 = vector.shape_cast %get3A_1162 : vector<16xf32> to vector<16xf32>
      %add3A_1164 = arith.addf %add3A_1158, %get3A_1163 : vector<16xf32>
      %add3A_1165 = arith.constant 192 : i32
      %add3A_1166 = arith.addi %multiple_of3A_1092, %add3A_1165 : i32
      %get3A_1167 = arith.index_cast %add3A_1166 : i32 to index
      %get3A_1168 = tpu.vector_load %arg7[%get3A_1167] {strides = array<i32>} : memref<32000xf32, #tpu.memory_space<vmem>>, vector<16xf32>,
      %get3A_1169 = vector.shape_cast %get3A_1168 : vector<16xf32> to vector<16xf32>
      %add3A_1170 = arith.addf %add3A_1164, %get3A_1169 : vector<16xf32>
      %add3A_1171 = arith.constant 208 : i32
      %add3A_1172 = arith.addi %multiple_of3A_1092, %add3A_1171 : i32
      %get3A_1173 = arith.index_cast %add3A_1172 : i32 to index
      %get3A_1174 = tpu.vector_load %arg7[%get3A_1173] {strides = array<i32>} : memref<32000xf32, #tpu.memory_space<vmem>>, vector<16xf32>,
      %get3A_1175 = vector.shape_cast %get3A_1174 : vector<16xf32> to vector<16xf32>
      %add3A_1176 = arith.addf %add3A_1170, %get3A_1175 : vector<16xf32>
      %add3A_1177 = arith.constant 224 : i32
      %add3A_1178 = arith.addi %multiple_of3A_1092, %add3A_1177 : i32
      %get3A_1179 = arith.index_cast %add3A_1178 : i32 to index
      %get3A_1180 = tpu.vector_load %arg7[%get3A_1179] {strides = array<i32>} : memref<32000xf32, #tpu.memory_space<vmem>>, vector<16xf32>,
      %get3A_1181 = vector.shape_cast %get3A_1180 : vector<16xf32> to vector<16xf32>
      %add3A_1182 = arith.addf %add3A_1176, %get3A_1181 : vector<16xf32>
      %add3A_1183 = arith.constant 240 : i32
      %add3A_1184 = arith.addi %multiple_of3A_1092, %add3A_1183 : i32
      %get3A_1185 = arith.index_cast %add3A_1184 : i32 to index
      %get3A_1186 = tpu.vector_load %arg7[%get3A_1185] {strides = array<i32>} : memref<32000xf32, #tpu.memory_space<vmem>>, vector<16xf32>,
      %get3A_1187 = vector.shape_cast %get3A_1186 : vector<16xf32> to vector<16xf32>
      %add3A_1188 = arith.addf %add3A_1182, %get3A_1187 : vector<16xf32>
      scf.yield %add3A_1188 : vector<16xf32>
    }
    %scan3A_640 = arith.constant 125 : i32
    %get3A_641 = arith.constant 0 : index
    %get3A_642 = tpu.vector_load %arg5[%get3A_641] {strides = array<i32>} : memref<16xi32, #tpu.memory_space<vmem>>, vector<16xi32>,
    %get3A_643 = vector.shape_cast %get3A_642 : vector<16xi32> to vector<16xi32>
    %slice3A_644 = vector.extract_strided_slice %get3A_643 {offsets = [9], sizes = [1], strides = [1]} : vector<16xi32> to vector<1xi32>
    %squeeze3A_645 = vector.extract %slice3A_644[0] : i32 from vector<1xi32>
    %min3A_646 = arith.constant 1 : i32
    %min3A_647 = arith.minsi %squeeze3A_645, %min3A_646 : i32
    %convert_element_type3A_648 = arith.sitofp %min3A_647 : i32 to f32
    %shift_right_arithmetic3A_649 = arith.constant 4 : i32
    %shift_right_arithmetic3A_650 = arith.shrsi %squeeze3A_645, %shift_right_arithmetic3A_649 : i32
    %shift_left3A_651 = arith.constant 4 : i32
    %shift_left3A_652 = arith.shli %shift_right_arithmetic3A_650, %shift_left3A_651 : i32
    %multiple_of3A_653 = tpu.assume_multiple %shift_left3A_652, 16 : i32
    %get3A_654 = arith.index_cast %multiple_of3A_653 : i32 to index
    %get3A_655 = tpu.vector_load %arg7[%get3A_654] {strides = array<i32>} : memref<32000xf32, #tpu.memory_space<vmem>>, vector<16xf32>,
    %get3A_656 = vector.shape_cast %get3A_655 : vector<16xf32> to vector<16xf32>
    %and3A_657 = arith.constant 15 : i32
    %and3A_658 = arith.andi %squeeze3A_645, %and3A_657 : i32
    %eq3A_659 = vector.broadcast %and3A_658 : i32 to vector<16xi32>
    %eq3A_660 = arith.cmpi eq, %iota3A, %eq3A_659 : vector<16xi32>
    %jit3A_661 = arith.constant 0.000000e+00 : f32
    %broadcast_in_dim3A_662 = vector.broadcast %jit3A_661 : f32 to vector<16xf32>
    %select_n3A_663 = arith.select %eq3A_660, %get3A_656, %broadcast_in_dim3A_662 : vector<16xi1>, vector<16xf32>
    %get3A_664 = arith.constant 0 : index
    %get3A_665 = tpu.vector_load %arg7[%get3A_664] {strides = array<i32>} : memref<32000xf32, #tpu.memory_space<vmem>>, vector<16xf32>,
    %get3A_666 = vector.shape_cast %get3A_665 : vector<16xf32> to vector<16xf32>
    %mul3A_667 = arith.constant -3.12519524E-6 : f32
    %mul3A_668 = vector.broadcast %mul3A_667 : f32 to vector<16xf32>
    %mul3A_669 = arith.mulf %mul3A_668, %scan3A_639 : vector<16xf32>
    %mul3A_670 = arith.constant -0.899996876 : f32
    %mul3A_671 = vector.broadcast %mul3A_670 : f32 to vector<16xf32>
    %mul3A_672 = arith.mulf %mul3A_671, %select_n3A_663 : vector<16xf32>
    %add3A_673 = arith.addf %mul3A_669, %mul3A_672 : vector<16xf32>
    %mul3A_674 = arith.constant 3.12519524E-6 : f32
    %mul3A_675 = vector.broadcast %mul3A_674 : f32 to vector<16xf32>
    %mul3A_676 = arith.mulf %mul3A_675, %get3A_666 : vector<16xf32>
    %add3A_677 = arith.constant -1.3624258 : f32
    %add3A_678 = vector.broadcast %add3A_677 : f32 to vector<16xf32>
    %add3A_679 = arith.addf %mul3A_676, %add3A_678 : vector<16xf32>
    %mul3A_680 = arith.mulf %add3A_679, %select_n3A : vector<16xf32>
    %add3A_681 = arith.addf %add3A_673, %mul3A_680 : vector<16xf32>
    %mul3A_682 = vector.broadcast %convert_element_type3A_648 : f32 to vector<16xf32>
    %mul3A_683 = arith.mulf %mul3A_682, %add3A_681 : vector<16xf32>
    %add3A_684 = arith.addf %add3A_616, %mul3A_683 : vector<16xf32>
    %add3A_685 = arith.constant 10 : i32
    %add3A_686 = arith.addi %add3A_4, %add3A_685 : i32
    %add3A_687 = arith.constant 1 : i32
    %add3A_688 = arith.addi %add3A_686, %add3A_687 : i32
    %dma_start3A_689 = arith.constant 0 : i32
    %dma_start3A_690 = tpu.memref_slice %arg2[%add3A_688, %dma_start3A_689] : memref<2048x32000xf32, #tpu.memory_space<hbm>> -> memref<1x32000xf32, #tpu.memory_space<hbm>>
    %dma_start3A_691 = tpu.memref_squeeze %dma_start3A_690 : memref<1x32000xf32, #tpu.memory_space<hbm>> -> memref<32000xf32, #tpu.memory_space<hbm>>
    %dma_start3A_692 = arith.constant 0 : i32
    %dma_start3A_693 = tpu.memref_slice %arg2[%add3A_688, %dma_start3A_692] : memref<2048x32000xf32, #tpu.memory_space<hbm>> -> memref<1x32000xf32, #tpu.memory_space<hbm>>
    %dma_start3A_694 = tpu.memref_squeeze %dma_start3A_693 : memref<1x32000xf32, #tpu.memory_space<hbm>> -> memref<32000xf32, #tpu.memory_space<hbm>>
    tpu.enqueue_dma source(%dma_start3A_694 : memref<32000xf32, #tpu.memory_space<hbm>>) target(%arg7 : memref<32000xf32, #tpu.memory_space<vmem>>) target_semaphore(%arg10 : memref<!tpu.dma_semaphore, #tpu.memory_space<semaphore_mem>>)
    %dma_wait3A_695 = arith.constant 0 : i32
    %dma_wait3A_696 = tpu.memref_slice %arg2[%add3A_620, %dma_wait3A_695] : memref<2048x32000xf32, #tpu.memory_space<hbm>> -> memref<1x32000xf32, #tpu.memory_space<hbm>>
    %dma_wait3A_697 = tpu.memref_squeeze %dma_wait3A_696 : memref<1x32000xf32, #tpu.memory_space<hbm>> -> memref<32000xf32, #tpu.memory_space<hbm>>
    %dma_wait3A_698 = arith.constant 0 : i32
    %dma_wait3A_699 = tpu.memref_slice %arg2[%add3A_620, %dma_wait3A_698] : memref<2048x32000xf32, #tpu.memory_space<hbm>> -> memref<1x32000xf32, #tpu.memory_space<hbm>>
    %dma_wait3A_700 = tpu.memref_squeeze %dma_wait3A_699 : memref<1x32000xf32, #tpu.memory_space<hbm>> -> memref<32000xf32, #tpu.memory_space<hbm>>
    tpu.wait_dma2 semaphore(%arg9 : memref<!tpu.dma_semaphore, #tpu.memory_space<semaphore_mem>>) src(%dma_wait3A_700 : memref<32000xf32, #tpu.memory_space<hbm>>) dst(%arg6 : memref<32000xf32, #tpu.memory_space<vmem>>)
    %broadcast_in_dim3A_701 = arith.constant 0.000000e+00 : f32
    %broadcast_in_dim3A_702 = vector.broadcast %broadcast_in_dim3A_701 : f32 to vector<16xf32>
    %scan3A_703 = arith.constant 0 : i32
    %scan3A_704 = arith.constant 125 : i32
    %scan3A_705 = arith.addi %scan3A_703, %scan3A_704 : i32
    %scan3A_706 = arith.constant 1 : i32
    %scan3A_707 = scf.for %scan3A_1088 = %scan3A_703 to %scan3A_705 step %scan3A_706 iter_args(%scan3A_1089 = %broadcast_in_dim3A_702) -> (vector<16xf32>)  : i32 {
      %mul3A_1090 = arith.constant 256 : i32
      %mul3A_1091 = arith.muli %scan3A_1088, %mul3A_1090 : i32
      %multiple_of3A_1092 = tpu.assume_multiple %mul3A_1091, 256 : i32
      %add3A_1093 = arith.constant 0 : i32
      %add3A_1094 = arith.addi %multiple_of3A_1092, %add3A_1093 : i32
      %get3A_1095 = arith.index_cast %add3A_1094 : i32 to index
      %get3A_1096 = tpu.vector_load %arg6[%get3A_1095] {strides = array<i32>} : memref<32000xf32, #tpu.memory_space<vmem>>, vector<16xf32>,
      %get3A_1097 = vector.shape_cast %get3A_1096 : vector<16xf32> to vector<16xf32>
      %add3A_1098 = arith.addf %scan3A_1089, %get3A_1097 : vector<16xf32>
      %add3A_1099 = arith.constant 16 : i32
      %add3A_1100 = arith.addi %multiple_of3A_1092, %add3A_1099 : i32
      %get3A_1101 = arith.index_cast %add3A_1100 : i32 to index
      %get3A_1102 = tpu.vector_load %arg6[%get3A_1101] {strides = array<i32>} : memref<32000xf32, #tpu.memory_space<vmem>>, vector<16xf32>,
      %get3A_1103 = vector.shape_cast %get3A_1102 : vector<16xf32> to vector<16xf32>
      %add3A_1104 = arith.addf %add3A_1098, %get3A_1103 : vector<16xf32>
      %add3A_1105 = arith.constant 32 : i32
      %add3A_1106 = arith.addi %multiple_of3A_1092, %add3A_1105 : i32
      %get3A_1107 = arith.index_cast %add3A_1106 : i32 to index
      %get3A_1108 = tpu.vector_load %arg6[%get3A_1107] {strides = array<i32>} : memref<32000xf32, #tpu.memory_space<vmem>>, vector<16xf32>,
      %get3A_1109 = vector.shape_cast %get3A_1108 : vector<16xf32> to vector<16xf32>
      %add3A_1110 = arith.addf %add3A_1104, %get3A_1109 : vector<16xf32>
      %add3A_1111 = arith.constant 48 : i32
      %add3A_1112 = arith.addi %multiple_of3A_1092, %add3A_1111 : i32
      %get3A_1113 = arith.index_cast %add3A_1112 : i32 to index
      %get3A_1114 = tpu.vector_load %arg6[%get3A_1113] {strides = array<i32>} : memref<32000xf32, #tpu.memory_space<vmem>>, vector<16xf32>,
      %get3A_1115 = vector.shape_cast %get3A_1114 : vector<16xf32> to vector<16xf32>
      %add3A_1116 = arith.addf %add3A_1110, %get3A_1115 : vector<16xf32>
      %add3A_1117 = arith.constant 64 : i32
      %add3A_1118 = arith.addi %multiple_of3A_1092, %add3A_1117 : i32
      %get3A_1119 = arith.index_cast %add3A_1118 : i32 to index
      %get3A_1120 = tpu.vector_load %arg6[%get3A_1119] {strides = array<i32>} : memref<32000xf32, #tpu.memory_space<vmem>>, vector<16xf32>,
      %get3A_1121 = vector.shape_cast %get3A_1120 : vector<16xf32> to vector<16xf32>
      %add3A_1122 = arith.addf %add3A_1116, %get3A_1121 : vector<16xf32>
      %add3A_1123 = arith.constant 80 : i32
      %add3A_1124 = arith.addi %multiple_of3A_1092, %add3A_1123 : i32
      %get3A_1125 = arith.index_cast %add3A_1124 : i32 to index
      %get3A_1126 = tpu.vector_load %arg6[%get3A_1125] {strides = array<i32>} : memref<32000xf32, #tpu.memory_space<vmem>>, vector<16xf32>,
      %get3A_1127 = vector.shape_cast %get3A_1126 : vector<16xf32> to vector<16xf32>
      %add3A_1128 = arith.addf %add3A_1122, %get3A_1127 : vector<16xf32>
      %add3A_1129 = arith.constant 96 : i32
      %add3A_1130 = arith.addi %multiple_of3A_1092, %add3A_1129 : i32
      %get3A_1131 = arith.index_cast %add3A_1130 : i32 to index
      %get3A_1132 = tpu.vector_load %arg6[%get3A_1131] {strides = array<i32>} : memref<32000xf32, #tpu.memory_space<vmem>>, vector<16xf32>,
      %get3A_1133 = vector.shape_cast %get3A_1132 : vector<16xf32> to vector<16xf32>
      %add3A_1134 = arith.addf %add3A_1128, %get3A_1133 : vector<16xf32>
      %add3A_1135 = arith.constant 112 : i32
      %add3A_1136 = arith.addi %multiple_of3A_1092, %add3A_1135 : i32
      %get3A_1137 = arith.index_cast %add3A_1136 : i32 to index
      %get3A_1138 = tpu.vector_load %arg6[%get3A_1137] {strides = array<i32>} : memref<32000xf32, #tpu.memory_space<vmem>>, vector<16xf32>,
      %get3A_1139 = vector.shape_cast %get3A_1138 : vector<16xf32> to vector<16xf32>
      %add3A_1140 = arith.addf %add3A_1134, %get3A_1139 : vector<16xf32>
      %add3A_1141 = arith.constant 128 : i32
      %add3A_1142 = arith.addi %multiple_of3A_1092, %add3A_1141 : i32
      %get3A_1143 = arith.index_cast %add3A_1142 : i32 to index
      %get3A_1144 = tpu.vector_load %arg6[%get3A_1143] {strides = array<i32>} : memref<32000xf32, #tpu.memory_space<vmem>>, vector<16xf32>,
      %get3A_1145 = vector.shape_cast %get3A_1144 : vector<16xf32> to vector<16xf32>
      %add3A_1146 = arith.addf %add3A_1140, %get3A_1145 : vector<16xf32>
      %add3A_1147 = arith.constant 144 : i32
      %add3A_1148 = arith.addi %multiple_of3A_1092, %add3A_1147 : i32
      %get3A_1149 = arith.index_cast %add3A_1148 : i32 to index
      %get3A_1150 = tpu.vector_load %arg6[%get3A_1149] {strides = array<i32>} : memref<32000xf32, #tpu.memory_space<vmem>>, vector<16xf32>,
      %get3A_1151 = vector.shape_cast %get3A_1150 : vector<16xf32> to vector<16xf32>
      %add3A_1152 = arith.addf %add3A_1146, %get3A_1151 : vector<16xf32>
      %add3A_1153 = arith.constant 160 : i32
      %add3A_1154 = arith.addi %multiple_of3A_1092, %add3A_1153 : i32
      %get3A_1155 = arith.index_cast %add3A_1154 : i32 to index
      %get3A_1156 = tpu.vector_load %arg6[%get3A_1155] {strides = array<i32>} : memref<32000xf32, #tpu.memory_space<vmem>>, vector<16xf32>,
      %get3A_1157 = vector.shape_cast %get3A_1156 : vector<16xf32> to vector<16xf32>
      %add3A_1158 = arith.addf %add3A_1152, %get3A_1157 : vector<16xf32>
      %add3A_1159 = arith.constant 176 : i32
      %add3A_1160 = arith.addi %multiple_of3A_1092, %add3A_1159 : i32
      %get3A_1161 = arith.index_cast %add3A_1160 : i32 to index
      %get3A_1162 = tpu.vector_load %arg6[%get3A_1161] {strides = array<i32>} : memref<32000xf32, #tpu.memory_space<vmem>>, vector<16xf32>,
      %get3A_1163 = vector.shape_cast %get3A_1162 : vector<16xf32> to vector<16xf32>
      %add3A_1164 = arith.addf %add3A_1158, %get3A_1163 : vector<16xf32>
      %add3A_1165 = arith.constant 192 : i32
      %add3A_1166 = arith.addi %multiple_of3A_1092, %add3A_1165 : i32
      %get3A_1167 = arith.index_cast %add3A_1166 : i32 to index
      %get3A_1168 = tpu.vector_load %arg6[%get3A_1167] {strides = array<i32>} : memref<32000xf32, #tpu.memory_space<vmem>>, vector<16xf32>,
      %get3A_1169 = vector.shape_cast %get3A_1168 : vector<16xf32> to vector<16xf32>
      %add3A_1170 = arith.addf %add3A_1164, %get3A_1169 : vector<16xf32>
      %add3A_1171 = arith.constant 208 : i32
      %add3A_1172 = arith.addi %multiple_of3A_1092, %add3A_1171 : i32
      %get3A_1173 = arith.index_cast %add3A_1172 : i32 to index
      %get3A_1174 = tpu.vector_load %arg6[%get3A_1173] {strides = array<i32>} : memref<32000xf32, #tpu.memory_space<vmem>>, vector<16xf32>,
      %get3A_1175 = vector.shape_cast %get3A_1174 : vector<16xf32> to vector<16xf32>
      %add3A_1176 = arith.addf %add3A_1170, %get3A_1175 : vector<16xf32>
      %add3A_1177 = arith.constant 224 : i32
      %add3A_1178 = arith.addi %multiple_of3A_1092, %add3A_1177 : i32
      %get3A_1179 = arith.index_cast %add3A_1178 : i32 to index
      %get3A_1180 = tpu.vector_load %arg6[%get3A_1179] {strides = array<i32>} : memref<32000xf32, #tpu.memory_space<vmem>>, vector<16xf32>,
      %get3A_1181 = vector.shape_cast %get3A_1180 : vector<16xf32> to vector<16xf32>
      %add3A_1182 = arith.addf %add3A_1176, %get3A_1181 : vector<16xf32>
      %add3A_1183 = arith.constant 240 : i32
      %add3A_1184 = arith.addi %multiple_of3A_1092, %add3A_1183 : i32
      %get3A_1185 = arith.index_cast %add3A_1184 : i32 to index
      %get3A_1186 = tpu.vector_load %arg6[%get3A_1185] {strides = array<i32>} : memref<32000xf32, #tpu.memory_space<vmem>>, vector<16xf32>,
      %get3A_1187 = vector.shape_cast %get3A_1186 : vector<16xf32> to vector<16xf32>
      %add3A_1188 = arith.addf %add3A_1182, %get3A_1187 : vector<16xf32>
      scf.yield %add3A_1188 : vector<16xf32>
    }
    %scan3A_708 = arith.constant 125 : i32
    %get3A_709 = arith.constant 0 : index
    %get3A_710 = tpu.vector_load %arg5[%get3A_709] {strides = array<i32>} : memref<16xi32, #tpu.memory_space<vmem>>, vector<16xi32>,
    %get3A_711 = vector.shape_cast %get3A_710 : vector<16xi32> to vector<16xi32>
    %slice3A_712 = vector.extract_strided_slice %get3A_711 {offsets = [10], sizes = [1], strides = [1]} : vector<16xi32> to vector<1xi32>
    %squeeze3A_713 = vector.extract %slice3A_712[0] : i32 from vector<1xi32>
    %min3A_714 = arith.constant 1 : i32
    %min3A_715 = arith.minsi %squeeze3A_713, %min3A_714 : i32
    %convert_element_type3A_716 = arith.sitofp %min3A_715 : i32 to f32
    %shift_right_arithmetic3A_717 = arith.constant 4 : i32
    %shift_right_arithmetic3A_718 = arith.shrsi %squeeze3A_713, %shift_right_arithmetic3A_717 : i32
    %shift_left3A_719 = arith.constant 4 : i32
    %shift_left3A_720 = arith.shli %shift_right_arithmetic3A_718, %shift_left3A_719 : i32
    %multiple_of3A_721 = tpu.assume_multiple %shift_left3A_720, 16 : i32
    %get3A_722 = arith.index_cast %multiple_of3A_721 : i32 to index
    %get3A_723 = tpu.vector_load %arg6[%get3A_722] {strides = array<i32>} : memref<32000xf32, #tpu.memory_space<vmem>>, vector<16xf32>,
    %get3A_724 = vector.shape_cast %get3A_723 : vector<16xf32> to vector<16xf32>
    %and3A_725 = arith.constant 15 : i32
    %and3A_726 = arith.andi %squeeze3A_713, %and3A_725 : i32
    %eq3A_727 = vector.broadcast %and3A_726 : i32 to vector<16xi32>
    %eq3A_728 = arith.cmpi eq, %iota3A, %eq3A_727 : vector<16xi32>
    %jit3A_729 = arith.constant 0.000000e+00 : f32
    %broadcast_in_dim3A_730 = vector.broadcast %jit3A_729 : f32 to vector<16xf32>
    %select_n3A_731 = arith.select %eq3A_728, %get3A_724, %broadcast_in_dim3A_730 : vector<16xi1>, vector<16xf32>
    %get3A_732 = arith.constant 0 : index
    %get3A_733 = tpu.vector_load %arg6[%get3A_732] {strides = array<i32>} : memref<32000xf32, #tpu.memory_space<vmem>>, vector<16xf32>,
    %get3A_734 = vector.shape_cast %get3A_733 : vector<16xf32> to vector<16xf32>
    %mul3A_735 = arith.constant -3.12519524E-6 : f32
    %mul3A_736 = vector.broadcast %mul3A_735 : f32 to vector<16xf32>
    %mul3A_737 = arith.mulf %mul3A_736, %scan3A_707 : vector<16xf32>
    %mul3A_738 = arith.constant -0.899996876 : f32
    %mul3A_739 = vector.broadcast %mul3A_738 : f32 to vector<16xf32>
    %mul3A_740 = arith.mulf %mul3A_739, %select_n3A_731 : vector<16xf32>
    %add3A_741 = arith.addf %mul3A_737, %mul3A_740 : vector<16xf32>
    %mul3A_742 = arith.constant 3.12519524E-6 : f32
    %mul3A_743 = vector.broadcast %mul3A_742 : f32 to vector<16xf32>
    %mul3A_744 = arith.mulf %mul3A_743, %get3A_734 : vector<16xf32>
    %add3A_745 = arith.constant -1.3624258 : f32
    %add3A_746 = vector.broadcast %add3A_745 : f32 to vector<16xf32>
    %add3A_747 = arith.addf %mul3A_744, %add3A_746 : vector<16xf32>
    %mul3A_748 = arith.mulf %add3A_747, %select_n3A : vector<16xf32>
    %add3A_749 = arith.addf %add3A_741, %mul3A_748 : vector<16xf32>
    %mul3A_750 = vector.broadcast %convert_element_type3A_716 : f32 to vector<16xf32>
    %mul3A_751 = arith.mulf %mul3A_750, %add3A_749 : vector<16xf32>
    %add3A_752 = arith.addf %add3A_684, %mul3A_751 : vector<16xf32>
    %add3A_753 = arith.constant 11 : i32
    %add3A_754 = arith.addi %add3A_4, %add3A_753 : i32
    %add3A_755 = arith.constant 1 : i32
    %add3A_756 = arith.addi %add3A_754, %add3A_755 : i32
    %dma_start3A_757 = arith.constant 0 : i32
    %dma_start3A_758 = tpu.memref_slice %arg2[%add3A_756, %dma_start3A_757] : memref<2048x32000xf32, #tpu.memory_space<hbm>> -> memref<1x32000xf32, #tpu.memory_space<hbm>>
    %dma_start3A_759 = tpu.memref_squeeze %dma_start3A_758 : memref<1x32000xf32, #tpu.memory_space<hbm>> -> memref<32000xf32, #tpu.memory_space<hbm>>
    %dma_start3A_760 = arith.constant 0 : i32
    %dma_start3A_761 = tpu.memref_slice %arg2[%add3A_756, %dma_start3A_760] : memref<2048x32000xf32, #tpu.memory_space<hbm>> -> memref<1x32000xf32, #tpu.memory_space<hbm>>
    %dma_start3A_762 = tpu.memref_squeeze %dma_start3A_761 : memref<1x32000xf32, #tpu.memory_space<hbm>> -> memref<32000xf32, #tpu.memory_space<hbm>>
    tpu.enqueue_dma source(%dma_start3A_762 : memref<32000xf32, #tpu.memory_space<hbm>>) target(%arg6 : memref<32000xf32, #tpu.memory_space<vmem>>) target_semaphore(%arg9 : memref<!tpu.dma_semaphore, #tpu.memory_space<semaphore_mem>>)
    %dma_wait3A_763 = arith.constant 0 : i32
    %dma_wait3A_764 = tpu.memref_slice %arg2[%add3A_688, %dma_wait3A_763] : memref<2048x32000xf32, #tpu.memory_space<hbm>> -> memref<1x32000xf32, #tpu.memory_space<hbm>>
    %dma_wait3A_765 = tpu.memref_squeeze %dma_wait3A_764 : memref<1x32000xf32, #tpu.memory_space<hbm>> -> memref<32000xf32, #tpu.memory_space<hbm>>
    %dma_wait3A_766 = arith.constant 0 : i32
    %dma_wait3A_767 = tpu.memref_slice %arg2[%add3A_688, %dma_wait3A_766] : memref<2048x32000xf32, #tpu.memory_space<hbm>> -> memref<1x32000xf32, #tpu.memory_space<hbm>>
    %dma_wait3A_768 = tpu.memref_squeeze %dma_wait3A_767 : memref<1x32000xf32, #tpu.memory_space<hbm>> -> memref<32000xf32, #tpu.memory_space<hbm>>
    tpu.wait_dma2 semaphore(%arg10 : memref<!tpu.dma_semaphore, #tpu.memory_space<semaphore_mem>>) src(%dma_wait3A_768 : memref<32000xf32, #tpu.memory_space<hbm>>) dst(%arg7 : memref<32000xf32, #tpu.memory_space<vmem>>)
    %broadcast_in_dim3A_769 = arith.constant 0.000000e+00 : f32
    %broadcast_in_dim3A_770 = vector.broadcast %broadcast_in_dim3A_769 : f32 to vector<16xf32>
    %scan3A_771 = arith.constant 0 : i32
    %scan3A_772 = arith.constant 125 : i32
    %scan3A_773 = arith.addi %scan3A_771, %scan3A_772 : i32
    %scan3A_774 = arith.constant 1 : i32
    %scan3A_775 = scf.for %scan3A_1088 = %scan3A_771 to %scan3A_773 step %scan3A_774 iter_args(%scan3A_1089 = %broadcast_in_dim3A_770) -> (vector<16xf32>)  : i32 {
      %mul3A_1090 = arith.constant 256 : i32
      %mul3A_1091 = arith.muli %scan3A_1088, %mul3A_1090 : i32
      %multiple_of3A_1092 = tpu.assume_multiple %mul3A_1091, 256 : i32
      %add3A_1093 = arith.constant 0 : i32
      %add3A_1094 = arith.addi %multiple_of3A_1092, %add3A_1093 : i32
      %get3A_1095 = arith.index_cast %add3A_1094 : i32 to index
      %get3A_1096 = tpu.vector_load %arg7[%get3A_1095] {strides = array<i32>} : memref<32000xf32, #tpu.memory_space<vmem>>, vector<16xf32>,
      %get3A_1097 = vector.shape_cast %get3A_1096 : vector<16xf32> to vector<16xf32>
      %add3A_1098 = arith.addf %scan3A_1089, %get3A_1097 : vector<16xf32>
      %add3A_1099 = arith.constant 16 : i32
      %add3A_1100 = arith.addi %multiple_of3A_1092, %add3A_1099 : i32
      %get3A_1101 = arith.index_cast %add3A_1100 : i32 to index
      %get3A_1102 = tpu.vector_load %arg7[%get3A_1101] {strides = array<i32>} : memref<32000xf32, #tpu.memory_space<vmem>>, vector<16xf32>,
      %get3A_1103 = vector.shape_cast %get3A_1102 : vector<16xf32> to vector<16xf32>
      %add3A_1104 = arith.addf %add3A_1098, %get3A_1103 : vector<16xf32>
      %add3A_1105 = arith.constant 32 : i32
      %add3A_1106 = arith.addi %multiple_of3A_1092, %add3A_1105 : i32
      %get3A_1107 = arith.index_cast %add3A_1106 : i32 to index
      %get3A_1108 = tpu.vector_load %arg7[%get3A_1107] {strides = array<i32>} : memref<32000xf32, #tpu.memory_space<vmem>>, vector<16xf32>,
      %get3A_1109 = vector.shape_cast %get3A_1108 : vector<16xf32> to vector<16xf32>
      %add3A_1110 = arith.addf %add3A_1104, %get3A_1109 : vector<16xf32>
      %add3A_1111 = arith.constant 48 : i32
      %add3A_1112 = arith.addi %multiple_of3A_1092, %add3A_1111 : i32
      %get3A_1113 = arith.index_cast %add3A_1112 : i32 to index
      %get3A_1114 = tpu.vector_load %arg7[%get3A_1113] {strides = array<i32>} : memref<32000xf32, #tpu.memory_space<vmem>>, vector<16xf32>,
      %get3A_1115 = vector.shape_cast %get3A_1114 : vector<16xf32> to vector<16xf32>
      %add3A_1116 = arith.addf %add3A_1110, %get3A_1115 : vector<16xf32>
      %add3A_1117 = arith.constant 64 : i32
      %add3A_1118 = arith.addi %multiple_of3A_1092, %add3A_1117 : i32
      %get3A_1119 = arith.index_cast %add3A_1118 : i32 to index
      %get3A_1120 = tpu.vector_load %arg7[%get3A_1119] {strides = array<i32>} : memref<32000xf32, #tpu.memory_space<vmem>>, vector<16xf32>,
      %get3A_1121 = vector.shape_cast %get3A_1120 : vector<16xf32> to vector<16xf32>
      %add3A_1122 = arith.addf %add3A_1116, %get3A_1121 : vector<16xf32>
      %add3A_1123 = arith.constant 80 : i32
      %add3A_1124 = arith.addi %multiple_of3A_1092, %add3A_1123 : i32
      %get3A_1125 = arith.index_cast %add3A_1124 : i32 to index
      %get3A_1126 = tpu.vector_load %arg7[%get3A_1125] {strides = array<i32>} : memref<32000xf32, #tpu.memory_space<vmem>>, vector<16xf32>,
      %get3A_1127 = vector.shape_cast %get3A_1126 : vector<16xf32> to vector<16xf32>
      %add3A_1128 = arith.addf %add3A_1122, %get3A_1127 : vector<16xf32>
      %add3A_1129 = arith.constant 96 : i32
      %add3A_1130 = arith.addi %multiple_of3A_1092, %add3A_1129 : i32
      %get3A_1131 = arith.index_cast %add3A_1130 : i32 to index
      %get3A_1132 = tpu.vector_load %arg7[%get3A_1131] {strides = array<i32>} : memref<32000xf32, #tpu.memory_space<vmem>>, vector<16xf32>,
      %get3A_1133 = vector.shape_cast %get3A_1132 : vector<16xf32> to vector<16xf32>
      %add3A_1134 = arith.addf %add3A_1128, %get3A_1133 : vector<16xf32>
      %add3A_1135 = arith.constant 112 : i32
      %add3A_1136 = arith.addi %multiple_of3A_1092, %add3A_1135 : i32
      %get3A_1137 = arith.index_cast %add3A_1136 : i32 to index
      %get3A_1138 = tpu.vector_load %arg7[%get3A_1137] {strides = array<i32>} : memref<32000xf32, #tpu.memory_space<vmem>>, vector<16xf32>,
      %get3A_1139 = vector.shape_cast %get3A_1138 : vector<16xf32> to vector<16xf32>
      %add3A_1140 = arith.addf %add3A_1134, %get3A_1139 : vector<16xf32>
      %add3A_1141 = arith.constant 128 : i32
      %add3A_1142 = arith.addi %multiple_of3A_1092, %add3A_1141 : i32
      %get3A_1143 = arith.index_cast %add3A_1142 : i32 to index
      %get3A_1144 = tpu.vector_load %arg7[%get3A_1143] {strides = array<i32>} : memref<32000xf32, #tpu.memory_space<vmem>>, vector<16xf32>,
      %get3A_1145 = vector.shape_cast %get3A_1144 : vector<16xf32> to vector<16xf32>
      %add3A_1146 = arith.addf %add3A_1140, %get3A_1145 : vector<16xf32>
      %add3A_1147 = arith.constant 144 : i32
      %add3A_1148 = arith.addi %multiple_of3A_1092, %add3A_1147 : i32
      %get3A_1149 = arith.index_cast %add3A_1148 : i32 to index
      %get3A_1150 = tpu.vector_load %arg7[%get3A_1149] {strides = array<i32>} : memref<32000xf32, #tpu.memory_space<vmem>>, vector<16xf32>,
      %get3A_1151 = vector.shape_cast %get3A_1150 : vector<16xf32> to vector<16xf32>
      %add3A_1152 = arith.addf %add3A_1146, %get3A_1151 : vector<16xf32>
      %add3A_1153 = arith.constant 160 : i32
      %add3A_1154 = arith.addi %multiple_of3A_1092, %add3A_1153 : i32
      %get3A_1155 = arith.index_cast %add3A_1154 : i32 to index
      %get3A_1156 = tpu.vector_load %arg7[%get3A_1155] {strides = array<i32>} : memref<32000xf32, #tpu.memory_space<vmem>>, vector<16xf32>,
      %get3A_1157 = vector.shape_cast %get3A_1156 : vector<16xf32> to vector<16xf32>
      %add3A_1158 = arith.addf %add3A_1152, %get3A_1157 : vector<16xf32>
      %add3A_1159 = arith.constant 176 : i32
      %add3A_1160 = arith.addi %multiple_of3A_1092, %add3A_1159 : i32
      %get3A_1161 = arith.index_cast %add3A_1160 : i32 to index
      %get3A_1162 = tpu.vector_load %arg7[%get3A_1161] {strides = array<i32>} : memref<32000xf32, #tpu.memory_space<vmem>>, vector<16xf32>,
      %get3A_1163 = vector.shape_cast %get3A_1162 : vector<16xf32> to vector<16xf32>
      %add3A_1164 = arith.addf %add3A_1158, %get3A_1163 : vector<16xf32>
      %add3A_1165 = arith.constant 192 : i32
      %add3A_1166 = arith.addi %multiple_of3A_1092, %add3A_1165 : i32
      %get3A_1167 = arith.index_cast %add3A_1166 : i32 to index
      %get3A_1168 = tpu.vector_load %arg7[%get3A_1167] {strides = array<i32>} : memref<32000xf32, #tpu.memory_space<vmem>>, vector<16xf32>,
      %get3A_1169 = vector.shape_cast %get3A_1168 : vector<16xf32> to vector<16xf32>
      %add3A_1170 = arith.addf %add3A_1164, %get3A_1169 : vector<16xf32>
      %add3A_1171 = arith.constant 208 : i32
      %add3A_1172 = arith.addi %multiple_of3A_1092, %add3A_1171 : i32
      %get3A_1173 = arith.index_cast %add3A_1172 : i32 to index
      %get3A_1174 = tpu.vector_load %arg7[%get3A_1173] {strides = array<i32>} : memref<32000xf32, #tpu.memory_space<vmem>>, vector<16xf32>,
      %get3A_1175 = vector.shape_cast %get3A_1174 : vector<16xf32> to vector<16xf32>
      %add3A_1176 = arith.addf %add3A_1170, %get3A_1175 : vector<16xf32>
      %add3A_1177 = arith.constant 224 : i32
      %add3A_1178 = arith.addi %multiple_of3A_1092, %add3A_1177 : i32
      %get3A_1179 = arith.index_cast %add3A_1178 : i32 to index
      %get3A_1180 = tpu.vector_load %arg7[%get3A_1179] {strides = array<i32>} : memref<32000xf32, #tpu.memory_space<vmem>>, vector<16xf32>,
      %get3A_1181 = vector.shape_cast %get3A_1180 : vector<16xf32> to vector<16xf32>
      %add3A_1182 = arith.addf %add3A_1176, %get3A_1181 : vector<16xf32>
      %add3A_1183 = arith.constant 240 : i32
      %add3A_1184 = arith.addi %multiple_of3A_1092, %add3A_1183 : i32
      %get3A_1185 = arith.index_cast %add3A_1184 : i32 to index
      %get3A_1186 = tpu.vector_load %arg7[%get3A_1185] {strides = array<i32>} : memref<32000xf32, #tpu.memory_space<vmem>>, vector<16xf32>,
      %get3A_1187 = vector.shape_cast %get3A_1186 : vector<16xf32> to vector<16xf32>
      %add3A_1188 = arith.addf %add3A_1182, %get3A_1187 : vector<16xf32>
      scf.yield %add3A_1188 : vector<16xf32>
    }
    %scan3A_776 = arith.constant 125 : i32
    %get3A_777 = arith.constant 0 : index
    %get3A_778 = tpu.vector_load %arg5[%get3A_777] {strides = array<i32>} : memref<16xi32, #tpu.memory_space<vmem>>, vector<16xi32>,
    %get3A_779 = vector.shape_cast %get3A_778 : vector<16xi32> to vector<16xi32>
    %slice3A_780 = vector.extract_strided_slice %get3A_779 {offsets = [11], sizes = [1], strides = [1]} : vector<16xi32> to vector<1xi32>
    %squeeze3A_781 = vector.extract %slice3A_780[0] : i32 from vector<1xi32>
    %min3A_782 = arith.constant 1 : i32
    %min3A_783 = arith.minsi %squeeze3A_781, %min3A_782 : i32
    %convert_element_type3A_784 = arith.sitofp %min3A_783 : i32 to f32
    %shift_right_arithmetic3A_785 = arith.constant 4 : i32
    %shift_right_arithmetic3A_786 = arith.shrsi %squeeze3A_781, %shift_right_arithmetic3A_785 : i32
    %shift_left3A_787 = arith.constant 4 : i32
    %shift_left3A_788 = arith.shli %shift_right_arithmetic3A_786, %shift_left3A_787 : i32
    %multiple_of3A_789 = tpu.assume_multiple %shift_left3A_788, 16 : i32
    %get3A_790 = arith.index_cast %multiple_of3A_789 : i32 to index
    %get3A_791 = tpu.vector_load %arg7[%get3A_790] {strides = array<i32>} : memref<32000xf32, #tpu.memory_space<vmem>>, vector<16xf32>,
    %get3A_792 = vector.shape_cast %get3A_791 : vector<16xf32> to vector<16xf32>
    %and3A_793 = arith.constant 15 : i32
    %and3A_794 = arith.andi %squeeze3A_781, %and3A_793 : i32
    %eq3A_795 = vector.broadcast %and3A_794 : i32 to vector<16xi32>
    %eq3A_796 = arith.cmpi eq, %iota3A, %eq3A_795 : vector<16xi32>
    %jit3A_797 = arith.constant 0.000000e+00 : f32
    %broadcast_in_dim3A_798 = vector.broadcast %jit3A_797 : f32 to vector<16xf32>
    %select_n3A_799 = arith.select %eq3A_796, %get3A_792, %broadcast_in_dim3A_798 : vector<16xi1>, vector<16xf32>
    %get3A_800 = arith.constant 0 : index
    %get3A_801 = tpu.vector_load %arg7[%get3A_800] {strides = array<i32>} : memref<32000xf32, #tpu.memory_space<vmem>>, vector<16xf32>,
    %get3A_802 = vector.shape_cast %get3A_801 : vector<16xf32> to vector<16xf32>
    %mul3A_803 = arith.constant -3.12519524E-6 : f32
    %mul3A_804 = vector.broadcast %mul3A_803 : f32 to vector<16xf32>
    %mul3A_805 = arith.mulf %mul3A_804, %scan3A_775 : vector<16xf32>
    %mul3A_806 = arith.constant -0.899996876 : f32
    %mul3A_807 = vector.broadcast %mul3A_806 : f32 to vector<16xf32>
    %mul3A_808 = arith.mulf %mul3A_807, %select_n3A_799 : vector<16xf32>
    %add3A_809 = arith.addf %mul3A_805, %mul3A_808 : vector<16xf32>
    %mul3A_810 = arith.constant 3.12519524E-6 : f32
    %mul3A_811 = vector.broadcast %mul3A_810 : f32 to vector<16xf32>
    %mul3A_812 = arith.mulf %mul3A_811, %get3A_802 : vector<16xf32>
    %add3A_813 = arith.constant -1.3624258 : f32
    %add3A_814 = vector.broadcast %add3A_813 : f32 to vector<16xf32>
    %add3A_815 = arith.addf %mul3A_812, %add3A_814 : vector<16xf32>
    %mul3A_816 = arith.mulf %add3A_815, %select_n3A : vector<16xf32>
    %add3A_817 = arith.addf %add3A_809, %mul3A_816 : vector<16xf32>
    %mul3A_818 = vector.broadcast %convert_element_type3A_784 : f32 to vector<16xf32>
    %mul3A_819 = arith.mulf %mul3A_818, %add3A_817 : vector<16xf32>
    %add3A_820 = arith.addf %add3A_752, %mul3A_819 : vector<16xf32>
    %add3A_821 = arith.constant 12 : i32
    %add3A_822 = arith.addi %add3A_4, %add3A_821 : i32
    %add3A_823 = arith.constant 1 : i32
    %add3A_824 = arith.addi %add3A_822, %add3A_823 : i32
    %dma_start3A_825 = arith.constant 0 : i32
    %dma_start3A_826 = tpu.memref_slice %arg2[%add3A_824, %dma_start3A_825] : memref<2048x32000xf32, #tpu.memory_space<hbm>> -> memref<1x32000xf32, #tpu.memory_space<hbm>>
    %dma_start3A_827 = tpu.memref_squeeze %dma_start3A_826 : memref<1x32000xf32, #tpu.memory_space<hbm>> -> memref<32000xf32, #tpu.memory_space<hbm>>
    %dma_start3A_828 = arith.constant 0 : i32
    %dma_start3A_829 = tpu.memref_slice %arg2[%add3A_824, %dma_start3A_828] : memref<2048x32000xf32, #tpu.memory_space<hbm>> -> memref<1x32000xf32, #tpu.memory_space<hbm>>
    %dma_start3A_830 = tpu.memref_squeeze %dma_start3A_829 : memref<1x32000xf32, #tpu.memory_space<hbm>> -> memref<32000xf32, #tpu.memory_space<hbm>>
    tpu.enqueue_dma source(%dma_start3A_830 : memref<32000xf32, #tpu.memory_space<hbm>>) target(%arg7 : memref<32000xf32, #tpu.memory_space<vmem>>) target_semaphore(%arg10 : memref<!tpu.dma_semaphore, #tpu.memory_space<semaphore_mem>>)
    %dma_wait3A_831 = arith.constant 0 : i32
    %dma_wait3A_832 = tpu.memref_slice %arg2[%add3A_756, %dma_wait3A_831] : memref<2048x32000xf32, #tpu.memory_space<hbm>> -> memref<1x32000xf32, #tpu.memory_space<hbm>>
    %dma_wait3A_833 = tpu.memref_squeeze %dma_wait3A_832 : memref<1x32000xf32, #tpu.memory_space<hbm>> -> memref<32000xf32, #tpu.memory_space<hbm>>
    %dma_wait3A_834 = arith.constant 0 : i32
    %dma_wait3A_835 = tpu.memref_slice %arg2[%add3A_756, %dma_wait3A_834] : memref<2048x32000xf32, #tpu.memory_space<hbm>> -> memref<1x32000xf32, #tpu.memory_space<hbm>>
    %dma_wait3A_836 = tpu.memref_squeeze %dma_wait3A_835 : memref<1x32000xf32, #tpu.memory_space<hbm>> -> memref<32000xf32, #tpu.memory_space<hbm>>
    tpu.wait_dma2 semaphore(%arg9 : memref<!tpu.dma_semaphore, #tpu.memory_space<semaphore_mem>>) src(%dma_wait3A_836 : memref<32000xf32, #tpu.memory_space<hbm>>) dst(%arg6 : memref<32000xf32, #tpu.memory_space<vmem>>)
    %broadcast_in_dim3A_837 = arith.constant 0.000000e+00 : f32
    %broadcast_in_dim3A_838 = vector.broadcast %broadcast_in_dim3A_837 : f32 to vector<16xf32>
    %scan3A_839 = arith.constant 0 : i32
    %scan3A_840 = arith.constant 125 : i32
    %scan3A_841 = arith.addi %scan3A_839, %scan3A_840 : i32
    %scan3A_842 = arith.constant 1 : i32
    %scan3A_843 = scf.for %scan3A_1088 = %scan3A_839 to %scan3A_841 step %scan3A_842 iter_args(%scan3A_1089 = %broadcast_in_dim3A_838) -> (vector<16xf32>)  : i32 {
      %mul3A_1090 = arith.constant 256 : i32
      %mul3A_1091 = arith.muli %scan3A_1088, %mul3A_1090 : i32
      %multiple_of3A_1092 = tpu.assume_multiple %mul3A_1091, 256 : i32
      %add3A_1093 = arith.constant 0 : i32
      %add3A_1094 = arith.addi %multiple_of3A_1092, %add3A_1093 : i32
      %get3A_1095 = arith.index_cast %add3A_1094 : i32 to index
      %get3A_1096 = tpu.vector_load %arg6[%get3A_1095] {strides = array<i32>} : memref<32000xf32, #tpu.memory_space<vmem>>, vector<16xf32>,
      %get3A_1097 = vector.shape_cast %get3A_1096 : vector<16xf32> to vector<16xf32>
      %add3A_1098 = arith.addf %scan3A_1089, %get3A_1097 : vector<16xf32>
      %add3A_1099 = arith.constant 16 : i32
      %add3A_1100 = arith.addi %multiple_of3A_1092, %add3A_1099 : i32
      %get3A_1101 = arith.index_cast %add3A_1100 : i32 to index
      %get3A_1102 = tpu.vector_load %arg6[%get3A_1101] {strides = array<i32>} : memref<32000xf32, #tpu.memory_space<vmem>>, vector<16xf32>,
      %get3A_1103 = vector.shape_cast %get3A_1102 : vector<16xf32> to vector<16xf32>
      %add3A_1104 = arith.addf %add3A_1098, %get3A_1103 : vector<16xf32>
      %add3A_1105 = arith.constant 32 : i32
      %add3A_1106 = arith.addi %multiple_of3A_1092, %add3A_1105 : i32
      %get3A_1107 = arith.index_cast %add3A_1106 : i32 to index
      %get3A_1108 = tpu.vector_load %arg6[%get3A_1107] {strides = array<i32>} : memref<32000xf32, #tpu.memory_space<vmem>>, vector<16xf32>,
      %get3A_1109 = vector.shape_cast %get3A_1108 : vector<16xf32> to vector<16xf32>
      %add3A_1110 = arith.addf %add3A_1104, %get3A_1109 : vector<16xf32>
      %add3A_1111 = arith.constant 48 : i32
      %add3A_1112 = arith.addi %multiple_of3A_1092, %add3A_1111 : i32
      %get3A_1113 = arith.index_cast %add3A_1112 : i32 to index
      %get3A_1114 = tpu.vector_load %arg6[%get3A_1113] {strides = array<i32>} : memref<32000xf32, #tpu.memory_space<vmem>>, vector<16xf32>,
      %get3A_1115 = vector.shape_cast %get3A_1114 : vector<16xf32> to vector<16xf32>
      %add3A_1116 = arith.addf %add3A_1110, %get3A_1115 : vector<16xf32>
      %add3A_1117 = arith.constant 64 : i32
      %add3A_1118 = arith.addi %multiple_of3A_1092, %add3A_1117 : i32
      %get3A_1119 = arith.index_cast %add3A_1118 : i32 to index
      %get3A_1120 = tpu.vector_load %arg6[%get3A_1119] {strides = array<i32>} : memref<32000xf32, #tpu.memory_space<vmem>>, vector<16xf32>,
      %get3A_1121 = vector.shape_cast %get3A_1120 : vector<16xf32> to vector<16xf32>
      %add3A_1122 = arith.addf %add3A_1116, %get3A_1121 : vector<16xf32>
      %add3A_1123 = arith.constant 80 : i32
      %add3A_1124 = arith.addi %multiple_of3A_1092, %add3A_1123 : i32
      %get3A_1125 = arith.index_cast %add3A_1124 : i32 to index
      %get3A_1126 = tpu.vector_load %arg6[%get3A_1125] {strides = array<i32>} : memref<32000xf32, #tpu.memory_space<vmem>>, vector<16xf32>,
      %get3A_1127 = vector.shape_cast %get3A_1126 : vector<16xf32> to vector<16xf32>
      %add3A_1128 = arith.addf %add3A_1122, %get3A_1127 : vector<16xf32>
      %add3A_1129 = arith.constant 96 : i32
      %add3A_1130 = arith.addi %multiple_of3A_1092, %add3A_1129 : i32
      %get3A_1131 = arith.index_cast %add3A_1130 : i32 to index
      %get3A_1132 = tpu.vector_load %arg6[%get3A_1131] {strides = array<i32>} : memref<32000xf32, #tpu.memory_space<vmem>>, vector<16xf32>,
      %get3A_1133 = vector.shape_cast %get3A_1132 : vector<16xf32> to vector<16xf32>
      %add3A_1134 = arith.addf %add3A_1128, %get3A_1133 : vector<16xf32>
      %add3A_1135 = arith.constant 112 : i32
      %add3A_1136 = arith.addi %multiple_of3A_1092, %add3A_1135 : i32
      %get3A_1137 = arith.index_cast %add3A_1136 : i32 to index
      %get3A_1138 = tpu.vector_load %arg6[%get3A_1137] {strides = array<i32>} : memref<32000xf32, #tpu.memory_space<vmem>>, vector<16xf32>,
      %get3A_1139 = vector.shape_cast %get3A_1138 : vector<16xf32> to vector<16xf32>
      %add3A_1140 = arith.addf %add3A_1134, %get3A_1139 : vector<16xf32>
      %add3A_1141 = arith.constant 128 : i32
      %add3A_1142 = arith.addi %multiple_of3A_1092, %add3A_1141 : i32
      %get3A_1143 = arith.index_cast %add3A_1142 : i32 to index
      %get3A_1144 = tpu.vector_load %arg6[%get3A_1143] {strides = array<i32>} : memref<32000xf32, #tpu.memory_space<vmem>>, vector<16xf32>,
      %get3A_1145 = vector.shape_cast %get3A_1144 : vector<16xf32> to vector<16xf32>
      %add3A_1146 = arith.addf %add3A_1140, %get3A_1145 : vector<16xf32>
      %add3A_1147 = arith.constant 144 : i32
      %add3A_1148 = arith.addi %multiple_of3A_1092, %add3A_1147 : i32
      %get3A_1149 = arith.index_cast %add3A_1148 : i32 to index
      %get3A_1150 = tpu.vector_load %arg6[%get3A_1149] {strides = array<i32>} : memref<32000xf32, #tpu.memory_space<vmem>>, vector<16xf32>,
      %get3A_1151 = vector.shape_cast %get3A_1150 : vector<16xf32> to vector<16xf32>
      %add3A_1152 = arith.addf %add3A_1146, %get3A_1151 : vector<16xf32>
      %add3A_1153 = arith.constant 160 : i32
      %add3A_1154 = arith.addi %multiple_of3A_1092, %add3A_1153 : i32
      %get3A_1155 = arith.index_cast %add3A_1154 : i32 to index
      %get3A_1156 = tpu.vector_load %arg6[%get3A_1155] {strides = array<i32>} : memref<32000xf32, #tpu.memory_space<vmem>>, vector<16xf32>,
      %get3A_1157 = vector.shape_cast %get3A_1156 : vector<16xf32> to vector<16xf32>
      %add3A_1158 = arith.addf %add3A_1152, %get3A_1157 : vector<16xf32>
      %add3A_1159 = arith.constant 176 : i32
      %add3A_1160 = arith.addi %multiple_of3A_1092, %add3A_1159 : i32
      %get3A_1161 = arith.index_cast %add3A_1160 : i32 to index
      %get3A_1162 = tpu.vector_load %arg6[%get3A_1161] {strides = array<i32>} : memref<32000xf32, #tpu.memory_space<vmem>>, vector<16xf32>,
      %get3A_1163 = vector.shape_cast %get3A_1162 : vector<16xf32> to vector<16xf32>
      %add3A_1164 = arith.addf %add3A_1158, %get3A_1163 : vector<16xf32>
      %add3A_1165 = arith.constant 192 : i32
      %add3A_1166 = arith.addi %multiple_of3A_1092, %add3A_1165 : i32
      %get3A_1167 = arith.index_cast %add3A_1166 : i32 to index
      %get3A_1168 = tpu.vector_load %arg6[%get3A_1167] {strides = array<i32>} : memref<32000xf32, #tpu.memory_space<vmem>>, vector<16xf32>,
      %get3A_1169 = vector.shape_cast %get3A_1168 : vector<16xf32> to vector<16xf32>
      %add3A_1170 = arith.addf %add3A_1164, %get3A_1169 : vector<16xf32>
      %add3A_1171 = arith.constant 208 : i32
      %add3A_1172 = arith.addi %multiple_of3A_1092, %add3A_1171 : i32
      %get3A_1173 = arith.index_cast %add3A_1172 : i32 to index
      %get3A_1174 = tpu.vector_load %arg6[%get3A_1173] {strides = array<i32>} : memref<32000xf32, #tpu.memory_space<vmem>>, vector<16xf32>,
      %get3A_1175 = vector.shape_cast %get3A_1174 : vector<16xf32> to vector<16xf32>
      %add3A_1176 = arith.addf %add3A_1170, %get3A_1175 : vector<16xf32>
      %add3A_1177 = arith.constant 224 : i32
      %add3A_1178 = arith.addi %multiple_of3A_1092, %add3A_1177 : i32
      %get3A_1179 = arith.index_cast %add3A_1178 : i32 to index
      %get3A_1180 = tpu.vector_load %arg6[%get3A_1179] {strides = array<i32>} : memref<32000xf32, #tpu.memory_space<vmem>>, vector<16xf32>,
      %get3A_1181 = vector.shape_cast %get3A_1180 : vector<16xf32> to vector<16xf32>
      %add3A_1182 = arith.addf %add3A_1176, %get3A_1181 : vector<16xf32>
      %add3A_1183 = arith.constant 240 : i32
      %add3A_1184 = arith.addi %multiple_of3A_1092, %add3A_1183 : i32
      %get3A_1185 = arith.index_cast %add3A_1184 : i32 to index
      %get3A_1186 = tpu.vector_load %arg6[%get3A_1185] {strides = array<i32>} : memref<32000xf32, #tpu.memory_space<vmem>>, vector<16xf32>,
      %get3A_1187 = vector.shape_cast %get3A_1186 : vector<16xf32> to vector<16xf32>
      %add3A_1188 = arith.addf %add3A_1182, %get3A_1187 : vector<16xf32>
      scf.yield %add3A_1188 : vector<16xf32>
    }
    %scan3A_844 = arith.constant 125 : i32
    %get3A_845 = arith.constant 0 : index
    %get3A_846 = tpu.vector_load %arg5[%get3A_845] {strides = array<i32>} : memref<16xi32, #tpu.memory_space<vmem>>, vector<16xi32>,
    %get3A_847 = vector.shape_cast %get3A_846 : vector<16xi32> to vector<16xi32>
    %slice3A_848 = vector.extract_strided_slice %get3A_847 {offsets = [12], sizes = [1], strides = [1]} : vector<16xi32> to vector<1xi32>
    %squeeze3A_849 = vector.extract %slice3A_848[0] : i32 from vector<1xi32>
    %min3A_850 = arith.constant 1 : i32
    %min3A_851 = arith.minsi %squeeze3A_849, %min3A_850 : i32
    %convert_element_type3A_852 = arith.sitofp %min3A_851 : i32 to f32
    %shift_right_arithmetic3A_853 = arith.constant 4 : i32
    %shift_right_arithmetic3A_854 = arith.shrsi %squeeze3A_849, %shift_right_arithmetic3A_853 : i32
    %shift_left3A_855 = arith.constant 4 : i32
    %shift_left3A_856 = arith.shli %shift_right_arithmetic3A_854, %shift_left3A_855 : i32
    %multiple_of3A_857 = tpu.assume_multiple %shift_left3A_856, 16 : i32
    %get3A_858 = arith.index_cast %multiple_of3A_857 : i32 to index
    %get3A_859 = tpu.vector_load %arg6[%get3A_858] {strides = array<i32>} : memref<32000xf32, #tpu.memory_space<vmem>>, vector<16xf32>,
    %get3A_860 = vector.shape_cast %get3A_859 : vector<16xf32> to vector<16xf32>
    %and3A_861 = arith.constant 15 : i32
    %and3A_862 = arith.andi %squeeze3A_849, %and3A_861 : i32
    %eq3A_863 = vector.broadcast %and3A_862 : i32 to vector<16xi32>
    %eq3A_864 = arith.cmpi eq, %iota3A, %eq3A_863 : vector<16xi32>
    %jit3A_865 = arith.constant 0.000000e+00 : f32
    %broadcast_in_dim3A_866 = vector.broadcast %jit3A_865 : f32 to vector<16xf32>
    %select_n3A_867 = arith.select %eq3A_864, %get3A_860, %broadcast_in_dim3A_866 : vector<16xi1>, vector<16xf32>
    %get3A_868 = arith.constant 0 : index
    %get3A_869 = tpu.vector_load %arg6[%get3A_868] {strides = array<i32>} : memref<32000xf32, #tpu.memory_space<vmem>>, vector<16xf32>,
    %get3A_870 = vector.shape_cast %get3A_869 : vector<16xf32> to vector<16xf32>
    %mul3A_871 = arith.constant -3.12519524E-6 : f32
    %mul3A_872 = vector.broadcast %mul3A_871 : f32 to vector<16xf32>
    %mul3A_873 = arith.mulf %mul3A_872, %scan3A_843 : vector<16xf32>
    %mul3A_874 = arith.constant -0.899996876 : f32
    %mul3A_875 = vector.broadcast %mul3A_874 : f32 to vector<16xf32>
    %mul3A_876 = arith.mulf %mul3A_875, %select_n3A_867 : vector<16xf32>
    %add3A_877 = arith.addf %mul3A_873, %mul3A_876 : vector<16xf32>
    %mul3A_878 = arith.constant 3.12519524E-6 : f32
    %mul3A_879 = vector.broadcast %mul3A_878 : f32 to vector<16xf32>
    %mul3A_880 = arith.mulf %mul3A_879, %get3A_870 : vector<16xf32>
    %add3A_881 = arith.constant -1.3624258 : f32
    %add3A_882 = vector.broadcast %add3A_881 : f32 to vector<16xf32>
    %add3A_883 = arith.addf %mul3A_880, %add3A_882 : vector<16xf32>
    %mul3A_884 = arith.mulf %add3A_883, %select_n3A : vector<16xf32>
    %add3A_885 = arith.addf %add3A_877, %mul3A_884 : vector<16xf32>
    %mul3A_886 = vector.broadcast %convert_element_type3A_852 : f32 to vector<16xf32>
    %mul3A_887 = arith.mulf %mul3A_886, %add3A_885 : vector<16xf32>
    %add3A_888 = arith.addf %add3A_820, %mul3A_887 : vector<16xf32>
    %add3A_889 = arith.constant 13 : i32
    %add3A_890 = arith.addi %add3A_4, %add3A_889 : i32
    %add3A_891 = arith.constant 1 : i32
    %add3A_892 = arith.addi %add3A_890, %add3A_891 : i32
    %dma_start3A_893 = arith.constant 0 : i32
    %dma_start3A_894 = tpu.memref_slice %arg2[%add3A_892, %dma_start3A_893] : memref<2048x32000xf32, #tpu.memory_space<hbm>> -> memref<1x32000xf32, #tpu.memory_space<hbm>>
    %dma_start3A_895 = tpu.memref_squeeze %dma_start3A_894 : memref<1x32000xf32, #tpu.memory_space<hbm>> -> memref<32000xf32, #tpu.memory_space<hbm>>
    %dma_start3A_896 = arith.constant 0 : i32
    %dma_start3A_897 = tpu.memref_slice %arg2[%add3A_892, %dma_start3A_896] : memref<2048x32000xf32, #tpu.memory_space<hbm>> -> memref<1x32000xf32, #tpu.memory_space<hbm>>
    %dma_start3A_898 = tpu.memref_squeeze %dma_start3A_897 : memref<1x32000xf32, #tpu.memory_space<hbm>> -> memref<32000xf32, #tpu.memory_space<hbm>>
    tpu.enqueue_dma source(%dma_start3A_898 : memref<32000xf32, #tpu.memory_space<hbm>>) target(%arg6 : memref<32000xf32, #tpu.memory_space<vmem>>) target_semaphore(%arg9 : memref<!tpu.dma_semaphore, #tpu.memory_space<semaphore_mem>>)
    %dma_wait3A_899 = arith.constant 0 : i32
    %dma_wait3A_900 = tpu.memref_slice %arg2[%add3A_824, %dma_wait3A_899] : memref<2048x32000xf32, #tpu.memory_space<hbm>> -> memref<1x32000xf32, #tpu.memory_space<hbm>>
    %dma_wait3A_901 = tpu.memref_squeeze %dma_wait3A_900 : memref<1x32000xf32, #tpu.memory_space<hbm>> -> memref<32000xf32, #tpu.memory_space<hbm>>
    %dma_wait3A_902 = arith.constant 0 : i32
    %dma_wait3A_903 = tpu.memref_slice %arg2[%add3A_824, %dma_wait3A_902] : memref<2048x32000xf32, #tpu.memory_space<hbm>> -> memref<1x32000xf32, #tpu.memory_space<hbm>>
    %dma_wait3A_904 = tpu.memref_squeeze %dma_wait3A_903 : memref<1x32000xf32, #tpu.memory_space<hbm>> -> memref<32000xf32, #tpu.memory_space<hbm>>
    tpu.wait_dma2 semaphore(%arg10 : memref<!tpu.dma_semaphore, #tpu.memory_space<semaphore_mem>>) src(%dma_wait3A_904 : memref<32000xf32, #tpu.memory_space<hbm>>) dst(%arg7 : memref<32000xf32, #tpu.memory_space<vmem>>)
    %broadcast_in_dim3A_905 = arith.constant 0.000000e+00 : f32
    %broadcast_in_dim3A_906 = vector.broadcast %broadcast_in_dim3A_905 : f32 to vector<16xf32>
    %scan3A_907 = arith.constant 0 : i32
    %scan3A_908 = arith.constant 125 : i32
    %scan3A_909 = arith.addi %scan3A_907, %scan3A_908 : i32
    %scan3A_910 = arith.constant 1 : i32
    %scan3A_911 = scf.for %scan3A_1088 = %scan3A_907 to %scan3A_909 step %scan3A_910 iter_args(%scan3A_1089 = %broadcast_in_dim3A_906) -> (vector<16xf32>)  : i32 {
      %mul3A_1090 = arith.constant 256 : i32
      %mul3A_1091 = arith.muli %scan3A_1088, %mul3A_1090 : i32
      %multiple_of3A_1092 = tpu.assume_multiple %mul3A_1091, 256 : i32
      %add3A_1093 = arith.constant 0 : i32
      %add3A_1094 = arith.addi %multiple_of3A_1092, %add3A_1093 : i32
      %get3A_1095 = arith.index_cast %add3A_1094 : i32 to index
      %get3A_1096 = tpu.vector_load %arg7[%get3A_1095] {strides = array<i32>} : memref<32000xf32, #tpu.memory_space<vmem>>, vector<16xf32>,
      %get3A_1097 = vector.shape_cast %get3A_1096 : vector<16xf32> to vector<16xf32>
      %add3A_1098 = arith.addf %scan3A_1089, %get3A_1097 : vector<16xf32>
      %add3A_1099 = arith.constant 16 : i32
      %add3A_1100 = arith.addi %multiple_of3A_1092, %add3A_1099 : i32
      %get3A_1101 = arith.index_cast %add3A_1100 : i32 to index
      %get3A_1102 = tpu.vector_load %arg7[%get3A_1101] {strides = array<i32>} : memref<32000xf32, #tpu.memory_space<vmem>>, vector<16xf32>,
      %get3A_1103 = vector.shape_cast %get3A_1102 : vector<16xf32> to vector<16xf32>
      %add3A_1104 = arith.addf %add3A_1098, %get3A_1103 : vector<16xf32>
      %add3A_1105 = arith.constant 32 : i32
      %add3A_1106 = arith.addi %multiple_of3A_1092, %add3A_1105 : i32
      %get3A_1107 = arith.index_cast %add3A_1106 : i32 to index
      %get3A_1108 = tpu.vector_load %arg7[%get3A_1107] {strides = array<i32>} : memref<32000xf32, #tpu.memory_space<vmem>>, vector<16xf32>,
      %get3A_1109 = vector.shape_cast %get3A_1108 : vector<16xf32> to vector<16xf32>
      %add3A_1110 = arith.addf %add3A_1104, %get3A_1109 : vector<16xf32>
      %add3A_1111 = arith.constant 48 : i32
      %add3A_1112 = arith.addi %multiple_of3A_1092, %add3A_1111 : i32
      %get3A_1113 = arith.index_cast %add3A_1112 : i32 to index
      %get3A_1114 = tpu.vector_load %arg7[%get3A_1113] {strides = array<i32>} : memref<32000xf32, #tpu.memory_space<vmem>>, vector<16xf32>,
      %get3A_1115 = vector.shape_cast %get3A_1114 : vector<16xf32> to vector<16xf32>
      %add3A_1116 = arith.addf %add3A_1110, %get3A_1115 : vector<16xf32>
      %add3A_1117 = arith.constant 64 : i32
      %add3A_1118 = arith.addi %multiple_of3A_1092, %add3A_1117 : i32
      %get3A_1119 = arith.index_cast %add3A_1118 : i32 to index
      %get3A_1120 = tpu.vector_load %arg7[%get3A_1119] {strides = array<i32>} : memref<32000xf32, #tpu.memory_space<vmem>>, vector<16xf32>,
      %get3A_1121 = vector.shape_cast %get3A_1120 : vector<16xf32> to vector<16xf32>
      %add3A_1122 = arith.addf %add3A_1116, %get3A_1121 : vector<16xf32>
      %add3A_1123 = arith.constant 80 : i32
      %add3A_1124 = arith.addi %multiple_of3A_1092, %add3A_1123 : i32
      %get3A_1125 = arith.index_cast %add3A_1124 : i32 to index
      %get3A_1126 = tpu.vector_load %arg7[%get3A_1125] {strides = array<i32>} : memref<32000xf32, #tpu.memory_space<vmem>>, vector<16xf32>,
      %get3A_1127 = vector.shape_cast %get3A_1126 : vector<16xf32> to vector<16xf32>
      %add3A_1128 = arith.addf %add3A_1122, %get3A_1127 : vector<16xf32>
      %add3A_1129 = arith.constant 96 : i32
      %add3A_1130 = arith.addi %multiple_of3A_1092, %add3A_1129 : i32
      %get3A_1131 = arith.index_cast %add3A_1130 : i32 to index
      %get3A_1132 = tpu.vector_load %arg7[%get3A_1131] {strides = array<i32>} : memref<32000xf32, #tpu.memory_space<vmem>>, vector<16xf32>,
      %get3A_1133 = vector.shape_cast %get3A_1132 : vector<16xf32> to vector<16xf32>
      %add3A_1134 = arith.addf %add3A_1128, %get3A_1133 : vector<16xf32>
      %add3A_1135 = arith.constant 112 : i32
      %add3A_1136 = arith.addi %multiple_of3A_1092, %add3A_1135 : i32
      %get3A_1137 = arith.index_cast %add3A_1136 : i32 to index
      %get3A_1138 = tpu.vector_load %arg7[%get3A_1137] {strides = array<i32>} : memref<32000xf32, #tpu.memory_space<vmem>>, vector<16xf32>,
      %get3A_1139 = vector.shape_cast %get3A_1138 : vector<16xf32> to vector<16xf32>
      %add3A_1140 = arith.addf %add3A_1134, %get3A_1139 : vector<16xf32>
      %add3A_1141 = arith.constant 128 : i32
      %add3A_1142 = arith.addi %multiple_of3A_1092, %add3A_1141 : i32
      %get3A_1143 = arith.index_cast %add3A_1142 : i32 to index
      %get3A_1144 = tpu.vector_load %arg7[%get3A_1143] {strides = array<i32>} : memref<32000xf32, #tpu.memory_space<vmem>>, vector<16xf32>,
      %get3A_1145 = vector.shape_cast %get3A_1144 : vector<16xf32> to vector<16xf32>
      %add3A_1146 = arith.addf %add3A_1140, %get3A_1145 : vector<16xf32>
      %add3A_1147 = arith.constant 144 : i32
      %add3A_1148 = arith.addi %multiple_of3A_1092, %add3A_1147 : i32
      %get3A_1149 = arith.index_cast %add3A_1148 : i32 to index
      %get3A_1150 = tpu.vector_load %arg7[%get3A_1149] {strides = array<i32>} : memref<32000xf32, #tpu.memory_space<vmem>>, vector<16xf32>,
      %get3A_1151 = vector.shape_cast %get3A_1150 : vector<16xf32> to vector<16xf32>
      %add3A_1152 = arith.addf %add3A_1146, %get3A_1151 : vector<16xf32>
      %add3A_1153 = arith.constant 160 : i32
      %add3A_1154 = arith.addi %multiple_of3A_1092, %add3A_1153 : i32
      %get3A_1155 = arith.index_cast %add3A_1154 : i32 to index
      %get3A_1156 = tpu.vector_load %arg7[%get3A_1155] {strides = array<i32>} : memref<32000xf32, #tpu.memory_space<vmem>>, vector<16xf32>,
      %get3A_1157 = vector.shape_cast %get3A_1156 : vector<16xf32> to vector<16xf32>
      %add3A_1158 = arith.addf %add3A_1152, %get3A_1157 : vector<16xf32>
      %add3A_1159 = arith.constant 176 : i32
      %add3A_1160 = arith.addi %multiple_of3A_1092, %add3A_1159 : i32
      %get3A_1161 = arith.index_cast %add3A_1160 : i32 to index
      %get3A_1162 = tpu.vector_load %arg7[%get3A_1161] {strides = array<i32>} : memref<32000xf32, #tpu.memory_space<vmem>>, vector<16xf32>,
      %get3A_1163 = vector.shape_cast %get3A_1162 : vector<16xf32> to vector<16xf32>
      %add3A_1164 = arith.addf %add3A_1158, %get3A_1163 : vector<16xf32>
      %add3A_1165 = arith.constant 192 : i32
      %add3A_1166 = arith.addi %multiple_of3A_1092, %add3A_1165 : i32
      %get3A_1167 = arith.index_cast %add3A_1166 : i32 to index
      %get3A_1168 = tpu.vector_load %arg7[%get3A_1167] {strides = array<i32>} : memref<32000xf32, #tpu.memory_space<vmem>>, vector<16xf32>,
      %get3A_1169 = vector.shape_cast %get3A_1168 : vector<16xf32> to vector<16xf32>
      %add3A_1170 = arith.addf %add3A_1164, %get3A_1169 : vector<16xf32>
      %add3A_1171 = arith.constant 208 : i32
      %add3A_1172 = arith.addi %multiple_of3A_1092, %add3A_1171 : i32
      %get3A_1173 = arith.index_cast %add3A_1172 : i32 to index
      %get3A_1174 = tpu.vector_load %arg7[%get3A_1173] {strides = array<i32>} : memref<32000xf32, #tpu.memory_space<vmem>>, vector<16xf32>,
      %get3A_1175 = vector.shape_cast %get3A_1174 : vector<16xf32> to vector<16xf32>
      %add3A_1176 = arith.addf %add3A_1170, %get3A_1175 : vector<16xf32>
      %add3A_1177 = arith.constant 224 : i32
      %add3A_1178 = arith.addi %multiple_of3A_1092, %add3A_1177 : i32
      %get3A_1179 = arith.index_cast %add3A_1178 : i32 to index
      %get3A_1180 = tpu.vector_load %arg7[%get3A_1179] {strides = array<i32>} : memref<32000xf32, #tpu.memory_space<vmem>>, vector<16xf32>,
      %get3A_1181 = vector.shape_cast %get3A_1180 : vector<16xf32> to vector<16xf32>
      %add3A_1182 = arith.addf %add3A_1176, %get3A_1181 : vector<16xf32>
      %add3A_1183 = arith.constant 240 : i32
      %add3A_1184 = arith.addi %multiple_of3A_1092, %add3A_1183 : i32
      %get3A_1185 = arith.index_cast %add3A_1184 : i32 to index
      %get3A_1186 = tpu.vector_load %arg7[%get3A_1185] {strides = array<i32>} : memref<32000xf32, #tpu.memory_space<vmem>>, vector<16xf32>,
      %get3A_1187 = vector.shape_cast %get3A_1186 : vector<16xf32> to vector<16xf32>
      %add3A_1188 = arith.addf %add3A_1182, %get3A_1187 : vector<16xf32>
      scf.yield %add3A_1188 : vector<16xf32>
    }
    %scan3A_912 = arith.constant 125 : i32
    %get3A_913 = arith.constant 0 : index
    %get3A_914 = tpu.vector_load %arg5[%get3A_913] {strides = array<i32>} : memref<16xi32, #tpu.memory_space<vmem>>, vector<16xi32>,
    %get3A_915 = vector.shape_cast %get3A_914 : vector<16xi32> to vector<16xi32>
    %slice3A_916 = vector.extract_strided_slice %get3A_915 {offsets = [13], sizes = [1], strides = [1]} : vector<16xi32> to vector<1xi32>
    %squeeze3A_917 = vector.extract %slice3A_916[0] : i32 from vector<1xi32>
    %min3A_918 = arith.constant 1 : i32
    %min3A_919 = arith.minsi %squeeze3A_917, %min3A_918 : i32
    %convert_element_type3A_920 = arith.sitofp %min3A_919 : i32 to f32
    %shift_right_arithmetic3A_921 = arith.constant 4 : i32
    %shift_right_arithmetic3A_922 = arith.shrsi %squeeze3A_917, %shift_right_arithmetic3A_921 : i32
    %shift_left3A_923 = arith.constant 4 : i32
    %shift_left3A_924 = arith.shli %shift_right_arithmetic3A_922, %shift_left3A_923 : i32
    %multiple_of3A_925 = tpu.assume_multiple %shift_left3A_924, 16 : i32
    %get3A_926 = arith.index_cast %multiple_of3A_925 : i32 to index
    %get3A_927 = tpu.vector_load %arg7[%get3A_926] {strides = array<i32>} : memref<32000xf32, #tpu.memory_space<vmem>>, vector<16xf32>,
    %get3A_928 = vector.shape_cast %get3A_927 : vector<16xf32> to vector<16xf32>
    %and3A_929 = arith.constant 15 : i32
    %and3A_930 = arith.andi %squeeze3A_917, %and3A_929 : i32
    %eq3A_931 = vector.broadcast %and3A_930 : i32 to vector<16xi32>
    %eq3A_932 = arith.cmpi eq, %iota3A, %eq3A_931 : vector<16xi32>
    %jit3A_933 = arith.constant 0.000000e+00 : f32
    %broadcast_in_dim3A_934 = vector.broadcast %jit3A_933 : f32 to vector<16xf32>
    %select_n3A_935 = arith.select %eq3A_932, %get3A_928, %broadcast_in_dim3A_934 : vector<16xi1>, vector<16xf32>
    %get3A_936 = arith.constant 0 : index
    %get3A_937 = tpu.vector_load %arg7[%get3A_936] {strides = array<i32>} : memref<32000xf32, #tpu.memory_space<vmem>>, vector<16xf32>,
    %get3A_938 = vector.shape_cast %get3A_937 : vector<16xf32> to vector<16xf32>
    %mul3A_939 = arith.constant -3.12519524E-6 : f32
    %mul3A_940 = vector.broadcast %mul3A_939 : f32 to vector<16xf32>
    %mul3A_941 = arith.mulf %mul3A_940, %scan3A_911 : vector<16xf32>
    %mul3A_942 = arith.constant -0.899996876 : f32
    %mul3A_943 = vector.broadcast %mul3A_942 : f32 to vector<16xf32>
    %mul3A_944 = arith.mulf %mul3A_943, %select_n3A_935 : vector<16xf32>
    %add3A_945 = arith.addf %mul3A_941, %mul3A_944 : vector<16xf32>
    %mul3A_946 = arith.constant 3.12519524E-6 : f32
    %mul3A_947 = vector.broadcast %mul3A_946 : f32 to vector<16xf32>
    %mul3A_948 = arith.mulf %mul3A_947, %get3A_938 : vector<16xf32>
    %add3A_949 = arith.constant -1.3624258 : f32
    %add3A_950 = vector.broadcast %add3A_949 : f32 to vector<16xf32>
    %add3A_951 = arith.addf %mul3A_948, %add3A_950 : vector<16xf32>
    %mul3A_952 = arith.mulf %add3A_951, %select_n3A : vector<16xf32>
    %add3A_953 = arith.addf %add3A_945, %mul3A_952 : vector<16xf32>
    %mul3A_954 = vector.broadcast %convert_element_type3A_920 : f32 to vector<16xf32>
    %mul3A_955 = arith.mulf %mul3A_954, %add3A_953 : vector<16xf32>
    %add3A_956 = arith.addf %add3A_888, %mul3A_955 : vector<16xf32>
    %add3A_957 = arith.constant 14 : i32
    %add3A_958 = arith.addi %add3A_4, %add3A_957 : i32
    %add3A_959 = arith.constant 1 : i32
    %add3A_960 = arith.addi %add3A_958, %add3A_959 : i32
    %dma_start3A_961 = arith.constant 0 : i32
    %dma_start3A_962 = tpu.memref_slice %arg2[%add3A_960, %dma_start3A_961] : memref<2048x32000xf32, #tpu.memory_space<hbm>> -> memref<1x32000xf32, #tpu.memory_space<hbm>>
    %dma_start3A_963 = tpu.memref_squeeze %dma_start3A_962 : memref<1x32000xf32, #tpu.memory_space<hbm>> -> memref<32000xf32, #tpu.memory_space<hbm>>
    %dma_start3A_964 = arith.constant 0 : i32
    %dma_start3A_965 = tpu.memref_slice %arg2[%add3A_960, %dma_start3A_964] : memref<2048x32000xf32, #tpu.memory_space<hbm>> -> memref<1x32000xf32, #tpu.memory_space<hbm>>
    %dma_start3A_966 = tpu.memref_squeeze %dma_start3A_965 : memref<1x32000xf32, #tpu.memory_space<hbm>> -> memref<32000xf32, #tpu.memory_space<hbm>>
    tpu.enqueue_dma source(%dma_start3A_966 : memref<32000xf32, #tpu.memory_space<hbm>>) target(%arg7 : memref<32000xf32, #tpu.memory_space<vmem>>) target_semaphore(%arg10 : memref<!tpu.dma_semaphore, #tpu.memory_space<semaphore_mem>>)
    %dma_wait3A_967 = arith.constant 0 : i32
    %dma_wait3A_968 = tpu.memref_slice %arg2[%add3A_892, %dma_wait3A_967] : memref<2048x32000xf32, #tpu.memory_space<hbm>> -> memref<1x32000xf32, #tpu.memory_space<hbm>>
    %dma_wait3A_969 = tpu.memref_squeeze %dma_wait3A_968 : memref<1x32000xf32, #tpu.memory_space<hbm>> -> memref<32000xf32, #tpu.memory_space<hbm>>
    %dma_wait3A_970 = arith.constant 0 : i32
    %dma_wait3A_971 = tpu.memref_slice %arg2[%add3A_892, %dma_wait3A_970] : memref<2048x32000xf32, #tpu.memory_space<hbm>> -> memref<1x32000xf32, #tpu.memory_space<hbm>>
    %dma_wait3A_972 = tpu.memref_squeeze %dma_wait3A_971 : memref<1x32000xf32, #tpu.memory_space<hbm>> -> memref<32000xf32, #tpu.memory_space<hbm>>
    tpu.wait_dma2 semaphore(%arg9 : memref<!tpu.dma_semaphore, #tpu.memory_space<semaphore_mem>>) src(%dma_wait3A_972 : memref<32000xf32, #tpu.memory_space<hbm>>) dst(%arg6 : memref<32000xf32, #tpu.memory_space<vmem>>)
    %broadcast_in_dim3A_973 = arith.constant 0.000000e+00 : f32
    %broadcast_in_dim3A_974 = vector.broadcast %broadcast_in_dim3A_973 : f32 to vector<16xf32>
    %scan3A_975 = arith.constant 0 : i32
    %scan3A_976 = arith.constant 125 : i32
    %scan3A_977 = arith.addi %scan3A_975, %scan3A_976 : i32
    %scan3A_978 = arith.constant 1 : i32
    %scan3A_979 = scf.for %scan3A_1088 = %scan3A_975 to %scan3A_977 step %scan3A_978 iter_args(%scan3A_1089 = %broadcast_in_dim3A_974) -> (vector<16xf32>)  : i32 {
      %mul3A_1090 = arith.constant 256 : i32
      %mul3A_1091 = arith.muli %scan3A_1088, %mul3A_1090 : i32
      %multiple_of3A_1092 = tpu.assume_multiple %mul3A_1091, 256 : i32
      %add3A_1093 = arith.constant 0 : i32
      %add3A_1094 = arith.addi %multiple_of3A_1092, %add3A_1093 : i32
      %get3A_1095 = arith.index_cast %add3A_1094 : i32 to index
      %get3A_1096 = tpu.vector_load %arg6[%get3A_1095] {strides = array<i32>} : memref<32000xf32, #tpu.memory_space<vmem>>, vector<16xf32>,
      %get3A_1097 = vector.shape_cast %get3A_1096 : vector<16xf32> to vector<16xf32>
      %add3A_1098 = arith.addf %scan3A_1089, %get3A_1097 : vector<16xf32>
      %add3A_1099 = arith.constant 16 : i32
      %add3A_1100 = arith.addi %multiple_of3A_1092, %add3A_1099 : i32
      %get3A_1101 = arith.index_cast %add3A_1100 : i32 to index
      %get3A_1102 = tpu.vector_load %arg6[%get3A_1101] {strides = array<i32>} : memref<32000xf32, #tpu.memory_space<vmem>>, vector<16xf32>,
      %get3A_1103 = vector.shape_cast %get3A_1102 : vector<16xf32> to vector<16xf32>
      %add3A_1104 = arith.addf %add3A_1098, %get3A_1103 : vector<16xf32>
      %add3A_1105 = arith.constant 32 : i32
      %add3A_1106 = arith.addi %multiple_of3A_1092, %add3A_1105 : i32
      %get3A_1107 = arith.index_cast %add3A_1106 : i32 to index
      %get3A_1108 = tpu.vector_load %arg6[%get3A_1107] {strides = array<i32>} : memref<32000xf32, #tpu.memory_space<vmem>>, vector<16xf32>,
      %get3A_1109 = vector.shape_cast %get3A_1108 : vector<16xf32> to vector<16xf32>
      %add3A_1110 = arith.addf %add3A_1104, %get3A_1109 : vector<16xf32>
      %add3A_1111 = arith.constant 48 : i32
      %add3A_1112 = arith.addi %multiple_of3A_1092, %add3A_1111 : i32
      %get3A_1113 = arith.index_cast %add3A_1112 : i32 to index
      %get3A_1114 = tpu.vector_load %arg6[%get3A_1113] {strides = array<i32>} : memref<32000xf32, #tpu.memory_space<vmem>>, vector<16xf32>,
      %get3A_1115 = vector.shape_cast %get3A_1114 : vector<16xf32> to vector<16xf32>
      %add3A_1116 = arith.addf %add3A_1110, %get3A_1115 : vector<16xf32>
      %add3A_1117 = arith.constant 64 : i32
      %add3A_1118 = arith.addi %multiple_of3A_1092, %add3A_1117 : i32
      %get3A_1119 = arith.index_cast %add3A_1118 : i32 to index
      %get3A_1120 = tpu.vector_load %arg6[%get3A_1119] {strides = array<i32>} : memref<32000xf32, #tpu.memory_space<vmem>>, vector<16xf32>,
      %get3A_1121 = vector.shape_cast %get3A_1120 : vector<16xf32> to vector<16xf32>
      %add3A_1122 = arith.addf %add3A_1116, %get3A_1121 : vector<16xf32>
      %add3A_1123 = arith.constant 80 : i32
      %add3A_1124 = arith.addi %multiple_of3A_1092, %add3A_1123 : i32
      %get3A_1125 = arith.index_cast %add3A_1124 : i32 to index
      %get3A_1126 = tpu.vector_load %arg6[%get3A_1125] {strides = array<i32>} : memref<32000xf32, #tpu.memory_space<vmem>>, vector<16xf32>,
      %get3A_1127 = vector.shape_cast %get3A_1126 : vector<16xf32> to vector<16xf32>
      %add3A_1128 = arith.addf %add3A_1122, %get3A_1127 : vector<16xf32>
      %add3A_1129 = arith.constant 96 : i32
      %add3A_1130 = arith.addi %multiple_of3A_1092, %add3A_1129 : i32
      %get3A_1131 = arith.index_cast %add3A_1130 : i32 to index
      %get3A_1132 = tpu.vector_load %arg6[%get3A_1131] {strides = array<i32>} : memref<32000xf32, #tpu.memory_space<vmem>>, vector<16xf32>,
      %get3A_1133 = vector.shape_cast %get3A_1132 : vector<16xf32> to vector<16xf32>
      %add3A_1134 = arith.addf %add3A_1128, %get3A_1133 : vector<16xf32>
      %add3A_1135 = arith.constant 112 : i32
      %add3A_1136 = arith.addi %multiple_of3A_1092, %add3A_1135 : i32
      %get3A_1137 = arith.index_cast %add3A_1136 : i32 to index
      %get3A_1138 = tpu.vector_load %arg6[%get3A_1137] {strides = array<i32>} : memref<32000xf32, #tpu.memory_space<vmem>>, vector<16xf32>,
      %get3A_1139 = vector.shape_cast %get3A_1138 : vector<16xf32> to vector<16xf32>
      %add3A_1140 = arith.addf %add3A_1134, %get3A_1139 : vector<16xf32>
      %add3A_1141 = arith.constant 128 : i32
      %add3A_1142 = arith.addi %multiple_of3A_1092, %add3A_1141 : i32
      %get3A_1143 = arith.index_cast %add3A_1142 : i32 to index
      %get3A_1144 = tpu.vector_load %arg6[%get3A_1143] {strides = array<i32>} : memref<32000xf32, #tpu.memory_space<vmem>>, vector<16xf32>,
      %get3A_1145 = vector.shape_cast %get3A_1144 : vector<16xf32> to vector<16xf32>
      %add3A_1146 = arith.addf %add3A_1140, %get3A_1145 : vector<16xf32>
      %add3A_1147 = arith.constant 144 : i32
      %add3A_1148 = arith.addi %multiple_of3A_1092, %add3A_1147 : i32
      %get3A_1149 = arith.index_cast %add3A_1148 : i32 to index
      %get3A_1150 = tpu.vector_load %arg6[%get3A_1149] {strides = array<i32>} : memref<32000xf32, #tpu.memory_space<vmem>>, vector<16xf32>,
      %get3A_1151 = vector.shape_cast %get3A_1150 : vector<16xf32> to vector<16xf32>
      %add3A_1152 = arith.addf %add3A_1146, %get3A_1151 : vector<16xf32>
      %add3A_1153 = arith.constant 160 : i32
      %add3A_1154 = arith.addi %multiple_of3A_1092, %add3A_1153 : i32
      %get3A_1155 = arith.index_cast %add3A_1154 : i32 to index
      %get3A_1156 = tpu.vector_load %arg6[%get3A_1155] {strides = array<i32>} : memref<32000xf32, #tpu.memory_space<vmem>>, vector<16xf32>,
      %get3A_1157 = vector.shape_cast %get3A_1156 : vector<16xf32> to vector<16xf32>
      %add3A_1158 = arith.addf %add3A_1152, %get3A_1157 : vector<16xf32>
      %add3A_1159 = arith.constant 176 : i32
      %add3A_1160 = arith.addi %multiple_of3A_1092, %add3A_1159 : i32
      %get3A_1161 = arith.index_cast %add3A_1160 : i32 to index
      %get3A_1162 = tpu.vector_load %arg6[%get3A_1161] {strides = array<i32>} : memref<32000xf32, #tpu.memory_space<vmem>>, vector<16xf32>,
      %get3A_1163 = vector.shape_cast %get3A_1162 : vector<16xf32> to vector<16xf32>
      %add3A_1164 = arith.addf %add3A_1158, %get3A_1163 : vector<16xf32>
      %add3A_1165 = arith.constant 192 : i32
      %add3A_1166 = arith.addi %multiple_of3A_1092, %add3A_1165 : i32
      %get3A_1167 = arith.index_cast %add3A_1166 : i32 to index
      %get3A_1168 = tpu.vector_load %arg6[%get3A_1167] {strides = array<i32>} : memref<32000xf32, #tpu.memory_space<vmem>>, vector<16xf32>,
      %get3A_1169 = vector.shape_cast %get3A_1168 : vector<16xf32> to vector<16xf32>
      %add3A_1170 = arith.addf %add3A_1164, %get3A_1169 : vector<16xf32>
      %add3A_1171 = arith.constant 208 : i32
      %add3A_1172 = arith.addi %multiple_of3A_1092, %add3A_1171 : i32
      %get3A_1173 = arith.index_cast %add3A_1172 : i32 to index
      %get3A_1174 = tpu.vector_load %arg6[%get3A_1173] {strides = array<i32>} : memref<32000xf32, #tpu.memory_space<vmem>>, vector<16xf32>,
      %get3A_1175 = vector.shape_cast %get3A_1174 : vector<16xf32> to vector<16xf32>
      %add3A_1176 = arith.addf %add3A_1170, %get3A_1175 : vector<16xf32>
      %add3A_1177 = arith.constant 224 : i32
      %add3A_1178 = arith.addi %multiple_of3A_1092, %add3A_1177 : i32
      %get3A_1179 = arith.index_cast %add3A_1178 : i32 to index
      %get3A_1180 = tpu.vector_load %arg6[%get3A_1179] {strides = array<i32>} : memref<32000xf32, #tpu.memory_space<vmem>>, vector<16xf32>,
      %get3A_1181 = vector.shape_cast %get3A_1180 : vector<16xf32> to vector<16xf32>
      %add3A_1182 = arith.addf %add3A_1176, %get3A_1181 : vector<16xf32>
      %add3A_1183 = arith.constant 240 : i32
      %add3A_1184 = arith.addi %multiple_of3A_1092, %add3A_1183 : i32
      %get3A_1185 = arith.index_cast %add3A_1184 : i32 to index
      %get3A_1186 = tpu.vector_load %arg6[%get3A_1185] {strides = array<i32>} : memref<32000xf32, #tpu.memory_space<vmem>>, vector<16xf32>,
      %get3A_1187 = vector.shape_cast %get3A_1186 : vector<16xf32> to vector<16xf32>
      %add3A_1188 = arith.addf %add3A_1182, %get3A_1187 : vector<16xf32>
      scf.yield %add3A_1188 : vector<16xf32>
    }
    %scan3A_980 = arith.constant 125 : i32
    %get3A_981 = arith.constant 0 : index
    %get3A_982 = tpu.vector_load %arg5[%get3A_981] {strides = array<i32>} : memref<16xi32, #tpu.memory_space<vmem>>, vector<16xi32>,
    %get3A_983 = vector.shape_cast %get3A_982 : vector<16xi32> to vector<16xi32>
    %slice3A_984 = vector.extract_strided_slice %get3A_983 {offsets = [14], sizes = [1], strides = [1]} : vector<16xi32> to vector<1xi32>
    %squeeze3A_985 = vector.extract %slice3A_984[0] : i32 from vector<1xi32>
    %min3A_986 = arith.constant 1 : i32
    %min3A_987 = arith.minsi %squeeze3A_985, %min3A_986 : i32
    %convert_element_type3A_988 = arith.sitofp %min3A_987 : i32 to f32
    %shift_right_arithmetic3A_989 = arith.constant 4 : i32
    %shift_right_arithmetic3A_990 = arith.shrsi %squeeze3A_985, %shift_right_arithmetic3A_989 : i32
    %shift_left3A_991 = arith.constant 4 : i32
    %shift_left3A_992 = arith.shli %shift_right_arithmetic3A_990, %shift_left3A_991 : i32
    %multiple_of3A_993 = tpu.assume_multiple %shift_left3A_992, 16 : i32
    %get3A_994 = arith.index_cast %multiple_of3A_993 : i32 to index
    %get3A_995 = tpu.vector_load %arg6[%get3A_994] {strides = array<i32>} : memref<32000xf32, #tpu.memory_space<vmem>>, vector<16xf32>,
    %get3A_996 = vector.shape_cast %get3A_995 : vector<16xf32> to vector<16xf32>
    %and3A_997 = arith.constant 15 : i32
    %and3A_998 = arith.andi %squeeze3A_985, %and3A_997 : i32
    %eq3A_999 = vector.broadcast %and3A_998 : i32 to vector<16xi32>
    %eq3A_1000 = arith.cmpi eq, %iota3A, %eq3A_999 : vector<16xi32>
    %jit3A_1001 = arith.constant 0.000000e+00 : f32
    %broadcast_in_dim3A_1002 = vector.broadcast %jit3A_1001 : f32 to vector<16xf32>
    %select_n3A_1003 = arith.select %eq3A_1000, %get3A_996, %broadcast_in_dim3A_1002 : vector<16xi1>, vector<16xf32>
    %get3A_1004 = arith.constant 0 : index
    %get3A_1005 = tpu.vector_load %arg6[%get3A_1004] {strides = array<i32>} : memref<32000xf32, #tpu.memory_space<vmem>>, vector<16xf32>,
    %get3A_1006 = vector.shape_cast %get3A_1005 : vector<16xf32> to vector<16xf32>
    %mul3A_1007 = arith.constant -3.12519524E-6 : f32
    %mul3A_1008 = vector.broadcast %mul3A_1007 : f32 to vector<16xf32>
    %mul3A_1009 = arith.mulf %mul3A_1008, %scan3A_979 : vector<16xf32>
    %mul3A_1010 = arith.constant -0.899996876 : f32
    %mul3A_1011 = vector.broadcast %mul3A_1010 : f32 to vector<16xf32>
    %mul3A_1012 = arith.mulf %mul3A_1011, %select_n3A_1003 : vector<16xf32>
    %add3A_1013 = arith.addf %mul3A_1009, %mul3A_1012 : vector<16xf32>
    %mul3A_1014 = arith.constant 3.12519524E-6 : f32
    %mul3A_1015 = vector.broadcast %mul3A_1014 : f32 to vector<16xf32>
    %mul3A_1016 = arith.mulf %mul3A_1015, %get3A_1006 : vector<16xf32>
    %add3A_1017 = arith.constant -1.3624258 : f32
    %add3A_1018 = vector.broadcast %add3A_1017 : f32 to vector<16xf32>
    %add3A_1019 = arith.addf %mul3A_1016, %add3A_1018 : vector<16xf32>
    %mul3A_1020 = arith.mulf %add3A_1019, %select_n3A : vector<16xf32>
    %add3A_1021 = arith.addf %add3A_1013, %mul3A_1020 : vector<16xf32>
    %mul3A_1022 = vector.broadcast %convert_element_type3A_988 : f32 to vector<16xf32>
    %mul3A_1023 = arith.mulf %mul3A_1022, %add3A_1021 : vector<16xf32>
    %add3A_1024 = arith.addf %add3A_956, %mul3A_1023 : vector<16xf32>
    %dma_wait3A_1025 = arith.constant 0 : i32
    %dma_wait3A_1026 = tpu.memref_slice %arg2[%add3A_960, %dma_wait3A_1025] : memref<2048x32000xf32, #tpu.memory_space<hbm>> -> memref<1x32000xf32, #tpu.memory_space<hbm>>
    %dma_wait3A_1027 = tpu.memref_squeeze %dma_wait3A_1026 : memref<1x32000xf32, #tpu.memory_space<hbm>> -> memref<32000xf32, #tpu.memory_space<hbm>>
    %dma_wait3A_1028 = arith.constant 0 : i32
    %dma_wait3A_1029 = tpu.memref_slice %arg2[%add3A_960, %dma_wait3A_1028] : memref<2048x32000xf32, #tpu.memory_space<hbm>> -> memref<1x32000xf32, #tpu.memory_space<hbm>>
    %dma_wait3A_1030 = tpu.memref_squeeze %dma_wait3A_1029 : memref<1x32000xf32, #tpu.memory_space<hbm>> -> memref<32000xf32, #tpu.memory_space<hbm>>
    tpu.wait_dma2 semaphore(%arg10 : memref<!tpu.dma_semaphore, #tpu.memory_space<semaphore_mem>>) src(%dma_wait3A_1030 : memref<32000xf32, #tpu.memory_space<hbm>>) dst(%arg7 : memref<32000xf32, #tpu.memory_space<vmem>>)
    %broadcast_in_dim3A_1031 = arith.constant 0.000000e+00 : f32
    %broadcast_in_dim3A_1032 = vector.broadcast %broadcast_in_dim3A_1031 : f32 to vector<16xf32>
    %scan3A_1033 = arith.constant 0 : i32
    %scan3A_1034 = arith.constant 125 : i32
    %scan3A_1035 = arith.addi %scan3A_1033, %scan3A_1034 : i32
    %scan3A_1036 = arith.constant 1 : i32
    %scan3A_1037 = scf.for %scan3A_1088 = %scan3A_1033 to %scan3A_1035 step %scan3A_1036 iter_args(%scan3A_1089 = %broadcast_in_dim3A_1032) -> (vector<16xf32>)  : i32 {
      %mul3A_1090 = arith.constant 256 : i32
      %mul3A_1091 = arith.muli %scan3A_1088, %mul3A_1090 : i32
      %multiple_of3A_1092 = tpu.assume_multiple %mul3A_1091, 256 : i32
      %add3A_1093 = arith.constant 0 : i32
      %add3A_1094 = arith.addi %multiple_of3A_1092, %add3A_1093 : i32
      %get3A_1095 = arith.index_cast %add3A_1094 : i32 to index
      %get3A_1096 = tpu.vector_load %arg7[%get3A_1095] {strides = array<i32>} : memref<32000xf32, #tpu.memory_space<vmem>>, vector<16xf32>,
      %get3A_1097 = vector.shape_cast %get3A_1096 : vector<16xf32> to vector<16xf32>
      %add3A_1098 = arith.addf %scan3A_1089, %get3A_1097 : vector<16xf32>
      %add3A_1099 = arith.constant 16 : i32
      %add3A_1100 = arith.addi %multiple_of3A_1092, %add3A_1099 : i32
      %get3A_1101 = arith.index_cast %add3A_1100 : i32 to index
      %get3A_1102 = tpu.vector_load %arg7[%get3A_1101] {strides = array<i32>} : memref<32000xf32, #tpu.memory_space<vmem>>, vector<16xf32>,
      %get3A_1103 = vector.shape_cast %get3A_1102 : vector<16xf32> to vector<16xf32>
      %add3A_1104 = arith.addf %add3A_1098, %get3A_1103 : vector<16xf32>
      %add3A_1105 = arith.constant 32 : i32
      %add3A_1106 = arith.addi %multiple_of3A_1092, %add3A_1105 : i32
      %get3A_1107 = arith.index_cast %add3A_1106 : i32 to index
      %get3A_1108 = tpu.vector_load %arg7[%get3A_1107] {strides = array<i32>} : memref<32000xf32, #tpu.memory_space<vmem>>, vector<16xf32>,
      %get3A_1109 = vector.shape_cast %get3A_1108 : vector<16xf32> to vector<16xf32>
      %add3A_1110 = arith.addf %add3A_1104, %get3A_1109 : vector<16xf32>
      %add3A_1111 = arith.constant 48 : i32
      %add3A_1112 = arith.addi %multiple_of3A_1092, %add3A_1111 : i32
      %get3A_1113 = arith.index_cast %add3A_1112 : i32 to index
      %get3A_1114 = tpu.vector_load %arg7[%get3A_1113] {strides = array<i32>} : memref<32000xf32, #tpu.memory_space<vmem>>, vector<16xf32>,
      %get3A_1115 = vector.shape_cast %get3A_1114 : vector<16xf32> to vector<16xf32>
      %add3A_1116 = arith.addf %add3A_1110, %get3A_1115 : vector<16xf32>
      %add3A_1117 = arith.constant 64 : i32
      %add3A_1118 = arith.addi %multiple_of3A_1092, %add3A_1117 : i32
      %get3A_1119 = arith.index_cast %add3A_1118 : i32 to index
      %get3A_1120 = tpu.vector_load %arg7[%get3A_1119] {strides = array<i32>} : memref<32000xf32, #tpu.memory_space<vmem>>, vector<16xf32>,
      %get3A_1121 = vector.shape_cast %get3A_1120 : vector<16xf32> to vector<16xf32>
      %add3A_1122 = arith.addf %add3A_1116, %get3A_1121 : vector<16xf32>
      %add3A_1123 = arith.constant 80 : i32
      %add3A_1124 = arith.addi %multiple_of3A_1092, %add3A_1123 : i32
      %get3A_1125 = arith.index_cast %add3A_1124 : i32 to index
      %get3A_1126 = tpu.vector_load %arg7[%get3A_1125] {strides = array<i32>} : memref<32000xf32, #tpu.memory_space<vmem>>, vector<16xf32>,
      %get3A_1127 = vector.shape_cast %get3A_1126 : vector<16xf32> to vector<16xf32>
      %add3A_1128 = arith.addf %add3A_1122, %get3A_1127 : vector<16xf32>
      %add3A_1129 = arith.constant 96 : i32
      %add3A_1130 = arith.addi %multiple_of3A_1092, %add3A_1129 : i32
      %get3A_1131 = arith.index_cast %add3A_1130 : i32 to index
      %get3A_1132 = tpu.vector_load %arg7[%get3A_1131] {strides = array<i32>} : memref<32000xf32, #tpu.memory_space<vmem>>, vector<16xf32>,
      %get3A_1133 = vector.shape_cast %get3A_1132 : vector<16xf32> to vector<16xf32>
      %add3A_1134 = arith.addf %add3A_1128, %get3A_1133 : vector<16xf32>
      %add3A_1135 = arith.constant 112 : i32
      %add3A_1136 = arith.addi %multiple_of3A_1092, %add3A_1135 : i32
      %get3A_1137 = arith.index_cast %add3A_1136 : i32 to index
      %get3A_1138 = tpu.vector_load %arg7[%get3A_1137] {strides = array<i32>} : memref<32000xf32, #tpu.memory_space<vmem>>, vector<16xf32>,
      %get3A_1139 = vector.shape_cast %get3A_1138 : vector<16xf32> to vector<16xf32>
      %add3A_1140 = arith.addf %add3A_1134, %get3A_1139 : vector<16xf32>
      %add3A_1141 = arith.constant 128 : i32
      %add3A_1142 = arith.addi %multiple_of3A_1092, %add3A_1141 : i32
      %get3A_1143 = arith.index_cast %add3A_1142 : i32 to index
      %get3A_1144 = tpu.vector_load %arg7[%get3A_1143] {strides = array<i32>} : memref<32000xf32, #tpu.memory_space<vmem>>, vector<16xf32>,
      %get3A_1145 = vector.shape_cast %get3A_1144 : vector<16xf32> to vector<16xf32>
      %add3A_1146 = arith.addf %add3A_1140, %get3A_1145 : vector<16xf32>
      %add3A_1147 = arith.constant 144 : i32
      %add3A_1148 = arith.addi %multiple_of3A_1092, %add3A_1147 : i32
      %get3A_1149 = arith.index_cast %add3A_1148 : i32 to index
      %get3A_1150 = tpu.vector_load %arg7[%get3A_1149] {strides = array<i32>} : memref<32000xf32, #tpu.memory_space<vmem>>, vector<16xf32>,
      %get3A_1151 = vector.shape_cast %get3A_1150 : vector<16xf32> to vector<16xf32>
      %add3A_1152 = arith.addf %add3A_1146, %get3A_1151 : vector<16xf32>
      %add3A_1153 = arith.constant 160 : i32
      %add3A_1154 = arith.addi %multiple_of3A_1092, %add3A_1153 : i32
      %get3A_1155 = arith.index_cast %add3A_1154 : i32 to index
      %get3A_1156 = tpu.vector_load %arg7[%get3A_1155] {strides = array<i32>} : memref<32000xf32, #tpu.memory_space<vmem>>, vector<16xf32>,
      %get3A_1157 = vector.shape_cast %get3A_1156 : vector<16xf32> to vector<16xf32>
      %add3A_1158 = arith.addf %add3A_1152, %get3A_1157 : vector<16xf32>
      %add3A_1159 = arith.constant 176 : i32
      %add3A_1160 = arith.addi %multiple_of3A_1092, %add3A_1159 : i32
      %get3A_1161 = arith.index_cast %add3A_1160 : i32 to index
      %get3A_1162 = tpu.vector_load %arg7[%get3A_1161] {strides = array<i32>} : memref<32000xf32, #tpu.memory_space<vmem>>, vector<16xf32>,
      %get3A_1163 = vector.shape_cast %get3A_1162 : vector<16xf32> to vector<16xf32>
      %add3A_1164 = arith.addf %add3A_1158, %get3A_1163 : vector<16xf32>
      %add3A_1165 = arith.constant 192 : i32
      %add3A_1166 = arith.addi %multiple_of3A_1092, %add3A_1165 : i32
      %get3A_1167 = arith.index_cast %add3A_1166 : i32 to index
      %get3A_1168 = tpu.vector_load %arg7[%get3A_1167] {strides = array<i32>} : memref<32000xf32, #tpu.memory_space<vmem>>, vector<16xf32>,
      %get3A_1169 = vector.shape_cast %get3A_1168 : vector<16xf32> to vector<16xf32>
      %add3A_1170 = arith.addf %add3A_1164, %get3A_1169 : vector<16xf32>
      %add3A_1171 = arith.constant 208 : i32
      %add3A_1172 = arith.addi %multiple_of3A_1092, %add3A_1171 : i32
      %get3A_1173 = arith.index_cast %add3A_1172 : i32 to index
      %get3A_1174 = tpu.vector_load %arg7[%get3A_1173] {strides = array<i32>} : memref<32000xf32, #tpu.memory_space<vmem>>, vector<16xf32>,
      %get3A_1175 = vector.shape_cast %get3A_1174 : vector<16xf32> to vector<16xf32>
      %add3A_1176 = arith.addf %add3A_1170, %get3A_1175 : vector<16xf32>
      %add3A_1177 = arith.constant 224 : i32
      %add3A_1178 = arith.addi %multiple_of3A_1092, %add3A_1177 : i32
      %get3A_1179 = arith.index_cast %add3A_1178 : i32 to index
      %get3A_1180 = tpu.vector_load %arg7[%get3A_1179] {strides = array<i32>} : memref<32000xf32, #tpu.memory_space<vmem>>, vector<16xf32>,
      %get3A_1181 = vector.shape_cast %get3A_1180 : vector<16xf32> to vector<16xf32>
      %add3A_1182 = arith.addf %add3A_1176, %get3A_1181 : vector<16xf32>
      %add3A_1183 = arith.constant 240 : i32
      %add3A_1184 = arith.addi %multiple_of3A_1092, %add3A_1183 : i32
      %get3A_1185 = arith.index_cast %add3A_1184 : i32 to index
      %get3A_1186 = tpu.vector_load %arg7[%get3A_1185] {strides = array<i32>} : memref<32000xf32, #tpu.memory_space<vmem>>, vector<16xf32>,
      %get3A_1187 = vector.shape_cast %get3A_1186 : vector<16xf32> to vector<16xf32>
      %add3A_1188 = arith.addf %add3A_1182, %get3A_1187 : vector<16xf32>
      scf.yield %add3A_1188 : vector<16xf32>
    }
    %scan3A_1038 = arith.constant 125 : i32
    %get3A_1039 = arith.constant 0 : index
    %get3A_1040 = tpu.vector_load %arg5[%get3A_1039] {strides = array<i32>} : memref<16xi32, #tpu.memory_space<vmem>>, vector<16xi32>,
    %get3A_1041 = vector.shape_cast %get3A_1040 : vector<16xi32> to vector<16xi32>
    %slice3A_1042 = vector.extract_strided_slice %get3A_1041 {offsets = [15], sizes = [1], strides = [1]} : vector<16xi32> to vector<1xi32>
    %squeeze3A_1043 = vector.extract %slice3A_1042[0] : i32 from vector<1xi32>
    %min3A_1044 = arith.constant 1 : i32
    %min3A_1045 = arith.minsi %squeeze3A_1043, %min3A_1044 : i32
    %convert_element_type3A_1046 = arith.sitofp %min3A_1045 : i32 to f32
    %shift_right_arithmetic3A_1047 = arith.constant 4 : i32
    %shift_right_arithmetic3A_1048 = arith.shrsi %squeeze3A_1043, %shift_right_arithmetic3A_1047 : i32
    %shift_left3A_1049 = arith.constant 4 : i32
    %shift_left3A_1050 = arith.shli %shift_right_arithmetic3A_1048, %shift_left3A_1049 : i32
    %multiple_of3A_1051 = tpu.assume_multiple %shift_left3A_1050, 16 : i32
    %get3A_1052 = arith.index_cast %multiple_of3A_1051 : i32 to index
    %get3A_1053 = tpu.vector_load %arg7[%get3A_1052] {strides = array<i32>} : memref<32000xf32, #tpu.memory_space<vmem>>, vector<16xf32>,
    %get3A_1054 = vector.shape_cast %get3A_1053 : vector<16xf32> to vector<16xf32>
    %and3A_1055 = arith.constant 15 : i32
    %and3A_1056 = arith.andi %squeeze3A_1043, %and3A_1055 : i32
    %eq3A_1057 = vector.broadcast %and3A_1056 : i32 to vector<16xi32>
    %eq3A_1058 = arith.cmpi eq, %iota3A, %eq3A_1057 : vector<16xi32>
    %jit3A_1059 = arith.constant 0.000000e+00 : f32
    %broadcast_in_dim3A_1060 = vector.broadcast %jit3A_1059 : f32 to vector<16xf32>
    %select_n3A_1061 = arith.select %eq3A_1058, %get3A_1054, %broadcast_in_dim3A_1060 : vector<16xi1>, vector<16xf32>
    %get3A_1062 = arith.constant 0 : index
    %get3A_1063 = tpu.vector_load %arg7[%get3A_1062] {strides = array<i32>} : memref<32000xf32, #tpu.memory_space<vmem>>, vector<16xf32>,
    %get3A_1064 = vector.shape_cast %get3A_1063 : vector<16xf32> to vector<16xf32>
    %mul3A_1065 = arith.constant -3.12519524E-6 : f32
    %mul3A_1066 = vector.broadcast %mul3A_1065 : f32 to vector<16xf32>
    %mul3A_1067 = arith.mulf %mul3A_1066, %scan3A_1037 : vector<16xf32>
    %mul3A_1068 = arith.constant -0.899996876 : f32
    %mul3A_1069 = vector.broadcast %mul3A_1068 : f32 to vector<16xf32>
    %mul3A_1070 = arith.mulf %mul3A_1069, %select_n3A_1061 : vector<16xf32>
    %add3A_1071 = arith.addf %mul3A_1067, %mul3A_1070 : vector<16xf32>
    %mul3A_1072 = arith.constant 3.12519524E-6 : f32
    %mul3A_1073 = vector.broadcast %mul3A_1072 : f32 to vector<16xf32>
    %mul3A_1074 = arith.mulf %mul3A_1073, %get3A_1064 : vector<16xf32>
    %add3A_1075 = arith.constant -1.3624258 : f32
    %add3A_1076 = vector.broadcast %add3A_1075 : f32 to vector<16xf32>
    %add3A_1077 = arith.addf %mul3A_1074, %add3A_1076 : vector<16xf32>
    %mul3A_1078 = arith.mulf %add3A_1077, %select_n3A : vector<16xf32>
    %add3A_1079 = arith.addf %add3A_1071, %mul3A_1078 : vector<16xf32>
    %mul3A_1080 = vector.broadcast %convert_element_type3A_1046 : f32 to vector<16xf32>
    %mul3A_1081 = arith.mulf %mul3A_1080, %add3A_1079 : vector<16xf32>
    %add3A_1082 = arith.addf %add3A_1024, %mul3A_1081 : vector<16xf32>
    %swap3A = arith.constant 0 : index
    %swap3A_1083 = tpu.vector_load %arg8[%swap3A] {strides = array<i32>} : memref<16xf32, #tpu.memory_space<vmem>>, vector<16xf32>,
    %swap3A_1084 = vector.shape_cast %swap3A_1083 : vector<16xf32> to vector<16xf32>
    %swap3A_1085 = vector.shape_cast %add3A_1082 : vector<16xf32> to vector<16xf32>
    tpu.vector_store %arg8[%swap3A], %swap3A_1085 {strides = array<i32>} : memref<16xf32, #tpu.memory_space<vmem>>, vector<16xf32>,
    %mul3A_1086 = arith.constant 16 : i32
    %mul3A_1087 = arith.muli %add3A, %mul3A_1086 : i32
    "tpu.region"() ({
      %run_scoped3A = tpu.sem_alloc : memref<!tpu.dma_semaphore, #tpu.memory_space<semaphore_mem>>
      %dma_start3A_1088 = tpu.memref_slice %arg4[%mul3A_1087] : memref<512xf32, #tpu.memory_space<hbm>> -> memref<16xf32, #tpu.memory_space<hbm>>
      %dma_start3A_1089 = tpu.memref_slice %arg4[%mul3A_1087] : memref<512xf32, #tpu.memory_space<hbm>> -> memref<16xf32, #tpu.memory_space<hbm>>
      tpu.enqueue_dma source(%arg8 : memref<16xf32, #tpu.memory_space<vmem>>) target(%dma_start3A_1089 : memref<16xf32, #tpu.memory_space<hbm>>) target_semaphore(%run_scoped3A : memref<!tpu.dma_semaphore, #tpu.memory_space<semaphore_mem>>)
      %dma_wait3A_1090 = tpu.memref_slice %arg4[%mul3A_1087] : memref<512xf32, #tpu.memory_space<hbm>> -> memref<16xf32, #tpu.memory_space<hbm>>
      %dma_wait3A_1091 = tpu.memref_slice %arg4[%mul3A_1087] : memref<512xf32, #tpu.memory_space<hbm>> -> memref<16xf32, #tpu.memory_space<hbm>>
      tpu.wait_dma2 semaphore(%run_scoped3A : memref<!tpu.dma_semaphore, #tpu.memory_space<semaphore_mem>>) src(%arg8 : memref<16xf32, #tpu.memory_space<vmem>>) dst(%dma_wait3A_1091 : memref<16xf32, #tpu.memory_space<hbm>>)
      tpu.yield
    }) : () -> ()
    return
  }
}

module attributes {stable_mosaic.version = 14 : i64} {
  func.func @_tc_body(%arg0: i32, %arg1: memref<64x1xi32, #tpu.memory_space<vmem>>, %arg2: memref<64x32000xf32, #tpu.memory_space<vmem>>, %arg3: memref<1x1xf32, #tpu.memory_space<smem>>) attributes {dimension_semantics = [#tpu.dimension_semantics<arbitrary>], iteration_bounds = array<i64: 24>, scalar_prefetch = 0 : i64, scratch_operands = 0 : i64, tpu.core_type = #tpu.core_type<tc>, window_params = [{transform_indices = @transform_0, window_bounds = array<i64: 64, 1>}, {transform_indices = @transform_1, window_bounds = array<i64: 64, 32000>}, {transform_indices = @transform_2, window_bounds = array<i64: 1, 1>}]} {
    %eq3A = arith.constant 0 : i32
    %eq3A_0 = arith.cmpi eq, %arg0, %eq3A : i32
    %convert_element_type3A = arith.extui %eq3A_0 : i1 to i32
    %cond3A = arith.constant 0 : i32
    %cond3A_1 = arith.cmpi ne, %convert_element_type3A, %cond3A : i32
    scf.if %cond3A_1 {
      %swap3A_65 = arith.constant 0.000000e+00 : f32
      %swap3A_66 = arith.constant 0 : index
      %swap3A_67 = arith.constant 0 : index
      %swap3A_68 = memref.load %arg3[%swap3A_66, %swap3A_67] : memref<1x1xf32, #tpu.memory_space<smem>>
      memref.store %swap3A_65, %arg3[%swap3A_66, %swap3A_67] : memref<1x1xf32, #tpu.memory_space<smem>>
    } else {
    }
    %get3A = arith.constant 0 : index
    %get3A_2 = arith.constant 0 : index
    %get3A_3 = vector.load %arg1[%get3A, %get3A_2] : memref<64x1xi32, #tpu.memory_space<vmem>>, vector<64x1xi32>
    %ne3A = arith.constant 0 : i32
    %ne3A_4 = vector.broadcast %ne3A : i32 to vector<64x1xi32>
    %ne3A_5 = arith.cmpi ne, %get3A_3, %ne3A_4 : vector<64x1xi32>
    %get3A_6 = arith.constant 0 : index
    %get3A_7 = arith.constant 0 : index
    %get3A_8 = vector.load %arg2[%get3A_6, %get3A_7] : memref<64x32000xf32, #tpu.memory_space<vmem>>, vector<64x32000xf32>
    %reduce_sum3A = arith.constant dense<0.000000e+00> : vector<64xf32>
    %reduce_sum3A_9 = vector.multi_reduction <add>, %get3A_8, %reduce_sum3A [1] : vector<64x32000xf32> to vector<64xf32>
    %broadcast_in_dim3A = vector.shape_cast %reduce_sum3A_9 : vector<64xf32> to vector<64x1xf32>
    %iota3A = tpu.iota {dimensions = array<i32: 1>} : vector<64x32000xi32>
    %eq3A_10 = vector.broadcast %get3A_3 : vector<64x1xi32> to vector<64x32000xi32>
    %eq3A_11 = arith.cmpi eq, %iota3A, %eq3A_10 : vector<64x32000xi32>
    %jit3A = arith.constant 0.000000e+00 : f32
    %broadcast_in_dim3A_12 = vector.broadcast %jit3A : f32 to vector<64x32000xf32>
    %select_n3A = arith.select %eq3A_11, %get3A_8, %broadcast_in_dim3A_12 : vector<64x32000xi1>, vector<64x32000xf32>
    %reduce_sum3A_13 = arith.constant dense<0.000000e+00> : vector<64xf32>
    %reduce_sum3A_14 = vector.multi_reduction <add>, %select_n3A, %reduce_sum3A_13 [1] : vector<64x32000xf32> to vector<64xf32>
    %broadcast_in_dim3A_15 = vector.shape_cast %reduce_sum3A_14 : vector<64xf32> to vector<64x1xf32>
    %slice3A = vector.extract_strided_slice %get3A_8 {offsets = [0, 0], sizes = [64, 1], strides = [1, 1]} : vector<64x32000xf32> to vector<64x1xf32>
    %jit3A_16 = arith.constant 0.000000e+00 : f32
    %broadcast_in_dim3A_17 = vector.broadcast %jit3A_16 : f32 to vector<64x1xf32>
    %select_n3A_18 = arith.select %ne3A_5, %slice3A, %broadcast_in_dim3A_17 : vector<64x1xi1>, vector<64x1xf32>
    %jit3A_19 = arith.constant 1.000000e+00 : f32
    %jit3A_20 = arith.constant 0.000000e+00 : f32
    %broadcast_in_dim3A_21 = vector.broadcast %jit3A_19 : f32 to vector<64x1xf32>
    %broadcast_in_dim3A_22 = vector.broadcast %jit3A_20 : f32 to vector<64x1xf32>
    %select_n3A_23 = arith.select %ne3A_5, %broadcast_in_dim3A_21, %broadcast_in_dim3A_22 : vector<64x1xi1>, vector<64x1xf32>
    %reduce_sum3A_24 = vector.shape_cast %select_n3A_23 : vector<64x1xf32> to vector<1x64x1xf32>
    %reduce_sum3A_25 = arith.constant dense<0.000000e+00> : vector<1xf32>
    %reduce_sum3A_26 = vector.multi_reduction <add>, %reduce_sum3A_24, %reduce_sum3A_25 [1, 2] : vector<1x64x1xf32> to vector<1xf32>
    %reduce_sum3A_27 = vector.shape_cast %reduce_sum3A_26 : vector<1xf32> to vector<1x1x1xf32>
    %reduce_sum3A_28 = vector.extract %reduce_sum3A_27[0, 0, 0] : f32 from vector<1x1x1xf32>
    %get3A_29 = arith.constant 0 : index
    %get3A_30 = arith.constant 0 : index
    %get3A_31 = memref.load %arg3[%get3A_29, %get3A_30] : memref<1x1xf32, #tpu.memory_space<smem>>
    %jit3A_32 = arith.constant 0.000000e+00 : f32
    %broadcast_in_dim3A_33 = vector.broadcast %jit3A_32 : f32 to vector<64x1xf32>
    %select_n3A_34 = arith.select %ne3A_5, %broadcast_in_dim3A, %broadcast_in_dim3A_33 : vector<64x1xi1>, vector<64x1xf32>
    %reduce_sum3A_35 = vector.shape_cast %select_n3A_34 : vector<64x1xf32> to vector<1x64x1xf32>
    %reduce_sum3A_36 = arith.constant dense<0.000000e+00> : vector<1xf32>
    %reduce_sum3A_37 = vector.multi_reduction <add>, %reduce_sum3A_35, %reduce_sum3A_36 [1, 2] : vector<1x64x1xf32> to vector<1xf32>
    %reduce_sum3A_38 = vector.shape_cast %reduce_sum3A_37 : vector<1xf32> to vector<1x1x1xf32>
    %reduce_sum3A_39 = vector.extract %reduce_sum3A_38[0, 0, 0] : f32 from vector<1x1x1xf32>
    %mul3A = arith.constant -3.12519524E-6 : f32
    %mul3A_40 = arith.mulf %mul3A, %reduce_sum3A_39 : f32
    %jit3A_41 = arith.constant 0.000000e+00 : f32
    %broadcast_in_dim3A_42 = vector.broadcast %jit3A_41 : f32 to vector<64x1xf32>
    %select_n3A_43 = arith.select %ne3A_5, %broadcast_in_dim3A_15, %broadcast_in_dim3A_42 : vector<64x1xi1>, vector<64x1xf32>
    %reduce_sum3A_44 = vector.shape_cast %select_n3A_43 : vector<64x1xf32> to vector<1x64x1xf32>
    %reduce_sum3A_45 = arith.constant dense<0.000000e+00> : vector<1xf32>
    %reduce_sum3A_46 = vector.multi_reduction <add>, %reduce_sum3A_44, %reduce_sum3A_45 [1, 2] : vector<1x64x1xf32> to vector<1xf32>
    %reduce_sum3A_47 = vector.shape_cast %reduce_sum3A_46 : vector<1xf32> to vector<1x1x1xf32>
    %reduce_sum3A_48 = vector.extract %reduce_sum3A_47[0, 0, 0] : f32 from vector<1x1x1xf32>
    %mul3A_49 = arith.constant -0.899996876 : f32
    %mul3A_50 = arith.mulf %mul3A_49, %reduce_sum3A_48 : f32
    %add3A = arith.addf %mul3A_40, %mul3A_50 : f32
    %reduce_sum3A_51 = vector.shape_cast %select_n3A_18 : vector<64x1xf32> to vector<1x64x1xf32>
    %reduce_sum3A_52 = arith.constant dense<0.000000e+00> : vector<1xf32>
    %reduce_sum3A_53 = vector.multi_reduction <add>, %reduce_sum3A_51, %reduce_sum3A_52 [1, 2] : vector<1x64x1xf32> to vector<1xf32>
    %reduce_sum3A_54 = vector.shape_cast %reduce_sum3A_53 : vector<1xf32> to vector<1x1x1xf32>
    %reduce_sum3A_55 = vector.extract %reduce_sum3A_54[0, 0, 0] : f32 from vector<1x1x1xf32>
    %mul3A_56 = arith.constant 3.12519524E-6 : f32
    %mul3A_57 = arith.mulf %mul3A_56, %reduce_sum3A_55 : f32
    %add3A_58 = arith.addf %add3A, %mul3A_57 : f32
    %mul3A_59 = arith.constant -1.3624258 : f32
    %mul3A_60 = arith.mulf %mul3A_59, %reduce_sum3A_28 : f32
    %add3A_61 = arith.addf %add3A_58, %mul3A_60 : f32
    %add3A_62 = arith.addf %get3A_31, %add3A_61 : f32
    %swap3A = arith.constant 0 : index
    %swap3A_63 = arith.constant 0 : index
    %swap3A_64 = memref.load %arg3[%swap3A, %swap3A_63] : memref<1x1xf32, #tpu.memory_space<smem>>
    memref.store %add3A_62, %arg3[%swap3A, %swap3A_63] : memref<1x1xf32, #tpu.memory_space<smem>>
    return
  }
  func.func @transform_0(%arg0: i32) -> (i32, i32) {
    %c0_i32 = arith.constant 0 : i32
    %c0_i32_0 = arith.constant 0 : i32
    return %arg0, %c0_i32 : i32, i32
  }
  func.func @transform_1(%arg0: i32) -> (i32, i32) {
    %c0_i32 = arith.constant 0 : i32
    %c0_i32_0 = arith.constant 0 : i32
    return %arg0, %c0_i32 : i32, i32
  }
  func.func @transform_2(%arg0: i32) -> (i32, i32) {
    %c0_i32 = arith.constant 0 : i32
    %c0_i32_0 = arith.constant 0 : i32
    %c0_i32_1 = arith.constant 0 : i32
    return %c0_i32, %c0_i32_0 : i32, i32
  }
}

</mosaic_0001>

<sc_bundles>
// kernel: kernel.4.cloned.1.call-start
scs
__scs_entry_jumppad:
0x0: {  	(pc) =	sbr.rel $0x88, $3  }
0x1: {  	(tag) =	ssettag $0x0;
	lr =	simm.s32 $0x1  }
0x2: {  	[smem:$0x3F9F] =	sst lr;
	_ =	strace $0xD0000000  }
0x3: {  	_ = 	snop  }
0x4: {  	_ = 	snop  }
0x5: {  	_ = 	snop  }
0x6: {  	_ = 	snop  }
0x7: {  	_ = 	snop  }
__scs_overlays_trampoline_lowered:
0x8: {  	[smem:$0x3FAE] =	sst s0  }
0x9: {  	[smem:$0x3FAF] =	sst s1  }
0xa: {  	[smem:$0x3FB0] =	sst s2  }
0xb: {  	[smem:$0x3FB1] =	sst s3  }
0xc: {  	[smem:$0x3FB2] =	sst s4  }
0xd: {  	[smem:$0x3FB3] =	sst s5  }
0xe: {  	[smem:$0x3FB4] =	sst s6  }
0xf: {  	[smem:$0x3FB5] =	sst s7  }
0x10: {  	[smem:$0x3FB6] =	sst s8  }
0x11: {  	[smem:$0x3FB7] =	sst s9;
	s0 =	simm.s32 @!p0 $0x0  }
0x12: {  	s1 =	sld [smem:$0x3F9D];
	s0 =	simm.s32 @p0 $0x1  }
0x13: {  	[smem:$0x3FB8] =	sst s0;
	s0 =	simm.s32 @!p1 $0x0  }
0x14: {  	s2 =	sld [smem:$0x3F9C];
	s0 =	simm.s32 @p1 $0x1  }
0x15: {  	[smem:$0x3FB9] =	sst s0;
	s0 =	simm.s32 @!p2 $0x0  }
0x16: {  	s3 =	sld [smem:$0x3FDB];
	s0 =	simm.s32 @p2 $0x1  }
0x17: {  	s4 =	simm.s32 $0x1BF5;
	[smem:$0x3FBB] =	sst s0  }
0x18: {  	s0 =	sld [smem:$0x3F9E];
	_ =	swait.ge [sflag:s4], $0x0  }
0x19: {  	s7 =	sld [smem:$0x3F9F]  }
0x1a: {  	s8 =	sadd.s32 $0xFFFFE003, lr  }
0x1b: {  	s9 =	sadd.s32 $0xFFFFFEF7, lr;
	s5 =	simm.s32 $0xFFFFFFFF;
	p2 =	slt.u32 s8, $0xFFFFF086  }
0x1c: {  	p1 =	slt.u32 s9, $0xF7A;
	s5 =	simm.s32 @!p2 $0x0  }
0x1d: {  	s5 =	simm.s32 @p1 $0x1;
	p0 =	seq.s32 s7, s2  }
0x1e: {  	s7 =	smul.u32 @!p0 $0xF7A, s2;
	p2 =	seq.s32 @!p0 s5, $0x0  }
0x1f: {  	s9 =	smul.u32 $0xF7A, s1;
	s8 =	simm.s32 @!p0 $0x1BF5;
	p2 =	por !p2, p0  }
0x20: {  	[sflag:s8] =	ssyncset.s32 @!p0 $0xFFFFF086;
	s6 =	sadd.s32 @!p0 s3, s7;
	s7 =	simm.s32 @!p0 $0x108  }
0x21: {  	s3 =	sadd.s32 s3, s9;
	s6 =	sadd.s32 @!p0 $0x88, s6;
	s7 =	simm.s32 @p2 $0x1082  }
0x22: {  	[simem:s7], [sflag:s8] =	dma.local @!p0 [hbm:s6], $0xF7A  }
0x23: {  	s9 =	sor.u32 $0xD0000000, s2;
	s6 =	simm.s32 $0x108;
	_ =	swait.ge @!p0 [sflag:s8], $0x0  }
0x24: {  	s3 =	sadd.s32 $0x88, s3;
	s6 =	simm.s32 @!p1 $0x1082;
	[sflag:s4] =	ssyncset.s32 $0xFFFFF086  }
0x25: {  	[simem:s6], [sflag:s4] =	dma.local [hbm:s3], $0xF7A  }
0x26: {  	[smem:$0x3F9F] =	sst s1;
	(tag) =	ssettag s2;
	_ =	strace s9  }
0x27: {  	s1 =	sld [smem:$0x3FAF]  }
0x28: {  	s2 =	sld [smem:$0x3FB0]  }
0x29: {  	s4 =	sld [smem:$0x3FB2]  }
0x2a: {  	p0 =	seq.s32 s5, $0x0;
	s5 =	sld [smem:$0x3FB3]  }
0x2b: {  	s6 =	sld [smem:$0x3FB4]  }
0x2c: {  	s7 =	sld [smem:$0x3FB5]  }
0x2d: {  	s3 =	simm.s32 $0x108;
	s8 =	sld [smem:$0x3FB6]  }
0x2e: {  	s3 =	simm.s32 @!p0 $0x1082;
	s9 =	sld [smem:$0x3FB7]  }
0x2f: {  	lr =	sadd.s32 s0, s3;
	s0 =	sld [smem:$0x3FAE]  }
0x30: {  	s3 =	sld [smem:$0x3FB1]  }
0x31: {  	[smem:$0x3FBA] =	sst s10  }
0x32: {  	s10 =	sld [smem:$0x3FB8];
	_ =	sdelay $0x3  }
0x33: {  	p0 =	seq.s32 s10, $0x1;
	s10 =	sld [smem:$0x3FBA];
	_ =	sdelay $0x3  }
0x34: {  	[smem:$0x3FBA] =	sst s10  }
0x35: {  	s10 =	sld [smem:$0x3FB9];
	_ =	sdelay $0x3  }
0x36: {  	p1 =	seq.s32 s10, $0x1;
	s10 =	sld [smem:$0x3FBA];
	_ =	sdelay $0x3  }
0x37: {  	[smem:$0x3FBA] =	sst s10  }
0x38: {  	s10 =	sld [smem:$0x3FBB]  }
0x39: {  	_ = 	snop;
	(pc) =	sbr.ind lr, $3  }
0x3a: {  	_ = 	snop  }
0x3b: {  	_ = 	snop  }
0x3c: {  	p2 =	seq.s32 s10, $0x1;
	s10 =	sld [smem:$0x3FBA]  }
0x3d: {  	_ =	shalt  }
0x3e: {  	_ =	shalt  }
0x3f: {  	_ =	shalt  }
0x40: {  	_ =	shalt  }
0x41: {  	_ =	shalt  }
0x42: {  	_ =	shalt  }
0x43: {  	_ =	shalt  }
0x44: {  	_ =	shalt  }
0x45: {  	_ =	shalt  }
0x46: {  	_ =	shalt  }
0x47: {  	_ =	shalt  }
0x48: {  	_ =	shalt  }
0x49: {  	_ =	shalt  }
0x4a: {  	_ =	shalt  }
0x4b: {  	_ =	shalt  }
0x4c: {  	_ =	shalt  }
0x4d: {  	_ =	shalt  }
0x4e: {  	_ =	shalt  }
0x4f: {  	_ =	shalt  }
0x50: {  	_ =	shalt  }
0x51: {  	_ =	shalt  }
0x52: {  	_ =	shalt  }
0x53: {  	_ =	shalt  }
0x54: {  	_ =	shalt  }
0x55: {  	_ =	shalt  }
0x56: {  	_ =	shalt  }
0x57: {  	_ =	shalt  }
0x58: {  	_ =	shalt  }
0x59: {  	_ =	shalt  }
0x5a: {  	_ =	shalt  }
0x5b: {  	_ =	shalt  }
0x5c: {  	_ =	shalt  }
0x5d: {  	_ =	shalt  }
0x5e: {  	_ =	shalt  }
0x5f: {  	_ =	shalt  }
0x60: {  	_ =	shalt  }
0x61: {  	_ =	shalt  }
0x62: {  	_ =	shalt  }
0x63: {  	_ =	shalt  }
0x64: {  	_ =	shalt  }
0x65: {  	_ =	shalt  }
0x66: {  	_ =	shalt  }
0x67: {  	_ =	shalt  }
0x68: {  	_ =	shalt  }
0x69: {  	_ =	shalt  }
0x6a: {  	_ =	shalt  }
0x6b: {  	_ =	shalt  }
0x6c: {  	_ =	shalt  }
0x6d: {  	_ =	shalt  }
0x6e: {  	_ =	shalt  }
0x6f: {  	_ =	shalt  }
0x70: {  	_ =	shalt  }
0x71: {  	_ =	shalt  }
0x72: {  	_ =	shalt  }
0x73: {  	_ =	shalt  }
0x74: {  	_ =	shalt  }
0x75: {  	_ =	shalt  }
0x76: {  	_ =	shalt  }
0x77: {  	_ =	shalt  }
0x78: {  	_ =	shalt  }
0x79: {  	_ =	shalt  }
0x7a: {  	_ =	shalt  }
0x7b: {  	_ =	shalt  }
0x7c: {  	_ =	shalt  }
0x7d: {  	_ =	shalt  }
0x7e: {  	_ =	shalt  }
0x7f: {  	_ =	shalt  }
0x80: {  	_ =	shalt  }
0x81: {  	_ =	shalt  }
0x82: {  	_ =	shalt  }
0x83: {  	_ =	shalt  }
0x84: {  	_ =	shalt  }
0x85: {  	_ =	shalt  }
0x86: {  	_ =	shalt  }
0x87: {  	_ =	shalt  }
.Lfunc_end0:
.L_simem_size_0:
called_computation_lowered:
.L_overlay_start_0:
0x88: {  	s2 =	sld [smem:$0x3FD9]  }
0x89: {  	s3 =	sld [smem:$0x3FFE];
	_ =	sdelay $0x1  }
0x8a: {  	s1 =	srdreg.scid  }
0x8b: {  	s0 =	sand.u32 $0x1, s1  }
0x8c: {  	s17 =	sshll.u32 s0, $0xA;
	s2 =	sadd.s32 s3, s2  }
0x8d: {  	s2 =	sadd.s32 s2, s17  }
0x8e: {  	[smem:$0x3FC6] =	sst s2  }
0x8f: {  	_ = 	snop  }
0x90: {  	s2 =	sld [smem:$0x3FC9]  }
0x91: {  	s18 =	sld [smem:$0x3FC8];
	(tm) =	ssettm $0x1  }
0x92: {  	s4 =	sld [smem:$0x3FFB];
	_ =	sdelay $0x3  }
0x93: {  	_ =	strace s4  }
0x94: {  	s4 =	sld [smem:$0x3FFC];
	_ =	sdelay $0x3  }
0x95: {  	_ =	strace s4  }
0x96: {  	s4 =	sld [smem:$0x3FFD];
	_ =	sdelay $0x3  }
0x97: {  	_ =	strace s4  }
0x98: {  	_ =	strace $0x8FFFFFFF  }
0x99: {  	s19 =	sld [smem:$0x3FDB];
	_ =	sdelay $0x1  }
0x9a: {  	s5 =	simm.s32 $_scs_section_size  }
0x9b: {  	s6 =	simm.s32 $_size__tile_overlayer_lowered;
	s7 =	simm.s32 $_tile_overlayer_lowered  }
0x9c: {  	s22 =	simm.s32 $0x1BFF;
	s21 =	sshll.u32 s7, $0x1;
	s4 =	sadd.s32 s5, s19  }
0x9d: {  	s8 =	simm.s32 $0x0;
	s20 =	sshll.u32 s6, $0x1;
	s6 =	sadd.s32 s21, s4  }
0x9e: {  	[timem:s8], [sflag:s22] =	dma.local [hbm:s6], s20  }
0x9f: {  	_ =	swait.ge [sflag:s22], s20  }
0xa0: {  	s5 =	ssub.s32 $0x0, s20;
	[sflag:s22] =	ssyncset.done $0x0  }
0xa1: {  	[sflag:s22] =	ssyncadd.s32 s5;
	_ =	sdelay $0x1  }
0xa2: {  	s23 =	simm.s32 $0x1B8B  }
0xa3: {  	_ =	swait.ge [sflag:s23], $0x1  }
0xa4: {  	[sflag:s23] =	ssyncset.done $0x0  }
0xa5: {  	s25 =	simm.s32 $0x1B8E;
	s24 =	sld [smem:$0x3FFE];
	[sflag:s23] =	ssyncadd.s32 $0xFFFFFFFF  }
0xa6: {  	s26 =	simm.s32 $execute0_lowered;
	[smem:$0x3FD2] =	sst s25  }
0xa7: {  	s6 =	sshll.u32 s26, $0x1;
	_ =	strace $0x80000046;
	[dreg:$0x1] =	wrdreg $0xFFFFFFFF  }
0xa8: {  	s28 =	simm.s32 $_size_execute0_lowered;
	s4 =	sadd.s32 s4, s6;
	[dreg:$0x0] =	wrdreg $0x0  }
0xa9: {  	s6 =	sshll.u32 s28, $0x1;
	[dreg:$0x2] =	wrdreg s4  }
0xaa: {  	[dreg:$0x3] =	wrdreg s6  }
0xab: {  	[dreg:$0x4] =	wrdreg $0xC0  }
0xac: {  	_ =	task [dreg:s8], $0x5FFFF  }
0xad: {  	[dreg:$0x1] =	wrdreg $0xFFFFFFFF  }
0xae: {  	[dreg:$0x0] =	wrdreg $0x60  }
0xaf: {  	[dreg:$0x2] =	wrdreg s2  }
0xb0: {  	[dreg:$0x3] =	wrdreg s18  }
0xb1: {  	[dreg:$0x4] =	wrdreg s24  }
0xb2: {  	[dreg:$0x5] =	wrdreg $0x9  }
0xb3: {  	_ =	task.clear_ibuf [dreg:s8], $0x6FFFF;
	_ =	strace $0x90000046  }
0xb4: {  	s29 =	simm.s32 $0x9;
	_ =	strace $0x80000048  }
0xb5: {  	_ =	swait.ge [sflag:s29], $0x1  }
0xb6: {  	[sflag:s29] =	ssyncadd.s32 $0xFFFFFFFF  }
0xb7: {  	_ =	strace $0x90000048  }
0xb8: {  	_ =	sfence  }
0xb9: {  	s30 =	sld [smem:$0x0];
	_ =	sdelay $0x2  }
0xba: {  	s31 =	sshll.u32 s1, $0xD;
	s1 =	sshrl.u32 s1, $0x2  }
0xbb: {  	s3 =	sand.u32 $0x4000, s31;
	s1 =	sadd.s32 s1, s30  }
0xbc: {  	s0 =	sor.u32 s3, s0;
	s1 =	sshll.u32 s1, $0x11  }
0xbd: {  	s0 =	sor.u32 s1, s0  }
0xbe: {  	s0 =	sadd.s32 $0x8F2B, s0  }
0xbf: {  	[sflag:s0] =	ssyncadd.remote.s32 $0x1  }
0xc0: {  	_ =	sfence.sel $0xFFFF  }
0xc1: {  	[dreg:$0x0] =	wrdreg $0xFFFFFFFF;
	(pc) =	sbr.abs _section_cstart, $3  }
0xc2: {  	[dreg:$0x1] =	wrdreg $0xFFFFFFFF  }
0xc3: {  	_ =	task.clear_ibuf [dreg:s8], $0x2FFFF;
	_ =	strace $0x9FFFFFFF  }
0xc4: {  	(tm) =	ssettm $0x7FFFFFFF  }
0xc5: {  	_ =	shalt  }
tec
execute0_lowered:
.L_overlay_start_1:
0x0: {  	(tag) =	ssettag $0x1  }
0x1: {  	s0 =	rddreg [dreg:$0x0]  }
0x2: {  	s1 =	srdreg.scid;
	s2 =	rddreg [dreg:$0x1]  }
0x3: {  	s4 =	stileid.u32;
	s3 =	rddreg [dreg:$0x2]  }
0x4: {  	s12 =	simm.s32 $0x0;
	s28 =	simm.s32 $0x2;
	s30 =	simm.s32 $0x0  }
0x5: {  	s1 =	sand.u32 $0x1, s1;
	s4 =	sshll.u32 s4, $0x2;
	[smem:$0x7FF] =	sst s12  }
0x6: {  	s19 =	sadd.s32 $0x10, s0;
	s21 =	sadd.s32 $0x20, s0;
	s5 =	sshll.u32 s1, $0x1  }
0x7: {  	s22 =	sadd.s32 $0x30, s0;
	s24 =	sadd.s32 $0x40, s0;
	s4 =	sor.u32 s5, s4  }
0x8: {  	s25 =	sadd.s32 $0x50, s0;
	s26 =	sadd.s32 $0x60, s0;
	s5 =	sor.u32 $0xC0, s4  }
0x9: {  	s11 =	sadd.s32 $0x70, s0;
	s1 =	ssub.s32 $0x2, s1;
	s7 =	smul.u32 $0x7D00, s5  }
0xa: {  	_ =	strace $0x80000047;
	s6 =	sshrl.u32 s1, $0x1;
	s2 =	sadd.s32 s2, s5  }
0xb: {  	s3 =	sadd.s32 s4, s3;
	[dreg:$0x4] =	wrdreg s2;
	s18 =	sadd.s32 s0, s7  }
0xc: {  	s4 =	smul.u32 $0x7D00, s4;
	s20 =	sadd.s32 s7, s19;
	[dreg:$0x5] =	wrdreg s18  }
0xd: {  	s1 =	ssub.s32 s1, s6;
	s8 =	sadd.s32 s7, s21;
	[dreg:$0x6] =	wrdreg s20  }
0xe: {  	s4 =	sadd.s32 $0x5E3D00, s4;
	s23 =	sadd.s32 s7, s22;
	[dreg:$0x7] =	wrdreg s8  }
0xf: {  	s9 =	sadd.s32 s7, s24;
	s10 =	sadd.s32 s7, s25;
	[dreg:$0x8] =	wrdreg s23  }
0x10: {  	s13 =	sadd.s32 s7, s26;
	s7 =	sadd.s32 s7, s11;
	[dreg:$0x9] =	wrdreg s9  }
0x11: {  	s0 =	sadd.s32 s0, s4;
	s29 =	sadd.s32 s4, s19;
	[dreg:$0xa] =	wrdreg s10  }
0x12: {  	s31 =	sadd.s32 s4, s21;
	s15 =	sadd.s32 s4, s22;
	[dreg:$0xb] =	wrdreg s13  }
0x13: {  	s16 =	sadd.s32 s4, s24;
	s17 =	sadd.s32 s4, s25;
	[dreg:$0xc] =	wrdreg s7  }
0x14: {  	s19 =	sadd.s32 s4, s11;
	s21 =	smax.u32 s1, $0x1;
	[dreg:$0xd] =	wrdreg s0  }
0x15: {  	s22 =	simm.s32 $0x3;
	s24 =	simm.s32 $0x80;
	[dreg:$0xe] =	wrdreg s29  }
0x16: {  	vm0 =	vcmask $0x300;
	v0 =	vimm.f32 $0.0e+00;
	s25 =	simm.s32 $0x7D80;
	[dreg:$0xf] =	wrdreg s31;
	s18 =	sadd.s32 s4, s26  }
0x17: {  	v1 =	vlaneseq.u32;
	v2 =	vsel vm0, $0x3F800000, v0;
	s20 =	sadd.s32 $0x200, s3;
	s23 =	simm.s32 $0x400;
	s26 =	simm.s32 $0x1  }
.LBB2_1:
0x18: {  	s0 =	rddreg [dreg:$0x4]  }
0x19: {  	[tilespmem:s12], [sflag:$0x3] =	stream.linear.gather [hbm4b:s0+s12], $0x10, $0x38;
	[tilespmem:$0xFB00] =	vst v63  }
0x1a: {  	_ =	swait.ge [sflag:s22], $0x10  }
0x1b: {  	[sflag:s22] =	ssyncset.done $0x0  }
0x1c: {  	s14 =	rddreg [dreg:$0x5];
	[sflag:s22] =	ssyncadd.s32 $0xFFFFFFF0  }
0x1d: {  	[tilespmem:s24], [sflag:$0x1] =	stream.strided.gather [hbm4b:s14+s24], $0x7D00, s23, s24, $0x38;
	[tilespmem:$0xFB00] =	vst v63  }
0x1e: {  	s29 =	rddreg [dreg:$0x6]  }
0x1f: {  	[tilespmem:s25], [sflag:$0x2] =	stream.strided.gather [hbm4b:s29+s24], $0x7D00, s23, s24, $0x38;
	[tilespmem:$0xFB00] =	vst v63  }
0x20: {  	_ =	swait.ge [sflag:s26], $0x7D00  }
0x21: {  	[sflag:s26] =	ssyncset.done $0x0  }
0x22: {  	s31 =	simm.s32 $0x0;
	[sflag:s26] =	ssyncadd.s32 $0xFFFF8300  }
0x23: {  	v3 =	vld [tilespmem:s31+$0x80];
	_ =	sdelay $0x1  }
0x24: {  	v4 =	vld [tilespmem:s31+$0x90];
	_ =	sdelay $0x1  }
0x25: {  	v0 =	vimm.f32 $0.0e+00;
	v5 =	vld [tilespmem:s31+$0xA0]  }
0x26: {  	v3 =	vadd.f32 v3, v0  }
0x27: {  	v6 =	vld [tilespmem:s31+$0xB0]  }
0x28: {  	v3 =	vadd.f32 v4, v3  }
0x29: {  	v4 =	vld [tilespmem:s31+$0xC0]  }
0x2a: {  	v3 =	vadd.f32 v5, v3  }
0x2b: {  	v5 =	vld [tilespmem:s31+$0xD0]  }
0x2c: {  	v3 =	vadd.f32 v6, v3  }
0x2d: {  	v6 =	vld [tilespmem:s31+$0xE0]  }
0x2e: {  	v3 =	vadd.f32 v4, v3  }
0x2f: {  	v4 =	vld [tilespmem:s31+$0xF0]  }
0x30: {  	v3 =	vadd.f32 v5, v3  }
0x31: {  	v5 =	vld [tilespmem:s31+$0x100]  }
0x32: {  	v3 =	vadd.f32 v6, v3  }
0x33: {  	v6 =	vld [tilespmem:s31+$0x110]  }
0x34: {  	v3 =	vadd.f32 v4, v3  }
0x35: {  	v4 =	vld [tilespmem:s31+$0x120]  }
0x36: {  	v3 =	vadd.f32 v5, v3  }
0x37: {  	v5 =	vld [tilespmem:s31+$0x130]  }
0x38: {  	v3 =	vadd.f32 v6, v3  }
0x39: {  	v6 =	vld [tilespmem:s31+$0x140]  }
0x3a: {  	v3 =	vadd.f32 v4, v3;
	_ =	sdelay $0x1  }
0x3b: {  	v4 =	vld [tilespmem:s31+$0x150];
	v3 =	vadd.f32 v5, v3;
	_ =	sdelay $0x1  }
0x3c: {  	v3 =	vadd.f32 v6, v3;
	v6 =	vld [tilespmem:s31+$0x160];
	_ =	sdelay $0x1  }
0x3d: {  	v5 =	vld [tilespmem:s31+$0x170]  }
0x3e: {  	s1 =	simm.s32 $0x800;
	s0 =	simm.s32 $0x100;
	v7 =	vadd.f32 v4, v3  }
.LBB2_2:
0x3f: {  	p0 =	sne.s32 s1, $0x1F000;
	v3 =	vld [tilespmem:s0+$0x80]  }
0x40: {  	v4 =	vadd.f32 v6, v7  }
0x41: {  	v6 =	vld [tilespmem:s0+$0x90]  }
0x42: {  	v4 =	vadd.f32 v5, v4  }
0x43: {  	v5 =	vld [tilespmem:s0+$0xA0]  }
0x44: {  	v3 =	vadd.f32 v3, v4  }
0x45: {  	v4 =	vld [tilespmem:s0+$0xB0]  }
0x46: {  	v3 =	vadd.f32 v6, v3  }
0x47: {  	v6 =	vld [tilespmem:s0+$0xC0]  }
0x48: {  	v3 =	vadd.f32 v5, v3  }
0x49: {  	v5 =	vld [tilespmem:s0+$0xD0]  }
0x4a: {  	v3 =	vadd.f32 v4, v3  }
0x4b: {  	v4 =	vld [tilespmem:s0+$0xE0]  }
0x4c: {  	v3 =	vadd.f32 v6, v3  }
0x4d: {  	v6 =	vld [tilespmem:s0+$0xF0]  }
0x4e: {  	v3 =	vadd.f32 v5, v3  }
0x4f: {  	v5 =	vld [tilespmem:s0+$0x100]  }
0x50: {  	v3 =	vadd.f32 v4, v3  }
0x51: {  	v4 =	vld [tilespmem:s0+$0x110]  }
0x52: {  	v3 =	vadd.f32 v6, v3  }
0x53: {  	v6 =	vld [tilespmem:s0+$0x120]  }
0x54: {  	v3 =	vadd.f32 v5, v3  }
0x55: {  	v5 =	vld [tilespmem:s0+$0x130]  }
0x56: {  	v3 =	vadd.f32 v4, v3  }
0x57: {  	v4 =	vld [tilespmem:s0+$0x140]  }
0x58: {  	v3 =	vadd.f32 v6, v3  }
0x59: {  	v7 =	vld [tilespmem:s0+$0x150]  }
.Ltmp0:
0x5a: {  	v3 =	vadd.f32 v5, v3;
	(pc) =	sbr.rel @p0 .LBB2_2-.Ltmp0, $4  }
0x5b: {  	v6 =	vld [tilespmem:s0+$0x160]  }
0x5c: {  	v3 =	vadd.f32 v4, v3  }
0x5d: {  	v5 =	vld [tilespmem:s0+$0x170]  }
0x5e: {  	s0 =	sshra.s32 s1, $0x2;
	s1 =	sadd.s32 $0x400, s1;
	v7 =	vadd.f32 v7, v3  }
0x5f: {  	v3 =	vld [tilespmem:$0x0];
	_ =	sdelay $0x4  }
0x60: {  	(v2sf) =	vpush v3, $0x0;
	_ =	sdelay $0x8  }
0x61: {  	v8 =	vld [tilespmem:s0+$0x80]  }
0x62: {  	v9 =	vld [tilespmem:s0+$0x90]  }
0x63: {  	v10 =	vld [tilespmem:s0+$0xA0]  }
0x64: {  	v11 =	vld [tilespmem:s0+$0xB0]  }
0x65: {  	v12 =	vld [tilespmem:s0+$0xC0]  }
0x66: {  	v13 =	vld [tilespmem:s0+$0xD0]  }
0x67: {  	v14 =	vld [tilespmem:s0+$0xE0];
	s31 =	spop (v2sf)  }
0x68: {  	v15 =	vld [tilespmem:s0+$0xF0];
	s13 =	sand.u32 $0xFFFFFFF0, s31  }
0x69: {  	v0 =	vld [tilespmem:s13+$0x80]  }
0x6a: {  	v16 =	vld [tilespmem:s0+$0x100]  }
0x6b: {  	v17 =	vld [tilespmem:s0+$0x110]  }
0x6c: {  	v18 =	vld [tilespmem:s0+$0x120]  }
0x6d: {  	v19 =	vld [tilespmem:s0+$0x130]  }
0x6e: {  	[tilespmem:$0x1FFE0] =	vst v0;
	v0 =	vld [tilespmem:$0x80]  }
0x6f: {  	v20 =	vld [tilespmem:s0+$0x140]  }
0x70: {  	v21 =	vld [tilespmem:s0+$0x150]  }
0x71: {  	v22 =	vld [tilespmem:s0+$0x160];
	s14 =	rddreg [dreg:$0x7]  }
0x72: {  	v23 =	vld [tilespmem:s0+$0x170];
	[tilespmem:s24], [sflag:$0x1] =	stream.strided.gather [hbm4b:s14+s24], $0x7D00, s23, s24, $0x38  }
0x73: {  	[tilespmem:$0x1FFF0] =	vst v0  }
0x74: {  	v6 =	vadd.f32 v6, v7;
	_ =	swait.ge [sflag:s28], $0x7D00  }
0x75: {  	[sflag:s28] =	ssyncset.done $0x0  }
0x76: {  	s29 =	simm.s32 $0x0;
	v5 =	vadd.f32 v5, v6;
	[sflag:s28] =	ssyncadd.s32 $0xFFFF8300  }
0x77: {  	v6 =	vld [tilespmem:s29+$0x7D80]  }
0x78: {  	v5 =	vadd.f32 v8, v5  }
0x79: {  	v7 =	vld [tilespmem:s29+$0x7D90]  }
0x7a: {  	v5 =	vadd.f32 v9, v5  }
0x7b: {  	v8 =	vimm.f32 $0.0e+00;
	v9 =	vld [tilespmem:s29+$0x7DA0]  }
0x7c: {  	v5 =	vadd.f32 v10, v5;
	v6 =	vadd.f32 v6, v8  }
0x7d: {  	v8 =	vld [tilespmem:s29+$0x7DB0]  }
0x7e: {  	v5 =	vadd.f32 v11, v5;
	v6 =	vadd.f32 v7, v6  }
0x7f: {  	v7 =	vld [tilespmem:s29+$0x7DC0]  }
0x80: {  	v5 =	vadd.f32 v12, v5;
	v6 =	vadd.f32 v9, v6  }
0x81: {  	v9 =	vld [tilespmem:s29+$0x7DD0]  }
0x82: {  	v5 =	vadd.f32 v13, v5;
	v6 =	vadd.f32 v8, v6  }
0x83: {  	v8 =	vld [tilespmem:s29+$0x7DE0]  }
0x84: {  	v5 =	vadd.f32 v14, v5;
	v6 =	vadd.f32 v7, v6  }
0x85: {  	v7 =	vld [tilespmem:s29+$0x7DF0]  }
0x86: {  	v5 =	vadd.f32 v15, v5;
	v6 =	vadd.f32 v9, v6  }
0x87: {  	v9 =	vld [tilespmem:s29+$0x7E00]  }
0x88: {  	v5 =	vadd.f32 v16, v5;
	v6 =	vadd.f32 v8, v6  }
0x89: {  	v8 =	vld [tilespmem:s29+$0x7E10]  }
0x8a: {  	v5 =	vadd.f32 v17, v5;
	v6 =	vadd.f32 v7, v6  }
0x8b: {  	v7 =	vld [tilespmem:s29+$0x7E20]  }
0x8c: {  	v5 =	vadd.f32 v18, v5;
	v6 =	vadd.f32 v9, v6  }
0x8d: {  	v9 =	vld [tilespmem:s29+$0x7E30]  }
0x8e: {  	v5 =	vadd.f32 v19, v5;
	v6 =	vadd.f32 v8, v6  }
0x8f: {  	v8 =	vld [tilespmem:s29+$0x7E40]  }
0x90: {  	v5 =	vadd.f32 v20, v5;
	v6 =	vadd.f32 v7, v6  }
0x91: {  	v7 =	vld [tilespmem:s29+$0x7E50]  }
0x92: {  	v5 =	vadd.f32 v21, v5;
	v6 =	vadd.f32 v9, v6  }
0x93: {  	v9 =	vld [tilespmem:s29+$0x7E60]  }
0x94: {  	v5 =	vadd.f32 v22, v5;
	v6 =	vadd.f32 v8, v6  }
0x95: {  	v8 =	vld [tilespmem:s29+$0x7E70]  }
0x96: {  	s0 =	simm.s32 $0x100;
	s1 =	simm.s32 $0x800;
	v5 =	vadd.f32 v23, v5;
	v10 =	vadd.f32 v7, v6  }
.LBB2_4:
0x97: {  	p0 =	sne.s32 s1, $0x1F000;
	v6 =	vld [tilespmem:s0+$0x7D80]  }
0x98: {  	v7 =	vadd.f32 v9, v10  }
0x99: {  	v9 =	vld [tilespmem:s0+$0x7D90]  }
0x9a: {  	v7 =	vadd.f32 v8, v7  }
0x9b: {  	v8 =	vld [tilespmem:s0+$0x7DA0]  }
0x9c: {  	v6 =	vadd.f32 v6, v7  }
0x9d: {  	v7 =	vld [tilespmem:s0+$0x7DB0]  }
0x9e: {  	v6 =	vadd.f32 v9, v6  }
0x9f: {  	v9 =	vld [tilespmem:s0+$0x7DC0]  }
0xa0: {  	v6 =	vadd.f32 v8, v6  }
0xa1: {  	v8 =	vld [tilespmem:s0+$0x7DD0]  }
0xa2: {  	v6 =	vadd.f32 v7, v6  }
0xa3: {  	v7 =	vld [tilespmem:s0+$0x7DE0]  }
0xa4: {  	v6 =	vadd.f32 v9, v6  }
0xa5: {  	v9 =	vld [tilespmem:s0+$0x7DF0]  }
0xa6: {  	v6 =	vadd.f32 v8, v6  }
0xa7: {  	v8 =	vld [tilespmem:s0+$0x7E00]  }
0xa8: {  	v6 =	vadd.f32 v7, v6  }
0xa9: {  	v7 =	vld [tilespmem:s0+$0x7E10]  }
0xaa: {  	v6 =	vadd.f32 v9, v6  }
0xab: {  	v9 =	vld [tilespmem:s0+$0x7E20]  }
0xac: {  	v6 =	vadd.f32 v8, v6  }
0xad: {  	v8 =	vld [tilespmem:s0+$0x7E30]  }
0xae: {  	v6 =	vadd.f32 v7, v6  }
0xaf: {  	v7 =	vld [tilespmem:s0+$0x7E40]  }
0xb0: {  	v6 =	vadd.f32 v9, v6  }
0xb1: {  	v10 =	vld [tilespmem:s0+$0x7E50]  }
.Ltmp1:
0xb2: {  	v6 =	vadd.f32 v8, v6;
	(pc) =	sbr.rel @p0 .LBB2_4-.Ltmp1, $4  }
0xb3: {  	v9 =	vld [tilespmem:s0+$0x7E60]  }
0xb4: {  	v6 =	vadd.f32 v7, v6  }
0xb5: {  	v8 =	vld [tilespmem:s0+$0x7E70]  }
0xb6: {  	s0 =	sshra.s32 s1, $0x2;
	s1 =	sadd.s32 $0x400, s1;
	v10 =	vadd.f32 v10, v6  }
0xb7: {  	v6 =	vld [tilespmem:$0x0];
	_ =	sdelay $0x4  }
0xb8: {  	v11 =	vld [tilespmem:s0+$0x7D80];
	(v2sf) =	vpush v6, $0x1  }
0xb9: {  	v12 =	vld [tilespmem:s0+$0x7D90]  }
0xba: {  	v13 =	vld [tilespmem:s0+$0x7DA0]  }
0xbb: {  	v14 =	vld [tilespmem:s0+$0x7DB0]  }
0xbc: {  	v15 =	vld [tilespmem:s0+$0x7DC0]  }
0xbd: {  	v16 =	vld [tilespmem:s0+$0x7DD0]  }
0xbe: {  	v17 =	vld [tilespmem:s0+$0x7DE0]  }
0xbf: {  	v18 =	vld [tilespmem:s0+$0x7DF0]  }
0xc0: {  	v19 =	vld [tilespmem:s0+$0x7E00]  }
0xc1: {  	v20 =	vld [tilespmem:s0+$0x7E10]  }
0xc2: {  	v21 =	vld [tilespmem:s0+$0x7E20]  }
0xc3: {  	v22 =	vld [tilespmem:s0+$0x7E30]  }
0xc4: {  	v23 =	vld [tilespmem:s0+$0x7E40]  }
0xc5: {  	v24 =	vld [tilespmem:s0+$0x7E50]  }
0xc6: {  	v25 =	vld [tilespmem:s0+$0x7E60]  }
0xc7: {  	v26 =	vld [tilespmem:s0+$0x7E70];
	s1 =	spop (v2sf)  }
0xc8: {  	v7 =	vld [tilespmem:$0x7D80];
	s14 =	rddreg [dreg:$0x8];
	s13 =	sand.u32 $0xFFFFFFF0, s1  }
0xc9: {  	v6 =	vld [tilespmem:s13+$0x7D80];
	[tilespmem:s25], [sflag:$0x2] =	stream.strided.gather [hbm4b:s14+s24], $0x7D00, s23, s24, $0x38  }
0xca: {  	v9 =	vadd.f32 v9, v10;
	_ =	swait.ge [sflag:s26], $0x7D00  }
0xcb: {  	[sflag:s26] =	ssyncset.done $0x0  }
0xcc: {  	s29 =	simm.s32 $0x0;
	v8 =	vadd.f32 v8, v9;
	[sflag:s26] =	ssyncadd.s32 $0xFFFF8300  }
0xcd: {  	v9 =	vld [tilespmem:s29+$0x80]  }
0xce: {  	v8 =	vadd.f32 v11, v8  }
0xcf: {  	v10 =	vld [tilespmem:s29+$0x90]  }
0xd0: {  	v8 =	vadd.f32 v12, v8  }
0xd1: {  	v11 =	vimm.f32 $0.0e+00;
	v12 =	vld [tilespmem:s29+$0xA0]  }
0xd2: {  	v8 =	vadd.f32 v13, v8;
	v9 =	vadd.f32 v9, v11  }
0xd3: {  	v11 =	vld [tilespmem:s29+$0xB0]  }
0xd4: {  	v8 =	vadd.f32 v14, v8;
	v9 =	vadd.f32 v10, v9  }
0xd5: {  	v10 =	vld [tilespmem:s29+$0xC0]  }
0xd6: {  	v8 =	vadd.f32 v15, v8;
	v9 =	vadd.f32 v12, v9  }
0xd7: {  	v12 =	vld [tilespmem:s29+$0xD0]  }
0xd8: {  	v8 =	vadd.f32 v16, v8;
	v9 =	vadd.f32 v11, v9  }
0xd9: {  	v11 =	vld [tilespmem:s29+$0xE0]  }
0xda: {  	v8 =	vadd.f32 v17, v8;
	v9 =	vadd.f32 v10, v9  }
0xdb: {  	v10 =	vld [tilespmem:s29+$0xF0]  }
0xdc: {  	v8 =	vadd.f32 v18, v8;
	v9 =	vadd.f32 v12, v9  }
0xdd: {  	v12 =	vld [tilespmem:s29+$0x100]  }
0xde: {  	v8 =	vadd.f32 v19, v8;
	v9 =	vadd.f32 v11, v9  }
0xdf: {  	v11 =	vld [tilespmem:s29+$0x110]  }
0xe0: {  	v8 =	vadd.f32 v20, v8;
	v9 =	vadd.f32 v10, v9  }
0xe1: {  	v10 =	vld [tilespmem:s29+$0x120]  }
0xe2: {  	v8 =	vadd.f32 v21, v8;
	v9 =	vadd.f32 v12, v9  }
0xe3: {  	v12 =	vld [tilespmem:s29+$0x130]  }
0xe4: {  	v8 =	vadd.f32 v22, v8;
	v9 =	vadd.f32 v11, v9  }
0xe5: {  	v11 =	vld [tilespmem:s29+$0x140]  }
0xe6: {  	v8 =	vadd.f32 v23, v8;
	v9 =	vadd.f32 v10, v9  }
0xe7: {  	v10 =	vld [tilespmem:s29+$0x150]  }
0xe8: {  	v8 =	vadd.f32 v24, v8;
	v9 =	vadd.f32 v12, v9  }
0xe9: {  	v12 =	vld [tilespmem:s29+$0x160]  }
0xea: {  	v8 =	vadd.f32 v25, v8;
	v9 =	vadd.f32 v11, v9  }
0xeb: {  	v11 =	vld [tilespmem:s29+$0x170]  }
0xec: {  	s2 =	simm.s32 $0x100;
	s0 =	simm.s32 $0x800;
	v8 =	vadd.f32 v26, v8;
	v13 =	vadd.f32 v10, v9  }
.LBB2_6:
0xed: {  	p0 =	sne.s32 s0, $0x1F000;
	v9 =	vld [tilespmem:s2+$0x80]  }
0xee: {  	v10 =	vadd.f32 v12, v13  }
0xef: {  	v12 =	vld [tilespmem:s2+$0x90]  }
0xf0: {  	v10 =	vadd.f32 v11, v10  }
0xf1: {  	v11 =	vld [tilespmem:s2+$0xA0]  }
0xf2: {  	v9 =	vadd.f32 v9, v10  }
0xf3: {  	v10 =	vld [tilespmem:s2+$0xB0]  }
0xf4: {  	v9 =	vadd.f32 v12, v9  }
0xf5: {  	v12 =	vld [tilespmem:s2+$0xC0]  }
0xf6: {  	v9 =	vadd.f32 v11, v9  }
0xf7: {  	v11 =	vld [tilespmem:s2+$0xD0]  }
0xf8: {  	v9 =	vadd.f32 v10, v9  }
0xf9: {  	v10 =	vld [tilespmem:s2+$0xE0]  }
0xfa: {  	v9 =	vadd.f32 v12, v9  }
0xfb: {  	v12 =	vld [tilespmem:s2+$0xF0]  }
0xfc: {  	v9 =	vadd.f32 v11, v9  }
0xfd: {  	v11 =	vld [tilespmem:s2+$0x100]  }
0xfe: {  	v9 =	vadd.f32 v10, v9  }
0xff: {  	v10 =	vld [tilespmem:s2+$0x110]  }
0x100: {  	v9 =	vadd.f32 v12, v9  }
0x101: {  	v12 =	vld [tilespmem:s2+$0x120]  }
0x102: {  	v9 =	vadd.f32 v11, v9  }
0x103: {  	v11 =	vld [tilespmem:s2+$0x130]  }
0x104: {  	v9 =	vadd.f32 v10, v9  }
0x105: {  	v10 =	vld [tilespmem:s2+$0x140]  }
0x106: {  	v9 =	vadd.f32 v12, v9  }
0x107: {  	v13 =	vld [tilespmem:s2+$0x150]  }
.Ltmp2:
0x108: {  	v9 =	vadd.f32 v11, v9;
	(pc) =	sbr.rel @p0 .LBB2_6-.Ltmp2, $4  }
0x109: {  	v12 =	vld [tilespmem:s2+$0x160]  }
0x10a: {  	v9 =	vadd.f32 v10, v9  }
0x10b: {  	v11 =	vld [tilespmem:s2+$0x170]  }
0x10c: {  	s2 =	sshra.s32 s0, $0x2;
	s0 =	sadd.s32 $0x400, s0;
	v13 =	vadd.f32 v13, v9  }
0x10d: {  	v9 =	vld [tilespmem:$0x0];
	_ =	sdelay $0x4  }
0x10e: {  	v14 =	vld [tilespmem:s2+$0x80];
	(v2sf) =	vpush v9, $0x2  }
0x10f: {  	v15 =	vld [tilespmem:s2+$0x90]  }
0x110: {  	v16 =	vld [tilespmem:s2+$0xA0]  }
0x111: {  	v17 =	vld [tilespmem:s2+$0xB0]  }
0x112: {  	v18 =	vld [tilespmem:s2+$0xC0]  }
0x113: {  	v19 =	vld [tilespmem:s2+$0xD0]  }
0x114: {  	v20 =	vld [tilespmem:s2+$0xE0]  }
0x115: {  	v21 =	vld [tilespmem:s2+$0xF0]  }
0x116: {  	v22 =	vld [tilespmem:s2+$0x100]  }
0x117: {  	v23 =	vld [tilespmem:s2+$0x110]  }
0x118: {  	v24 =	vld [tilespmem:s2+$0x120]  }
0x119: {  	v25 =	vld [tilespmem:s2+$0x130]  }
0x11a: {  	v26 =	vld [tilespmem:s2+$0x140]  }
0x11b: {  	v27 =	vld [tilespmem:s2+$0x150]  }
0x11c: {  	v28 =	vld [tilespmem:s2+$0x160]  }
0x11d: {  	v29 =	vld [tilespmem:s2+$0x170];
	s0 =	spop (v2sf)  }
0x11e: {  	s14 =	rddreg [dreg:$0x9];
	v9 =	vld [tilespmem:$0x80];
	s13 =	sand.u32 $0xFFFFFFF0, s0  }
0x11f: {  	v10 =	vld [tilespmem:s13+$0x80];
	[tilespmem:s24], [sflag:$0x1] =	stream.strided.gather [hbm4b:s14+s24], $0x7D00, s23, s24, $0x38  }
0x120: {  	v12 =	vadd.f32 v12, v13;
	_ =	swait.ge [sflag:s28], $0x7D00  }
0x121: {  	[sflag:s28] =	ssyncset.done $0x0  }
0x122: {  	s29 =	simm.s32 $0x0;
	v11 =	vadd.f32 v11, v12;
	[sflag:s28] =	ssyncadd.s32 $0xFFFF8300  }
0x123: {  	v12 =	vld [tilespmem:s29+$0x7D80]  }
0x124: {  	v11 =	vadd.f32 v14, v11  }
0x125: {  	v13 =	vld [tilespmem:s29+$0x7D90]  }
0x126: {  	v11 =	vadd.f32 v15, v11  }
0x127: {  	v14 =	vimm.f32 $0.0e+00;
	v15 =	vld [tilespmem:s29+$0x7DA0]  }
0x128: {  	v11 =	vadd.f32 v16, v11;
	v12 =	vadd.f32 v12, v14  }
0x129: {  	v14 =	vld [tilespmem:s29+$0x7DB0]  }
0x12a: {  	v11 =	vadd.f32 v17, v11;
	v12 =	vadd.f32 v13, v12  }
0x12b: {  	v13 =	vld [tilespmem:s29+$0x7DC0]  }
0x12c: {  	v11 =	vadd.f32 v18, v11;
	v12 =	vadd.f32 v15, v12  }
0x12d: {  	v15 =	vld [tilespmem:s29+$0x7DD0]  }
0x12e: {  	v11 =	vadd.f32 v19, v11;
	v12 =	vadd.f32 v14, v12  }
0x12f: {  	v14 =	vld [tilespmem:s29+$0x7DE0]  }
0x130: {  	v11 =	vadd.f32 v20, v11;
	v12 =	vadd.f32 v13, v12  }
0x131: {  	v13 =	vld [tilespmem:s29+$0x7DF0]  }
0x132: {  	v11 =	vadd.f32 v21, v11;
	v12 =	vadd.f32 v15, v12  }
0x133: {  	v15 =	vld [tilespmem:s29+$0x7E00]  }
0x134: {  	v11 =	vadd.f32 v22, v11;
	v12 =	vadd.f32 v14, v12  }
0x135: {  	v14 =	vld [tilespmem:s29+$0x7E10]  }
0x136: {  	v11 =	vadd.f32 v23, v11;
	v12 =	vadd.f32 v13, v12  }
0x137: {  	v13 =	vld [tilespmem:s29+$0x7E20]  }
0x138: {  	v11 =	vadd.f32 v24, v11;
	v12 =	vadd.f32 v15, v12  }
0x139: {  	v15 =	vld [tilespmem:s29+$0x7E30]  }
0x13a: {  	v11 =	vadd.f32 v25, v11;
	v12 =	vadd.f32 v14, v12  }
0x13b: {  	v14 =	vld [tilespmem:s29+$0x7E40]  }
0x13c: {  	v11 =	vadd.f32 v26, v11;
	v12 =	vadd.f32 v13, v12  }
0x13d: {  	v13 =	vld [tilespmem:s29+$0x7E50]  }
0x13e: {  	v11 =	vadd.f32 v27, v11;
	v12 =	vadd.f32 v15, v12  }
0x13f: {  	v15 =	vld [tilespmem:s29+$0x7E60]  }
0x140: {  	v11 =	vadd.f32 v28, v11;
	v12 =	vadd.f32 v14, v12  }
0x141: {  	v14 =	vld [tilespmem:s29+$0x7E70]  }
0x142: {  	s2 =	simm.s32 $0x100;
	s3 =	simm.s32 $0x800;
	v11 =	vadd.f32 v29, v11;
	v16 =	vadd.f32 v13, v12  }
.LBB2_8:
0x143: {  	p0 =	sne.s32 s3, $0x1F000;
	v12 =	vld [tilespmem:s2+$0x7D80]  }
0x144: {  	v13 =	vadd.f32 v15, v16  }
0x145: {  	v15 =	vld [tilespmem:s2+$0x7D90]  }
0x146: {  	v13 =	vadd.f32 v14, v13  }
0x147: {  	v14 =	vld [tilespmem:s2+$0x7DA0]  }
0x148: {  	v12 =	vadd.f32 v12, v13  }
0x149: {  	v13 =	vld [tilespmem:s2+$0x7DB0]  }
0x14a: {  	v12 =	vadd.f32 v15, v12  }
0x14b: {  	v15 =	vld [tilespmem:s2+$0x7DC0]  }
0x14c: {  	v12 =	vadd.f32 v14, v12  }
0x14d: {  	v14 =	vld [tilespmem:s2+$0x7DD0]  }
0x14e: {  	v12 =	vadd.f32 v13, v12  }
0x14f: {  	v13 =	vld [tilespmem:s2+$0x7DE0]  }
0x150: {  	v12 =	vadd.f32 v15, v12  }
0x151: {  	v15 =	vld [tilespmem:s2+$0x7DF0]  }
0x152: {  	v12 =	vadd.f32 v14, v12  }
0x153: {  	v14 =	vld [tilespmem:s2+$0x7E00]  }
0x154: {  	v12 =	vadd.f32 v13, v12  }
0x155: {  	v13 =	vld [tilespmem:s2+$0x7E10]  }
0x156: {  	v12 =	vadd.f32 v15, v12  }
0x157: {  	v15 =	vld [tilespmem:s2+$0x7E20]  }
0x158: {  	v12 =	vadd.f32 v14, v12  }
0x159: {  	v14 =	vld [tilespmem:s2+$0x7E30]  }
0x15a: {  	v12 =	vadd.f32 v13, v12  }
0x15b: {  	v13 =	vld [tilespmem:s2+$0x7E40]  }
0x15c: {  	v12 =	vadd.f32 v15, v12  }
0x15d: {  	v16 =	vld [tilespmem:s2+$0x7E50]  }
.Ltmp3:
0x15e: {  	v12 =	vadd.f32 v14, v12;
	(pc) =	sbr.rel @p0 .LBB2_8-.Ltmp3, $4  }
0x15f: {  	v15 =	vld [tilespmem:s2+$0x7E60]  }
0x160: {  	v12 =	vadd.f32 v13, v12  }
0x161: {  	v14 =	vld [tilespmem:s2+$0x7E70]  }
0x162: {  	s2 =	sshra.s32 s3, $0x2;
	s3 =	sadd.s32 $0x400, s3;
	v16 =	vadd.f32 v16, v12  }
0x163: {  	v12 =	vld [tilespmem:$0x0];
	_ =	sdelay $0x4  }
0x164: {  	v17 =	vld [tilespmem:s2+$0x7D80];
	(v2sf) =	vpush v12, $0x3  }
0x165: {  	v18 =	vld [tilespmem:s2+$0x7D90]  }
0x166: {  	v19 =	vld [tilespmem:s2+$0x7DA0]  }
0x167: {  	v20 =	vld [tilespmem:s2+$0x7DB0]  }
0x168: {  	v21 =	vld [tilespmem:s2+$0x7DC0]  }
0x169: {  	v22 =	vld [tilespmem:s2+$0x7DD0]  }
0x16a: {  	v23 =	vld [tilespmem:s2+$0x7DE0]  }
0x16b: {  	v24 =	vld [tilespmem:s2+$0x7DF0]  }
0x16c: {  	v25 =	vld [tilespmem:s2+$0x7E00]  }
0x16d: {  	v26 =	vld [tilespmem:s2+$0x7E10]  }
0x16e: {  	v27 =	vld [tilespmem:s2+$0x7E20]  }
0x16f: {  	v28 =	vld [tilespmem:s2+$0x7E30]  }
0x170: {  	v29 =	vld [tilespmem:s2+$0x7E40]  }
0x171: {  	v30 =	vld [tilespmem:s2+$0x7E50]  }
0x172: {  	v31 =	vld [tilespmem:s2+$0x7E60]  }
0x173: {  	v32 =	vld [tilespmem:s2+$0x7E70];
	s29 =	spop (v2sf)  }
0x174: {  	v13 =	vld [tilespmem:$0x7D80];
	s13 =	rddreg [dreg:$0xa];
	s12 =	sand.u32 $0xFFFFFFF0, s29  }
0x175: {  	v12 =	vld [tilespmem:s12+$0x7D80];
	[tilespmem:s25], [sflag:$0x2] =	stream.strided.gather [hbm4b:s13+s24], $0x7D00, s23, s24, $0x38  }
0x176: {  	v15 =	vadd.f32 v15, v16;
	_ =	swait.ge [sflag:s26], $0x7D00  }
0x177: {  	[sflag:s26] =	ssyncset.done $0x0  }
0x178: {  	s14 =	simm.s32 $0x0;
	v14 =	vadd.f32 v14, v15;
	[sflag:s26] =	ssyncadd.s32 $0xFFFF8300  }
0x179: {  	v15 =	vld [tilespmem:s14+$0x80]  }
0x17a: {  	v14 =	vadd.f32 v17, v14  }
0x17b: {  	v16 =	vld [tilespmem:s14+$0x90]  }
0x17c: {  	v14 =	vadd.f32 v18, v14  }
0x17d: {  	v17 =	vimm.f32 $0.0e+00;
	v18 =	vld [tilespmem:s14+$0xA0]  }
0x17e: {  	v14 =	vadd.f32 v19, v14;
	v15 =	vadd.f32 v15, v17  }
0x17f: {  	v17 =	vld [tilespmem:s14+$0xB0]  }
0x180: {  	v14 =	vadd.f32 v20, v14;
	v15 =	vadd.f32 v16, v15  }
0x181: {  	v16 =	vld [tilespmem:s14+$0xC0]  }
0x182: {  	v14 =	vadd.f32 v21, v14;
	v15 =	vadd.f32 v18, v15  }
0x183: {  	v18 =	vld [tilespmem:s14+$0xD0]  }
0x184: {  	v14 =	vadd.f32 v22, v14;
	v15 =	vadd.f32 v17, v15  }
0x185: {  	v17 =	vld [tilespmem:s14+$0xE0]  }
0x186: {  	v14 =	vadd.f32 v23, v14;
	v15 =	vadd.f32 v16, v15  }
0x187: {  	v16 =	vld [tilespmem:s14+$0xF0]  }
0x188: {  	v14 =	vadd.f32 v24, v14;
	v15 =	vadd.f32 v18, v15  }
0x189: {  	v18 =	vld [tilespmem:s14+$0x100]  }
0x18a: {  	v14 =	vadd.f32 v25, v14;
	v15 =	vadd.f32 v17, v15  }
0x18b: {  	v17 =	vld [tilespmem:s14+$0x110]  }
0x18c: {  	v14 =	vadd.f32 v26, v14;
	v15 =	vadd.f32 v16, v15  }
0x18d: {  	v16 =	vld [tilespmem:s14+$0x120]  }
0x18e: {  	v14 =	vadd.f32 v27, v14;
	v15 =	vadd.f32 v18, v15  }
0x18f: {  	v18 =	vld [tilespmem:s14+$0x130]  }
0x190: {  	v14 =	vadd.f32 v28, v14;
	v15 =	vadd.f32 v17, v15  }
0x191: {  	v17 =	vld [tilespmem:s14+$0x140]  }
0x192: {  	v14 =	vadd.f32 v29, v14;
	v15 =	vadd.f32 v16, v15  }
0x193: {  	v16 =	vld [tilespmem:s14+$0x150]  }
0x194: {  	v14 =	vadd.f32 v30, v14;
	v15 =	vadd.f32 v18, v15  }
0x195: {  	v18 =	vld [tilespmem:s14+$0x160]  }
0x196: {  	v14 =	vadd.f32 v31, v14;
	v15 =	vadd.f32 v17, v15  }
0x197: {  	v17 =	vld [tilespmem:s14+$0x170]  }
0x198: {  	s3 =	simm.s32 $0x100;
	s2 =	simm.s32 $0x800;
	v14 =	vadd.f32 v32, v14;
	v19 =	vadd.f32 v16, v15  }
.LBB2_10:
0x199: {  	p0 =	sne.s32 s2, $0x1F000;
	v15 =	vld [tilespmem:s3+$0x80]  }
0x19a: {  	v16 =	vadd.f32 v18, v19  }
0x19b: {  	v18 =	vld [tilespmem:s3+$0x90]  }
0x19c: {  	v16 =	vadd.f32 v17, v16  }
0x19d: {  	v17 =	vld [tilespmem:s3+$0xA0]  }
0x19e: {  	v15 =	vadd.f32 v15, v16  }
0x19f: {  	v16 =	vld [tilespmem:s3+$0xB0]  }
0x1a0: {  	v15 =	vadd.f32 v18, v15  }
0x1a1: {  	v18 =	vld [tilespmem:s3+$0xC0]  }
0x1a2: {  	v15 =	vadd.f32 v17, v15  }
0x1a3: {  	v17 =	vld [tilespmem:s3+$0xD0]  }
0x1a4: {  	v15 =	vadd.f32 v16, v15  }
0x1a5: {  	v16 =	vld [tilespmem:s3+$0xE0]  }
0x1a6: {  	v15 =	vadd.f32 v18, v15  }
0x1a7: {  	v18 =	vld [tilespmem:s3+$0xF0]  }
0x1a8: {  	v15 =	vadd.f32 v17, v15  }
0x1a9: {  	v17 =	vld [tilespmem:s3+$0x100]  }
0x1aa: {  	v15 =	vadd.f32 v16, v15  }
0x1ab: {  	v16 =	vld [tilespmem:s3+$0x110]  }
0x1ac: {  	v15 =	vadd.f32 v18, v15  }
0x1ad: {  	v18 =	vld [tilespmem:s3+$0x120]  }
0x1ae: {  	v15 =	vadd.f32 v17, v15  }
0x1af: {  	v17 =	vld [tilespmem:s3+$0x130]  }
0x1b0: {  	v15 =	vadd.f32 v16, v15  }
0x1b1: {  	v16 =	vld [tilespmem:s3+$0x140]  }
0x1b2: {  	v15 =	vadd.f32 v18, v15  }
0x1b3: {  	v19 =	vld [tilespmem:s3+$0x150]  }
.Ltmp4:
0x1b4: {  	v15 =	vadd.f32 v17, v15;
	(pc) =	sbr.rel @p0 .LBB2_10-.Ltmp4, $4  }
0x1b5: {  	v18 =	vld [tilespmem:s3+$0x160]  }
0x1b6: {  	v15 =	vadd.f32 v16, v15  }
0x1b7: {  	v17 =	vld [tilespmem:s3+$0x170]  }
0x1b8: {  	s3 =	sshra.s32 s2, $0x2;
	s2 =	sadd.s32 $0x400, s2;
	v19 =	vadd.f32 v19, v15  }
0x1b9: {  	v15 =	vld [tilespmem:$0x0];
	_ =	sdelay $0x4  }
0x1ba: {  	v20 =	vld [tilespmem:s3+$0x80];
	(v2sf) =	vpush v15, $0x4  }
0x1bb: {  	v21 =	vld [tilespmem:s3+$0x90]  }
0x1bc: {  	v22 =	vld [tilespmem:s3+$0xA0]  }
0x1bd: {  	v23 =	vld [tilespmem:s3+$0xB0]  }
0x1be: {  	v24 =	vld [tilespmem:s3+$0xC0]  }
0x1bf: {  	v25 =	vld [tilespmem:s3+$0xD0]  }
0x1c0: {  	v26 =	vld [tilespmem:s3+$0xE0]  }
0x1c1: {  	v27 =	vld [tilespmem:s3+$0xF0]  }
0x1c2: {  	v28 =	vld [tilespmem:s3+$0x100]  }
0x1c3: {  	v29 =	vld [tilespmem:s3+$0x110]  }
0x1c4: {  	v30 =	vld [tilespmem:s3+$0x120]  }
0x1c5: {  	v31 =	vld [tilespmem:s3+$0x130]  }
0x1c6: {  	v32 =	vld [tilespmem:s3+$0x140]  }
0x1c7: {  	v33 =	vld [tilespmem:s3+$0x150]  }
0x1c8: {  	v34 =	vld [tilespmem:s3+$0x160]  }
0x1c9: {  	v35 =	vld [tilespmem:s3+$0x170];
	s2 =	spop (v2sf)  }
0x1ca: {  	v16 =	vld [tilespmem:$0x80];
	s13 =	rddreg [dreg:$0xb];
	s12 =	sand.u32 $0xFFFFFFF0, s2  }
0x1cb: {  	v15 =	vld [tilespmem:s12+$0x80];
	[tilespmem:s24], [sflag:$0x1] =	stream.strided.gather [hbm4b:s13+s24], $0x7D00, s23, s24, $0x38  }
0x1cc: {  	v18 =	vadd.f32 v18, v19;
	_ =	swait.ge [sflag:s28], $0x7D00  }
0x1cd: {  	[sflag:s28] =	ssyncset.done $0x0  }
0x1ce: {  	s14 =	simm.s32 $0x0;
	v17 =	vadd.f32 v17, v18;
	[sflag:s28] =	ssyncadd.s32 $0xFFFF8300  }
0x1cf: {  	v18 =	vld [tilespmem:s14+$0x7D80]  }
0x1d0: {  	v17 =	vadd.f32 v20, v17  }
0x1d1: {  	v19 =	vld [tilespmem:s14+$0x7D90]  }
0x1d2: {  	v17 =	vadd.f32 v21, v17  }
0x1d3: {  	v20 =	vimm.f32 $0.0e+00;
	v21 =	vld [tilespmem:s14+$0x7DA0]  }
0x1d4: {  	v17 =	vadd.f32 v22, v17;
	v18 =	vadd.f32 v18, v20  }
0x1d5: {  	v20 =	vld [tilespmem:s14+$0x7DB0]  }
0x1d6: {  	v17 =	vadd.f32 v23, v17;
	v18 =	vadd.f32 v19, v18  }
0x1d7: {  	v19 =	vld [tilespmem:s14+$0x7DC0]  }
0x1d8: {  	v17 =	vadd.f32 v24, v17;
	v18 =	vadd.f32 v21, v18  }
0x1d9: {  	v21 =	vld [tilespmem:s14+$0x7DD0]  }
0x1da: {  	v17 =	vadd.f32 v25, v17;
	v18 =	vadd.f32 v20, v18  }
0x1db: {  	v20 =	vld [tilespmem:s14+$0x7DE0]  }
0x1dc: {  	v17 =	vadd.f32 v26, v17;
	v18 =	vadd.f32 v19, v18  }
0x1dd: {  	v19 =	vld [tilespmem:s14+$0x7DF0]  }
0x1de: {  	v17 =	vadd.f32 v27, v17;
	v18 =	vadd.f32 v21, v18  }
0x1df: {  	v21 =	vld [tilespmem:s14+$0x7E00]  }
0x1e0: {  	v17 =	vadd.f32 v28, v17;
	v18 =	vadd.f32 v20, v18  }
0x1e1: {  	v20 =	vld [tilespmem:s14+$0x7E10]  }
0x1e2: {  	v17 =	vadd.f32 v29, v17;
	v18 =	vadd.f32 v19, v18  }
0x1e3: {  	v19 =	vld [tilespmem:s14+$0x7E20]  }
0x1e4: {  	v17 =	vadd.f32 v30, v17;
	v18 =	vadd.f32 v21, v18  }
0x1e5: {  	v21 =	vld [tilespmem:s14+$0x7E30]  }
0x1e6: {  	v17 =	vadd.f32 v31, v17;
	v18 =	vadd.f32 v20, v18  }
0x1e7: {  	v20 =	vld [tilespmem:s14+$0x7E40]  }
0x1e8: {  	v17 =	vadd.f32 v32, v17;
	v18 =	vadd.f32 v19, v18  }
0x1e9: {  	v19 =	vld [tilespmem:s14+$0x7E50]  }
0x1ea: {  	v17 =	vadd.f32 v33, v17;
	v18 =	vadd.f32 v21, v18  }
0x1eb: {  	v21 =	vld [tilespmem:s14+$0x7E60]  }
0x1ec: {  	v17 =	vadd.f32 v34, v17;
	v18 =	vadd.f32 v20, v18  }
0x1ed: {  	v20 =	vld [tilespmem:s14+$0x7E70]  }
0x1ee: {  	s4 =	simm.s32 $0x100;
	s3 =	simm.s32 $0x800;
	v17 =	vadd.f32 v35, v17;
	v22 =	vadd.f32 v19, v18  }
.LBB2_12:
0x1ef: {  	p0 =	sne.s32 s3, $0x1F000;
	v18 =	vld [tilespmem:s4+$0x7D80]  }
0x1f0: {  	v19 =	vadd.f32 v21, v22  }
0x1f1: {  	v21 =	vld [tilespmem:s4+$0x7D90]  }
0x1f2: {  	v19 =	vadd.f32 v20, v19  }
0x1f3: {  	v20 =	vld [tilespmem:s4+$0x7DA0]  }
0x1f4: {  	v18 =	vadd.f32 v18, v19  }
0x1f5: {  	v19 =	vld [tilespmem:s4+$0x7DB0]  }
0x1f6: {  	v18 =	vadd.f32 v21, v18  }
0x1f7: {  	v21 =	vld [tilespmem:s4+$0x7DC0]  }
0x1f8: {  	v18 =	vadd.f32 v20, v18  }
0x1f9: {  	v20 =	vld [tilespmem:s4+$0x7DD0]  }
0x1fa: {  	v18 =	vadd.f32 v19, v18  }
0x1fb: {  	v19 =	vld [tilespmem:s4+$0x7DE0]  }
0x1fc: {  	v18 =	vadd.f32 v21, v18  }
0x1fd: {  	v21 =	vld [tilespmem:s4+$0x7DF0]  }
0x1fe: {  	v18 =	vadd.f32 v20, v18  }
0x1ff: {  	v20 =	vld [tilespmem:s4+$0x7E00]  }
0x200: {  	v18 =	vadd.f32 v19, v18  }
0x201: {  	v19 =	vld [tilespmem:s4+$0x7E10]  }
0x202: {  	v18 =	vadd.f32 v21, v18  }
0x203: {  	v21 =	vld [tilespmem:s4+$0x7E20]  }
0x204: {  	v18 =	vadd.f32 v20, v18  }
0x205: {  	v20 =	vld [tilespmem:s4+$0x7E30]  }
0x206: {  	v18 =	vadd.f32 v19, v18  }
0x207: {  	v19 =	vld [tilespmem:s4+$0x7E40]  }
0x208: {  	v18 =	vadd.f32 v21, v18  }
0x209: {  	v22 =	vld [tilespmem:s4+$0x7E50]  }
.Ltmp5:
0x20a: {  	v18 =	vadd.f32 v20, v18;
	(pc) =	sbr.rel @p0 .LBB2_12-.Ltmp5, $4  }
0x20b: {  	v21 =	vld [tilespmem:s4+$0x7E60]  }
0x20c: {  	v18 =	vadd.f32 v19, v18  }
0x20d: {  	v20 =	vld [tilespmem:s4+$0x7E70]  }
0x20e: {  	s4 =	sshra.s32 s3, $0x2;
	s3 =	sadd.s32 $0x400, s3;
	v22 =	vadd.f32 v22, v18  }
0x20f: {  	v18 =	vld [tilespmem:$0x0];
	_ =	sdelay $0x4  }
0x210: {  	v23 =	vld [tilespmem:s4+$0x7D80];
	(v2sf) =	vpush v18, $0x5  }
0x211: {  	v24 =	vld [tilespmem:s4+$0x7D90]  }
0x212: {  	v25 =	vld [tilespmem:s4+$0x7DA0]  }
0x213: {  	v26 =	vld [tilespmem:s4+$0x7DB0]  }
0x214: {  	v27 =	vld [tilespmem:s4+$0x7DC0]  }
0x215: {  	v28 =	vld [tilespmem:s4+$0x7DD0]  }
0x216: {  	v29 =	vld [tilespmem:s4+$0x7DE0]  }
0x217: {  	v30 =	vld [tilespmem:s4+$0x7DF0]  }
0x218: {  	v31 =	vld [tilespmem:s4+$0x7E00]  }
0x219: {  	v32 =	vld [tilespmem:s4+$0x7E10]  }
0x21a: {  	v33 =	vld [tilespmem:s4+$0x7E20]  }
0x21b: {  	v34 =	vld [tilespmem:s4+$0x7E30]  }
0x21c: {  	v35 =	vld [tilespmem:s4+$0x7E40]  }
0x21d: {  	v36 =	vld [tilespmem:s4+$0x7E50]  }
0x21e: {  	v37 =	vld [tilespmem:s4+$0x7E60]  }
0x21f: {  	v38 =	vld [tilespmem:s4+$0x7E70];
	s3 =	spop (v2sf)  }
0x220: {  	s13 =	rddreg [dreg:$0xc];
	v18 =	vld [tilespmem:$0x7D80];
	s12 =	sand.u32 $0xFFFFFFF0, s3  }
0x221: {  	v19 =	vld [tilespmem:s12+$0x7D80];
	[tilespmem:s25], [sflag:$0x2] =	stream.strided.gather [hbm4b:s13+s24], $0x7D00, s23, s24, $0x38  }
0x222: {  	v21 =	vadd.f32 v21, v22;
	_ =	swait.ge [sflag:s26], $0x7D00  }
0x223: {  	[sflag:s26] =	ssyncset.done $0x0  }
0x224: {  	s14 =	simm.s32 $0x0;
	v20 =	vadd.f32 v20, v21;
	[sflag:s26] =	ssyncadd.s32 $0xFFFF8300  }
0x225: {  	v21 =	vld [tilespmem:s14+$0x80]  }
0x226: {  	v20 =	vadd.f32 v23, v20  }
0x227: {  	v22 =	vld [tilespmem:s14+$0x90]  }
0x228: {  	v20 =	vadd.f32 v24, v20  }
0x229: {  	v23 =	vimm.f32 $0.0e+00;
	v24 =	vld [tilespmem:s14+$0xA0]  }
0x22a: {  	v20 =	vadd.f32 v25, v20;
	v21 =	vadd.f32 v21, v23  }
0x22b: {  	v23 =	vld [tilespmem:s14+$0xB0]  }
0x22c: {  	v20 =	vadd.f32 v26, v20;
	v21 =	vadd.f32 v22, v21  }
0x22d: {  	v22 =	vld [tilespmem:s14+$0xC0]  }
0x22e: {  	v20 =	vadd.f32 v27, v20;
	v21 =	vadd.f32 v24, v21  }
0x22f: {  	v24 =	vld [tilespmem:s14+$0xD0]  }
0x230: {  	v20 =	vadd.f32 v28, v20;
	v21 =	vadd.f32 v23, v21  }
0x231: {  	v23 =	vld [tilespmem:s14+$0xE0]  }
0x232: {  	v20 =	vadd.f32 v29, v20;
	v21 =	vadd.f32 v22, v21  }
0x233: {  	v22 =	vld [tilespmem:s14+$0xF0]  }
0x234: {  	v20 =	vadd.f32 v30, v20;
	v21 =	vadd.f32 v24, v21  }
0x235: {  	v24 =	vld [tilespmem:s14+$0x100]  }
0x236: {  	v20 =	vadd.f32 v31, v20;
	v21 =	vadd.f32 v23, v21  }
0x237: {  	v23 =	vld [tilespmem:s14+$0x110]  }
0x238: {  	v20 =	vadd.f32 v32, v20;
	v21 =	vadd.f32 v22, v21  }
0x239: {  	v22 =	vld [tilespmem:s14+$0x120]  }
0x23a: {  	v20 =	vadd.f32 v33, v20;
	v21 =	vadd.f32 v24, v21  }
0x23b: {  	v24 =	vld [tilespmem:s14+$0x130]  }
0x23c: {  	v20 =	vadd.f32 v34, v20;
	v21 =	vadd.f32 v23, v21  }
0x23d: {  	v23 =	vld [tilespmem:s14+$0x140]  }
0x23e: {  	v20 =	vadd.f32 v35, v20;
	v21 =	vadd.f32 v22, v21  }
0x23f: {  	v22 =	vld [tilespmem:s14+$0x150]  }
0x240: {  	v20 =	vadd.f32 v36, v20;
	v21 =	vadd.f32 v24, v21  }
0x241: {  	v24 =	vld [tilespmem:s14+$0x160]  }
0x242: {  	v20 =	vadd.f32 v37, v20;
	v21 =	vadd.f32 v23, v21  }
0x243: {  	v23 =	vld [tilespmem:s14+$0x170]  }
0x244: {  	s5 =	simm.s32 $0x100;
	s4 =	simm.s32 $0x800;
	v20 =	vadd.f32 v38, v20;
	v25 =	vadd.f32 v22, v21  }
.LBB2_14:
0x245: {  	p0 =	sne.s32 s4, $0x1F000;
	v21 =	vld [tilespmem:s5+$0x80]  }
0x246: {  	v22 =	vadd.f32 v24, v25  }
0x247: {  	v24 =	vld [tilespmem:s5+$0x90]  }
0x248: {  	v22 =	vadd.f32 v23, v22  }
0x249: {  	v23 =	vld [tilespmem:s5+$0xA0]  }
0x24a: {  	v21 =	vadd.f32 v21, v22  }
0x24b: {  	v22 =	vld [tilespmem:s5+$0xB0]  }
0x24c: {  	v21 =	vadd.f32 v24, v21  }
0x24d: {  	v24 =	vld [tilespmem:s5+$0xC0]  }
0x24e: {  	v21 =	vadd.f32 v23, v21  }
0x24f: {  	v23 =	vld [tilespmem:s5+$0xD0]  }
0x250: {  	v21 =	vadd.f32 v22, v21  }
0x251: {  	v22 =	vld [tilespmem:s5+$0xE0]  }
0x252: {  	v21 =	vadd.f32 v24, v21  }
0x253: {  	v24 =	vld [tilespmem:s5+$0xF0]  }
0x254: {  	v21 =	vadd.f32 v23, v21  }
0x255: {  	v23 =	vld [tilespmem:s5+$0x100]  }
0x256: {  	v21 =	vadd.f32 v22, v21  }
0x257: {  	v22 =	vld [tilespmem:s5+$0x110]  }
0x258: {  	v21 =	vadd.f32 v24, v21  }
0x259: {  	v24 =	vld [tilespmem:s5+$0x120]  }
0x25a: {  	v21 =	vadd.f32 v23, v21  }
0x25b: {  	v23 =	vld [tilespmem:s5+$0x130]  }
0x25c: {  	v21 =	vadd.f32 v22, v21  }
0x25d: {  	v22 =	vld [tilespmem:s5+$0x140]  }
0x25e: {  	v21 =	vadd.f32 v24, v21  }
0x25f: {  	v25 =	vld [tilespmem:s5+$0x150]  }
.Ltmp6:
0x260: {  	v21 =	vadd.f32 v23, v21;
	(pc) =	sbr.rel @p0 .LBB2_14-.Ltmp6, $4  }
0x261: {  	v24 =	vld [tilespmem:s5+$0x160]  }
0x262: {  	v21 =	vadd.f32 v22, v21  }
0x263: {  	v23 =	vld [tilespmem:s5+$0x170]  }
0x264: {  	s5 =	sshra.s32 s4, $0x2;
	s4 =	sadd.s32 $0x400, s4;
	v25 =	vadd.f32 v25, v21  }
0x265: {  	v21 =	vld [tilespmem:$0x0];
	_ =	sdelay $0x4  }
0x266: {  	v26 =	vld [tilespmem:s5+$0x80];
	(v2sf) =	vpush v21, $0x6  }
0x267: {  	v27 =	vld [tilespmem:s5+$0x90]  }
0x268: {  	v28 =	vld [tilespmem:s5+$0xA0]  }
0x269: {  	v29 =	vld [tilespmem:s5+$0xB0]  }
0x26a: {  	v30 =	vld [tilespmem:s5+$0xC0]  }
0x26b: {  	v31 =	vld [tilespmem:s5+$0xD0]  }
0x26c: {  	v32 =	vld [tilespmem:s5+$0xE0]  }
0x26d: {  	v33 =	vld [tilespmem:s5+$0xF0]  }
0x26e: {  	v34 =	vld [tilespmem:s5+$0x100]  }
0x26f: {  	v35 =	vld [tilespmem:s5+$0x110]  }
0x270: {  	v36 =	vld [tilespmem:s5+$0x120]  }
0x271: {  	v37 =	vld [tilespmem:s5+$0x130]  }
0x272: {  	v38 =	vld [tilespmem:s5+$0x140]  }
0x273: {  	v39 =	vld [tilespmem:s5+$0x150]  }
0x274: {  	v40 =	vld [tilespmem:s5+$0x160]  }
0x275: {  	v41 =	vld [tilespmem:s5+$0x170];
	s4 =	spop (v2sf)  }
0x276: {  	v22 =	vld [tilespmem:$0x80];
	s13 =	rddreg [dreg:$0xd];
	s12 =	sand.u32 $0xFFFFFFF0, s4  }
0x277: {  	v21 =	vld [tilespmem:s12+$0x80];
	[tilespmem:s24], [sflag:$0x1] =	stream.strided.gather [hbm4b:s13+s24], $0x7D00, s23, s24, $0x38  }
0x278: {  	v24 =	vadd.f32 v24, v25;
	_ =	swait.ge [sflag:s28], $0x7D00  }
0x279: {  	[sflag:s28] =	ssyncset.done $0x0  }
0x27a: {  	s14 =	simm.s32 $0x0;
	v23 =	vadd.f32 v23, v24;
	[sflag:s28] =	ssyncadd.s32 $0xFFFF8300  }
0x27b: {  	v24 =	vld [tilespmem:s14+$0x7D80]  }
0x27c: {  	v23 =	vadd.f32 v26, v23  }
0x27d: {  	v25 =	vld [tilespmem:s14+$0x7D90]  }
0x27e: {  	v23 =	vadd.f32 v27, v23  }
0x27f: {  	v26 =	vimm.f32 $0.0e+00;
	v27 =	vld [tilespmem:s14+$0x7DA0]  }
0x280: {  	v23 =	vadd.f32 v28, v23;
	v24 =	vadd.f32 v24, v26  }
0x281: {  	v26 =	vld [tilespmem:s14+$0x7DB0]  }
0x282: {  	v23 =	vadd.f32 v29, v23;
	v24 =	vadd.f32 v25, v24  }
0x283: {  	v25 =	vld [tilespmem:s14+$0x7DC0]  }
0x284: {  	v23 =	vadd.f32 v30, v23;
	v24 =	vadd.f32 v27, v24  }
0x285: {  	v27 =	vld [tilespmem:s14+$0x7DD0]  }
0x286: {  	v23 =	vadd.f32 v31, v23;
	v24 =	vadd.f32 v26, v24  }
0x287: {  	v26 =	vld [tilespmem:s14+$0x7DE0]  }
0x288: {  	v23 =	vadd.f32 v32, v23;
	v24 =	vadd.f32 v25, v24  }
0x289: {  	v25 =	vld [tilespmem:s14+$0x7DF0]  }
0x28a: {  	v23 =	vadd.f32 v33, v23;
	v24 =	vadd.f32 v27, v24  }
0x28b: {  	v27 =	vld [tilespmem:s14+$0x7E00]  }
0x28c: {  	v23 =	vadd.f32 v34, v23;
	v24 =	vadd.f32 v26, v24  }
0x28d: {  	v26 =	vld [tilespmem:s14+$0x7E10]  }
0x28e: {  	v23 =	vadd.f32 v35, v23;
	v24 =	vadd.f32 v25, v24  }
0x28f: {  	v25 =	vld [tilespmem:s14+$0x7E20]  }
0x290: {  	v23 =	vadd.f32 v36, v23;
	v24 =	vadd.f32 v27, v24  }
0x291: {  	v27 =	vld [tilespmem:s14+$0x7E30]  }
0x292: {  	v23 =	vadd.f32 v37, v23;
	v24 =	vadd.f32 v26, v24  }
0x293: {  	v26 =	vld [tilespmem:s14+$0x7E40]  }
0x294: {  	v23 =	vadd.f32 v38, v23;
	v24 =	vadd.f32 v25, v24  }
0x295: {  	v25 =	vld [tilespmem:s14+$0x7E50]  }
0x296: {  	v23 =	vadd.f32 v39, v23;
	v24 =	vadd.f32 v27, v24  }
0x297: {  	v27 =	vld [tilespmem:s14+$0x7E60]  }
0x298: {  	v23 =	vadd.f32 v40, v23;
	v24 =	vadd.f32 v26, v24  }
0x299: {  	v26 =	vld [tilespmem:s14+$0x7E70]  }
0x29a: {  	s6 =	simm.s32 $0x100;
	s5 =	simm.s32 $0x800;
	v23 =	vadd.f32 v41, v23;
	v28 =	vadd.f32 v25, v24  }
.LBB2_16:
0x29b: {  	p0 =	sne.s32 s5, $0x1F000;
	v24 =	vld [tilespmem:s6+$0x7D80]  }
0x29c: {  	v25 =	vadd.f32 v27, v28  }
0x29d: {  	v27 =	vld [tilespmem:s6+$0x7D90]  }
0x29e: {  	v25 =	vadd.f32 v26, v25  }
0x29f: {  	v26 =	vld [tilespmem:s6+$0x7DA0]  }
0x2a0: {  	v24 =	vadd.f32 v24, v25  }
0x2a1: {  	v25 =	vld [tilespmem:s6+$0x7DB0]  }
0x2a2: {  	v24 =	vadd.f32 v27, v24  }
0x2a3: {  	v27 =	vld [tilespmem:s6+$0x7DC0]  }
0x2a4: {  	v24 =	vadd.f32 v26, v24  }
0x2a5: {  	v26 =	vld [tilespmem:s6+$0x7DD0]  }
0x2a6: {  	v24 =	vadd.f32 v25, v24  }
0x2a7: {  	v25 =	vld [tilespmem:s6+$0x7DE0]  }
0x2a8: {  	v24 =	vadd.f32 v27, v24  }
0x2a9: {  	v27 =	vld [tilespmem:s6+$0x7DF0]  }
0x2aa: {  	v24 =	vadd.f32 v26, v24  }
0x2ab: {  	v26 =	vld [tilespmem:s6+$0x7E00]  }
0x2ac: {  	v24 =	vadd.f32 v25, v24  }
0x2ad: {  	v25 =	vld [tilespmem:s6+$0x7E10]  }
0x2ae: {  	v24 =	vadd.f32 v27, v24  }
0x2af: {  	v27 =	vld [tilespmem:s6+$0x7E20]  }
0x2b0: {  	v24 =	vadd.f32 v26, v24  }
0x2b1: {  	v26 =	vld [tilespmem:s6+$0x7E30]  }
0x2b2: {  	v24 =	vadd.f32 v25, v24  }
0x2b3: {  	v25 =	vld [tilespmem:s6+$0x7E40]  }
0x2b4: {  	v24 =	vadd.f32 v27, v24  }
0x2b5: {  	v28 =	vld [tilespmem:s6+$0x7E50]  }
.Ltmp7:
0x2b6: {  	v24 =	vadd.f32 v26, v24;
	(pc) =	sbr.rel @p0 .LBB2_16-.Ltmp7, $4  }
0x2b7: {  	v27 =	vld [tilespmem:s6+$0x7E60]  }
0x2b8: {  	v24 =	vadd.f32 v25, v24  }
0x2b9: {  	v26 =	vld [tilespmem:s6+$0x7E70]  }
0x2ba: {  	s6 =	sshra.s32 s5, $0x2;
	s5 =	sadd.s32 $0x400, s5;
	v28 =	vadd.f32 v28, v24  }
0x2bb: {  	v24 =	vld [tilespmem:$0x0];
	_ =	sdelay $0x4  }
0x2bc: {  	v29 =	vld [tilespmem:s6+$0x7D80];
	(v2sf) =	vpush v24, $0x7  }
0x2bd: {  	v30 =	vld [tilespmem:s6+$0x7D90]  }
0x2be: {  	v31 =	vld [tilespmem:s6+$0x7DA0]  }
0x2bf: {  	v32 =	vld [tilespmem:s6+$0x7DB0]  }
0x2c0: {  	v33 =	vld [tilespmem:s6+$0x7DC0]  }
0x2c1: {  	v34 =	vld [tilespmem:s6+$0x7DD0]  }
0x2c2: {  	v35 =	vld [tilespmem:s6+$0x7DE0]  }
0x2c3: {  	v36 =	vld [tilespmem:s6+$0x7DF0]  }
0x2c4: {  	v37 =	vld [tilespmem:s6+$0x7E00]  }
0x2c5: {  	v38 =	vld [tilespmem:s6+$0x7E10]  }
0x2c6: {  	v39 =	vld [tilespmem:s6+$0x7E20]  }
0x2c7: {  	v40 =	vld [tilespmem:s6+$0x7E30]  }
0x2c8: {  	v41 =	vld [tilespmem:s6+$0x7E40]  }
0x2c9: {  	v42 =	vld [tilespmem:s6+$0x7E50]  }
0x2ca: {  	v43 =	vld [tilespmem:s6+$0x7E60]  }
0x2cb: {  	v44 =	vld [tilespmem:s6+$0x7E70];
	s5 =	spop (v2sf)  }
0x2cc: {  	v25 =	vld [tilespmem:$0x7D80];
	s13 =	rddreg [dreg:$0xe];
	s12 =	sand.u32 $0xFFFFFFF0, s5  }
0x2cd: {  	v24 =	vld [tilespmem:s12+$0x7D80];
	[tilespmem:s25], [sflag:$0x2] =	stream.strided.gather [hbm4b:s13+s24], $0x7D00, s23, s24, $0x38  }
0x2ce: {  	v27 =	vadd.f32 v27, v28;
	_ =	swait.ge [sflag:s26], $0x7D00  }
0x2cf: {  	[sflag:s26] =	ssyncset.done $0x0  }
0x2d0: {  	s14 =	simm.s32 $0x0;
	v26 =	vadd.f32 v26, v27;
	[sflag:s26] =	ssyncadd.s32 $0xFFFF8300  }
0x2d1: {  	v27 =	vld [tilespmem:s14+$0x80]  }
0x2d2: {  	v26 =	vadd.f32 v29, v26  }
0x2d3: {  	v28 =	vld [tilespmem:s14+$0x90]  }
0x2d4: {  	v26 =	vadd.f32 v30, v26  }
0x2d5: {  	v29 =	vimm.f32 $0.0e+00;
	v30 =	vld [tilespmem:s14+$0xA0]  }
0x2d6: {  	v26 =	vadd.f32 v31, v26;
	v27 =	vadd.f32 v27, v29  }
0x2d7: {  	v29 =	vld [tilespmem:s14+$0xB0]  }
0x2d8: {  	v26 =	vadd.f32 v32, v26;
	v27 =	vadd.f32 v28, v27  }
0x2d9: {  	v28 =	vld [tilespmem:s14+$0xC0]  }
0x2da: {  	v26 =	vadd.f32 v33, v26;
	v27 =	vadd.f32 v30, v27  }
0x2db: {  	v30 =	vld [tilespmem:s14+$0xD0]  }
0x2dc: {  	v26 =	vadd.f32 v34, v26;
	v27 =	vadd.f32 v29, v27  }
0x2dd: {  	v29 =	vld [tilespmem:s14+$0xE0]  }
0x2de: {  	v26 =	vadd.f32 v35, v26;
	v27 =	vadd.f32 v28, v27  }
0x2df: {  	v28 =	vld [tilespmem:s14+$0xF0]  }
0x2e0: {  	v26 =	vadd.f32 v36, v26;
	v27 =	vadd.f32 v30, v27  }
0x2e1: {  	v30 =	vld [tilespmem:s14+$0x100]  }
0x2e2: {  	v26 =	vadd.f32 v37, v26;
	v27 =	vadd.f32 v29, v27  }
0x2e3: {  	v29 =	vld [tilespmem:s14+$0x110]  }
0x2e4: {  	v26 =	vadd.f32 v38, v26;
	v27 =	vadd.f32 v28, v27  }
0x2e5: {  	v28 =	vld [tilespmem:s14+$0x120]  }
0x2e6: {  	v26 =	vadd.f32 v39, v26;
	v27 =	vadd.f32 v30, v27  }
0x2e7: {  	v30 =	vld [tilespmem:s14+$0x130]  }
0x2e8: {  	v26 =	vadd.f32 v40, v26;
	v27 =	vadd.f32 v29, v27  }
0x2e9: {  	v29 =	vld [tilespmem:s14+$0x140]  }
0x2ea: {  	v26 =	vadd.f32 v41, v26;
	v27 =	vadd.f32 v28, v27  }
0x2eb: {  	v28 =	vld [tilespmem:s14+$0x150]  }
0x2ec: {  	v26 =	vadd.f32 v42, v26;
	v27 =	vadd.f32 v30, v27  }
0x2ed: {  	v30 =	vld [tilespmem:s14+$0x160]  }
0x2ee: {  	v26 =	vadd.f32 v43, v26;
	v27 =	vadd.f32 v29, v27  }
0x2ef: {  	v29 =	vld [tilespmem:s14+$0x170]  }
0x2f0: {  	s7 =	simm.s32 $0x100;
	s6 =	simm.s32 $0x800;
	v26 =	vadd.f32 v44, v26;
	v31 =	vadd.f32 v28, v27  }
.LBB2_18:
0x2f1: {  	p0 =	sne.s32 s6, $0x1F000;
	v27 =	vld [tilespmem:s7+$0x80]  }
0x2f2: {  	v28 =	vadd.f32 v30, v31  }
0x2f3: {  	v30 =	vld [tilespmem:s7+$0x90]  }
0x2f4: {  	v28 =	vadd.f32 v29, v28  }
0x2f5: {  	v29 =	vld [tilespmem:s7+$0xA0]  }
0x2f6: {  	v27 =	vadd.f32 v27, v28  }
0x2f7: {  	v28 =	vld [tilespmem:s7+$0xB0]  }
0x2f8: {  	v27 =	vadd.f32 v30, v27  }
0x2f9: {  	v30 =	vld [tilespmem:s7+$0xC0]  }
0x2fa: {  	v27 =	vadd.f32 v29, v27  }
0x2fb: {  	v29 =	vld [tilespmem:s7+$0xD0]  }
0x2fc: {  	v27 =	vadd.f32 v28, v27  }
0x2fd: {  	v28 =	vld [tilespmem:s7+$0xE0]  }
0x2fe: {  	v27 =	vadd.f32 v30, v27  }
0x2ff: {  	v30 =	vld [tilespmem:s7+$0xF0]  }
0x300: {  	v27 =	vadd.f32 v29, v27  }
0x301: {  	v29 =	vld [tilespmem:s7+$0x100]  }
0x302: {  	v27 =	vadd.f32 v28, v27  }
0x303: {  	v28 =	vld [tilespmem:s7+$0x110]  }
0x304: {  	v27 =	vadd.f32 v30, v27  }
0x305: {  	v30 =	vld [tilespmem:s7+$0x120]  }
0x306: {  	v27 =	vadd.f32 v29, v27  }
0x307: {  	v29 =	vld [tilespmem:s7+$0x130]  }
0x308: {  	v27 =	vadd.f32 v28, v27  }
0x309: {  	v28 =	vld [tilespmem:s7+$0x140]  }
0x30a: {  	v27 =	vadd.f32 v30, v27  }
0x30b: {  	v31 =	vld [tilespmem:s7+$0x150]  }
.Ltmp8:
0x30c: {  	v27 =	vadd.f32 v29, v27;
	(pc) =	sbr.rel @p0 .LBB2_18-.Ltmp8, $4  }
0x30d: {  	v30 =	vld [tilespmem:s7+$0x160]  }
0x30e: {  	v27 =	vadd.f32 v28, v27  }
0x30f: {  	v29 =	vld [tilespmem:s7+$0x170]  }
0x310: {  	s7 =	sshra.s32 s6, $0x2;
	s6 =	sadd.s32 $0x400, s6;
	v31 =	vadd.f32 v31, v27  }
0x311: {  	v27 =	vld [tilespmem:$0x0];
	_ =	sdelay $0x4  }
0x312: {  	v32 =	vld [tilespmem:s7+$0x80];
	(v2sf) =	vpush v27, $0x8  }
0x313: {  	v33 =	vld [tilespmem:s7+$0x90]  }
0x314: {  	v34 =	vld [tilespmem:s7+$0xA0]  }
0x315: {  	v35 =	vld [tilespmem:s7+$0xB0]  }
0x316: {  	v36 =	vld [tilespmem:s7+$0xC0]  }
0x317: {  	v37 =	vld [tilespmem:s7+$0xD0]  }
0x318: {  	v38 =	vld [tilespmem:s7+$0xE0]  }
0x319: {  	v39 =	vld [tilespmem:s7+$0xF0]  }
0x31a: {  	v40 =	vld [tilespmem:s7+$0x100]  }
0x31b: {  	v41 =	vld [tilespmem:s7+$0x110]  }
0x31c: {  	v42 =	vld [tilespmem:s7+$0x120]  }
0x31d: {  	v43 =	vld [tilespmem:s7+$0x130]  }
0x31e: {  	v44 =	vld [tilespmem:s7+$0x140]  }
0x31f: {  	v45 =	vld [tilespmem:s7+$0x150]  }
0x320: {  	v46 =	vld [tilespmem:s7+$0x160]  }
0x321: {  	v47 =	vld [tilespmem:s7+$0x170];
	s6 =	spop (v2sf)  }
0x322: {  	v28 =	vld [tilespmem:$0x80];
	s13 =	rddreg [dreg:$0xf];
	s12 =	sand.u32 $0xFFFFFFF0, s6  }
0x323: {  	v27 =	vld [tilespmem:s12+$0x80];
	[tilespmem:s24], [sflag:$0x1] =	stream.strided.gather [hbm4b:s13+s24], $0x7D00, s23, s24, $0x38  }
0x324: {  	v30 =	vadd.f32 v30, v31;
	_ =	swait.ge [sflag:s28], $0x7D00  }
0x325: {  	[sflag:s28] =	ssyncset.done $0x0  }
0x326: {  	s14 =	simm.s32 $0x0;
	v29 =	vadd.f32 v29, v30;
	[sflag:s28] =	ssyncadd.s32 $0xFFFF8300  }
0x327: {  	v30 =	vld [tilespmem:s14+$0x7D80]  }
0x328: {  	v29 =	vadd.f32 v32, v29  }
0x329: {  	v31 =	vld [tilespmem:s14+$0x7D90]  }
0x32a: {  	v29 =	vadd.f32 v33, v29  }
0x32b: {  	v55 =	vimm.f32 $0.0e+00;
	v56 =	vld [tilespmem:s14+$0x7DA0]  }
0x32c: {  	v29 =	vadd.f32 v34, v29;
	v30 =	vadd.f32 v30, v55  }
0x32d: {  	v57 =	vld [tilespmem:s14+$0x7DB0]  }
0x32e: {  	v29 =	vadd.f32 v35, v29;
	v30 =	vadd.f32 v31, v30  }
0x32f: {  	v31 =	vld [tilespmem:s14+$0x7DC0]  }
0x330: {  	v29 =	vadd.f32 v36, v29;
	v30 =	vadd.f32 v56, v30  }
0x331: {  	v58 =	vld [tilespmem:s14+$0x7DD0]  }
0x332: {  	v29 =	vadd.f32 v37, v29;
	v30 =	vadd.f32 v57, v30  }
0x333: {  	v59 =	vld [tilespmem:s14+$0x7DE0]  }
0x334: {  	v29 =	vadd.f32 v38, v29;
	v30 =	vadd.f32 v31, v30  }
0x335: {  	v31 =	vld [tilespmem:s14+$0x7DF0]  }
0x336: {  	v29 =	vadd.f32 v39, v29;
	v30 =	vadd.f32 v58, v30  }
0x337: {  	v60 =	vld [tilespmem:s14+$0x7E00]  }
0x338: {  	v29 =	vadd.f32 v40, v29;
	v30 =	vadd.f32 v59, v30  }
0x339: {  	v61 =	vld [tilespmem:s14+$0x7E10]  }
0x33a: {  	v29 =	vadd.f32 v41, v29;
	v30 =	vadd.f32 v31, v30  }
0x33b: {  	v31 =	vld [tilespmem:s14+$0x7E20]  }
0x33c: {  	v29 =	vadd.f32 v42, v29;
	v30 =	vadd.f32 v60, v30  }
0x33d: {  	v62 =	vld [tilespmem:s14+$0x7E30]  }
0x33e: {  	v29 =	vadd.f32 v43, v29;
	v30 =	vadd.f32 v61, v30  }
0x33f: {  	v63 =	vld [tilespmem:s14+$0x7E40]  }
0x340: {  	v29 =	vadd.f32 v44, v29;
	v30 =	vadd.f32 v31, v30  }
0x341: {  	v31 =	vld [tilespmem:s14+$0x7E50]  }
0x342: {  	v29 =	vadd.f32 v45, v29;
	v30 =	vadd.f32 v62, v30  }
0x343: {  	v33 =	vld [tilespmem:s14+$0x7E60]  }
0x344: {  	v29 =	vadd.f32 v46, v29;
	v30 =	vadd.f32 v63, v30  }
0x345: {  	v32 =	vld [tilespmem:s14+$0x7E70]  }
0x346: {  	s8 =	simm.s32 $0x100;
	s7 =	simm.s32 $0x800;
	v29 =	vadd.f32 v47, v29;
	v34 =	vadd.f32 v31, v30  }
.LBB2_20:
0x347: {  	p0 =	sne.s32 s7, $0x1F000;
	v30 =	vld [tilespmem:s8+$0x7D80]  }
0x348: {  	v31 =	vadd.f32 v33, v34  }
0x349: {  	v33 =	vld [tilespmem:s8+$0x7D90]  }
0x34a: {  	v31 =	vadd.f32 v32, v31  }
0x34b: {  	v32 =	vld [tilespmem:s8+$0x7DA0]  }
0x34c: {  	v30 =	vadd.f32 v30, v31  }
0x34d: {  	v31 =	vld [tilespmem:s8+$0x7DB0]  }
0x34e: {  	v30 =	vadd.f32 v33, v30  }
0x34f: {  	v33 =	vld [tilespmem:s8+$0x7DC0]  }
0x350: {  	v30 =	vadd.f32 v32, v30  }
0x351: {  	v32 =	vld [tilespmem:s8+$0x7DD0]  }
0x352: {  	v30 =	vadd.f32 v31, v30  }
0x353: {  	v31 =	vld [tilespmem:s8+$0x7DE0]  }
0x354: {  	v30 =	vadd.f32 v33, v30  }
0x355: {  	v33 =	vld [tilespmem:s8+$0x7DF0]  }
0x356: {  	v30 =	vadd.f32 v32, v30  }
0x357: {  	v32 =	vld [tilespmem:s8+$0x7E00]  }
0x358: {  	v30 =	vadd.f32 v31, v30  }
0x359: {  	v31 =	vld [tilespmem:s8+$0x7E10]  }
0x35a: {  	v30 =	vadd.f32 v33, v30  }
0x35b: {  	v33 =	vld [tilespmem:s8+$0x7E20]  }
0x35c: {  	v30 =	vadd.f32 v32, v30  }
0x35d: {  	v32 =	vld [tilespmem:s8+$0x7E30]  }
0x35e: {  	v30 =	vadd.f32 v31, v30  }
0x35f: {  	v31 =	vld [tilespmem:s8+$0x7E40]  }
0x360: {  	v30 =	vadd.f32 v33, v30  }
0x361: {  	v34 =	vld [tilespmem:s8+$0x7E50]  }
.Ltmp9:
0x362: {  	v30 =	vadd.f32 v32, v30;
	(pc) =	sbr.rel @p0 .LBB2_20-.Ltmp9, $4  }
0x363: {  	v33 =	vld [tilespmem:s8+$0x7E60]  }
0x364: {  	v30 =	vadd.f32 v31, v30  }
0x365: {  	v32 =	vld [tilespmem:s8+$0x7E70]  }
0x366: {  	s8 =	sshra.s32 s7, $0x2;
	s7 =	sadd.s32 $0x400, s7;
	v34 =	vadd.f32 v34, v30  }
0x367: {  	v30 =	vld [tilespmem:$0x0];
	_ =	sdelay $0x4  }
0x368: {  	v35 =	vld [tilespmem:s8+$0x7D80];
	(v2sf) =	vpush v30, $0x9  }
0x369: {  	v36 =	vld [tilespmem:s8+$0x7D90]  }
0x36a: {  	v37 =	vld [tilespmem:s8+$0x7DA0]  }
0x36b: {  	v38 =	vld [tilespmem:s8+$0x7DB0]  }
0x36c: {  	v39 =	vld [tilespmem:s8+$0x7DC0]  }
0x36d: {  	v40 =	vld [tilespmem:s8+$0x7DD0]  }
0x36e: {  	v41 =	vld [tilespmem:s8+$0x7DE0]  }
0x36f: {  	v42 =	vld [tilespmem:s8+$0x7DF0]  }
0x370: {  	v43 =	vld [tilespmem:s8+$0x7E00]  }
0x371: {  	v44 =	vld [tilespmem:s8+$0x7E10]  }
0x372: {  	v45 =	vld [tilespmem:s8+$0x7E20]  }
0x373: {  	v46 =	vld [tilespmem:s8+$0x7E30]  }
0x374: {  	v47 =	vld [tilespmem:s8+$0x7E40]  }
0x375: {  	v48 =	vld [tilespmem:s8+$0x7E50]  }
0x376: {  	v49 =	vld [tilespmem:s8+$0x7E60]  }
0x377: {  	v50 =	vld [tilespmem:s8+$0x7E70];
	s7 =	spop (v2sf)  }
0x378: {  	v31 =	vld [tilespmem:$0x7D80];
	s13 =	sand.u32 $0xFFFFFFF0, s7  }
0x379: {  	v30 =	vld [tilespmem:s13+$0x7D80];
	[tilespmem:s25], [sflag:$0x2] =	stream.strided.gather [hbm4b:s15+s24], $0x7D00, s23, s24, $0x38  }
0x37a: {  	v33 =	vadd.f32 v33, v34;
	_ =	swait.ge [sflag:s26], $0x7D00  }
0x37b: {  	[sflag:s26] =	ssyncset.done $0x0  }
0x37c: {  	s14 =	simm.s32 $0x0;
	v32 =	vadd.f32 v32, v33;
	[sflag:s26] =	ssyncadd.s32 $0xFFFF8300  }
0x37d: {  	v62 =	vld [tilespmem:s14+$0x80]  }
0x37e: {  	v32 =	vadd.f32 v35, v32  }
0x37f: {  	v63 =	vld [tilespmem:s14+$0x90]  }
0x380: {  	v32 =	vadd.f32 v36, v32  }
0x381: {  	v51 =	vimm.f32 $0.0e+00;
	v52 =	vld [tilespmem:s14+$0xA0]  }
0x382: {  	v32 =	vadd.f32 v37, v32;
	v33 =	vadd.f32 v62, v51  }
0x383: {  	v53 =	vld [tilespmem:s14+$0xB0]  }
0x384: {  	v32 =	vadd.f32 v38, v32;
	v33 =	vadd.f32 v63, v33  }
0x385: {  	v54 =	vld [tilespmem:s14+$0xC0]  }
0x386: {  	v32 =	vadd.f32 v39, v32;
	v33 =	vadd.f32 v52, v33  }
0x387: {  	v55 =	vld [tilespmem:s14+$0xD0]  }
0x388: {  	v32 =	vadd.f32 v40, v32;
	v33 =	vadd.f32 v53, v33  }
0x389: {  	v56 =	vld [tilespmem:s14+$0xE0]  }
0x38a: {  	v32 =	vadd.f32 v41, v32;
	v33 =	vadd.f32 v54, v33  }
0x38b: {  	v57 =	vld [tilespmem:s14+$0xF0]  }
0x38c: {  	v32 =	vadd.f32 v42, v32;
	v33 =	vadd.f32 v55, v33  }
0x38d: {  	v58 =	vld [tilespmem:s14+$0x100]  }
0x38e: {  	v32 =	vadd.f32 v43, v32;
	v33 =	vadd.f32 v56, v33  }
0x38f: {  	v59 =	vld [tilespmem:s14+$0x110]  }
0x390: {  	v32 =	vadd.f32 v44, v32;
	v33 =	vadd.f32 v57, v33  }
0x391: {  	v60 =	vld [tilespmem:s14+$0x120]  }
0x392: {  	v32 =	vadd.f32 v45, v32;
	v33 =	vadd.f32 v58, v33  }
0x393: {  	v61 =	vld [tilespmem:s14+$0x130]  }
0x394: {  	v32 =	vadd.f32 v46, v32;
	v33 =	vadd.f32 v59, v33  }
0x395: {  	v62 =	vld [tilespmem:s14+$0x140]  }
0x396: {  	v32 =	vadd.f32 v47, v32;
	v33 =	vadd.f32 v60, v33  }
0x397: {  	v63 =	vld [tilespmem:s14+$0x150]  }
0x398: {  	v32 =	vadd.f32 v48, v32;
	v33 =	vadd.f32 v61, v33  }
0x399: {  	v36 =	vld [tilespmem:s14+$0x160]  }
0x39a: {  	v32 =	vadd.f32 v49, v32;
	v33 =	vadd.f32 v62, v33  }
0x39b: {  	v35 =	vld [tilespmem:s14+$0x170]  }
0x39c: {  	s9 =	simm.s32 $0x100;
	s8 =	simm.s32 $0x800;
	v32 =	vadd.f32 v50, v32;
	v37 =	vadd.f32 v63, v33  }
.LBB2_22:
0x39d: {  	p0 =	sne.s32 s8, $0x1F000;
	v33 =	vld [tilespmem:s9+$0x80]  }
0x39e: {  	v34 =	vadd.f32 v36, v37  }
0x39f: {  	v36 =	vld [tilespmem:s9+$0x90]  }
0x3a0: {  	v34 =	vadd.f32 v35, v34  }
0x3a1: {  	v35 =	vld [tilespmem:s9+$0xA0]  }
0x3a2: {  	v33 =	vadd.f32 v33, v34  }
0x3a3: {  	v34 =	vld [tilespmem:s9+$0xB0]  }
0x3a4: {  	v33 =	vadd.f32 v36, v33  }
0x3a5: {  	v36 =	vld [tilespmem:s9+$0xC0]  }
0x3a6: {  	v33 =	vadd.f32 v35, v33  }
0x3a7: {  	v35 =	vld [tilespmem:s9+$0xD0]  }
0x3a8: {  	v33 =	vadd.f32 v34, v33  }
0x3a9: {  	v34 =	vld [tilespmem:s9+$0xE0]  }
0x3aa: {  	v33 =	vadd.f32 v36, v33  }
0x3ab: {  	v36 =	vld [tilespmem:s9+$0xF0]  }
0x3ac: {  	v33 =	vadd.f32 v35, v33  }
0x3ad: {  	v35 =	vld [tilespmem:s9+$0x100]  }
0x3ae: {  	v33 =	vadd.f32 v34, v33  }
0x3af: {  	v34 =	vld [tilespmem:s9+$0x110]  }
0x3b0: {  	v33 =	vadd.f32 v36, v33  }
0x3b1: {  	v36 =	vld [tilespmem:s9+$0x120]  }
0x3b2: {  	v33 =	vadd.f32 v35, v33  }
0x3b3: {  	v35 =	vld [tilespmem:s9+$0x130]  }
0x3b4: {  	v33 =	vadd.f32 v34, v33  }
0x3b5: {  	v34 =	vld [tilespmem:s9+$0x140]  }
0x3b6: {  	v33 =	vadd.f32 v36, v33  }
0x3b7: {  	v37 =	vld [tilespmem:s9+$0x150]  }
.Ltmp10:
0x3b8: {  	v33 =	vadd.f32 v35, v33;
	(pc) =	sbr.rel @p0 .LBB2_22-.Ltmp10, $4  }
0x3b9: {  	v36 =	vld [tilespmem:s9+$0x160]  }
0x3ba: {  	v33 =	vadd.f32 v34, v33  }
0x3bb: {  	v35 =	vld [tilespmem:s9+$0x170]  }
0x3bc: {  	s9 =	sshra.s32 s8, $0x2;
	s8 =	sadd.s32 $0x400, s8;
	v37 =	vadd.f32 v37, v33  }
0x3bd: {  	v33 =	vld [tilespmem:$0x0];
	_ =	sdelay $0x4  }
0x3be: {  	v38 =	vld [tilespmem:s9+$0x80];
	(v2sf) =	vpush v33, $0xA  }
0x3bf: {  	v39 =	vld [tilespmem:s9+$0x90]  }
0x3c0: {  	v40 =	vld [tilespmem:s9+$0xA0]  }
0x3c1: {  	v41 =	vld [tilespmem:s9+$0xB0]  }
0x3c2: {  	v42 =	vld [tilespmem:s9+$0xC0]  }
0x3c3: {  	v43 =	vld [tilespmem:s9+$0xD0]  }
0x3c4: {  	v44 =	vld [tilespmem:s9+$0xE0]  }
0x3c5: {  	v45 =	vld [tilespmem:s9+$0xF0]  }
0x3c6: {  	v46 =	vld [tilespmem:s9+$0x100]  }
0x3c7: {  	v47 =	vld [tilespmem:s9+$0x110]  }
0x3c8: {  	v48 =	vld [tilespmem:s9+$0x120]  }
0x3c9: {  	v49 =	vld [tilespmem:s9+$0x130]  }
0x3ca: {  	v50 =	vld [tilespmem:s9+$0x140]  }
0x3cb: {  	v51 =	vld [tilespmem:s9+$0x150]  }
0x3cc: {  	v52 =	vld [tilespmem:s9+$0x160]  }
0x3cd: {  	v53 =	vld [tilespmem:s9+$0x170];
	s8 =	spop (v2sf)  }
0x3ce: {  	v34 =	vld [tilespmem:$0x80];
	s13 =	sand.u32 $0xFFFFFFF0, s8  }
0x3cf: {  	v33 =	vld [tilespmem:s13+$0x80];
	[tilespmem:s24], [sflag:$0x1] =	stream.strided.gather [hbm4b:s16+s24], $0x7D00, s23, s24, $0x38  }
0x3d0: {  	v36 =	vadd.f32 v36, v37;
	_ =	swait.ge [sflag:s28], $0x7D00  }
0x3d1: {  	[sflag:s28] =	ssyncset.done $0x0  }
0x3d2: {  	s14 =	simm.s32 $0x0;
	v35 =	vadd.f32 v35, v36;
	[sflag:s28] =	ssyncadd.s32 $0xFFFF8300  }
0x3d3: {  	v59 =	vld [tilespmem:s14+$0x7D80]  }
0x3d4: {  	v35 =	vadd.f32 v38, v35  }
0x3d5: {  	v60 =	vld [tilespmem:s14+$0x7D90]  }
0x3d6: {  	v35 =	vadd.f32 v39, v35  }
0x3d7: {  	v61 =	vimm.f32 $0.0e+00;
	v62 =	vld [tilespmem:s14+$0x7DA0]  }
0x3d8: {  	v35 =	vadd.f32 v40, v35;
	v36 =	vadd.f32 v59, v61  }
0x3d9: {  	v63 =	vld [tilespmem:s14+$0x7DB0]  }
0x3da: {  	v35 =	vadd.f32 v41, v35;
	v36 =	vadd.f32 v60, v36  }
0x3db: {  	v54 =	vld [tilespmem:s14+$0x7DC0]  }
0x3dc: {  	v35 =	vadd.f32 v42, v35;
	v36 =	vadd.f32 v62, v36  }
0x3dd: {  	v55 =	vld [tilespmem:s14+$0x7DD0]  }
0x3de: {  	v35 =	vadd.f32 v43, v35;
	v36 =	vadd.f32 v63, v36  }
0x3df: {  	v56 =	vld [tilespmem:s14+$0x7DE0]  }
0x3e0: {  	v35 =	vadd.f32 v44, v35;
	v36 =	vadd.f32 v54, v36  }
0x3e1: {  	v57 =	vld [tilespmem:s14+$0x7DF0]  }
0x3e2: {  	v35 =	vadd.f32 v45, v35;
	v36 =	vadd.f32 v55, v36  }
0x3e3: {  	v58 =	vld [tilespmem:s14+$0x7E00]  }
0x3e4: {  	v35 =	vadd.f32 v46, v35;
	v36 =	vadd.f32 v56, v36  }
0x3e5: {  	v59 =	vld [tilespmem:s14+$0x7E10]  }
0x3e6: {  	v35 =	vadd.f32 v47, v35;
	v36 =	vadd.f32 v57, v36  }
0x3e7: {  	v60 =	vld [tilespmem:s14+$0x7E20]  }
0x3e8: {  	v35 =	vadd.f32 v48, v35;
	v36 =	vadd.f32 v58, v36  }
0x3e9: {  	v61 =	vld [tilespmem:s14+$0x7E30]  }
0x3ea: {  	v35 =	vadd.f32 v49, v35;
	v36 =	vadd.f32 v59, v36  }
0x3eb: {  	v62 =	vld [tilespmem:s14+$0x7E40]  }
0x3ec: {  	v35 =	vadd.f32 v50, v35;
	v36 =	vadd.f32 v60, v36  }
0x3ed: {  	v63 =	vld [tilespmem:s14+$0x7E50]  }
0x3ee: {  	v35 =	vadd.f32 v51, v35;
	v36 =	vadd.f32 v61, v36  }
0x3ef: {  	v39 =	vld [tilespmem:s14+$0x7E60]  }
0x3f0: {  	v35 =	vadd.f32 v52, v35;
	v36 =	vadd.f32 v62, v36  }
0x3f1: {  	v38 =	vld [tilespmem:s14+$0x7E70]  }
0x3f2: {  	s10 =	simm.s32 $0x100;
	s9 =	simm.s32 $0x800;
	v35 =	vadd.f32 v53, v35;
	v40 =	vadd.f32 v63, v36  }
.LBB2_24:
0x3f3: {  	p0 =	sne.s32 s9, $0x1F000;
	v36 =	vld [tilespmem:s10+$0x7D80]  }
0x3f4: {  	v37 =	vadd.f32 v39, v40  }
0x3f5: {  	v39 =	vld [tilespmem:s10+$0x7D90]  }
0x3f6: {  	v37 =	vadd.f32 v38, v37  }
0x3f7: {  	v38 =	vld [tilespmem:s10+$0x7DA0]  }
0x3f8: {  	v36 =	vadd.f32 v36, v37  }
0x3f9: {  	v37 =	vld [tilespmem:s10+$0x7DB0]  }
0x3fa: {  	v36 =	vadd.f32 v39, v36  }
0x3fb: {  	v39 =	vld [tilespmem:s10+$0x7DC0]  }
0x3fc: {  	v36 =	vadd.f32 v38, v36  }
0x3fd: {  	v38 =	vld [tilespmem:s10+$0x7DD0]  }
0x3fe: {  	v36 =	vadd.f32 v37, v36  }
0x3ff: {  	v37 =	vld [tilespmem:s10+$0x7DE0]  }
0x400: {  	v36 =	vadd.f32 v39, v36  }
0x401: {  	v39 =	vld [tilespmem:s10+$0x7DF0]  }
0x402: {  	v36 =	vadd.f32 v38, v36  }
0x403: {  	v38 =	vld [tilespmem:s10+$0x7E00]  }
0x404: {  	v36 =	vadd.f32 v37, v36  }
0x405: {  	v37 =	vld [tilespmem:s10+$0x7E10]  }
0x406: {  	v36 =	vadd.f32 v39, v36  }
0x407: {  	v39 =	vld [tilespmem:s10+$0x7E20]  }
0x408: {  	v36 =	vadd.f32 v38, v36  }
0x409: {  	v38 =	vld [tilespmem:s10+$0x7E30]  }
0x40a: {  	v36 =	vadd.f32 v37, v36  }
0x40b: {  	v37 =	vld [tilespmem:s10+$0x7E40]  }
0x40c: {  	v36 =	vadd.f32 v39, v36  }
0x40d: {  	v40 =	vld [tilespmem:s10+$0x7E50]  }
.Ltmp11:
0x40e: {  	v36 =	vadd.f32 v38, v36;
	(pc) =	sbr.rel @p0 .LBB2_24-.Ltmp11, $4  }
0x40f: {  	v39 =	vld [tilespmem:s10+$0x7E60]  }
0x410: {  	v36 =	vadd.f32 v37, v36  }
0x411: {  	v38 =	vld [tilespmem:s10+$0x7E70]  }
0x412: {  	s10 =	sshra.s32 s9, $0x2;
	s9 =	sadd.s32 $0x400, s9;
	v40 =	vadd.f32 v40, v36  }
0x413: {  	v36 =	vld [tilespmem:$0x0];
	_ =	sdelay $0x4  }
0x414: {  	v41 =	vld [tilespmem:s10+$0x7D80];
	(v2sf) =	vpush v36, $0xB  }
0x415: {  	v42 =	vld [tilespmem:s10+$0x7D90]  }
0x416: {  	v43 =	vld [tilespmem:s10+$0x7DA0]  }
0x417: {  	v44 =	vld [tilespmem:s10+$0x7DB0]  }
0x418: {  	v45 =	vld [tilespmem:s10+$0x7DC0]  }
0x419: {  	v46 =	vld [tilespmem:s10+$0x7DD0]  }
0x41a: {  	v47 =	vld [tilespmem:s10+$0x7DE0]  }
0x41b: {  	v48 =	vld [tilespmem:s10+$0x7DF0]  }
0x41c: {  	v49 =	vld [tilespmem:s10+$0x7E00]  }
0x41d: {  	v50 =	vld [tilespmem:s10+$0x7E10]  }
0x41e: {  	v51 =	vld [tilespmem:s10+$0x7E20]  }
0x41f: {  	v52 =	vld [tilespmem:s10+$0x7E30]  }
0x420: {  	v53 =	vld [tilespmem:s10+$0x7E40]  }
0x421: {  	v54 =	vld [tilespmem:s10+$0x7E50]  }
0x422: {  	v55 =	vld [tilespmem:s10+$0x7E60]  }
0x423: {  	v56 =	vld [tilespmem:s10+$0x7E70];
	s9 =	spop (v2sf)  }
0x424: {  	v37 =	vld [tilespmem:$0x7D80];
	s13 =	sand.u32 $0xFFFFFFF0, s9  }
0x425: {  	v36 =	vld [tilespmem:s13+$0x7D80];
	[tilespmem:s25], [sflag:$0x2] =	stream.strided.gather [hbm4b:s17+s24], $0x7D00, s23, s24, $0x38  }
0x426: {  	v39 =	vadd.f32 v39, v40;
	_ =	swait.ge [sflag:s26], $0x7D00  }
0x427: {  	[sflag:s26] =	ssyncset.done $0x0  }
0x428: {  	s14 =	simm.s32 $0x0;
	v38 =	vadd.f32 v38, v39;
	[sflag:s26] =	ssyncadd.s32 $0xFFFF8300  }
0x429: {  	v58 =	vld [tilespmem:s14+$0x80]  }
0x42a: {  	v38 =	vadd.f32 v41, v38  }
0x42b: {  	v59 =	vld [tilespmem:s14+$0x90]  }
0x42c: {  	v38 =	vadd.f32 v42, v38  }
0x42d: {  	v60 =	vimm.f32 $0.0e+00;
	v61 =	vld [tilespmem:s14+$0xA0]  }
0x42e: {  	v38 =	vadd.f32 v43, v38;
	v39 =	vadd.f32 v58, v60  }
0x42f: {  	v62 =	vld [tilespmem:s14+$0xB0]  }
0x430: {  	v38 =	vadd.f32 v44, v38;
	v39 =	vadd.f32 v59, v39  }
0x431: {  	v63 =	vld [tilespmem:s14+$0xC0]  }
0x432: {  	v38 =	vadd.f32 v45, v38;
	v39 =	vadd.f32 v61, v39  }
0x433: {  	v45 =	vld [tilespmem:s14+$0xD0]  }
0x434: {  	v38 =	vadd.f32 v46, v38;
	v39 =	vadd.f32 v62, v39  }
0x435: {  	v46 =	vld [tilespmem:s14+$0xE0]  }
0x436: {  	v38 =	vadd.f32 v47, v38;
	v39 =	vadd.f32 v63, v39  }
0x437: {  	v57 =	vld [tilespmem:s14+$0xF0]  }
0x438: {  	v38 =	vadd.f32 v48, v38;
	v39 =	vadd.f32 v45, v39  }
0x439: {  	v58 =	vld [tilespmem:s14+$0x100]  }
0x43a: {  	v38 =	vadd.f32 v49, v38;
	v39 =	vadd.f32 v46, v39  }
0x43b: {  	v59 =	vld [tilespmem:s14+$0x110]  }
0x43c: {  	v38 =	vadd.f32 v50, v38;
	v39 =	vadd.f32 v57, v39  }
0x43d: {  	v60 =	vld [tilespmem:s14+$0x120]  }
0x43e: {  	v38 =	vadd.f32 v51, v38;
	v39 =	vadd.f32 v58, v39  }
0x43f: {  	v61 =	vld [tilespmem:s14+$0x130]  }
0x440: {  	v38 =	vadd.f32 v52, v38;
	v39 =	vadd.f32 v59, v39  }
0x441: {  	v62 =	vld [tilespmem:s14+$0x140]  }
0x442: {  	v38 =	vadd.f32 v53, v38;
	v39 =	vadd.f32 v60, v39  }
0x443: {  	v63 =	vld [tilespmem:s14+$0x150]  }
0x444: {  	v38 =	vadd.f32 v54, v38;
	v39 =	vadd.f32 v61, v39  }
0x445: {  	v42 =	vld [tilespmem:s14+$0x160]  }
0x446: {  	v38 =	vadd.f32 v55, v38;
	v39 =	vadd.f32 v62, v39  }
0x447: {  	v41 =	vld [tilespmem:s14+$0x170]  }
0x448: {  	s11 =	simm.s32 $0x100;
	s10 =	simm.s32 $0x800;
	v38 =	vadd.f32 v56, v38;
	v43 =	vadd.f32 v63, v39  }
.LBB2_26:
0x449: {  	p0 =	sne.s32 s10, $0x1F000;
	v39 =	vld [tilespmem:s11+$0x80]  }
0x44a: {  	v40 =	vadd.f32 v42, v43  }
0x44b: {  	v42 =	vld [tilespmem:s11+$0x90]  }
0x44c: {  	v40 =	vadd.f32 v41, v40  }
0x44d: {  	v41 =	vld [tilespmem:s11+$0xA0]  }
0x44e: {  	v39 =	vadd.f32 v39, v40  }
0x44f: {  	v40 =	vld [tilespmem:s11+$0xB0]  }
0x450: {  	v39 =	vadd.f32 v42, v39  }
0x451: {  	v42 =	vld [tilespmem:s11+$0xC0]  }
0x452: {  	v39 =	vadd.f32 v41, v39  }
0x453: {  	v41 =	vld [tilespmem:s11+$0xD0]  }
0x454: {  	v39 =	vadd.f32 v40, v39  }
0x455: {  	v40 =	vld [tilespmem:s11+$0xE0]  }
0x456: {  	v39 =	vadd.f32 v42, v39  }
0x457: {  	v42 =	vld [tilespmem:s11+$0xF0]  }
0x458: {  	v39 =	vadd.f32 v41, v39  }
0x459: {  	v41 =	vld [tilespmem:s11+$0x100]  }
0x45a: {  	v39 =	vadd.f32 v40, v39  }
0x45b: {  	v40 =	vld [tilespmem:s11+$0x110]  }
0x45c: {  	v39 =	vadd.f32 v42, v39  }
0x45d: {  	v42 =	vld [tilespmem:s11+$0x120]  }
0x45e: {  	v39 =	vadd.f32 v41, v39  }
0x45f: {  	v41 =	vld [tilespmem:s11+$0x130]  }
0x460: {  	v39 =	vadd.f32 v40, v39  }
0x461: {  	v40 =	vld [tilespmem:s11+$0x140]  }
0x462: {  	v39 =	vadd.f32 v42, v39  }
0x463: {  	v43 =	vld [tilespmem:s11+$0x150]  }
.Ltmp12:
0x464: {  	v39 =	vadd.f32 v41, v39;
	(pc) =	sbr.rel @p0 .LBB2_26-.Ltmp12, $4  }
0x465: {  	v42 =	vld [tilespmem:s11+$0x160]  }
0x466: {  	v39 =	vadd.f32 v40, v39  }
0x467: {  	v41 =	vld [tilespmem:s11+$0x170]  }
0x468: {  	s11 =	sshra.s32 s10, $0x2;
	s10 =	sadd.s32 $0x400, s10;
	v43 =	vadd.f32 v43, v39  }
0x469: {  	v39 =	vld [tilespmem:$0x0];
	_ =	sdelay $0x4  }
0x46a: {  	v44 =	vld [tilespmem:s11+$0x80];
	(v2sf) =	vpush v39, $0xC  }
0x46b: {  	v45 =	vld [tilespmem:s11+$0x90]  }
0x46c: {  	v46 =	vld [tilespmem:s11+$0xA0]  }
0x46d: {  	v47 =	vld [tilespmem:s11+$0xB0]  }
0x46e: {  	v48 =	vld [tilespmem:s11+$0xC0]  }
0x46f: {  	v49 =	vld [tilespmem:s11+$0xD0]  }
0x470: {  	v50 =	vld [tilespmem:s11+$0xE0]  }
0x471: {  	v51 =	vld [tilespmem:s11+$0xF0]  }
0x472: {  	v52 =	vld [tilespmem:s11+$0x100]  }
0x473: {  	v53 =	vld [tilespmem:s11+$0x110]  }
0x474: {  	v54 =	vld [tilespmem:s11+$0x120]  }
0x475: {  	v55 =	vld [tilespmem:s11+$0x130]  }
0x476: {  	v56 =	vld [tilespmem:s11+$0x140]  }
0x477: {  	v57 =	vld [tilespmem:s11+$0x150]  }
0x478: {  	v58 =	vld [tilespmem:s11+$0x160]  }
0x479: {  	v59 =	vld [tilespmem:s11+$0x170];
	s10 =	spop (v2sf)  }
0x47a: {  	v40 =	vld [tilespmem:$0x80];
	s13 =	sand.u32 $0xFFFFFFF0, s10  }
0x47b: {  	v39 =	vld [tilespmem:s13+$0x80];
	[tilespmem:s24], [sflag:$0x1] =	stream.strided.gather [hbm4b:s18+s24], $0x7D00, s23, s24, $0x38  }
0x47c: {  	v42 =	vadd.f32 v42, v43;
	_ =	swait.ge [sflag:s28], $0x7D00  }
0x47d: {  	[sflag:s28] =	ssyncset.done $0x0  }
0x47e: {  	s14 =	simm.s32 $0x0;
	v41 =	vadd.f32 v41, v42;
	[sflag:s28] =	ssyncadd.s32 $0xFFFF8300  }
0x47f: {  	v62 =	vld [tilespmem:s14+$0x7D80]  }
0x480: {  	v41 =	vadd.f32 v44, v41  }
0x481: {  	v63 =	vld [tilespmem:s14+$0x7D90]  }
0x482: {  	v41 =	vadd.f32 v45, v41  }
0x483: {  	v60 =	vimm.f32 $0.0e+00;
	v61 =	vld [tilespmem:s14+$0x7DA0]  }
0x484: {  	v41 =	vadd.f32 v46, v41;
	v42 =	vadd.f32 v62, v60  }
0x485: {  	v62 =	vld [tilespmem:s14+$0x7DB0]  }
0x486: {  	v41 =	vadd.f32 v47, v41;
	v42 =	vadd.f32 v63, v42  }
0x487: {  	v63 =	vld [tilespmem:s14+$0x7DC0]  }
0x488: {  	v41 =	vadd.f32 v48, v41;
	v42 =	vadd.f32 v61, v42  }
0x489: {  	v48 =	vld [tilespmem:s14+$0x7DD0]  }
0x48a: {  	v41 =	vadd.f32 v49, v41;
	v42 =	vadd.f32 v62, v42  }
0x48b: {  	v49 =	vld [tilespmem:s14+$0x7DE0]  }
0x48c: {  	v41 =	vadd.f32 v50, v41;
	v42 =	vadd.f32 v63, v42  }
0x48d: {  	v50 =	vld [tilespmem:s14+$0x7DF0]  }
0x48e: {  	v41 =	vadd.f32 v51, v41;
	v42 =	vadd.f32 v48, v42  }
0x48f: {  	v51 =	vld [tilespmem:s14+$0x7E00]  }
0x490: {  	v41 =	vadd.f32 v52, v41;
	v42 =	vadd.f32 v49, v42  }
0x491: {  	v52 =	vld [tilespmem:s14+$0x7E10]  }
0x492: {  	v41 =	vadd.f32 v53, v41;
	v42 =	vadd.f32 v50, v42  }
0x493: {  	v60 =	vld [tilespmem:s14+$0x7E20]  }
0x494: {  	v41 =	vadd.f32 v54, v41;
	v42 =	vadd.f32 v51, v42  }
0x495: {  	v61 =	vld [tilespmem:s14+$0x7E30]  }
0x496: {  	v41 =	vadd.f32 v55, v41;
	v42 =	vadd.f32 v52, v42  }
0x497: {  	v62 =	vld [tilespmem:s14+$0x7E40]  }
0x498: {  	v41 =	vadd.f32 v56, v41;
	v42 =	vadd.f32 v60, v42  }
0x499: {  	v63 =	vld [tilespmem:s14+$0x7E50]  }
0x49a: {  	v41 =	vadd.f32 v57, v41;
	v42 =	vadd.f32 v61, v42  }
0x49b: {  	v45 =	vld [tilespmem:s14+$0x7E60]  }
0x49c: {  	v41 =	vadd.f32 v58, v41;
	v42 =	vadd.f32 v62, v42  }
0x49d: {  	v44 =	vld [tilespmem:s14+$0x7E70]  }
0x49e: {  	s12 =	simm.s32 $0x100;
	s11 =	simm.s32 $0x800;
	v41 =	vadd.f32 v59, v41;
	v46 =	vadd.f32 v63, v42  }
.LBB2_28:
0x49f: {  	p0 =	sne.s32 s11, $0x1F000;
	v42 =	vld [tilespmem:s12+$0x7D80]  }
0x4a0: {  	v43 =	vadd.f32 v45, v46  }
0x4a1: {  	v45 =	vld [tilespmem:s12+$0x7D90]  }
0x4a2: {  	v43 =	vadd.f32 v44, v43  }
0x4a3: {  	v44 =	vld [tilespmem:s12+$0x7DA0]  }
0x4a4: {  	v42 =	vadd.f32 v42, v43  }
0x4a5: {  	v43 =	vld [tilespmem:s12+$0x7DB0]  }
0x4a6: {  	v42 =	vadd.f32 v45, v42  }
0x4a7: {  	v45 =	vld [tilespmem:s12+$0x7DC0]  }
0x4a8: {  	v42 =	vadd.f32 v44, v42  }
0x4a9: {  	v44 =	vld [tilespmem:s12+$0x7DD0]  }
0x4aa: {  	v42 =	vadd.f32 v43, v42  }
0x4ab: {  	v43 =	vld [tilespmem:s12+$0x7DE0]  }
0x4ac: {  	v42 =	vadd.f32 v45, v42  }
0x4ad: {  	v45 =	vld [tilespmem:s12+$0x7DF0]  }
0x4ae: {  	v42 =	vadd.f32 v44, v42  }
0x4af: {  	v44 =	vld [tilespmem:s12+$0x7E00]  }
0x4b0: {  	v42 =	vadd.f32 v43, v42  }
0x4b1: {  	v43 =	vld [tilespmem:s12+$0x7E10]  }
0x4b2: {  	v42 =	vadd.f32 v45, v42  }
0x4b3: {  	v45 =	vld [tilespmem:s12+$0x7E20]  }
0x4b4: {  	v42 =	vadd.f32 v44, v42  }
0x4b5: {  	v44 =	vld [tilespmem:s12+$0x7E30]  }
0x4b6: {  	v42 =	vadd.f32 v43, v42  }
0x4b7: {  	v43 =	vld [tilespmem:s12+$0x7E40]  }
0x4b8: {  	v42 =	vadd.f32 v45, v42  }
0x4b9: {  	v46 =	vld [tilespmem:s12+$0x7E50]  }
.Ltmp13:
0x4ba: {  	v42 =	vadd.f32 v44, v42;
	(pc) =	sbr.rel @p0 .LBB2_28-.Ltmp13, $4  }
0x4bb: {  	v45 =	vld [tilespmem:s12+$0x7E60]  }
0x4bc: {  	v42 =	vadd.f32 v43, v42  }
0x4bd: {  	v44 =	vld [tilespmem:s12+$0x7E70]  }
0x4be: {  	s12 =	sshra.s32 s11, $0x2;
	s11 =	sadd.s32 $0x400, s11;
	v46 =	vadd.f32 v46, v42  }
0x4bf: {  	v42 =	vld [tilespmem:$0x0];
	_ =	sdelay $0x4  }
0x4c0: {  	v47 =	vld [tilespmem:s12+$0x7D80];
	(v2sf) =	vpush v42, $0xD  }
0x4c1: {  	v48 =	vld [tilespmem:s12+$0x7D90]  }
0x4c2: {  	v49 =	vld [tilespmem:s12+$0x7DA0]  }
0x4c3: {  	v50 =	vld [tilespmem:s12+$0x7DB0]  }
0x4c4: {  	v51 =	vld [tilespmem:s12+$0x7DC0]  }
0x4c5: {  	v52 =	vld [tilespmem:s12+$0x7DD0]  }
0x4c6: {  	v53 =	vld [tilespmem:s12+$0x7DE0]  }
0x4c7: {  	v54 =	vld [tilespmem:s12+$0x7DF0]  }
0x4c8: {  	v55 =	vld [tilespmem:s12+$0x7E00]  }
0x4c9: {  	v56 =	vld [tilespmem:s12+$0x7E10]  }
0x4ca: {  	v57 =	vld [tilespmem:s12+$0x7E20]  }
0x4cb: {  	v58 =	vld [tilespmem:s12+$0x7E30]  }
0x4cc: {  	v59 =	vld [tilespmem:s12+$0x7E40]  }
0x4cd: {  	v60 =	vld [tilespmem:s12+$0x7E50]  }
0x4ce: {  	v61 =	vld [tilespmem:s12+$0x7E60]  }
0x4cf: {  	v62 =	vld [tilespmem:s12+$0x7E70];
	s11 =	spop (v2sf)  }
0x4d0: {  	v42 =	vld [tilespmem:$0x7D80];
	s13 =	sand.u32 $0xFFFFFFF0, s11  }
0x4d1: {  	v43 =	vld [tilespmem:s13+$0x7D80];
	[tilespmem:s25], [sflag:$0x2] =	stream.strided.gather [hbm4b:s19+s24], $0x7D00, s23, s24, $0x38  }
0x4d2: {  	v45 =	vadd.f32 v45, v46;
	_ =	swait.ge [sflag:s26], $0x7D00  }
0x4d3: {  	[sflag:s26] =	ssyncset.done $0x0  }
0x4d4: {  	s14 =	simm.s32 $0x0;
	v44 =	vadd.f32 v44, v45;
	[sflag:s26] =	ssyncadd.s32 $0xFFFF8300  }
0x4d5: {  	v45 =	vld [tilespmem:s14+$0x80]  }
0x4d6: {  	v44 =	vadd.f32 v47, v44  }
0x4d7: {  	v46 =	vld [tilespmem:s14+$0x90]  }
0x4d8: {  	v44 =	vadd.f32 v48, v44  }
0x4d9: {  	v47 =	vimm.f32 $0.0e+00;
	v63 =	vld [tilespmem:s14+$0xA0]  }
0x4da: {  	v44 =	vadd.f32 v49, v44;
	v45 =	vadd.f32 v45, v47  }
0x4db: {  	v47 =	vld [tilespmem:s14+$0xB0]  }
0x4dc: {  	v44 =	vadd.f32 v50, v44;
	v45 =	vadd.f32 v46, v45  }
0x4dd: {  	v46 =	vld [tilespmem:s14+$0xC0]  }
0x4de: {  	v44 =	vadd.f32 v51, v44;
	v45 =	vadd.f32 v63, v45  }
0x4df: {  	v63 =	vld [tilespmem:s14+$0xD0]  }
0x4e0: {  	v44 =	vadd.f32 v52, v44;
	v45 =	vadd.f32 v47, v45  }
0x4e1: {  	v52 =	vld [tilespmem:s14+$0xE0]  }
0x4e2: {  	v44 =	vadd.f32 v53, v44;
	v45 =	vadd.f32 v46, v45  }
0x4e3: {  	v53 =	vld [tilespmem:s14+$0xF0]  }
0x4e4: {  	v44 =	vadd.f32 v54, v44;
	v45 =	vadd.f32 v63, v45  }
0x4e5: {  	v54 =	vld [tilespmem:s14+$0x100]  }
0x4e6: {  	v44 =	vadd.f32 v55, v44;
	v45 =	vadd.f32 v52, v45  }
0x4e7: {  	v55 =	vld [tilespmem:s14+$0x110]  }
0x4e8: {  	v44 =	vadd.f32 v56, v44;
	v45 =	vadd.f32 v53, v45  }
0x4e9: {  	v56 =	vld [tilespmem:s14+$0x120]  }
0x4ea: {  	v44 =	vadd.f32 v57, v44;
	v45 =	vadd.f32 v54, v45  }
0x4eb: {  	v57 =	vld [tilespmem:s14+$0x130]  }
0x4ec: {  	v44 =	vadd.f32 v58, v44;
	v45 =	vadd.f32 v55, v45  }
0x4ed: {  	v58 =	vld [tilespmem:s14+$0x140]  }
0x4ee: {  	v44 =	vadd.f32 v59, v44;
	v45 =	vadd.f32 v56, v45  }
0x4ef: {  	v63 =	vld [tilespmem:s14+$0x150]  }
0x4f0: {  	v44 =	vadd.f32 v60, v44;
	v45 =	vadd.f32 v57, v45  }
0x4f1: {  	v49 =	vld [tilespmem:s14+$0x160]  }
0x4f2: {  	v44 =	vadd.f32 v61, v44;
	v45 =	vadd.f32 v58, v45  }
0x4f3: {  	v47 =	vld [tilespmem:s14+$0x170]  }
0x4f4: {  	s12 =	simm.s32 $0x800;
	s13 =	simm.s32 $0x100;
	v44 =	vadd.f32 v62, v44;
	v50 =	vadd.f32 v63, v45  }
.LBB2_30:
0x4f5: {  	p0 =	sne.s32 s12, $0x1F000;
	v45 =	vld [tilespmem:s13+$0x80]  }
0x4f6: {  	v46 =	vadd.f32 v49, v50  }
0x4f7: {  	v48 =	vld [tilespmem:s13+$0x90]  }
0x4f8: {  	v46 =	vadd.f32 v47, v46  }
0x4f9: {  	v47 =	vld [tilespmem:s13+$0xA0]  }
0x4fa: {  	v45 =	vadd.f32 v45, v46  }
0x4fb: {  	v46 =	vld [tilespmem:s13+$0xB0]  }
0x4fc: {  	v45 =	vadd.f32 v48, v45  }
0x4fd: {  	v48 =	vld [tilespmem:s13+$0xC0]  }
0x4fe: {  	v45 =	vadd.f32 v47, v45  }
0x4ff: {  	v47 =	vld [tilespmem:s13+$0xD0]  }
0x500: {  	v45 =	vadd.f32 v46, v45  }
0x501: {  	v46 =	vld [tilespmem:s13+$0xE0]  }
0x502: {  	v45 =	vadd.f32 v48, v45  }
0x503: {  	v48 =	vld [tilespmem:s13+$0xF0]  }
0x504: {  	v45 =	vadd.f32 v47, v45  }
0x505: {  	v47 =	vld [tilespmem:s13+$0x100]  }
0x506: {  	v45 =	vadd.f32 v46, v45  }
0x507: {  	v46 =	vld [tilespmem:s13+$0x110]  }
0x508: {  	v45 =	vadd.f32 v48, v45  }
0x509: {  	v48 =	vld [tilespmem:s13+$0x120]  }
0x50a: {  	v45 =	vadd.f32 v47, v45  }
0x50b: {  	v47 =	vld [tilespmem:s13+$0x130]  }
0x50c: {  	v45 =	vadd.f32 v46, v45  }
0x50d: {  	v46 =	vld [tilespmem:s13+$0x140]  }
0x50e: {  	v45 =	vadd.f32 v48, v45  }
0x50f: {  	v48 =	vld [tilespmem:s13+$0x150]  }
.Ltmp14:
0x510: {  	v45 =	vadd.f32 v47, v45;
	(pc) =	sbr.rel @p0 .LBB2_30-.Ltmp14, $4  }
0x511: {  	v49 =	vld [tilespmem:s13+$0x160]  }
0x512: {  	v45 =	vadd.f32 v46, v45  }
0x513: {  	v47 =	vld [tilespmem:s13+$0x170]  }
0x514: {  	s13 =	sshra.s32 s12, $0x2;
	s12 =	sadd.s32 $0x400, s12;
	v50 =	vadd.f32 v48, v45  }
0x515: {  	v48 =	vld [tilespmem:$0x0];
	_ =	sdelay $0x4  }
0x516: {  	v51 =	vld [tilespmem:s13+$0x80];
	(v2sf) =	vpush v48, $0xE  }
0x517: {  	v52 =	vld [tilespmem:s13+$0x90]  }
0x518: {  	v53 =	vld [tilespmem:s13+$0xA0]  }
0x519: {  	v54 =	vld [tilespmem:s13+$0xB0]  }
0x51a: {  	v55 =	vld [tilespmem:s13+$0xC0]  }
0x51b: {  	v56 =	vld [tilespmem:s13+$0xD0]  }
0x51c: {  	v57 =	vld [tilespmem:s13+$0xE0]  }
0x51d: {  	v58 =	vld [tilespmem:s13+$0xF0]  }
0x51e: {  	v59 =	vld [tilespmem:s13+$0x100]  }
0x51f: {  	v60 =	vld [tilespmem:s13+$0x110]  }
0x520: {  	v61 =	vld [tilespmem:s13+$0x120]  }
0x521: {  	v62 =	vld [tilespmem:s13+$0x130]  }
0x522: {  	v63 =	vld [tilespmem:s13+$0x140]  }
0x523: {  	v0 =	vld [tilespmem:s13+$0x150]  }
0x524: {  	v3 =	vld [tilespmem:s13+$0x160]  }
0x525: {  	v4 =	vld [tilespmem:s13+$0x170];
	s12 =	spop (v2sf)  }
0x526: {  	v46 =	vld [tilespmem:$0x80];
	s14 =	sand.u32 $0xFFFFFFF0, s12  }
0x527: {  	v49 =	vadd.f32 v49, v50;
	v45 =	vld [tilespmem:s14+$0x80];
	_ =	swait.ge [sflag:s28], $0x7D00  }
0x528: {  	[sflag:s28] =	ssyncset.done $0x0  }
0x529: {  	v47 =	vadd.f32 v47, v49;
	s14 =	simm.s32 $0x0;
	[sflag:s28] =	ssyncadd.s32 $0xFFFF8300  }
0x52a: {  	v49 =	vld [tilespmem:s14+$0x7D80]  }
0x52b: {  	v47 =	vadd.f32 v51, v47  }
0x52c: {  	v50 =	vld [tilespmem:s14+$0x7D90]  }
0x52d: {  	v47 =	vadd.f32 v52, v47  }
0x52e: {  	v51 =	vimm.f32 $0.0e+00;
	v52 =	vld [tilespmem:s14+$0x7DA0]  }
0x52f: {  	v47 =	vadd.f32 v53, v47;
	v49 =	vadd.f32 v49, v51  }
0x530: {  	v51 =	vld [tilespmem:s14+$0x7DB0]  }
0x531: {  	v47 =	vadd.f32 v54, v47;
	v49 =	vadd.f32 v50, v49  }
0x532: {  	v50 =	vld [tilespmem:s14+$0x7DC0]  }
0x533: {  	v47 =	vadd.f32 v55, v47;
	v49 =	vadd.f32 v52, v49  }
0x534: {  	v52 =	vld [tilespmem:s14+$0x7DD0]  }
0x535: {  	v47 =	vadd.f32 v56, v47;
	v49 =	vadd.f32 v51, v49  }
0x536: {  	v51 =	vld [tilespmem:s14+$0x7DE0]  }
0x537: {  	v47 =	vadd.f32 v57, v47;
	v49 =	vadd.f32 v50, v49  }
0x538: {  	v56 =	vld [tilespmem:s14+$0x7DF0]  }
0x539: {  	v47 =	vadd.f32 v58, v47;
	v49 =	vadd.f32 v52, v49  }
0x53a: {  	v57 =	vld [tilespmem:s14+$0x7E00]  }
0x53b: {  	v47 =	vadd.f32 v59, v47;
	v49 =	vadd.f32 v51, v49  }
0x53c: {  	v58 =	vld [tilespmem:s14+$0x7E10]  }
0x53d: {  	v47 =	vadd.f32 v60, v47;
	v49 =	vadd.f32 v56, v49  }
0x53e: {  	v59 =	vld [tilespmem:s14+$0x7E20]  }
0x53f: {  	v47 =	vadd.f32 v61, v47;
	v49 =	vadd.f32 v57, v49  }
0x540: {  	v60 =	vld [tilespmem:s14+$0x7E30]  }
0x541: {  	v47 =	vadd.f32 v62, v47;
	v49 =	vadd.f32 v58, v49  }
0x542: {  	v61 =	vld [tilespmem:s14+$0x7E40]  }
0x543: {  	v47 =	vadd.f32 v63, v47;
	v49 =	vadd.f32 v59, v49  }
0x544: {  	v62 =	vld [tilespmem:s14+$0x7E50]  }
0x545: {  	v0 =	vadd.f32 v0, v47;
	v63 =	vadd.f32 v60, v49  }
0x546: {  	v49 =	vld [tilespmem:s14+$0x7E60]  }
0x547: {  	v0 =	vadd.f32 v3, v0;
	v3 =	vadd.f32 v61, v63  }
0x548: {  	v50 =	vld [tilespmem:s14+$0x7E70]  }
0x549: {  	s13 =	simm.s32 $0x100;
	v47 =	vadd.f32 v4, v0;
	s14 =	simm.s32 $0x800;
	v51 =	vadd.f32 v62, v3  }
.LBB2_32:
0x54a: {  	p0 =	sne.s32 s14, $0x1F000;
	v0 =	vld [tilespmem:s13+$0x7D80]  }
0x54b: {  	v3 =	vadd.f32 v49, v51  }
0x54c: {  	v4 =	vld [tilespmem:s13+$0x7D90]  }
0x54d: {  	v3 =	vadd.f32 v50, v3  }
0x54e: {  	v49 =	vld [tilespmem:s13+$0x7DA0]  }
0x54f: {  	v0 =	vadd.f32 v0, v3  }
0x550: {  	v3 =	vld [tilespmem:s13+$0x7DB0]  }
0x551: {  	v0 =	vadd.f32 v4, v0  }
0x552: {  	v4 =	vld [tilespmem:s13+$0x7DC0]  }
0x553: {  	v0 =	vadd.f32 v49, v0  }
0x554: {  	v49 =	vld [tilespmem:s13+$0x7DD0]  }
0x555: {  	v0 =	vadd.f32 v3, v0  }
0x556: {  	v3 =	vld [tilespmem:s13+$0x7DE0]  }
0x557: {  	v0 =	vadd.f32 v4, v0  }
0x558: {  	v4 =	vld [tilespmem:s13+$0x7DF0]  }
0x559: {  	v0 =	vadd.f32 v49, v0  }
0x55a: {  	v49 =	vld [tilespmem:s13+$0x7E00]  }
0x55b: {  	v0 =	vadd.f32 v3, v0  }
0x55c: {  	v3 =	vld [tilespmem:s13+$0x7E10]  }
0x55d: {  	v0 =	vadd.f32 v4, v0  }
0x55e: {  	v4 =	vld [tilespmem:s13+$0x7E20]  }
0x55f: {  	v0 =	vadd.f32 v49, v0  }
0x560: {  	v49 =	vld [tilespmem:s13+$0x7E30]  }
0x561: {  	v0 =	vadd.f32 v3, v0  }
0x562: {  	v3 =	vld [tilespmem:s13+$0x7E40]  }
0x563: {  	v0 =	vadd.f32 v4, v0  }
0x564: {  	v4 =	vld [tilespmem:s13+$0x7E50]  }
.Ltmp15:
0x565: {  	v0 =	vadd.f32 v49, v0;
	(pc) =	sbr.rel @p0 .LBB2_32-.Ltmp15, $4  }
0x566: {  	v49 =	vld [tilespmem:s13+$0x7E60]  }
0x567: {  	v0 =	vadd.f32 v3, v0  }
0x568: {  	v50 =	vld [tilespmem:s13+$0x7E70]  }
0x569: {  	s13 =	sshra.s32 s14, $0x2;
	s14 =	sadd.s32 $0x400, s14;
	v51 =	vadd.f32 v4, v0  }
0x56a: {  	v0 =	vld [tilespmem:s13+$0x7D80]  }
0x56b: {  	v3 =	vadd.f32 v49, v51  }
0x56c: {  	v4 =	vld [tilespmem:s13+$0x7D90]  }
0x56d: {  	v58 =	vld [tilespmem:s13+$0x7DA0];
	v3 =	vadd.f32 v50, v3  }
0x56e: {  	v61 =	vld [tilespmem:$0x1FFF0]  }
0x56f: {  	v7 =	vmul.f32 $3.125195240e-06, v7;
	v0 =	vadd.f32 v0, v3  }
0x570: {  	v6 =	vmul.f32 $-8.999968760e-01, v6;
	v8 =	vmul.f32 $3.125195240e-06, v8;
	v3 =	vld [tilespmem:s13+$0x7DB0]  }
0x571: {  	v52 =	vld [tilespmem:$0x1FFE0];
	v53 =	vmul.f32 $3.125195240e-06, v13;
	v54 =	vmul.f32 $3.125195240e-06, v14;
	v0 =	vadd.f32 v4, v0  }
0x572: {  	v21 =	vmul.f32 $-8.999968760e-01, v21;
	v22 =	vmul.f32 $3.125195240e-06, v22  }
0x573: {  	v59 =	vld [tilespmem:s13+$0x7DC0];
	s14 =	sand.u32 $0xF, s31;
	v49 =	vmul.f32 $3.125195240e-06, v23;
	v50 =	vmul.f32 $3.125195240e-06, v61;
	v0 =	vadd.f32 v58, v0  }
0x574: {  	v23 =	vmul.f32 $3.125195240e-06, v35;
	v35 =	vmul.f32 $-8.999968760e-01, v39;
	v7 =	vadd.f32 $-1.362425800e+00, v7  }
0x575: {  	v56 =	vadd.f32 $-1.362425800e+00, v50;
	v0 =	vadd.f32 v3, v0;
	v3 =	vmov s14;
	s14 =	sand.u32 $0xF, s1  }
0x576: {  	v60 =	vld [tilespmem:s13+$0x7DD0];
	v52 =	vmul.f32 $-8.999968760e-01, v52;
	v61 =	vmul.f32 v2, v7;
	v62 =	vmov s14  }
0x577: {  	vm0 =	veq.s32 v3, v1;
	v3 =	vmul.f32 $3.125195240e-06, v5;
	v5 =	vmul.f32 v2, v56  }
0x578: {  	s14 =	sand.u32 $0xF, s29;
	v56 =	vadd.f32 $-1.362425800e+00, v53;
	v53 =	vmul.f32 $3.125195240e-06, v25;
	v0 =	vadd.f32 v59, v0  }
0x579: {  	v57 =	vnsel vm0, $0x80000000, v52;
	vm13 =	veq.s32 v62, v1;
	v51 =	vmov s14  }
0x57a: {  	v63 =	vld [tilespmem:s13+$0x7DE0];
	v52 =	vmul.f32 $-8.999968760e-01, v12;
	s14 =	sand.u32 $0xF, s3;
	v3 =	vsub.f32 v57, v3;
	vm15 =	veq.s32 v51, v1  }
0x57b: {  	v14 =	vmov s14;
	v0 =	vadd.f32 v60, v0;
	v60 =	vnsel vm13, $0x80000000, v6  }
0x57c: {  	p0 =	slt.s32 s31, $0x1;
	v55 =	vnsel vm15, $0x80000000, v52;
	vm5 =	veq.s32 v14, v1;
	v14 =	vmul.f32 $-8.999968760e-01, v30  }
0x57d: {  	s31 =	simm.s32 @!p0 $0x1;
	v58 =	vld [tilespmem:s13+$0x7DF0];
	v52 =	vadd.f32 $-1.362425800e+00, v22;
	v22 =	vmul.f32 $-8.999968760e-01, v33;
	v30 =	vmul.f32 $-8.999968760e-01, v36  }
0x57e: {  	s31 =	scvt.s32.f32 s31;
	v36 =	vmul.f32 $3.125195240e-06, v40;
	v3 =	vadd.f32 v3, v5;
	v4 =	vsub.f32 v60, v8  }
0x57f: {  	v0 =	vadd.f32 v63, v0;
	v63 =	vmul.f32 $-8.999968760e-01, v10;
	v10 =	vmul.f32 $3.125195240e-06, v11  }
0x580: {  	(v2sf) =	vpush v48, $0xF;
	p0 =	slt.s32 s1, $0x1;
	v11 =	vmul.f32 $3.125195240e-06, v9;
	v3 =	vmul.f32 s31, v3  }
0x581: {  	s1 =	simm.s32 @!p0 $0x1;
	v59 =	vld [tilespmem:s13+$0x7E00];
	s31 =	sand.u32 $0xF, s0;
	v4 =	vadd.f32 v4, v61;
	v61 =	vmul.f32 $-8.999968760e-01, v15;
	v15 =	vmul.f32 $-8.999968760e-01, v19  }
0x582: {  	s1 =	scvt.s32.f32 s1;
	v0 =	vadd.f32 v58, v0;
	v62 =	vmov s31;
	v50 =	vadd.f32 $-1.362425800e+00, v11  }
0x583: {  	s31 =	sand.u32 $0xF, s2;
	v58 =	vmul.f32 $3.125195240e-06, v16;
	v16 =	vmul.f32 $3.125195240e-06, v20;
	vm14 =	veq.s32 v62, v1  }
0x584: {  	v3 =	vadd.f32 $0.0e+00, v3;
	v4 =	vmul.f32 s1, v4;
	v60 =	vmov s31  }
0x585: {  	v62 =	vmul.f32 $3.125195240e-06, v17;
	v17 =	vmul.f32 $3.125195240e-06, v18;
	v18 =	vnsel vm5, $0x80000000, v15  }
0x586: {  	s31 =	sand.u32 $0xF, s4;
	v15 =	vmul.f32 $3.125195240e-06, v31;
	v0 =	vadd.f32 v59, v0;
	v6 =	vnsel vm14, $0x80000000, v63  }
0x587: {  	v59 =	vmul.f32 v2, v56;
	vm4 =	veq.s32 v60, v1;
	v20 =	vmov s31  }
0x588: {  	p0 =	slt.s32 s0, $0x1;
	v56 =	vmul.f32 $-8.999968760e-01, v24;
	v5 =	vsub.f32 v6, v10;
	v6 =	vmul.f32 v2, v50  }
0x589: {  	v57 =	vld [tilespmem:s13+$0x7E10];
	s0 =	simm.s32 @!p0 $0x1;
	p0 =	slt.s32 s29, $0x1;
	v3 =	vadd.f32 v4, v3;
	v4 =	vsub.f32 v55, v54;
	v54 =	vmul.f32 v2, v52  }
0x58a: {  	s29 =	simm.s32 @!p0 $0x1;
	p0 =	slt.s32 s2, $0x1;
	v12 =	vnsel vm4, $0x80000000, v61;
	v61 =	vmul.f32 $3.125195240e-06, v28;
	v10 =	vmul.f32 $3.125195240e-06, v29  }
0x58b: {  	s2 =	simm.s32 @!p0 $0x1;
	p0 =	slt.s32 s3, $0x1;
	v63 =	vld [tilespmem:s13+$0x7E20];
	vm6 =	veq.s32 v20, v1;
	v20 =	vmul.f32 $3.125195240e-06, v34;
	v28 =	vmul.f32 $3.125195240e-06, v37  }
0x58c: {  	s0 =	scvt.s32.f32 s0;
	s3 =	simm.s32 @!p0 $0x1;
	p0 =	slt.s32 s4, $0x1;
	v19 =	vadd.f32 $-1.362425800e+00, v17;
	v37 =	vmul.f32 $3.125195240e-06, v41;
	v41 =	vmul.f32 $-8.999968760e-01, v43  }
0x58d: {  	s1 =	scvt.s32.f32 s29;
	s29 =	scvt.s32.f32 s2;
	s4 =	simm.s32 @!p0 $0x1;
	v43 =	vmul.f32 $3.125195240e-06, v44;
	v44 =	vmul.f32 $3.125195240e-06, v42;
	v7 =	vsub.f32 v12, v62  }
0x58e: {  	s2 =	scvt.s32.f32 s3;
	v0 =	vadd.f32 v57, v0;
	v51 =	vnsel vm6, $0x80000000, v21;
	s3 =	scvt.s32.f32 s4;
	s4 =	sand.u32 $0xF, s6;
	v5 =	vadd.f32 v5, v6  }
0x58f: {  	v50 =	vld [tilespmem:s13+$0x7E30];
	v6 =	vadd.f32 $-1.362425800e+00, v58;
	v4 =	vadd.f32 v4, v59;
	v62 =	vmov s4  }
0x590: {  	v57 =	vmul.f32 $3.125195240e-06, v26;
	vm8 =	veq.s32 v62, v1;
	v5 =	vmul.f32 s0, v5  }
0x591: {  	v6 =	vmul.f32 v2, v6;
	v4 =	vmul.f32 s1, v4;
	v0 =	vadd.f32 v63, v0;
	s1 =	sand.u32 $0xF, s5  }
0x592: {  	v58 =	vld [tilespmem:s13+$0x7E40];
	v63 =	vmul.f32 $-8.999968760e-01, v27;
	v55 =	vmov s1;
	v3 =	vadd.f32 v5, v3  }
0x593: {  	v13 =	vadd.f32 v7, v6;
	v6 =	vmul.f32 v2, v19;
	vm7 =	veq.s32 v55, v1  }
0x594: {  	v0 =	vadd.f32 v50, v0;
	v12 =	vnsel vm8, $0x80000000, v63;
	v19 =	vadd.f32 $-1.362425800e+00, v15  }
0x595: {  	v55 =	vmul.f32 $3.125195240e-06, v46;
	v59 =	vnsel vm7, $0x80000000, v56;
	v56 =	vmul.f32 $3.125195240e-06, v47  }
0x596: {  	v31 =	vld [tilespmem:s13+$0x7E70];
	v3 =	vadd.f32 v4, v3;
	v5 =	vmul.f32 s29, v13;
	v4 =	vsub.f32 v18, v16  }
0x597: {  	s14 =	sand.u32 $0xF, s7;
	v24 =	vld [tilespmem:s13+$0x7E60];
	s0 =	spop (v2sf);
	v7 =	vsub.f32 v59, v57;
	v0 =	vadd.f32 v58, v0;
	v16 =	vmul.f32 $3.125195240e-06, v32  }
0x598: {  	v17 =	vld [tilespmem:s13+$0x7E50];
	s13 =	sand.u32 $0xF, s0;
	v13 =	vmov s14;
	v8 =	vmul.f32 v2, v19;
	v32 =	vmul.f32 $3.125195240e-06, v38  }
0x599: {  	s29 =	sand.u32 $0xF, s8;
	v38 =	vadd.f32 $-1.362425800e+00, v36;
	v11 =	vadd.f32 $-1.362425800e+00, v55;
	v59 =	vmov s13  }
0x59a: {  	vm9 =	veq.s32 v13, v1;
	v21 =	vmov s29;
	v3 =	vadd.f32 v5, v3  }
0x59b: {  	vm15 =	veq.s32 v59, v1;
	v4 =	vadd.f32 v4, v6;
	v5 =	vsub.f32 v51, v49  }
0x59c: {  	v6 =	vadd.f32 $-1.362425800e+00, v53;
	v18 =	vnsel vm9, $0x80000000, v14;
	vm10 =	veq.s32 v21, v1  }
0x59d: {  	p0 =	slt.s32 s5, $0x1;
	v0 =	vadd.f32 v17, v0;
	v39 =	vmul.f32 v2, v38;
	v51 =	vadd.f32 $-1.362425800e+00, v44  }
0x59e: {  	s5 =	simm.s32 @!p0 $0x1;
	p0 =	slt.s32 s6, $0x1;
	v58 =	vmul.f32 v2, v11;
	v25 =	vnsel vm10, $0x80000000, v22;
	v4 =	vmul.f32 s2, v4  }
0x59f: {  	s6 =	simm.s32 @!p0 $0x1;
	p0 =	slt.s32 s7, $0x1;
	v5 =	vadd.f32 v5, v54;
	v6 =	vmul.f32 v2, v6;
	v26 =	vsub.f32 v25, v23  }
0x5a0: {  	s7 =	simm.s32 @!p0 $0x1;
	v0 =	vadd.f32 v24, v0;
	v54 =	vmul.f32 $-8.999968760e-01, v45;
	v3 =	vadd.f32 v4, v3  }
0x5a1: {  	s2 =	scvt.s32.f32 s7;
	s7 =	sand.u32 $0xF, s11;
	v60 =	vmul.f32 s3, v5;
	v6 =	vadd.f32 v7, v6;
	v5 =	vadd.f32 $-1.362425800e+00, v61  }
0x5a2: {  	s5 =	scvt.s32.f32 s5;
	p0 =	slt.s32 s8, $0x1;
	v40 =	vmov s7;
	v4 =	vsub.f32 v12, v10;
	s3 =	sand.u32 $0xF, s9;
	v0 =	vadd.f32 v31, v0  }
0x5a3: {  	s8 =	simm.s32 @!p0 $0x1;
	p0 =	slt.s32 s9, $0x1;
	vm13 =	veq.s32 v40, v1;
	v29 =	vmov s3;
	v5 =	vmul.f32 v2, v5  }
0x5a4: {  	s9 =	simm.s32 @!p0 $0x1;
	v49 =	vnsel vm13, $0x80000000, v41;
	v3 =	vadd.f32 v60, v3;
	v6 =	vmul.f32 s5, v6  }
0x5a5: {  	s31 =	scvt.s32.f32 s6;
	s6 =	scvt.s32.f32 s9;
	s9 =	sand.u32 $0xF, s12;
	vm11 =	veq.s32 v29, v1;
	v4 =	vadd.f32 v4, v5;
	v5 =	vsub.f32 v18, v16  }
0x5a6: {  	v53 =	vmov s9;
	v3 =	vadd.f32 v6, v3;
	v6 =	vadd.f32 $-1.362425800e+00, v20  }
0x5a7: {  	s4 =	scvt.s32.f32 s8;
	s8 =	sand.u32 $0xFFFFFFF0, s0;
	s5 =	sand.u32 $0xF, s10;
	v0 =	vmul.f32 $3.125195240e-06, v0;
	v33 =	vnsel vm11, $0x80000000, v30;
	v5 =	vadd.f32 v5, v8  }
0x5a8: {  	v52 =	vld [tilespmem:s8+$0x7D80];
	v34 =	vmov s5;
	v4 =	vmul.f32 s31, v4;
	v6 =	vmul.f32 v2, v6  }
0x5a9: {  	v50 =	vld [tilespmem:$0x7D80];
	vm14 =	veq.s32 v53, v1;
	v27 =	vmul.f32 s2, v5;
	v5 =	vadd.f32 $-1.362425800e+00, v28  }
0x5aa: {  	vm12 =	veq.s32 v34, v1;
	v3 =	vadd.f32 v4, v3;
	v6 =	vadd.f32 v26, v6  }
0x5ab: {  	v10 =	vnsel vm14, $0x80000000, v54;
	v4 =	vsub.f32 v33, v32;
	v5 =	vmul.f32 v2, v5  }
0x5ac: {  	v7 =	vnsel vm12, $0x80000000, v35;
	v3 =	vadd.f32 v27, v3;
	v6 =	vmul.f32 s4, v6  }
0x5ad: {  	p0 =	slt.s32 s10, $0x1;
	v8 =	vmul.f32 $-8.999968760e-01, v52;
	v4 =	vadd.f32 v4, v5;
	v5 =	vsub.f32 v7, v37  }
0x5ae: {  	s10 =	simm.s32 @!p0 $0x1;
	v3 =	vadd.f32 v6, v3;
	v7 =	vmul.f32 v2, v51;
	v6 =	vmul.f32 $3.125195240e-06, v50  }
0x5af: {  	p0 =	slt.s32 s11, $0x1;
	s10 =	scvt.s32.f32 s10;
	v4 =	vmul.f32 s6, v4;
	v48 =	vadd.f32 v5, v39;
	v5 =	vsub.f32 v49, v43  }
0x5b0: {  	s11 =	simm.s32 @!p0 $0x1;
	v57 =	vsub.f32 v10, v56;
	v61 =	vnsel vm15, $0x80000000, v8;
	v6 =	vadd.f32 $-1.362425800e+00, v6  }
0x5b1: {  	p0 =	slt.s32 s12, $0x1;
	s14 =	scvt.s32.f32 s11;
	v3 =	vadd.f32 v4, v3;
	v4 =	vmul.f32 s10, v48;
	v5 =	vadd.f32 v5, v7  }
0x5b2: {  	s12 =	simm.s32 @!p0 $0x1;
	v0 =	vsub.f32 v61, v0;
	v7 =	vadd.f32 v57, v58  }
0x5b3: {  	p0 =	slt.s32 s0, $0x1;
	s29 =	scvt.s32.f32 s12;
	v62 =	vmul.f32 v2, v6;
	v3 =	vadd.f32 v4, v3;
	v60 =	vmul.f32 s14, v5  }
0x5b4: {  	s0 =	simm.s32 @!p0 $0x1  }
0x5b5: {  	s0 =	scvt.s32.f32 s0;
	v63 =	vmul.f32 s29, v7;
	v0 =	vadd.f32 v62, v0;
	v3 =	vadd.f32 v60, v3;
	_ =	sdelay $0x1  }
0x5b6: {  	v0 =	vmul.f32 s0, v0;
	v3 =	vadd.f32 v63, v3;
	_ =	sdelay $0x1  }
0x5b7: {  	s30 =	sadd.s32 $0x1, s30;
	v0 =	vadd.f32 v0, v3  }
0x5b8: {  	p0 =	sne.s32 s30, s21  }
.Ltmp16:
0x5b9: {  	s12 =	simm.s32 $0x0;
	s31 =	simm.s32 $0xFA80;
	[tilespmem:$0xFA80] =	vst v0;
	(pc) =	sbr.rel @p0 .LBB2_1-.Ltmp16, $4  }
0x5ba: {  	[hbm4b:s20+s12] =	stream.linear.scatter [tilespmem:s31], [sflag:$0x3], $0x10, $0x38;
	[tilespmem:$0xFB00] =	vst v63  }
0x5bb: {  	_ =	swait.ge [sflag:s22], $0x10  }
0x5bc: {  	[sflag:s22] =	ssyncset.done $0x0  }
0x5bd: {  	[sflag:s22] =	ssyncadd.s32 $0xFFFFFFF0  }
0x5be: {  	_ =	sfence.sel $0x180000  }
0x5bf: {  	[bflag:$0x0] =	sbarrier.arrive $0xFFFF  }
0x5c0: {  	_ =	strace $0x90000047  }
0x5c1: {  	s0 =	stileid.u32;
	[bflag:$0x2] =	sbarrier.arrive $0xFFFF  }
0x5c2: {  	p0 =	sne.s32 s0, $0x0;
	s0 =	rddreg [dreg:$0x3]  }
0x5c3: {  	s0 =	sadd.s32 @!p0 $0x100000, s0  }
0x5c4: {  	[sflag:s0] =	ssyncadd.tile.s32 @!p0 $0x1;
	_ =	shalt  }
.Lfunc_end2:
_tile_overlayer_lowered:
.L_overlay_start_2:
0x5c5: {  	(tag) =	ssettag $0x2  }
0x5c6: {  	s0 =	rddreg [dreg:$0x0];
	s2 =	stileid.u32  }
0x5c7: {  	s1 =	rddreg [dreg:$0x1];
	p0 =	sne.s32 s2, $0x0  }
0x5c8: {  	s3 =	rddreg [dreg:$0x2];
	[bflag:$0x3] =	sbarrier.arrive $0xFFFF;
	s2 =	simm.s32 @!p0 $0x1C03  }
0x5c9: {  	[timem:s3], [sflag:s2] =	dma.local @!p0 [hbm:s0], s1  }
0x5ca: {  	s0 =	simm.s32 @!p0 $0x3  }
0x5cb: {  	_ =	swait.ge @!p0 [sflag:s0], s1  }
0x5cc: {  	s1 =	ssub.s32 @!p0 $0x0, s1;
	[sflag:s0] =	ssyncset.done @!p0 $0x0  }
0x5cd: {  	[sflag:s0] =	ssyncadd.s32 @!p0 s1  }
0x5ce: {  	[bflag:$0x3] =	sbarrier.arrive $0xFFFF  }
0x5cf: {  	_ =	shalt  }

</sc_bundles>
